<compile_context>
chip_gen: v7x
topology: tpu7x:2x2x1
jax: 0.10.2.dev20260603
libtpu: 0.0.44.dev20260713+nightly
codegen_flags: <defaults>
</compile_context>

<pallas_src>
import functools

import jax
import jax.numpy as jnp
from jax import lax
from jax.experimental import pallas as pl
from jax.experimental.pallas import tpu as pltpu
from jax.experimental.pallas import tpu_sc as plsc

M = 32
NOUT = 10
TK = 4096

_INT_BIG = 1 << 30
_F_INF = float("inf")


def _score_body(q_ref, t_ref, w_ref, p_ref, a2_ref):
    t = t_ref[...]
    s = lax.dot_general(q_ref[...], t, (((1,), (1,)), ((), ())),
                        preferred_element_type=jnp.float32)
    rn = lax.dot_general(jnp.ones((1, t.shape[1]), jnp.float32), t * t,
                         (((1,), (1,)), ((), ())),
                         preferred_element_type=jnp.float32)
    p_ref[...] = rn - 2.0 * s

    @pl.when(pl.program_id(0) == 0)
    def _():
        a2_ref[...] = jnp.dot(q_ref[...], w_ref[...],
                              preferred_element_type=jnp.float32)


def _scores(queries, text_table, w_down):
    q, d = queries.shape
    k, _ = text_table.shape
    f = w_down.shape[1]
    kt = pl.cdiv(k, TK)
    return pl.pallas_call(
        _score_body,
        grid=(kt,),
        in_specs=[
            pl.BlockSpec((q, d), lambda i: (0, 0)),
            pl.BlockSpec((TK, d), lambda i: (i, 0)),
            pl.BlockSpec((d, f), lambda i: (0, 0)),
        ],
        out_specs=[
            pl.BlockSpec((q, TK), lambda i: (0, i)),
            pl.BlockSpec((q, f), lambda i: (0, 0)),
        ],
        out_shape=[
            jax.ShapeDtypeStruct((q, k), jnp.float32),
            jax.ShapeDtypeStruct((q, f), jnp.float32),
        ],
        compiler_params=pltpu.CompilerParams(
            dimension_semantics=("arbitrary",),
        ),
    )(queries, text_table, w_down)


def _sc_body(l, kcols, f,
             p_hbm, ids_hbm, table_hbm, ifac_hbm, iidx_hbm, q_hbm, a2_hbm,
             tid_hbm, tls_hbm, adj_hbm,
             ids_v, prow0_v, prow1_v, prox_v, mv_v, cid_v, cl_v, rows_v,
             qrow_v, loss_v, tid_v, tls_v, ifidx_v, ifrows_v, a2_v, adj_v,
             sem0, sem1, semg, sem2):
    wid = lax.axis_index("s") * 2 + lax.axis_index("c")
    qs_per_w = ids_v.shape[0]
    nvec = l // 16
    d = qrow_v.shape[0]
    q0 = wid * qs_per_w
    iota16 = lax.broadcasted_iota(jnp.int32, (16,), 0)

    def bcast_i(x):
        return lax.broadcast_in_dim(x, (16,), ())

    lane0 = iota16 == 0

    pltpu.sync_copy(ids_hbm.at[pl.ds(q0, qs_per_w)], ids_v)

    sems_p = [sem0, sem1]
    rows_p = [prow0_v, prow1_v]
    copies = [None, None]
    copies[0] = pltpu.async_copy(
        p_hbm.at[q0], rows_p[0], sems_p[0])
    for qi in range(qs_per_w):
        b = qi % 2
        if qi + 1 < qs_per_w:
            copies[(qi + 1) % 2] = pltpu.async_copy(
                p_hbm.at[q0 + qi + 1],
                rows_p[(qi + 1) % 2], sems_p[(qi + 1) % 2])
        copies[b].wait()
        prow = rows_p[b]

        def gbody(j2, _):
            for u in range(4):
                j = j2 * 4 + u
                idx = ids_v[qi, pl.ds(j * 16, 16)]
                v = plsc.load_gather(prow, [idx])
                prox_v[pl.ds(j * 16, 16)] = v
                plsc.store_scatter(mv_v, [bcast_i(j)], bcast_i(jnp.min(v)),
                                   mask=lane0)
            return 0

        lax.fori_loop(0, nvec // 4, gbody, 0)

        def sbody(r, _):
            mv0 = mv_v[pl.ds(0, 16)]
            mv1 = mv_v[pl.ds(16, 16)]
            m = jnp.min(jnp.minimum(mv0, mv1))
            c0 = jnp.where(mv0 == m, iota16, _INT_BIG)
            c1 = jnp.where(mv1 == m, iota16 + 16, _INT_BIG)
            j = jnp.minimum(jnp.min(c0), jnp.min(c1))
            v = prox_v[pl.ds(j * 16, 16)]
            lane = jnp.min(jnp.where(v == m, iota16, _INT_BIG))
            idvec = ids_v[qi, pl.ds(j * 16, 16)]
            cid = jnp.min(jnp.where(iota16 == lane, idvec, _INT_BIG))
            pos = bcast_i(qi * M + r)
            plsc.store_scatter(cid_v, [pos], bcast_i(cid), mask=lane0)
            plsc.store_scatter(cl_v, [pos], bcast_i(j * 16 + lane), mask=lane0)
            v2 = jnp.where(iota16 == lane, _F_INF, v)
            prox_v[pl.ds(j * 16, 16)] = v2
            plsc.store_scatter(mv_v, [bcast_i(j)], bcast_i(jnp.min(v2)),
                               mask=lane0)
            return 0

        lax.fori_loop(0, M, sbody, 0)

        rcopy = pltpu.async_copy(table_hbm.at[cid_v.at[pl.ds(qi * M, M)]],
                                 rows_v, semg)
        pltpu.sync_copy(q_hbm.at[q0 + qi], qrow_v)
        rcopy.wait()

        def lbody(c, _):
            def bbody(bb, acc):
                for u in range(8):
                    off = bb * 128 + u * 16
                    dd = (qrow_v[pl.ds(off, 16)]
                          - rows_v[c, pl.ds(off, 16)])
                    acc = acc + dd * dd
                return acc

            acc = lax.fori_loop(0, d // 128, bbody,
                                jnp.zeros((16,), jnp.float32))
            plsc.store_scatter(loss_v, [bcast_i(c)], bcast_i(jnp.sum(acc)),
                               mask=lane0)
            return 0

        lax.fori_loop(0, M, lbody, 0)

        cid0 = cid_v[pl.ds(qi * M, 16)]
        cid1 = cid_v[pl.ds(qi * M + 16, 16)]
        cl0 = cl_v[pl.ds(qi * M, 16)]
        cl1 = cl_v[pl.ds(qi * M + 16, 16)]

        def fbody(r, _):
            ls0 = loss_v[pl.ds(0, 16)]
            ls1 = loss_v[pl.ds(16, 16)]
            m = jnp.min(jnp.minimum(ls0, ls1))
            lsel = jnp.minimum(
                jnp.min(jnp.where(ls0 == m, cl0, _INT_BIG)),
                jnp.min(jnp.where(ls1 == m, cl1, _INT_BIG)))
            hit0 = (ls0 == m) & (cl0 == lsel)
            hit1 = (ls1 == m) & (cl1 == lsel)
            oid = jnp.minimum(
                jnp.min(jnp.where(hit0, cid0, _INT_BIG)),
                jnp.min(jnp.where(hit1, cid1, _INT_BIG)))
            pos = bcast_i(qi * NOUT + r)
            plsc.store_scatter(tid_v, [pos], bcast_i(oid), mask=lane0)
            plsc.store_scatter(tls_v, [pos], bcast_i(m), mask=lane0)
            loss_v[pl.ds(0, 16)] = jnp.where(hit0, _F_INF, ls0)
            loss_v[pl.ds(16, 16)] = jnp.where(hit1, _F_INF, ls1)
            return 0

        lax.fori_loop(0, NOUT, fbody, 0)

    pltpu.sync_copy(tid_v, tid_hbm.at[pl.ds(q0 * NOUT, qs_per_w * NOUT)])
    pltpu.sync_copy(tls_v, tls_hbm.at[pl.ds(q0 * NOUT, qs_per_w * NOUT)])

    nq = adj_hbm.shape[0]
    per_i = 8
    nworkers_i = nq // per_i

    @pl.when(wid < nworkers_i)
    def _():
        pltpu.sync_copy(iidx_hbm.at[pl.ds(wid * per_i, per_i)], ifidx_v)
        pltpu.async_copy(ifac_hbm.at[ifidx_v], ifrows_v, sem2).wait()
        pltpu.sync_copy(a2_hbm.at[pl.ds(wid * per_i, per_i)], a2_v)
        for qq in range(per_i):
            acc = jnp.zeros((16,), jnp.float32)
            for bb in range(f // 16):
                acc = acc + (a2_v[qq, pl.ds(bb * 16, 16)]
                             * ifrows_v[qq, pl.ds(bb * 16, 16)])
            plsc.store_scatter(adj_v, [bcast_i(qq)], bcast_i(jnp.sum(acc)),
                               mask=lane0)
        pltpu.sync_copy(adj_v, adj_hbm.at[pl.ds(wid * per_i, per_i)])


def _sc_stage(p2d, ids2d, text_table, ifac_pad, item_idx, queries, a2,
              kcols, l):
    nq, _ = ids2d.shape
    qs_per_w = nq // 32
    d = text_table.shape[1]
    f = a2.shape[1]
    fpad = ifac_pad.shape[1]
    mesh = plsc.VectorSubcoreMesh(core_axis_name="c", subcore_axis_name="s")
    kern = pl.kernel(
        functools.partial(_sc_body, l, kcols, f),
        out_type=[
            jax.ShapeDtypeStruct((nq * NOUT,), jnp.int32),
            jax.ShapeDtypeStruct((nq * NOUT,), jnp.float32),
            jax.ShapeDtypeStruct((nq,), jnp.float32),
        ],
        mesh=mesh,
        scratch_types=[
            pltpu.VMEM((qs_per_w, l), jnp.int32),
            pltpu.VMEM((kcols,), jnp.float32),
            pltpu.VMEM((kcols,), jnp.float32),
            pltpu.VMEM((l,), jnp.float32),
            pltpu.VMEM((l // 16,), jnp.float32),
            pltpu.VMEM((qs_per_w * M,), jnp.int32),
            pltpu.VMEM((qs_per_w * M,), jnp.int32),
            pltpu.VMEM((M, d), jnp.float32),
            pltpu.VMEM((d,), jnp.float32),
            pltpu.VMEM((M,), jnp.float32),
            pltpu.VMEM((qs_per_w * NOUT,), jnp.int32),
            pltpu.VMEM((qs_per_w * NOUT,), jnp.float32),
            pltpu.VMEM((8,), jnp.int32),
            pltpu.VMEM((8, fpad), jnp.float32),
            pltpu.VMEM((8, f), jnp.float32),
            pltpu.VMEM((8,), jnp.float32),
            pltpu.SemaphoreType.DMA,
            pltpu.SemaphoreType.DMA,
            pltpu.SemaphoreType.DMA,
            pltpu.SemaphoreType.DMA,
        ],
        compiler_params=pltpu.CompilerParams(needs_layout_passes=False),
    )
    return kern(p2d, ids2d, text_table, ifac_pad, item_idx, queries, a2)


def kernel(queries, text_table, W_downproj, item_factor, input_ids,
           item_idx, N):
    q, d = queries.shape
    k = text_table.shape[0]
    l = input_ids.shape[1]

    p, a2 = _scores(queries, text_table, W_downproj)
    f = item_factor.shape[1]
    ifac_pad = jnp.pad(item_factor, ((0, 0), (0, 128 - f)))
    tid_flat, tls_flat, adj = _sc_stage(
        p, input_ids.astype(jnp.int32), text_table, ifac_pad,
        item_idx.astype(jnp.int32), queries, a2, k, l)
    return tid_flat.reshape(q, NOUT), tls_flat.reshape(q, NOUT), adj

# --- scband reference (transcript-rebuilt; emitter-appended) ---
"""Pipeline reference for scband-retrieval-pipeline-88210038325541 (READ-ONLY COPY).

The authoritative reference and input builder live on the scoring server;
editing this copy changes nothing except your own understanding.
"""

import jax, jax.numpy as jnp
import numpy as np
from jax import lax


def setup_inputs(seed: int = 0) -> dict:
    key = jax.random.key(seed)
    ks = jax.random.split(key, 6)
    Q, L, d, K, F, n_items = 128, 512, 768, 50000, 64, 5000
    return {
        "queries": jax.random.normal(ks[0], (Q, d), dtype=jnp.float32),
        "text_table": jax.random.normal(ks[1], (K, d), dtype=jnp.float32),
        "W_downproj": jax.random.normal(ks[2], (d, F), dtype=jnp.float32) * 0.02,
        "item_factor": jax.random.normal(ks[3], (n_items, F), dtype=jnp.float32),
        "input_ids": jax.random.randint(ks[4], (Q, L), 0, K),
        "item_idx": jax.random.randint(ks[5], (Q,), 0, n_items),
        "N": 10,
    }


def reference(queries, text_table, W_downproj, item_factor, input_ids, item_idx, N):
    # Batched, faithful translation of RetrievalPipeline.retrieve_review core
    # (marginalize=False, return_adjustment=True path; adjustment-based boolean
    # filtering is a dynamic-shape host-side step and is returned as a value
    # instead of applied).
    # factoids = review_history.text_table[review_history_input_ids]
    factoids = jnp.take(text_table, input_ids, axis=0)  # [Q, L, d] gather
    # adjustment = (rating_downproj(review_embedding) * item_factor[item]).sum(-1)
    adjustment = ((queries @ W_downproj) * jnp.take(item_factor, item_idx, axis=0)).sum(axis=-1)  # [Q]
    # retrieval_loss = mse_loss(review_embedding.expand, factoids, reduction='none').sum(-1)
    diff = queries[:, None, :] - factoids  # broadcast [Q, L, d]
    retrieval_loss = jnp.sum(diff * diff, axis=-1)  # [Q, L]
    # sorted_idx_by_loss = argsort(retrieval_loss); gather fact ids
    sorted_idx = jnp.argsort(retrieval_loss, axis=-1)  # [Q, L]
    sorted_facts_idx = jnp.take_along_axis(input_ids, sorted_idx, axis=-1)  # [Q, L]
    start = N * 0
    topN_idx = lax.dynamic_slice_in_dim(sorted_facts_idx, start, 10, axis=1)  # evidence ids, [Q, N]
    sorted_loss = jnp.take_along_axis(retrieval_loss, sorted_idx, axis=-1)  # [Q, L]
    topN_loss = lax.dynamic_slice_in_dim(sorted_loss, start, 10, axis=1)  # [Q, N]
    return (topN_idx, topN_loss, adjustment)

if __name__ == "__main__":
    import jax
    _d = setup_inputs()
    print(jax.jit(kernel)(*tuple(_d.values())))

</pallas_src>

<mosaic_0001>
#map = affine_map<(d0, d1) -> (0, 0)>
#map1 = affine_map<(d0, d1) -> (0)>
module attributes {stable_mosaic.version = 14 : i64} {
  func.func @_sc_body(%arg0: i32, %arg1: i32, %arg2: memref<128x50000xf32, #tpu.memory_space<hbm>>, %arg3: memref<128x512xi32, #tpu.memory_space<hbm>>, %arg4: memref<50000x768xf32, #tpu.memory_space<hbm>>, %arg5: memref<5000x128xf32, #tpu.memory_space<hbm>>, %arg6: memref<128xi32, #tpu.memory_space<hbm>>, %arg7: memref<128x768xf32, #tpu.memory_space<hbm>>, %arg8: memref<128x64xf32, #tpu.memory_space<hbm>>, %arg9: memref<1280xi32, #tpu.memory_space<hbm>>, %arg10: memref<1280xf32, #tpu.memory_space<hbm>>, %arg11: memref<128xf32, #tpu.memory_space<hbm>>, %arg12: memref<4x512xi32, #tpu.memory_space<vmem>>, %arg13: memref<50000xf32, #tpu.memory_space<vmem>>, %arg14: memref<50000xf32, #tpu.memory_space<vmem>>, %arg15: memref<512xf32, #tpu.memory_space<vmem>>, %arg16: memref<32xf32, #tpu.memory_space<vmem>>, %arg17: memref<128xi32, #tpu.memory_space<vmem>>, %arg18: memref<128xi32, #tpu.memory_space<vmem>>, %arg19: memref<32x768xf32, #tpu.memory_space<vmem>>, %arg20: memref<768xf32, #tpu.memory_space<vmem>>, %arg21: memref<32xf32, #tpu.memory_space<vmem>>, %arg22: memref<40xi32, #tpu.memory_space<vmem>>, %arg23: memref<40xf32, #tpu.memory_space<vmem>>, %arg24: memref<8xi32, #tpu.memory_space<vmem>>, %arg25: memref<8x128xf32, #tpu.memory_space<vmem>>, %arg26: memref<8x64xf32, #tpu.memory_space<vmem>>, %arg27: memref<8xf32, #tpu.memory_space<vmem>>, %arg28: memref<!tpu.dma_semaphore, #tpu.memory_space<semaphore_mem>>, %arg29: memref<!tpu.dma_semaphore, #tpu.memory_space<semaphore_mem>>, %arg30: memref<!tpu.dma_semaphore, #tpu.memory_space<semaphore_mem>>, %arg31: memref<!tpu.dma_semaphore, #tpu.memory_space<semaphore_mem>>) attributes {dimension_semantics = [#tpu.dimension_semantics<core_parallel>, #tpu.dimension_semantics<subcore_parallel>], iteration_bounds = array<i64: 2, 16>, scalar_prefetch = 0 : i64, scratch_operands = 20 : i64, tpu.core_type = #tpu.core_type<sc_vector_subcore>, window_params = [{transform_indices = #map}, {transform_indices = #map}, {transform_indices = #map}, {transform_indices = #map}, {transform_indices = #map1}, {transform_indices = #map}, {transform_indices = #map}, {transform_indices = #map1}, {transform_indices = #map1}, {transform_indices = #map1}]} {
    %mul3A = arith.constant 2 : i32
    %mul3A_0 = arith.muli %arg1, %mul3A : i32
    %add3A = arith.addi %mul3A_0, %arg0 : i32
    %mul3A_1 = arith.constant 4 : i32
    %mul3A_2 = arith.muli %add3A, %mul3A_1 : i32
    %iota3A = tpu.iota {dimensions = array<i32: 0>} : vector<16xi32>
    %eq3A = arith.constant 0 : i32
    %eq3A_3 = vector.broadcast %eq3A : i32 to vector<16xi32>
    %eq3A_4 = arith.cmpi eq, %iota3A, %eq3A_3 : vector<16xi32>
    "tpu.region"() ({
      %run_scoped3A = tpu.sem_alloc : memref<!tpu.dma_semaphore, #tpu.memory_space<semaphore_mem>>
      %dma_start3A_259 = arith.constant 0 : i32
      %dma_start3A_260 = tpu.memref_slice %arg3[%mul3A_2, %dma_start3A_259] : memref<128x512xi32, #tpu.memory_space<hbm>> -> memref<4x512xi32, #tpu.memory_space<hbm>>
      %dma_start3A_261 = arith.constant 0 : i32
      %dma_start3A_262 = tpu.memref_slice %arg3[%mul3A_2, %dma_start3A_261] : memref<128x512xi32, #tpu.memory_space<hbm>> -> memref<4x512xi32, #tpu.memory_space<hbm>>
      tpu.enqueue_dma source(%dma_start3A_262 : memref<4x512xi32, #tpu.memory_space<hbm>>) target(%arg12 : memref<4x512xi32, #tpu.memory_space<vmem>>) target_semaphore(%run_scoped3A : memref<!tpu.dma_semaphore, #tpu.memory_space<semaphore_mem>>)
      %dma_wait3A_263 = arith.constant 0 : i32
      %dma_wait3A_264 = tpu.memref_slice %arg3[%mul3A_2, %dma_wait3A_263] : memref<128x512xi32, #tpu.memory_space<hbm>> -> memref<4x512xi32, #tpu.memory_space<hbm>>
      %dma_wait3A_265 = arith.constant 0 : i32
      %dma_wait3A_266 = tpu.memref_slice %arg3[%mul3A_2, %dma_wait3A_265] : memref<128x512xi32, #tpu.memory_space<hbm>> -> memref<4x512xi32, #tpu.memory_space<hbm>>
      tpu.wait_dma2 semaphore(%run_scoped3A : memref<!tpu.dma_semaphore, #tpu.memory_space<semaphore_mem>>) src(%dma_wait3A_266 : memref<4x512xi32, #tpu.memory_space<hbm>>) dst(%arg12 : memref<4x512xi32, #tpu.memory_space<vmem>>)
      tpu.yield
    }) : () -> ()
    %dma_start3A = arith.constant 0 : i32
    %dma_start3A_5 = tpu.memref_slice %arg2[%mul3A_2, %dma_start3A] : memref<128x50000xf32, #tpu.memory_space<hbm>> -> memref<1x50000xf32, #tpu.memory_space<hbm>>
    %dma_start3A_6 = tpu.memref_squeeze %dma_start3A_5 : memref<1x50000xf32, #tpu.memory_space<hbm>> -> memref<50000xf32, #tpu.memory_space<hbm>>
    %dma_start3A_7 = arith.constant 0 : i32
    %dma_start3A_8 = tpu.memref_slice %arg2[%mul3A_2, %dma_start3A_7] : memref<128x50000xf32, #tpu.memory_space<hbm>> -> memref<1x50000xf32, #tpu.memory_space<hbm>>
    %dma_start3A_9 = tpu.memref_squeeze %dma_start3A_8 : memref<1x50000xf32, #tpu.memory_space<hbm>> -> memref<50000xf32, #tpu.memory_space<hbm>>
    tpu.enqueue_dma source(%dma_start3A_9 : memref<50000xf32, #tpu.memory_space<hbm>>) target(%arg13 : memref<50000xf32, #tpu.memory_space<vmem>>) target_semaphore(%arg28 : memref<!tpu.dma_semaphore, #tpu.memory_space<semaphore_mem>>)
    %add3A_10 = arith.constant 0 : i32
    %add3A_11 = arith.addi %mul3A_2, %add3A_10 : i32
    %add3A_12 = arith.constant 1 : i32
    %add3A_13 = arith.addi %add3A_11, %add3A_12 : i32
    %dma_start3A_14 = arith.constant 0 : i32
    %dma_start3A_15 = tpu.memref_slice %arg2[%add3A_13, %dma_start3A_14] : memref<128x50000xf32, #tpu.memory_space<hbm>> -> memref<1x50000xf32, #tpu.memory_space<hbm>>
    %dma_start3A_16 = tpu.memref_squeeze %dma_start3A_15 : memref<1x50000xf32, #tpu.memory_space<hbm>> -> memref<50000xf32, #tpu.memory_space<hbm>>
    %dma_start3A_17 = arith.constant 0 : i32
    %dma_start3A_18 = tpu.memref_slice %arg2[%add3A_13, %dma_start3A_17] : memref<128x50000xf32, #tpu.memory_space<hbm>> -> memref<1x50000xf32, #tpu.memory_space<hbm>>
    %dma_start3A_19 = tpu.memref_squeeze %dma_start3A_18 : memref<1x50000xf32, #tpu.memory_space<hbm>> -> memref<50000xf32, #tpu.memory_space<hbm>>
    tpu.enqueue_dma source(%dma_start3A_19 : memref<50000xf32, #tpu.memory_space<hbm>>) target(%arg14 : memref<50000xf32, #tpu.memory_space<vmem>>) target_semaphore(%arg29 : memref<!tpu.dma_semaphore, #tpu.memory_space<semaphore_mem>>)
    %dma_wait3A = arith.constant 0 : i32
    %dma_wait3A_20 = tpu.memref_slice %arg2[%mul3A_2, %dma_wait3A] : memref<128x50000xf32, #tpu.memory_space<hbm>> -> memref<1x50000xf32, #tpu.memory_space<hbm>>
    %dma_wait3A_21 = tpu.memref_squeeze %dma_wait3A_20 : memref<1x50000xf32, #tpu.memory_space<hbm>> -> memref<50000xf32, #tpu.memory_space<hbm>>
    %dma_wait3A_22 = arith.constant 0 : i32
    %dma_wait3A_23 = tpu.memref_slice %arg2[%mul3A_2, %dma_wait3A_22] : memref<128x50000xf32, #tpu.memory_space<hbm>> -> memref<1x50000xf32, #tpu.memory_space<hbm>>
    %dma_wait3A_24 = tpu.memref_squeeze %dma_wait3A_23 : memref<1x50000xf32, #tpu.memory_space<hbm>> -> memref<50000xf32, #tpu.memory_space<hbm>>
    tpu.wait_dma2 semaphore(%arg28 : memref<!tpu.dma_semaphore, #tpu.memory_space<semaphore_mem>>) src(%dma_wait3A_24 : memref<50000xf32, #tpu.memory_space<hbm>>) dst(%arg13 : memref<50000xf32, #tpu.memory_space<vmem>>)
    %scan3A = arith.constant 0 : i32
    %scan3A_25 = arith.constant 0 : i32
    %scan3A_26 = arith.constant 8 : i32
    %scan3A_27 = arith.addi %scan3A_25, %scan3A_26 : i32
    %scan3A_28 = arith.constant 1 : i32
    %scan3A_29 = scf.for %scan3A_259 = %scan3A_25 to %scan3A_27 step %scan3A_28 iter_args(%scan3A_260 = %scan3A) -> (i32)  : i32 {
      %mul3A_261 = arith.constant 4 : i32
      %mul3A_262 = arith.muli %scan3A_259, %mul3A_261 : i32
      %add3A_263 = arith.constant 0 : i32
      %add3A_264 = arith.addi %mul3A_262, %add3A_263 : i32
      %mul3A_265 = arith.constant 16 : i32
      %mul3A_266 = arith.muli %add3A_264, %mul3A_265 : i32
      %get3A_267 = arith.constant 0 : i32
      %get3A_268 = arith.index_cast %get3A_267 : i32 to index
      %get3A_269 = arith.index_cast %mul3A_266 : i32 to index
      %get3A_270 = tpu.vector_load %arg12[%get3A_268, %get3A_269] {strides = array<i32>} : memref<4x512xi32, #tpu.memory_space<vmem>>, vector<16xi32>,
      %gather3A = tpu.vector_load_idx %arg13[%get3A_270] : memref<50000xf32, #tpu.memory_space<vmem>>[vector<16xi32>], vector<16xf32>,
      %mul3A_271 = arith.constant 16 : i32
      %mul3A_272 = arith.muli %add3A_264, %mul3A_271 : i32
      %swap3A = arith.index_cast %mul3A_272 : i32 to index
      %swap3A_273 = tpu.vector_load %arg15[%swap3A] {strides = array<i32>} : memref<512xf32, #tpu.memory_space<vmem>>, vector<16xf32>,
      tpu.vector_store %arg15[%swap3A], %gather3A {strides = array<i32>} : memref<512xf32, #tpu.memory_space<vmem>>, vector<16xf32>,
      %broadcast_in_dim3A = vector.broadcast %add3A_264 : i32 to vector<16xi32>
      %reduce_min3A = arith.constant true
      %reduce_min3A_274 = vector.broadcast %reduce_min3A : i1 to vector<16xi1>
      %reduce_min3A_275 = tpu.scan <min>, %gather3A masked %reduce_min3A_274 : vector<16xf32>, vector<16xi1> -> vector<16xf32>
      %reduce_min3A_276 = vector.extract %reduce_min3A_275[15] : f32 from vector<16xf32>
      %broadcast_in_dim3A_277 = vector.broadcast %reduce_min3A_276 : f32 to vector<16xf32>
      tpu.vector_store_idx %arg16[%broadcast_in_dim3A], %broadcast_in_dim3A_277 masked %eq3A_4 : memref<32xf32, #tpu.memory_space<vmem>>[vector<16xi32>], vector<16xf32>, vector<16xi1>
      %mul3A_278 = arith.constant 4 : i32
      %mul3A_279 = arith.muli %scan3A_259, %mul3A_278 : i32
      %add3A_280 = arith.constant 1 : i32
      %add3A_281 = arith.addi %mul3A_279, %add3A_280 : i32
      %mul3A_282 = arith.constant 16 : i32
      %mul3A_283 = arith.muli %add3A_281, %mul3A_282 : i32
      %get3A_284 = arith.constant 0 : i32
      %get3A_285 = arith.index_cast %get3A_284 : i32 to index
      %get3A_286 = arith.index_cast %mul3A_283 : i32 to index
      %get3A_287 = tpu.vector_load %arg12[%get3A_285, %get3A_286] {strides = array<i32>} : memref<4x512xi32, #tpu.memory_space<vmem>>, vector<16xi32>,
      %gather3A_288 = tpu.vector_load_idx %arg13[%get3A_287] : memref<50000xf32, #tpu.memory_space<vmem>>[vector<16xi32>], vector<16xf32>,
      %mul3A_289 = arith.constant 16 : i32
      %mul3A_290 = arith.muli %add3A_281, %mul3A_289 : i32
      %swap3A_291 = arith.index_cast %mul3A_290 : i32 to index
      %swap3A_292 = tpu.vector_load %arg15[%swap3A_291] {strides = array<i32>} : memref<512xf32, #tpu.memory_space<vmem>>, vector<16xf32>,
      tpu.vector_store %arg15[%swap3A_291], %gather3A_288 {strides = array<i32>} : memref<512xf32, #tpu.memory_space<vmem>>, vector<16xf32>,
      %broadcast_in_dim3A_293 = vector.broadcast %add3A_281 : i32 to vector<16xi32>
      %reduce_min3A_294 = arith.constant true
      %reduce_min3A_295 = vector.broadcast %reduce_min3A_294 : i1 to vector<16xi1>
      %reduce_min3A_296 = tpu.scan <min>, %gather3A_288 masked %reduce_min3A_295 : vector<16xf32>, vector<16xi1> -> vector<16xf32>
      %reduce_min3A_297 = vector.extract %reduce_min3A_296[15] : f32 from vector<16xf32>
      %broadcast_in_dim3A_298 = vector.broadcast %reduce_min3A_297 : f32 to vector<16xf32>
      tpu.vector_store_idx %arg16[%broadcast_in_dim3A_293], %broadcast_in_dim3A_298 masked %eq3A_4 : memref<32xf32, #tpu.memory_space<vmem>>[vector<16xi32>], vector<16xf32>, vector<16xi1>
      %mul3A_299 = arith.constant 4 : i32
      %mul3A_300 = arith.muli %scan3A_259, %mul3A_299 : i32
      %add3A_301 = arith.constant 2 : i32
      %add3A_302 = arith.addi %mul3A_300, %add3A_301 : i32
      %mul3A_303 = arith.constant 16 : i32
      %mul3A_304 = arith.muli %add3A_302, %mul3A_303 : i32
      %get3A_305 = arith.constant 0 : i32
      %get3A_306 = arith.index_cast %get3A_305 : i32 to index
      %get3A_307 = arith.index_cast %mul3A_304 : i32 to index
      %get3A_308 = tpu.vector_load %arg12[%get3A_306, %get3A_307] {strides = array<i32>} : memref<4x512xi32, #tpu.memory_space<vmem>>, vector<16xi32>,
      %gather3A_309 = tpu.vector_load_idx %arg13[%get3A_308] : memref<50000xf32, #tpu.memory_space<vmem>>[vector<16xi32>], vector<16xf32>,
      %mul3A_310 = arith.constant 16 : i32
      %mul3A_311 = arith.muli %add3A_302, %mul3A_310 : i32
      %swap3A_312 = arith.index_cast %mul3A_311 : i32 to index
      %swap3A_313 = tpu.vector_load %arg15[%swap3A_312] {strides = array<i32>} : memref<512xf32, #tpu.memory_space<vmem>>, vector<16xf32>,
      tpu.vector_store %arg15[%swap3A_312], %gather3A_309 {strides = array<i32>} : memref<512xf32, #tpu.memory_space<vmem>>, vector<16xf32>,
      %broadcast_in_dim3A_314 = vector.broadcast %add3A_302 : i32 to vector<16xi32>
      %reduce_min3A_315 = arith.constant true
      %reduce_min3A_316 = vector.broadcast %reduce_min3A_315 : i1 to vector<16xi1>
      %reduce_min3A_317 = tpu.scan <min>, %gather3A_309 masked %reduce_min3A_316 : vector<16xf32>, vector<16xi1> -> vector<16xf32>
      %reduce_min3A_318 = vector.extract %reduce_min3A_317[15] : f32 from vector<16xf32>
      %broadcast_in_dim3A_319 = vector.broadcast %reduce_min3A_318 : f32 to vector<16xf32>
      tpu.vector_store_idx %arg16[%broadcast_in_dim3A_314], %broadcast_in_dim3A_319 masked %eq3A_4 : memref<32xf32, #tpu.memory_space<vmem>>[vector<16xi32>], vector<16xf32>, vector<16xi1>
      %mul3A_320 = arith.constant 4 : i32
      %mul3A_321 = arith.muli %scan3A_259, %mul3A_320 : i32
      %add3A_322 = arith.constant 3 : i32
      %add3A_323 = arith.addi %mul3A_321, %add3A_322 : i32
      %mul3A_324 = arith.constant 16 : i32
      %mul3A_325 = arith.muli %add3A_323, %mul3A_324 : i32
      %get3A_326 = arith.constant 0 : i32
      %get3A_327 = arith.index_cast %get3A_326 : i32 to index
      %get3A_328 = arith.index_cast %mul3A_325 : i32 to index
      %get3A_329 = tpu.vector_load %arg12[%get3A_327, %get3A_328] {strides = array<i32>} : memref<4x512xi32, #tpu.memory_space<vmem>>, vector<16xi32>,
      %gather3A_330 = tpu.vector_load_idx %arg13[%get3A_329] : memref<50000xf32, #tpu.memory_space<vmem>>[vector<16xi32>], vector<16xf32>,
      %mul3A_331 = arith.constant 16 : i32
      %mul3A_332 = arith.muli %add3A_323, %mul3A_331 : i32
      %swap3A_333 = arith.index_cast %mul3A_332 : i32 to index
      %swap3A_334 = tpu.vector_load %arg15[%swap3A_333] {strides = array<i32>} : memref<512xf32, #tpu.memory_space<vmem>>, vector<16xf32>,
      tpu.vector_store %arg15[%swap3A_333], %gather3A_330 {strides = array<i32>} : memref<512xf32, #tpu.memory_space<vmem>>, vector<16xf32>,
      %broadcast_in_dim3A_335 = vector.broadcast %add3A_323 : i32 to vector<16xi32>
      %reduce_min3A_336 = arith.constant true
      %reduce_min3A_337 = vector.broadcast %reduce_min3A_336 : i1 to vector<16xi1>
      %reduce_min3A_338 = tpu.scan <min>, %gather3A_330 masked %reduce_min3A_337 : vector<16xf32>, vector<16xi1> -> vector<16xf32>
      %reduce_min3A_339 = vector.extract %reduce_min3A_338[15] : f32 from vector<16xf32>
      %broadcast_in_dim3A_340 = vector.broadcast %reduce_min3A_339 : f32 to vector<16xf32>
      tpu.vector_store_idx %arg16[%broadcast_in_dim3A_335], %broadcast_in_dim3A_340 masked %eq3A_4 : memref<32xf32, #tpu.memory_space<vmem>>[vector<16xi32>], vector<16xf32>, vector<16xi1>
      %scan3A_341 = arith.constant 0 : i32
      scf.yield %scan3A_341 : i32
    }
    %scan3A_30 = arith.constant 8 : i32
    %scan3A_31 = arith.constant 0 : i32
    %scan3A_32 = arith.constant 0 : i32
    %scan3A_33 = arith.constant 32 : i32
    %scan3A_34 = arith.addi %scan3A_32, %scan3A_33 : i32
    %scan3A_35 = arith.constant 1 : i32
    %scan3A_36 = scf.for %scan3A_259 = %scan3A_32 to %scan3A_34 step %scan3A_35 iter_args(%scan3A_260 = %scan3A_31) -> (i32)  : i32 {
      %get3A_261 = arith.constant 0 : index
      %get3A_262 = tpu.vector_load %arg16[%get3A_261] {strides = array<i32>} : memref<32xf32, #tpu.memory_space<vmem>>, vector<16xf32>,
      %get3A_263 = arith.constant 16 : index
      %get3A_264 = tpu.vector_load %arg16[%get3A_263] {strides = array<i32>} : memref<32xf32, #tpu.memory_space<vmem>>, vector<16xf32>,
      %min3A = arith.minimumf %get3A_262, %get3A_264 : vector<16xf32>
      %reduce_min3A = arith.constant true
      %reduce_min3A_265 = vector.broadcast %reduce_min3A : i1 to vector<16xi1>
      %reduce_min3A_266 = tpu.scan <min>, %min3A masked %reduce_min3A_265 : vector<16xf32>, vector<16xi1> -> vector<16xf32>
      %reduce_min3A_267 = vector.extract %reduce_min3A_266[15] : f32 from vector<16xf32>
      %eq3A_268 = vector.broadcast %reduce_min3A_267 : f32 to vector<16xf32>
      %eq3A_269 = arith.cmpf oeq, %get3A_262, %eq3A_268 : vector<16xf32>
      %jit3A = arith.constant 1073741824 : i32
      %broadcast_in_dim3A = vector.broadcast %jit3A : i32 to vector<16xi32>
      %select_n3A = arith.select %eq3A_269, %iota3A, %broadcast_in_dim3A : vector<16xi1>, vector<16xi32>
      %eq3A_270 = vector.broadcast %reduce_min3A_267 : f32 to vector<16xf32>
      %eq3A_271 = arith.cmpf oeq, %get3A_264, %eq3A_270 : vector<16xf32>
      %add3A_272 = arith.constant 16 : i32
      %add3A_273 = vector.broadcast %add3A_272 : i32 to vector<16xi32>
      %add3A_274 = arith.addi %iota3A, %add3A_273 : vector<16xi32>
      %jit3A_275 = arith.constant 1073741824 : i32
      %broadcast_in_dim3A_276 = vector.broadcast %jit3A_275 : i32 to vector<16xi32>
      %select_n3A_277 = arith.select %eq3A_271, %add3A_274, %broadcast_in_dim3A_276 : vector<16xi1>, vector<16xi32>
      %reduce_min3A_278 = arith.constant true
      %reduce_min3A_279 = vector.broadcast %reduce_min3A_278 : i1 to vector<16xi1>
      %reduce_min3A_280 = arith.constant -2147483648 : i32
      %reduce_min3A_281 = vector.broadcast %reduce_min3A_280 : i32 to vector<16xi32>
      %reduce_min3A_282 = arith.xori %select_n3A, %reduce_min3A_281 : vector<16xi32>
      %reduce_min3A_283 = tpu.scan <min>, %reduce_min3A_282 masked %reduce_min3A_279 : vector<16xi32>, vector<16xi1> -> vector<16xi32>
      %reduce_min3A_284 = arith.xori %reduce_min3A_283, %reduce_min3A_281 : vector<16xi32>
      %reduce_min3A_285 = vector.extract %reduce_min3A_284[15] : i32 from vector<16xi32>
      %reduce_min3A_286 = arith.constant true
      %reduce_min3A_287 = vector.broadcast %reduce_min3A_286 : i1 to vector<16xi1>
      %reduce_min3A_288 = arith.constant -2147483648 : i32
      %reduce_min3A_289 = vector.broadcast %reduce_min3A_288 : i32 to vector<16xi32>
      %reduce_min3A_290 = arith.xori %select_n3A_277, %reduce_min3A_289 : vector<16xi32>
      %reduce_min3A_291 = tpu.scan <min>, %reduce_min3A_290 masked %reduce_min3A_287 : vector<16xi32>, vector<16xi1> -> vector<16xi32>
      %reduce_min3A_292 = arith.xori %reduce_min3A_291, %reduce_min3A_289 : vector<16xi32>
      %reduce_min3A_293 = vector.extract %reduce_min3A_292[15] : i32 from vector<16xi32>
      %min3A_294 = arith.minsi %reduce_min3A_285, %reduce_min3A_293 : i32
      %mul3A_295 = arith.constant 16 : i32
      %mul3A_296 = arith.muli %min3A_294, %mul3A_295 : i32
      %get3A_297 = arith.index_cast %mul3A_296 : i32 to index
      %get3A_298 = tpu.vector_load %arg15[%get3A_297] {strides = array<i32>} : memref<512xf32, #tpu.memory_space<vmem>>, vector<16xf32>,
      %eq3A_299 = vector.broadcast %reduce_min3A_267 : f32 to vector<16xf32>
      %eq3A_300 = arith.cmpf oeq, %get3A_298, %eq3A_299 : vector<16xf32>
      %jit3A_301 = arith.constant 1073741824 : i32
      %broadcast_in_dim3A_302 = vector.broadcast %jit3A_301 : i32 to vector<16xi32>
      %select_n3A_303 = arith.select %eq3A_300, %iota3A, %broadcast_in_dim3A_302 : vector<16xi1>, vector<16xi32>
      %reduce_min3A_304 = arith.constant true
      %reduce_min3A_305 = vector.broadcast %reduce_min3A_304 : i1 to vector<16xi1>
      %reduce_min3A_306 = arith.constant -2147483648 : i32
      %reduce_min3A_307 = vector.broadcast %reduce_min3A_306 : i32 to vector<16xi32>
      %reduce_min3A_308 = arith.xori %select_n3A_303, %reduce_min3A_307 : vector<16xi32>
      %reduce_min3A_309 = tpu.scan <min>, %reduce_min3A_308 masked %reduce_min3A_305 : vector<16xi32>, vector<16xi1> -> vector<16xi32>
      %reduce_min3A_310 = arith.xori %reduce_min3A_309, %reduce_min3A_307 : vector<16xi32>
      %reduce_min3A_311 = vector.extract %reduce_min3A_310[15] : i32 from vector<16xi32>
      %mul3A_312 = arith.constant 16 : i32
      %mul3A_313 = arith.muli %min3A_294, %mul3A_312 : i32
      %get3A_314 = arith.constant 0 : i32
      %get3A_315 = arith.index_cast %get3A_314 : i32 to index
      %get3A_316 = arith.index_cast %mul3A_313 : i32 to index
      %get3A_317 = tpu.vector_load %arg12[%get3A_315, %get3A_316] {strides = array<i32>} : memref<4x512xi32, #tpu.memory_space<vmem>>, vector<16xi32>,
      %eq3A_318 = vector.broadcast %reduce_min3A_311 : i32 to vector<16xi32>
      %eq3A_319 = arith.cmpi eq, %iota3A, %eq3A_318 : vector<16xi32>
      %jit3A_320 = arith.constant 1073741824 : i32
      %broadcast_in_dim3A_321 = vector.broadcast %jit3A_320 : i32 to vector<16xi32>
      %select_n3A_322 = arith.select %eq3A_319, %get3A_317, %broadcast_in_dim3A_321 : vector<16xi1>, vector<16xi32>
      %reduce_min3A_323 = arith.constant true
      %reduce_min3A_324 = vector.broadcast %reduce_min3A_323 : i1 to vector<16xi1>
      %reduce_min3A_325 = arith.constant -2147483648 : i32
      %reduce_min3A_326 = vector.broadcast %reduce_min3A_325 : i32 to vector<16xi32>
      %reduce_min3A_327 = arith.xori %select_n3A_322, %reduce_min3A_326 : vector<16xi32>
      %reduce_min3A_328 = tpu.scan <min>, %reduce_min3A_327 masked %reduce_min3A_324 : vector<16xi32>, vector<16xi1> -> vector<16xi32>
      %reduce_min3A_329 = arith.xori %reduce_min3A_328, %reduce_min3A_326 : vector<16xi32>
      %reduce_min3A_330 = vector.extract %reduce_min3A_329[15] : i32 from vector<16xi32>
      %add3A_331 = arith.constant 0 : i32
      %add3A_332 = arith.addi %add3A_331, %scan3A_259 : i32
      %broadcast_in_dim3A_333 = vector.broadcast %add3A_332 : i32 to vector<16xi32>
      %broadcast_in_dim3A_334 = vector.broadcast %reduce_min3A_330 : i32 to vector<16xi32>
      tpu.vector_store_idx %arg17[%broadcast_in_dim3A_333], %broadcast_in_dim3A_334 masked %eq3A_4 : memref<128xi32, #tpu.memory_space<vmem>>[vector<16xi32>], vector<16xi32>, vector<16xi1>
      %mul3A_335 = arith.constant 16 : i32
      %mul3A_336 = arith.muli %min3A_294, %mul3A_335 : i32
      %add3A_337 = arith.addi %mul3A_336, %reduce_min3A_311 : i32
      %broadcast_in_dim3A_338 = vector.broadcast %add3A_337 : i32 to vector<16xi32>
      tpu.vector_store_idx %arg18[%broadcast_in_dim3A_333], %broadcast_in_dim3A_338 masked %eq3A_4 : memref<128xi32, #tpu.memory_space<vmem>>[vector<16xi32>], vector<16xi32>, vector<16xi1>
      %eq3A_339 = vector.broadcast %reduce_min3A_311 : i32 to vector<16xi32>
      %eq3A_340 = arith.cmpi eq, %iota3A, %eq3A_339 : vector<16xi32>
      %jit3A_341 = arith.constant 0x7F800000 : f32
      %broadcast_in_dim3A_342 = vector.broadcast %jit3A_341 : f32 to vector<16xf32>
      %select_n3A_343 = arith.select %eq3A_340, %broadcast_in_dim3A_342, %get3A_298 : vector<16xi1>, vector<16xf32>
      %mul3A_344 = arith.constant 16 : i32
      %mul3A_345 = arith.muli %min3A_294, %mul3A_344 : i32
      %swap3A = arith.index_cast %mul3A_345 : i32 to index
      %swap3A_346 = tpu.vector_load %arg15[%swap3A] {strides = array<i32>} : memref<512xf32, #tpu.memory_space<vmem>>, vector<16xf32>,
      tpu.vector_store %arg15[%swap3A], %select_n3A_343 {strides = array<i32>} : memref<512xf32, #tpu.memory_space<vmem>>, vector<16xf32>,
      %broadcast_in_dim3A_347 = vector.broadcast %min3A_294 : i32 to vector<16xi32>
      %reduce_min3A_348 = arith.constant true
      %reduce_min3A_349 = vector.broadcast %reduce_min3A_348 : i1 to vector<16xi1>
      %reduce_min3A_350 = tpu.scan <min>, %select_n3A_343 masked %reduce_min3A_349 : vector<16xf32>, vector<16xi1> -> vector<16xf32>
      %reduce_min3A_351 = vector.extract %reduce_min3A_350[15] : f32 from vector<16xf32>
      %broadcast_in_dim3A_352 = vector.broadcast %reduce_min3A_351 : f32 to vector<16xf32>
      tpu.vector_store_idx %arg16[%broadcast_in_dim3A_347], %broadcast_in_dim3A_352 masked %eq3A_4 : memref<32xf32, #tpu.memory_space<vmem>>[vector<16xi32>], vector<16xf32>, vector<16xi1>
      %scan3A_353 = arith.constant 0 : i32
      scf.yield %scan3A_353 : i32
    }
    %scan3A_37 = arith.constant 32 : i32
    %dma_start3A_38 = arith.constant 0 : i32
    %dma_start3A_39 = tpu.memref_slice %arg17[%dma_start3A_38] : memref<128xi32, #tpu.memory_space<vmem>> -> memref<32xi32, #tpu.memory_space<vmem>>
    %dma_start3A_40 = arith.constant 0 : i32
    %dma_start3A_41 = arith.constant 0 : i32
    %dma_start3A_42 = tpu.memref_slice %arg4[%dma_start3A_40, %dma_start3A_41] : memref<50000x768xf32, #tpu.memory_space<hbm>> -> memref<50000x768xf32, #tpu.memory_space<hbm>>
    tpu.enqueue_indirect_dma source(%dma_start3A_42 : memref<50000x768xf32, #tpu.memory_space<hbm>>) target(%arg19 : memref<32x768xf32, #tpu.memory_space<vmem>>) offsets(%dma_start3A_39 : memref<32xi32, #tpu.memory_space<vmem>>) semaphore(%arg30 : memref<!tpu.dma_semaphore, #tpu.memory_space<semaphore_mem>>)
    %add3A_43 = arith.constant 0 : i32
    %add3A_44 = arith.addi %mul3A_2, %add3A_43 : i32
    "tpu.region"() ({
      %run_scoped3A = tpu.sem_alloc : memref<!tpu.dma_semaphore, #tpu.memory_space<semaphore_mem>>
      %dma_start3A_259 = arith.constant 0 : i32
      %dma_start3A_260 = tpu.memref_slice %arg7[%add3A_44, %dma_start3A_259] : memref<128x768xf32, #tpu.memory_space<hbm>> -> memref<1x768xf32, #tpu.memory_space<hbm>>
      %dma_start3A_261 = tpu.memref_squeeze %dma_start3A_260 : memref<1x768xf32, #tpu.memory_space<hbm>> -> memref<768xf32, #tpu.memory_space<hbm>>
      %dma_start3A_262 = arith.constant 0 : i32
      %dma_start3A_263 = tpu.memref_slice %arg7[%add3A_44, %dma_start3A_262] : memref<128x768xf32, #tpu.memory_space<hbm>> -> memref<1x768xf32, #tpu.memory_space<hbm>>
      %dma_start3A_264 = tpu.memref_squeeze %dma_start3A_263 : memref<1x768xf32, #tpu.memory_space<hbm>> -> memref<768xf32, #tpu.memory_space<hbm>>
      tpu.enqueue_dma source(%dma_start3A_264 : memref<768xf32, #tpu.memory_space<hbm>>) target(%arg20 : memref<768xf32, #tpu.memory_space<vmem>>) target_semaphore(%run_scoped3A : memref<!tpu.dma_semaphore, #tpu.memory_space<semaphore_mem>>)
      %dma_wait3A_265 = arith.constant 0 : i32
      %dma_wait3A_266 = tpu.memref_slice %arg7[%add3A_44, %dma_wait3A_265] : memref<128x768xf32, #tpu.memory_space<hbm>> -> memref<1x768xf32, #tpu.memory_space<hbm>>
      %dma_wait3A_267 = tpu.memref_squeeze %dma_wait3A_266 : memref<1x768xf32, #tpu.memory_space<hbm>> -> memref<768xf32, #tpu.memory_space<hbm>>
      %dma_wait3A_268 = arith.constant 0 : i32
      %dma_wait3A_269 = tpu.memref_slice %arg7[%add3A_44, %dma_wait3A_268] : memref<128x768xf32, #tpu.memory_space<hbm>> -> memref<1x768xf32, #tpu.memory_space<hbm>>
      %dma_wait3A_270 = tpu.memref_squeeze %dma_wait3A_269 : memref<1x768xf32, #tpu.memory_space<hbm>> -> memref<768xf32, #tpu.memory_space<hbm>>
      tpu.wait_dma2 semaphore(%run_scoped3A : memref<!tpu.dma_semaphore, #tpu.memory_space<semaphore_mem>>) src(%dma_wait3A_270 : memref<768xf32, #tpu.memory_space<hbm>>) dst(%arg20 : memref<768xf32, #tpu.memory_space<vmem>>)
      tpu.yield
    }) : () -> ()
    %dma_wait3A_45 = arith.constant 0 : i32
    %dma_wait3A_46 = tpu.memref_slice %arg17[%dma_wait3A_45] : memref<128xi32, #tpu.memory_space<vmem>> -> memref<32xi32, #tpu.memory_space<vmem>>
    %dma_wait3A_47 = arith.constant 0 : i32
    %dma_wait3A_48 = arith.constant 0 : i32
    %dma_wait3A_49 = tpu.memref_slice %arg4[%dma_wait3A_47, %dma_wait3A_48] : memref<50000x768xf32, #tpu.memory_space<hbm>> -> memref<50000x768xf32, #tpu.memory_space<hbm>>
    tpu.wait_indirect_dma semaphore(%arg30 : memref<!tpu.dma_semaphore, #tpu.memory_space<semaphore_mem>>) src(%dma_wait3A_49 : memref<50000x768xf32, #tpu.memory_space<hbm>>) dst(%arg19 : memref<32x768xf32, #tpu.memory_space<vmem>>)
    %scan3A_50 = arith.constant 0 : i32
    %scan3A_51 = arith.constant 0 : i32
    %scan3A_52 = arith.constant 32 : i32
    %scan3A_53 = arith.addi %scan3A_51, %scan3A_52 : i32
    %scan3A_54 = arith.constant 1 : i32
    %scan3A_55 = scf.for %scan3A_259 = %scan3A_51 to %scan3A_53 step %scan3A_54 iter_args(%scan3A_260 = %scan3A_50) -> (i32)  : i32 {
      %broadcast_in_dim3A = arith.constant 0.000000e+00 : f32
      %broadcast_in_dim3A_261 = vector.broadcast %broadcast_in_dim3A : f32 to vector<16xf32>
      %scan3A_262 = arith.constant 0 : i32
      %scan3A_263 = arith.constant 6 : i32
      %scan3A_264 = arith.addi %scan3A_262, %scan3A_263 : i32
      %scan3A_265 = arith.constant 1 : i32
      %scan3A_266 = scf.for %scan3A_274 = %scan3A_262 to %scan3A_264 step %scan3A_265 iter_args(%scan3A_275 = %broadcast_in_dim3A_261) -> (vector<16xf32>)  : i32 {
        %mul3A_276 = arith.constant 128 : i32
        %mul3A_277 = arith.muli %scan3A_274, %mul3A_276 : i32
        %add3A_278 = arith.constant 0 : i32
        %add3A_279 = arith.addi %mul3A_277, %add3A_278 : i32
        %get3A_280 = arith.index_cast %add3A_279 : i32 to index
        %get3A_281 = tpu.vector_load %arg20[%get3A_280] {strides = array<i32>} : memref<768xf32, #tpu.memory_space<vmem>>, vector<16xf32>,
        %get3A_282 = arith.index_cast %scan3A_259 : i32 to index
        %get3A_283 = arith.index_cast %add3A_279 : i32 to index
        %get3A_284 = tpu.vector_load %arg19[%get3A_282, %get3A_283] {strides = array<i32>} : memref<32x768xf32, #tpu.memory_space<vmem>>, vector<16xf32>,
        %sub3A = arith.subf %get3A_281, %get3A_284 : vector<16xf32>
        %mul3A_285 = arith.mulf %sub3A, %sub3A : vector<16xf32>
        %add3A_286 = arith.addf %scan3A_275, %mul3A_285 : vector<16xf32>
        %mul3A_287 = arith.constant 128 : i32
        %mul3A_288 = arith.muli %scan3A_274, %mul3A_287 : i32
        %add3A_289 = arith.constant 16 : i32
        %add3A_290 = arith.addi %mul3A_288, %add3A_289 : i32
        %get3A_291 = arith.index_cast %add3A_290 : i32 to index
        %get3A_292 = tpu.vector_load %arg20[%get3A_291] {strides = array<i32>} : memref<768xf32, #tpu.memory_space<vmem>>, vector<16xf32>,
        %get3A_293 = arith.index_cast %scan3A_259 : i32 to index
        %get3A_294 = arith.index_cast %add3A_290 : i32 to index
        %get3A_295 = tpu.vector_load %arg19[%get3A_293, %get3A_294] {strides = array<i32>} : memref<32x768xf32, #tpu.memory_space<vmem>>, vector<16xf32>,
        %sub3A_296 = arith.subf %get3A_292, %get3A_295 : vector<16xf32>
        %mul3A_297 = arith.mulf %sub3A_296, %sub3A_296 : vector<16xf32>
        %add3A_298 = arith.addf %add3A_286, %mul3A_297 : vector<16xf32>
        %mul3A_299 = arith.constant 128 : i32
        %mul3A_300 = arith.muli %scan3A_274, %mul3A_299 : i32
        %add3A_301 = arith.constant 32 : i32
        %add3A_302 = arith.addi %mul3A_300, %add3A_301 : i32
        %get3A_303 = arith.index_cast %add3A_302 : i32 to index
        %get3A_304 = tpu.vector_load %arg20[%get3A_303] {strides = array<i32>} : memref<768xf32, #tpu.memory_space<vmem>>, vector<16xf32>,
        %get3A_305 = arith.index_cast %scan3A_259 : i32 to index
        %get3A_306 = arith.index_cast %add3A_302 : i32 to index
        %get3A_307 = tpu.vector_load %arg19[%get3A_305, %get3A_306] {strides = array<i32>} : memref<32x768xf32, #tpu.memory_space<vmem>>, vector<16xf32>,
        %sub3A_308 = arith.subf %get3A_304, %get3A_307 : vector<16xf32>
        %mul3A_309 = arith.mulf %sub3A_308, %sub3A_308 : vector<16xf32>
        %add3A_310 = arith.addf %add3A_298, %mul3A_309 : vector<16xf32>
        %mul3A_311 = arith.constant 128 : i32
        %mul3A_312 = arith.muli %scan3A_274, %mul3A_311 : i32
        %add3A_313 = arith.constant 48 : i32
        %add3A_314 = arith.addi %mul3A_312, %add3A_313 : i32
        %get3A_315 = arith.index_cast %add3A_314 : i32 to index
        %get3A_316 = tpu.vector_load %arg20[%get3A_315] {strides = array<i32>} : memref<768xf32, #tpu.memory_space<vmem>>, vector<16xf32>,
        %get3A_317 = arith.index_cast %scan3A_259 : i32 to index
        %get3A_318 = arith.index_cast %add3A_314 : i32 to index
        %get3A_319 = tpu.vector_load %arg19[%get3A_317, %get3A_318] {strides = array<i32>} : memref<32x768xf32, #tpu.memory_space<vmem>>, vector<16xf32>,
        %sub3A_320 = arith.subf %get3A_316, %get3A_319 : vector<16xf32>
        %mul3A_321 = arith.mulf %sub3A_320, %sub3A_320 : vector<16xf32>
        %add3A_322 = arith.addf %add3A_310, %mul3A_321 : vector<16xf32>
        %mul3A_323 = arith.constant 128 : i32
        %mul3A_324 = arith.muli %scan3A_274, %mul3A_323 : i32
        %add3A_325 = arith.constant 64 : i32
        %add3A_326 = arith.addi %mul3A_324, %add3A_325 : i32
        %get3A_327 = arith.index_cast %add3A_326 : i32 to index
        %get3A_328 = tpu.vector_load %arg20[%get3A_327] {strides = array<i32>} : memref<768xf32, #tpu.memory_space<vmem>>, vector<16xf32>,
        %get3A_329 = arith.index_cast %scan3A_259 : i32 to index
        %get3A_330 = arith.index_cast %add3A_326 : i32 to index
        %get3A_331 = tpu.vector_load %arg19[%get3A_329, %get3A_330] {strides = array<i32>} : memref<32x768xf32, #tpu.memory_space<vmem>>, vector<16xf32>,
        %sub3A_332 = arith.subf %get3A_328, %get3A_331 : vector<16xf32>
        %mul3A_333 = arith.mulf %sub3A_332, %sub3A_332 : vector<16xf32>
        %add3A_334 = arith.addf %add3A_322, %mul3A_333 : vector<16xf32>
        %mul3A_335 = arith.constant 128 : i32
        %mul3A_336 = arith.muli %scan3A_274, %mul3A_335 : i32
        %add3A_337 = arith.constant 80 : i32
        %add3A_338 = arith.addi %mul3A_336, %add3A_337 : i32
        %get3A_339 = arith.index_cast %add3A_338 : i32 to index
        %get3A_340 = tpu.vector_load %arg20[%get3A_339] {strides = array<i32>} : memref<768xf32, #tpu.memory_space<vmem>>, vector<16xf32>,
        %get3A_341 = arith.index_cast %scan3A_259 : i32 to index
        %get3A_342 = arith.index_cast %add3A_338 : i32 to index
        %get3A_343 = tpu.vector_load %arg19[%get3A_341, %get3A_342] {strides = array<i32>} : memref<32x768xf32, #tpu.memory_space<vmem>>, vector<16xf32>,
        %sub3A_344 = arith.subf %get3A_340, %get3A_343 : vector<16xf32>
        %mul3A_345 = arith.mulf %sub3A_344, %sub3A_344 : vector<16xf32>
        %add3A_346 = arith.addf %add3A_334, %mul3A_345 : vector<16xf32>
        %mul3A_347 = arith.constant 128 : i32
        %mul3A_348 = arith.muli %scan3A_274, %mul3A_347 : i32
        %add3A_349 = arith.constant 96 : i32
        %add3A_350 = arith.addi %mul3A_348, %add3A_349 : i32
        %get3A_351 = arith.index_cast %add3A_350 : i32 to index
        %get3A_352 = tpu.vector_load %arg20[%get3A_351] {strides = array<i32>} : memref<768xf32, #tpu.memory_space<vmem>>, vector<16xf32>,
        %get3A_353 = arith.index_cast %scan3A_259 : i32 to index
        %get3A_354 = arith.index_cast %add3A_350 : i32 to index
        %get3A_355 = tpu.vector_load %arg19[%get3A_353, %get3A_354] {strides = array<i32>} : memref<32x768xf32, #tpu.memory_space<vmem>>, vector<16xf32>,
        %sub3A_356 = arith.subf %get3A_352, %get3A_355 : vector<16xf32>
        %mul3A_357 = arith.mulf %sub3A_356, %sub3A_356 : vector<16xf32>
        %add3A_358 = arith.addf %add3A_346, %mul3A_357 : vector<16xf32>
        %mul3A_359 = arith.constant 128 : i32
        %mul3A_360 = arith.muli %scan3A_274, %mul3A_359 : i32
        %add3A_361 = arith.constant 112 : i32
        %add3A_362 = arith.addi %mul3A_360, %add3A_361 : i32
        %get3A_363 = arith.index_cast %add3A_362 : i32 to index
        %get3A_364 = tpu.vector_load %arg20[%get3A_363] {strides = array<i32>} : memref<768xf32, #tpu.memory_space<vmem>>, vector<16xf32>,
        %get3A_365 = arith.index_cast %scan3A_259 : i32 to index
        %get3A_366 = arith.index_cast %add3A_362 : i32 to index
        %get3A_367 = tpu.vector_load %arg19[%get3A_365, %get3A_366] {strides = array<i32>} : memref<32x768xf32, #tpu.memory_space<vmem>>, vector<16xf32>,
        %sub3A_368 = arith.subf %get3A_364, %get3A_367 : vector<16xf32>
        %mul3A_369 = arith.mulf %sub3A_368, %sub3A_368 : vector<16xf32>
        %add3A_370 = arith.addf %add3A_358, %mul3A_369 : vector<16xf32>
        scf.yield %add3A_370 : vector<16xf32>
      }
      %scan3A_267 = arith.constant 6 : i32
      %broadcast_in_dim3A_268 = vector.broadcast %scan3A_259 : i32 to vector<16xi32>
      %reduce_sum3A = arith.constant true
      %reduce_sum3A_269 = vector.broadcast %reduce_sum3A : i1 to vector<16xi1>
      %reduce_sum3A_270 = tpu.scan <sum>, %scan3A_266 masked %reduce_sum3A_269 : vector<16xf32>, vector<16xi1> -> vector<16xf32>
      %reduce_sum3A_271 = vector.extract %reduce_sum3A_270[15] : f32 from vector<16xf32>
      %broadcast_in_dim3A_272 = vector.broadcast %reduce_sum3A_271 : f32 to vector<16xf32>
      tpu.vector_store_idx %arg21[%broadcast_in_dim3A_268], %broadcast_in_dim3A_272 masked %eq3A_4 : memref<32xf32, #tpu.memory_space<vmem>>[vector<16xi32>], vector<16xf32>, vector<16xi1>
      %scan3A_273 = arith.constant 0 : i32
      scf.yield %scan3A_273 : i32
    }
    %scan3A_56 = arith.constant 32 : i32
    %get3A = arith.constant 0 : index
    %get3A_57 = tpu.vector_load %arg17[%get3A] {strides = array<i32>} : memref<128xi32, #tpu.memory_space<vmem>>, vector<16xi32>,
    %get3A_58 = arith.constant 16 : index
    %get3A_59 = tpu.vector_load %arg17[%get3A_58] {strides = array<i32>} : memref<128xi32, #tpu.memory_space<vmem>>, vector<16xi32>,
    %get3A_60 = arith.constant 0 : index
    %get3A_61 = tpu.vector_load %arg18[%get3A_60] {strides = array<i32>} : memref<128xi32, #tpu.memory_space<vmem>>, vector<16xi32>,
    %get3A_62 = arith.constant 16 : index
    %get3A_63 = tpu.vector_load %arg18[%get3A_62] {strides = array<i32>} : memref<128xi32, #tpu.memory_space<vmem>>, vector<16xi32>,
    %scan3A_64 = arith.constant 0 : i32
    %scan3A_65 = arith.constant 0 : i32
    %scan3A_66 = arith.constant 10 : i32
    %scan3A_67 = arith.addi %scan3A_65, %scan3A_66 : i32
    %scan3A_68 = arith.constant 1 : i32
    %scan3A_69 = scf.for %scan3A_259 = %scan3A_65 to %scan3A_67 step %scan3A_68 iter_args(%scan3A_260 = %scan3A_64) -> (i32)  : i32 {
      %get3A_261 = arith.constant 0 : index
      %get3A_262 = tpu.vector_load %arg21[%get3A_261] {strides = array<i32>} : memref<32xf32, #tpu.memory_space<vmem>>, vector<16xf32>,
      %get3A_263 = arith.constant 16 : index
      %get3A_264 = tpu.vector_load %arg21[%get3A_263] {strides = array<i32>} : memref<32xf32, #tpu.memory_space<vmem>>, vector<16xf32>,
      %min3A = arith.minimumf %get3A_262, %get3A_264 : vector<16xf32>
      %reduce_min3A = arith.constant true
      %reduce_min3A_265 = vector.broadcast %reduce_min3A : i1 to vector<16xi1>
      %reduce_min3A_266 = tpu.scan <min>, %min3A masked %reduce_min3A_265 : vector<16xf32>, vector<16xi1> -> vector<16xf32>
      %reduce_min3A_267 = vector.extract %reduce_min3A_266[15] : f32 from vector<16xf32>
      %eq3A_268 = vector.broadcast %reduce_min3A_267 : f32 to vector<16xf32>
      %eq3A_269 = arith.cmpf oeq, %get3A_262, %eq3A_268 : vector<16xf32>
      %jit3A = arith.constant 1073741824 : i32
      %broadcast_in_dim3A = vector.broadcast %jit3A : i32 to vector<16xi32>
      %select_n3A = arith.select %eq3A_269, %get3A_61, %broadcast_in_dim3A : vector<16xi1>, vector<16xi32>
      %reduce_min3A_270 = arith.constant true
      %reduce_min3A_271 = vector.broadcast %reduce_min3A_270 : i1 to vector<16xi1>
      %reduce_min3A_272 = arith.constant -2147483648 : i32
      %reduce_min3A_273 = vector.broadcast %reduce_min3A_272 : i32 to vector<16xi32>
      %reduce_min3A_274 = arith.xori %select_n3A, %reduce_min3A_273 : vector<16xi32>
      %reduce_min3A_275 = tpu.scan <min>, %reduce_min3A_274 masked %reduce_min3A_271 : vector<16xi32>, vector<16xi1> -> vector<16xi32>
      %reduce_min3A_276 = arith.xori %reduce_min3A_275, %reduce_min3A_273 : vector<16xi32>
      %reduce_min3A_277 = vector.extract %reduce_min3A_276[15] : i32 from vector<16xi32>
      %eq3A_278 = vector.broadcast %reduce_min3A_267 : f32 to vector<16xf32>
      %eq3A_279 = arith.cmpf oeq, %get3A_264, %eq3A_278 : vector<16xf32>
      %jit3A_280 = arith.constant 1073741824 : i32
      %broadcast_in_dim3A_281 = vector.broadcast %jit3A_280 : i32 to vector<16xi32>
      %select_n3A_282 = arith.select %eq3A_279, %get3A_63, %broadcast_in_dim3A_281 : vector<16xi1>, vector<16xi32>
      %reduce_min3A_283 = arith.constant true
      %reduce_min3A_284 = vector.broadcast %reduce_min3A_283 : i1 to vector<16xi1>
      %reduce_min3A_285 = arith.constant -2147483648 : i32
      %reduce_min3A_286 = vector.broadcast %reduce_min3A_285 : i32 to vector<16xi32>
      %reduce_min3A_287 = arith.xori %select_n3A_282, %reduce_min3A_286 : vector<16xi32>
      %reduce_min3A_288 = tpu.scan <min>, %reduce_min3A_287 masked %reduce_min3A_284 : vector<16xi32>, vector<16xi1> -> vector<16xi32>
      %reduce_min3A_289 = arith.xori %reduce_min3A_288, %reduce_min3A_286 : vector<16xi32>
      %reduce_min3A_290 = vector.extract %reduce_min3A_289[15] : i32 from vector<16xi32>
      %min3A_291 = arith.minsi %reduce_min3A_277, %reduce_min3A_290 : i32
      %eq3A_292 = vector.broadcast %reduce_min3A_267 : f32 to vector<16xf32>
      %eq3A_293 = arith.cmpf oeq, %get3A_262, %eq3A_292 : vector<16xf32>
      %eq3A_294 = vector.broadcast %min3A_291 : i32 to vector<16xi32>
      %eq3A_295 = arith.cmpi eq, %get3A_61, %eq3A_294 : vector<16xi32>
      %and3A = arith.andi %eq3A_293, %eq3A_295 : vector<16xi1>
      %eq3A_296 = vector.broadcast %reduce_min3A_267 : f32 to vector<16xf32>
      %eq3A_297 = arith.cmpf oeq, %get3A_264, %eq3A_296 : vector<16xf32>
      %eq3A_298 = vector.broadcast %min3A_291 : i32 to vector<16xi32>
      %eq3A_299 = arith.cmpi eq, %get3A_63, %eq3A_298 : vector<16xi32>
      %and3A_300 = arith.andi %eq3A_297, %eq3A_299 : vector<16xi1>
      %jit3A_301 = arith.constant 1073741824 : i32
      %broadcast_in_dim3A_302 = vector.broadcast %jit3A_301 : i32 to vector<16xi32>
      %select_n3A_303 = arith.select %and3A, %get3A_57, %broadcast_in_dim3A_302 : vector<16xi1>, vector<16xi32>
      %reduce_min3A_304 = arith.constant true
      %reduce_min3A_305 = vector.broadcast %reduce_min3A_304 : i1 to vector<16xi1>
      %reduce_min3A_306 = arith.constant -2147483648 : i32
      %reduce_min3A_307 = vector.broadcast %reduce_min3A_306 : i32 to vector<16xi32>
      %reduce_min3A_308 = arith.xori %select_n3A_303, %reduce_min3A_307 : vector<16xi32>
      %reduce_min3A_309 = tpu.scan <min>, %reduce_min3A_308 masked %reduce_min3A_305 : vector<16xi32>, vector<16xi1> -> vector<16xi32>
      %reduce_min3A_310 = arith.xori %reduce_min3A_309, %reduce_min3A_307 : vector<16xi32>
      %reduce_min3A_311 = vector.extract %reduce_min3A_310[15] : i32 from vector<16xi32>
      %jit3A_312 = arith.constant 1073741824 : i32
      %broadcast_in_dim3A_313 = vector.broadcast %jit3A_312 : i32 to vector<16xi32>
      %select_n3A_314 = arith.select %and3A_300, %get3A_59, %broadcast_in_dim3A_313 : vector<16xi1>, vector<16xi32>
      %reduce_min3A_315 = arith.constant true
      %reduce_min3A_316 = vector.broadcast %reduce_min3A_315 : i1 to vector<16xi1>
      %reduce_min3A_317 = arith.constant -2147483648 : i32
      %reduce_min3A_318 = vector.broadcast %reduce_min3A_317 : i32 to vector<16xi32>
      %reduce_min3A_319 = arith.xori %select_n3A_314, %reduce_min3A_318 : vector<16xi32>
      %reduce_min3A_320 = tpu.scan <min>, %reduce_min3A_319 masked %reduce_min3A_316 : vector<16xi32>, vector<16xi1> -> vector<16xi32>
      %reduce_min3A_321 = arith.xori %reduce_min3A_320, %reduce_min3A_318 : vector<16xi32>
      %reduce_min3A_322 = vector.extract %reduce_min3A_321[15] : i32 from vector<16xi32>
      %min3A_323 = arith.minsi %reduce_min3A_311, %reduce_min3A_322 : i32
      %add3A_324 = arith.constant 0 : i32
      %add3A_325 = arith.addi %add3A_324, %scan3A_259 : i32
      %broadcast_in_dim3A_326 = vector.broadcast %add3A_325 : i32 to vector<16xi32>
      %broadcast_in_dim3A_327 = vector.broadcast %min3A_323 : i32 to vector<16xi32>
      tpu.vector_store_idx %arg22[%broadcast_in_dim3A_326], %broadcast_in_dim3A_327 masked %eq3A_4 : memref<40xi32, #tpu.memory_space<vmem>>[vector<16xi32>], vector<16xi32>, vector<16xi1>
      %broadcast_in_dim3A_328 = vector.broadcast %reduce_min3A_267 : f32 to vector<16xf32>
      tpu.vector_store_idx %arg23[%broadcast_in_dim3A_326], %broadcast_in_dim3A_328 masked %eq3A_4 : memref<40xf32, #tpu.memory_space<vmem>>[vector<16xi32>], vector<16xf32>, vector<16xi1>
      %jit3A_329 = arith.constant 0x7F800000 : f32
      %broadcast_in_dim3A_330 = vector.broadcast %jit3A_329 : f32 to vector<16xf32>
      %select_n3A_331 = arith.select %and3A, %broadcast_in_dim3A_330, %get3A_262 : vector<16xi1>, vector<16xf32>
      %swap3A = arith.constant 0 : index
      %swap3A_332 = tpu.vector_load %arg21[%swap3A] {strides = array<i32>} : memref<32xf32, #tpu.memory_space<vmem>>, vector<16xf32>,
      tpu.vector_store %arg21[%swap3A], %select_n3A_331 {strides = array<i32>} : memref<32xf32, #tpu.memory_space<vmem>>, vector<16xf32>,
      %jit3A_333 = arith.constant 0x7F800000 : f32
      %broadcast_in_dim3A_334 = vector.broadcast %jit3A_333 : f32 to vector<16xf32>
      %select_n3A_335 = arith.select %and3A_300, %broadcast_in_dim3A_334, %get3A_264 : vector<16xi1>, vector<16xf32>
      %swap3A_336 = arith.constant 16 : index
      %swap3A_337 = tpu.vector_load %arg21[%swap3A_336] {strides = array<i32>} : memref<32xf32, #tpu.memory_space<vmem>>, vector<16xf32>,
      tpu.vector_store %arg21[%swap3A_336], %select_n3A_335 {strides = array<i32>} : memref<32xf32, #tpu.memory_space<vmem>>, vector<16xf32>,
      %scan3A_338 = arith.constant 0 : i32
      scf.yield %scan3A_338 : i32
    }
    %scan3A_70 = arith.constant 10 : i32
    %add3A_71 = arith.constant 1 : i32
    %add3A_72 = arith.addi %mul3A_2, %add3A_71 : i32
    %add3A_73 = arith.constant 1 : i32
    %add3A_74 = arith.addi %add3A_72, %add3A_73 : i32
    %dma_start3A_75 = arith.constant 0 : i32
    %dma_start3A_76 = tpu.memref_slice %arg2[%add3A_74, %dma_start3A_75] : memref<128x50000xf32, #tpu.memory_space<hbm>> -> memref<1x50000xf32, #tpu.memory_space<hbm>>
    %dma_start3A_77 = tpu.memref_squeeze %dma_start3A_76 : memref<1x50000xf32, #tpu.memory_space<hbm>> -> memref<50000xf32, #tpu.memory_space<hbm>>
    %dma_start3A_78 = arith.constant 0 : i32
    %dma_start3A_79 = tpu.memref_slice %arg2[%add3A_74, %dma_start3A_78] : memref<128x50000xf32, #tpu.memory_space<hbm>> -> memref<1x50000xf32, #tpu.memory_space<hbm>>
    %dma_start3A_80 = tpu.memref_squeeze %dma_start3A_79 : memref<1x50000xf32, #tpu.memory_space<hbm>> -> memref<50000xf32, #tpu.memory_space<hbm>>
    tpu.enqueue_dma source(%dma_start3A_80 : memref<50000xf32, #tpu.memory_space<hbm>>) target(%arg13 : memref<50000xf32, #tpu.memory_space<vmem>>) target_semaphore(%arg28 : memref<!tpu.dma_semaphore, #tpu.memory_space<semaphore_mem>>)
    %dma_wait3A_81 = arith.constant 0 : i32
    %dma_wait3A_82 = tpu.memref_slice %arg2[%add3A_13, %dma_wait3A_81] : memref<128x50000xf32, #tpu.memory_space<hbm>> -> memref<1x50000xf32, #tpu.memory_space<hbm>>
    %dma_wait3A_83 = tpu.memref_squeeze %dma_wait3A_82 : memref<1x50000xf32, #tpu.memory_space<hbm>> -> memref<50000xf32, #tpu.memory_space<hbm>>
    %dma_wait3A_84 = arith.constant 0 : i32
    %dma_wait3A_85 = tpu.memref_slice %arg2[%add3A_13, %dma_wait3A_84] : memref<128x50000xf32, #tpu.memory_space<hbm>> -> memref<1x50000xf32, #tpu.memory_space<hbm>>
    %dma_wait3A_86 = tpu.memref_squeeze %dma_wait3A_85 : memref<1x50000xf32, #tpu.memory_space<hbm>> -> memref<50000xf32, #tpu.memory_space<hbm>>
    tpu.wait_dma2 semaphore(%arg29 : memref<!tpu.dma_semaphore, #tpu.memory_space<semaphore_mem>>) src(%dma_wait3A_86 : memref<50000xf32, #tpu.memory_space<hbm>>) dst(%arg14 : memref<50000xf32, #tpu.memory_space<vmem>>)
    %scan3A_87 = arith.constant 0 : i32
    %scan3A_88 = arith.constant 0 : i32
    %scan3A_89 = arith.constant 8 : i32
    %scan3A_90 = arith.addi %scan3A_88, %scan3A_89 : i32
    %scan3A_91 = arith.constant 1 : i32
    %scan3A_92 = scf.for %scan3A_259 = %scan3A_88 to %scan3A_90 step %scan3A_91 iter_args(%scan3A_260 = %scan3A_87) -> (i32)  : i32 {
      %mul3A_261 = arith.constant 4 : i32
      %mul3A_262 = arith.muli %scan3A_259, %mul3A_261 : i32
      %add3A_263 = arith.constant 0 : i32
      %add3A_264 = arith.addi %mul3A_262, %add3A_263 : i32
      %mul3A_265 = arith.constant 16 : i32
      %mul3A_266 = arith.muli %add3A_264, %mul3A_265 : i32
      %get3A_267 = arith.constant 1 : i32
      %get3A_268 = arith.index_cast %get3A_267 : i32 to index
      %get3A_269 = arith.index_cast %mul3A_266 : i32 to index
      %get3A_270 = tpu.vector_load %arg12[%get3A_268, %get3A_269] {strides = array<i32>} : memref<4x512xi32, #tpu.memory_space<vmem>>, vector<16xi32>,
      %gather3A = tpu.vector_load_idx %arg14[%get3A_270] : memref<50000xf32, #tpu.memory_space<vmem>>[vector<16xi32>], vector<16xf32>,
      %mul3A_271 = arith.constant 16 : i32
      %mul3A_272 = arith.muli %add3A_264, %mul3A_271 : i32
      %swap3A = arith.index_cast %mul3A_272 : i32 to index
      %swap3A_273 = tpu.vector_load %arg15[%swap3A] {strides = array<i32>} : memref<512xf32, #tpu.memory_space<vmem>>, vector<16xf32>,
      tpu.vector_store %arg15[%swap3A], %gather3A {strides = array<i32>} : memref<512xf32, #tpu.memory_space<vmem>>, vector<16xf32>,
      %broadcast_in_dim3A = vector.broadcast %add3A_264 : i32 to vector<16xi32>
      %reduce_min3A = arith.constant true
      %reduce_min3A_274 = vector.broadcast %reduce_min3A : i1 to vector<16xi1>
      %reduce_min3A_275 = tpu.scan <min>, %gather3A masked %reduce_min3A_274 : vector<16xf32>, vector<16xi1> -> vector<16xf32>
      %reduce_min3A_276 = vector.extract %reduce_min3A_275[15] : f32 from vector<16xf32>
      %broadcast_in_dim3A_277 = vector.broadcast %reduce_min3A_276 : f32 to vector<16xf32>
      tpu.vector_store_idx %arg16[%broadcast_in_dim3A], %broadcast_in_dim3A_277 masked %eq3A_4 : memref<32xf32, #tpu.memory_space<vmem>>[vector<16xi32>], vector<16xf32>, vector<16xi1>
      %mul3A_278 = arith.constant 4 : i32
      %mul3A_279 = arith.muli %scan3A_259, %mul3A_278 : i32
      %add3A_280 = arith.constant 1 : i32
      %add3A_281 = arith.addi %mul3A_279, %add3A_280 : i32
      %mul3A_282 = arith.constant 16 : i32
      %mul3A_283 = arith.muli %add3A_281, %mul3A_282 : i32
      %get3A_284 = arith.constant 1 : i32
      %get3A_285 = arith.index_cast %get3A_284 : i32 to index
      %get3A_286 = arith.index_cast %mul3A_283 : i32 to index
      %get3A_287 = tpu.vector_load %arg12[%get3A_285, %get3A_286] {strides = array<i32>} : memref<4x512xi32, #tpu.memory_space<vmem>>, vector<16xi32>,
      %gather3A_288 = tpu.vector_load_idx %arg14[%get3A_287] : memref<50000xf32, #tpu.memory_space<vmem>>[vector<16xi32>], vector<16xf32>,
      %mul3A_289 = arith.constant 16 : i32
      %mul3A_290 = arith.muli %add3A_281, %mul3A_289 : i32
      %swap3A_291 = arith.index_cast %mul3A_290 : i32 to index
      %swap3A_292 = tpu.vector_load %arg15[%swap3A_291] {strides = array<i32>} : memref<512xf32, #tpu.memory_space<vmem>>, vector<16xf32>,
      tpu.vector_store %arg15[%swap3A_291], %gather3A_288 {strides = array<i32>} : memref<512xf32, #tpu.memory_space<vmem>>, vector<16xf32>,
      %broadcast_in_dim3A_293 = vector.broadcast %add3A_281 : i32 to vector<16xi32>
      %reduce_min3A_294 = arith.constant true
      %reduce_min3A_295 = vector.broadcast %reduce_min3A_294 : i1 to vector<16xi1>
      %reduce_min3A_296 = tpu.scan <min>, %gather3A_288 masked %reduce_min3A_295 : vector<16xf32>, vector<16xi1> -> vector<16xf32>
      %reduce_min3A_297 = vector.extract %reduce_min3A_296[15] : f32 from vector<16xf32>
      %broadcast_in_dim3A_298 = vector.broadcast %reduce_min3A_297 : f32 to vector<16xf32>
      tpu.vector_store_idx %arg16[%broadcast_in_dim3A_293], %broadcast_in_dim3A_298 masked %eq3A_4 : memref<32xf32, #tpu.memory_space<vmem>>[vector<16xi32>], vector<16xf32>, vector<16xi1>
      %mul3A_299 = arith.constant 4 : i32
      %mul3A_300 = arith.muli %scan3A_259, %mul3A_299 : i32
      %add3A_301 = arith.constant 2 : i32
      %add3A_302 = arith.addi %mul3A_300, %add3A_301 : i32
      %mul3A_303 = arith.constant 16 : i32
      %mul3A_304 = arith.muli %add3A_302, %mul3A_303 : i32
      %get3A_305 = arith.constant 1 : i32
      %get3A_306 = arith.index_cast %get3A_305 : i32 to index
      %get3A_307 = arith.index_cast %mul3A_304 : i32 to index
      %get3A_308 = tpu.vector_load %arg12[%get3A_306, %get3A_307] {strides = array<i32>} : memref<4x512xi32, #tpu.memory_space<vmem>>, vector<16xi32>,
      %gather3A_309 = tpu.vector_load_idx %arg14[%get3A_308] : memref<50000xf32, #tpu.memory_space<vmem>>[vector<16xi32>], vector<16xf32>,
      %mul3A_310 = arith.constant 16 : i32
      %mul3A_311 = arith.muli %add3A_302, %mul3A_310 : i32
      %swap3A_312 = arith.index_cast %mul3A_311 : i32 to index
      %swap3A_313 = tpu.vector_load %arg15[%swap3A_312] {strides = array<i32>} : memref<512xf32, #tpu.memory_space<vmem>>, vector<16xf32>,
      tpu.vector_store %arg15[%swap3A_312], %gather3A_309 {strides = array<i32>} : memref<512xf32, #tpu.memory_space<vmem>>, vector<16xf32>,
      %broadcast_in_dim3A_314 = vector.broadcast %add3A_302 : i32 to vector<16xi32>
      %reduce_min3A_315 = arith.constant true
      %reduce_min3A_316 = vector.broadcast %reduce_min3A_315 : i1 to vector<16xi1>
      %reduce_min3A_317 = tpu.scan <min>, %gather3A_309 masked %reduce_min3A_316 : vector<16xf32>, vector<16xi1> -> vector<16xf32>
      %reduce_min3A_318 = vector.extract %reduce_min3A_317[15] : f32 from vector<16xf32>
      %broadcast_in_dim3A_319 = vector.broadcast %reduce_min3A_318 : f32 to vector<16xf32>
      tpu.vector_store_idx %arg16[%broadcast_in_dim3A_314], %broadcast_in_dim3A_319 masked %eq3A_4 : memref<32xf32, #tpu.memory_space<vmem>>[vector<16xi32>], vector<16xf32>, vector<16xi1>
      %mul3A_320 = arith.constant 4 : i32
      %mul3A_321 = arith.muli %scan3A_259, %mul3A_320 : i32
      %add3A_322 = arith.constant 3 : i32
      %add3A_323 = arith.addi %mul3A_321, %add3A_322 : i32
      %mul3A_324 = arith.constant 16 : i32
      %mul3A_325 = arith.muli %add3A_323, %mul3A_324 : i32
      %get3A_326 = arith.constant 1 : i32
      %get3A_327 = arith.index_cast %get3A_326 : i32 to index
      %get3A_328 = arith.index_cast %mul3A_325 : i32 to index
      %get3A_329 = tpu.vector_load %arg12[%get3A_327, %get3A_328] {strides = array<i32>} : memref<4x512xi32, #tpu.memory_space<vmem>>, vector<16xi32>,
      %gather3A_330 = tpu.vector_load_idx %arg14[%get3A_329] : memref<50000xf32, #tpu.memory_space<vmem>>[vector<16xi32>], vector<16xf32>,
      %mul3A_331 = arith.constant 16 : i32
      %mul3A_332 = arith.muli %add3A_323, %mul3A_331 : i32
      %swap3A_333 = arith.index_cast %mul3A_332 : i32 to index
      %swap3A_334 = tpu.vector_load %arg15[%swap3A_333] {strides = array<i32>} : memref<512xf32, #tpu.memory_space<vmem>>, vector<16xf32>,
      tpu.vector_store %arg15[%swap3A_333], %gather3A_330 {strides = array<i32>} : memref<512xf32, #tpu.memory_space<vmem>>, vector<16xf32>,
      %broadcast_in_dim3A_335 = vector.broadcast %add3A_323 : i32 to vector<16xi32>
      %reduce_min3A_336 = arith.constant true
      %reduce_min3A_337 = vector.broadcast %reduce_min3A_336 : i1 to vector<16xi1>
      %reduce_min3A_338 = tpu.scan <min>, %gather3A_330 masked %reduce_min3A_337 : vector<16xf32>, vector<16xi1> -> vector<16xf32>
      %reduce_min3A_339 = vector.extract %reduce_min3A_338[15] : f32 from vector<16xf32>
      %broadcast_in_dim3A_340 = vector.broadcast %reduce_min3A_339 : f32 to vector<16xf32>
      tpu.vector_store_idx %arg16[%broadcast_in_dim3A_335], %broadcast_in_dim3A_340 masked %eq3A_4 : memref<32xf32, #tpu.memory_space<vmem>>[vector<16xi32>], vector<16xf32>, vector<16xi1>
      %scan3A_341 = arith.constant 0 : i32
      scf.yield %scan3A_341 : i32
    }
    %scan3A_93 = arith.constant 8 : i32
    %scan3A_94 = arith.constant 0 : i32
    %scan3A_95 = arith.constant 0 : i32
    %scan3A_96 = arith.constant 32 : i32
    %scan3A_97 = arith.addi %scan3A_95, %scan3A_96 : i32
    %scan3A_98 = arith.constant 1 : i32
    %scan3A_99 = scf.for %scan3A_259 = %scan3A_95 to %scan3A_97 step %scan3A_98 iter_args(%scan3A_260 = %scan3A_94) -> (i32)  : i32 {
      %get3A_261 = arith.constant 0 : index
      %get3A_262 = tpu.vector_load %arg16[%get3A_261] {strides = array<i32>} : memref<32xf32, #tpu.memory_space<vmem>>, vector<16xf32>,
      %get3A_263 = arith.constant 16 : index
      %get3A_264 = tpu.vector_load %arg16[%get3A_263] {strides = array<i32>} : memref<32xf32, #tpu.memory_space<vmem>>, vector<16xf32>,
      %min3A = arith.minimumf %get3A_262, %get3A_264 : vector<16xf32>
      %reduce_min3A = arith.constant true
      %reduce_min3A_265 = vector.broadcast %reduce_min3A : i1 to vector<16xi1>
      %reduce_min3A_266 = tpu.scan <min>, %min3A masked %reduce_min3A_265 : vector<16xf32>, vector<16xi1> -> vector<16xf32>
      %reduce_min3A_267 = vector.extract %reduce_min3A_266[15] : f32 from vector<16xf32>
      %eq3A_268 = vector.broadcast %reduce_min3A_267 : f32 to vector<16xf32>
      %eq3A_269 = arith.cmpf oeq, %get3A_262, %eq3A_268 : vector<16xf32>
      %jit3A = arith.constant 1073741824 : i32
      %broadcast_in_dim3A = vector.broadcast %jit3A : i32 to vector<16xi32>
      %select_n3A = arith.select %eq3A_269, %iota3A, %broadcast_in_dim3A : vector<16xi1>, vector<16xi32>
      %eq3A_270 = vector.broadcast %reduce_min3A_267 : f32 to vector<16xf32>
      %eq3A_271 = arith.cmpf oeq, %get3A_264, %eq3A_270 : vector<16xf32>
      %add3A_272 = arith.constant 16 : i32
      %add3A_273 = vector.broadcast %add3A_272 : i32 to vector<16xi32>
      %add3A_274 = arith.addi %iota3A, %add3A_273 : vector<16xi32>
      %jit3A_275 = arith.constant 1073741824 : i32
      %broadcast_in_dim3A_276 = vector.broadcast %jit3A_275 : i32 to vector<16xi32>
      %select_n3A_277 = arith.select %eq3A_271, %add3A_274, %broadcast_in_dim3A_276 : vector<16xi1>, vector<16xi32>
      %reduce_min3A_278 = arith.constant true
      %reduce_min3A_279 = vector.broadcast %reduce_min3A_278 : i1 to vector<16xi1>
      %reduce_min3A_280 = arith.constant -2147483648 : i32
      %reduce_min3A_281 = vector.broadcast %reduce_min3A_280 : i32 to vector<16xi32>
      %reduce_min3A_282 = arith.xori %select_n3A, %reduce_min3A_281 : vector<16xi32>
      %reduce_min3A_283 = tpu.scan <min>, %reduce_min3A_282 masked %reduce_min3A_279 : vector<16xi32>, vector<16xi1> -> vector<16xi32>
      %reduce_min3A_284 = arith.xori %reduce_min3A_283, %reduce_min3A_281 : vector<16xi32>
      %reduce_min3A_285 = vector.extract %reduce_min3A_284[15] : i32 from vector<16xi32>
      %reduce_min3A_286 = arith.constant true
      %reduce_min3A_287 = vector.broadcast %reduce_min3A_286 : i1 to vector<16xi1>
      %reduce_min3A_288 = arith.constant -2147483648 : i32
      %reduce_min3A_289 = vector.broadcast %reduce_min3A_288 : i32 to vector<16xi32>
      %reduce_min3A_290 = arith.xori %select_n3A_277, %reduce_min3A_289 : vector<16xi32>
      %reduce_min3A_291 = tpu.scan <min>, %reduce_min3A_290 masked %reduce_min3A_287 : vector<16xi32>, vector<16xi1> -> vector<16xi32>
      %reduce_min3A_292 = arith.xori %reduce_min3A_291, %reduce_min3A_289 : vector<16xi32>
      %reduce_min3A_293 = vector.extract %reduce_min3A_292[15] : i32 from vector<16xi32>
      %min3A_294 = arith.minsi %reduce_min3A_285, %reduce_min3A_293 : i32
      %mul3A_295 = arith.constant 16 : i32
      %mul3A_296 = arith.muli %min3A_294, %mul3A_295 : i32
      %get3A_297 = arith.index_cast %mul3A_296 : i32 to index
      %get3A_298 = tpu.vector_load %arg15[%get3A_297] {strides = array<i32>} : memref<512xf32, #tpu.memory_space<vmem>>, vector<16xf32>,
      %eq3A_299 = vector.broadcast %reduce_min3A_267 : f32 to vector<16xf32>
      %eq3A_300 = arith.cmpf oeq, %get3A_298, %eq3A_299 : vector<16xf32>
      %jit3A_301 = arith.constant 1073741824 : i32
      %broadcast_in_dim3A_302 = vector.broadcast %jit3A_301 : i32 to vector<16xi32>
      %select_n3A_303 = arith.select %eq3A_300, %iota3A, %broadcast_in_dim3A_302 : vector<16xi1>, vector<16xi32>
      %reduce_min3A_304 = arith.constant true
      %reduce_min3A_305 = vector.broadcast %reduce_min3A_304 : i1 to vector<16xi1>
      %reduce_min3A_306 = arith.constant -2147483648 : i32
      %reduce_min3A_307 = vector.broadcast %reduce_min3A_306 : i32 to vector<16xi32>
      %reduce_min3A_308 = arith.xori %select_n3A_303, %reduce_min3A_307 : vector<16xi32>
      %reduce_min3A_309 = tpu.scan <min>, %reduce_min3A_308 masked %reduce_min3A_305 : vector<16xi32>, vector<16xi1> -> vector<16xi32>
      %reduce_min3A_310 = arith.xori %reduce_min3A_309, %reduce_min3A_307 : vector<16xi32>
      %reduce_min3A_311 = vector.extract %reduce_min3A_310[15] : i32 from vector<16xi32>
      %mul3A_312 = arith.constant 16 : i32
      %mul3A_313 = arith.muli %min3A_294, %mul3A_312 : i32
      %get3A_314 = arith.constant 1 : i32
      %get3A_315 = arith.index_cast %get3A_314 : i32 to index
      %get3A_316 = arith.index_cast %mul3A_313 : i32 to index
      %get3A_317 = tpu.vector_load %arg12[%get3A_315, %get3A_316] {strides = array<i32>} : memref<4x512xi32, #tpu.memory_space<vmem>>, vector<16xi32>,
      %eq3A_318 = vector.broadcast %reduce_min3A_311 : i32 to vector<16xi32>
      %eq3A_319 = arith.cmpi eq, %iota3A, %eq3A_318 : vector<16xi32>
      %jit3A_320 = arith.constant 1073741824 : i32
      %broadcast_in_dim3A_321 = vector.broadcast %jit3A_320 : i32 to vector<16xi32>
      %select_n3A_322 = arith.select %eq3A_319, %get3A_317, %broadcast_in_dim3A_321 : vector<16xi1>, vector<16xi32>
      %reduce_min3A_323 = arith.constant true
      %reduce_min3A_324 = vector.broadcast %reduce_min3A_323 : i1 to vector<16xi1>
      %reduce_min3A_325 = arith.constant -2147483648 : i32
      %reduce_min3A_326 = vector.broadcast %reduce_min3A_325 : i32 to vector<16xi32>
      %reduce_min3A_327 = arith.xori %select_n3A_322, %reduce_min3A_326 : vector<16xi32>
      %reduce_min3A_328 = tpu.scan <min>, %reduce_min3A_327 masked %reduce_min3A_324 : vector<16xi32>, vector<16xi1> -> vector<16xi32>
      %reduce_min3A_329 = arith.xori %reduce_min3A_328, %reduce_min3A_326 : vector<16xi32>
      %reduce_min3A_330 = vector.extract %reduce_min3A_329[15] : i32 from vector<16xi32>
      %add3A_331 = arith.constant 32 : i32
      %add3A_332 = arith.addi %add3A_331, %scan3A_259 : i32
      %broadcast_in_dim3A_333 = vector.broadcast %add3A_332 : i32 to vector<16xi32>
      %broadcast_in_dim3A_334 = vector.broadcast %reduce_min3A_330 : i32 to vector<16xi32>
      tpu.vector_store_idx %arg17[%broadcast_in_dim3A_333], %broadcast_in_dim3A_334 masked %eq3A_4 : memref<128xi32, #tpu.memory_space<vmem>>[vector<16xi32>], vector<16xi32>, vector<16xi1>
      %mul3A_335 = arith.constant 16 : i32
      %mul3A_336 = arith.muli %min3A_294, %mul3A_335 : i32
      %add3A_337 = arith.addi %mul3A_336, %reduce_min3A_311 : i32
      %broadcast_in_dim3A_338 = vector.broadcast %add3A_337 : i32 to vector<16xi32>
      tpu.vector_store_idx %arg18[%broadcast_in_dim3A_333], %broadcast_in_dim3A_338 masked %eq3A_4 : memref<128xi32, #tpu.memory_space<vmem>>[vector<16xi32>], vector<16xi32>, vector<16xi1>
      %eq3A_339 = vector.broadcast %reduce_min3A_311 : i32 to vector<16xi32>
      %eq3A_340 = arith.cmpi eq, %iota3A, %eq3A_339 : vector<16xi32>
      %jit3A_341 = arith.constant 0x7F800000 : f32
      %broadcast_in_dim3A_342 = vector.broadcast %jit3A_341 : f32 to vector<16xf32>
      %select_n3A_343 = arith.select %eq3A_340, %broadcast_in_dim3A_342, %get3A_298 : vector<16xi1>, vector<16xf32>
      %mul3A_344 = arith.constant 16 : i32
      %mul3A_345 = arith.muli %min3A_294, %mul3A_344 : i32
      %swap3A = arith.index_cast %mul3A_345 : i32 to index
      %swap3A_346 = tpu.vector_load %arg15[%swap3A] {strides = array<i32>} : memref<512xf32, #tpu.memory_space<vmem>>, vector<16xf32>,
      tpu.vector_store %arg15[%swap3A], %select_n3A_343 {strides = array<i32>} : memref<512xf32, #tpu.memory_space<vmem>>, vector<16xf32>,
      %broadcast_in_dim3A_347 = vector.broadcast %min3A_294 : i32 to vector<16xi32>
      %reduce_min3A_348 = arith.constant true
      %reduce_min3A_349 = vector.broadcast %reduce_min3A_348 : i1 to vector<16xi1>
      %reduce_min3A_350 = tpu.scan <min>, %select_n3A_343 masked %reduce_min3A_349 : vector<16xf32>, vector<16xi1> -> vector<16xf32>
      %reduce_min3A_351 = vector.extract %reduce_min3A_350[15] : f32 from vector<16xf32>
      %broadcast_in_dim3A_352 = vector.broadcast %reduce_min3A_351 : f32 to vector<16xf32>
      tpu.vector_store_idx %arg16[%broadcast_in_dim3A_347], %broadcast_in_dim3A_352 masked %eq3A_4 : memref<32xf32, #tpu.memory_space<vmem>>[vector<16xi32>], vector<16xf32>, vector<16xi1>
      %scan3A_353 = arith.constant 0 : i32
      scf.yield %scan3A_353 : i32
    }
    %scan3A_100 = arith.constant 32 : i32
    %dma_start3A_101 = arith.constant 32 : i32
    %dma_start3A_102 = tpu.memref_slice %arg17[%dma_start3A_101] : memref<128xi32, #tpu.memory_space<vmem>> -> memref<32xi32, #tpu.memory_space<vmem>>
    %dma_start3A_103 = arith.constant 0 : i32
    %dma_start3A_104 = arith.constant 0 : i32
    %dma_start3A_105 = tpu.memref_slice %arg4[%dma_start3A_103, %dma_start3A_104] : memref<50000x768xf32, #tpu.memory_space<hbm>> -> memref<50000x768xf32, #tpu.memory_space<hbm>>
    tpu.enqueue_indirect_dma source(%dma_start3A_105 : memref<50000x768xf32, #tpu.memory_space<hbm>>) target(%arg19 : memref<32x768xf32, #tpu.memory_space<vmem>>) offsets(%dma_start3A_102 : memref<32xi32, #tpu.memory_space<vmem>>) semaphore(%arg30 : memref<!tpu.dma_semaphore, #tpu.memory_space<semaphore_mem>>)
    %add3A_106 = arith.constant 1 : i32
    %add3A_107 = arith.addi %mul3A_2, %add3A_106 : i32
    "tpu.region"() ({
      %run_scoped3A = tpu.sem_alloc : memref<!tpu.dma_semaphore, #tpu.memory_space<semaphore_mem>>
      %dma_start3A_259 = arith.constant 0 : i32
      %dma_start3A_260 = tpu.memref_slice %arg7[%add3A_107, %dma_start3A_259] : memref<128x768xf32, #tpu.memory_space<hbm>> -> memref<1x768xf32, #tpu.memory_space<hbm>>
      %dma_start3A_261 = tpu.memref_squeeze %dma_start3A_260 : memref<1x768xf32, #tpu.memory_space<hbm>> -> memref<768xf32, #tpu.memory_space<hbm>>
      %dma_start3A_262 = arith.constant 0 : i32
      %dma_start3A_263 = tpu.memref_slice %arg7[%add3A_107, %dma_start3A_262] : memref<128x768xf32, #tpu.memory_space<hbm>> -> memref<1x768xf32, #tpu.memory_space<hbm>>
      %dma_start3A_264 = tpu.memref_squeeze %dma_start3A_263 : memref<1x768xf32, #tpu.memory_space<hbm>> -> memref<768xf32, #tpu.memory_space<hbm>>
      tpu.enqueue_dma source(%dma_start3A_264 : memref<768xf32, #tpu.memory_space<hbm>>) target(%arg20 : memref<768xf32, #tpu.memory_space<vmem>>) target_semaphore(%run_scoped3A : memref<!tpu.dma_semaphore, #tpu.memory_space<semaphore_mem>>)
      %dma_wait3A_265 = arith.constant 0 : i32
      %dma_wait3A_266 = tpu.memref_slice %arg7[%add3A_107, %dma_wait3A_265] : memref<128x768xf32, #tpu.memory_space<hbm>> -> memref<1x768xf32, #tpu.memory_space<hbm>>
      %dma_wait3A_267 = tpu.memref_squeeze %dma_wait3A_266 : memref<1x768xf32, #tpu.memory_space<hbm>> -> memref<768xf32, #tpu.memory_space<hbm>>
      %dma_wait3A_268 = arith.constant 0 : i32
      %dma_wait3A_269 = tpu.memref_slice %arg7[%add3A_107, %dma_wait3A_268] : memref<128x768xf32, #tpu.memory_space<hbm>> -> memref<1x768xf32, #tpu.memory_space<hbm>>
      %dma_wait3A_270 = tpu.memref_squeeze %dma_wait3A_269 : memref<1x768xf32, #tpu.memory_space<hbm>> -> memref<768xf32, #tpu.memory_space<hbm>>
      tpu.wait_dma2 semaphore(%run_scoped3A : memref<!tpu.dma_semaphore, #tpu.memory_space<semaphore_mem>>) src(%dma_wait3A_270 : memref<768xf32, #tpu.memory_space<hbm>>) dst(%arg20 : memref<768xf32, #tpu.memory_space<vmem>>)
      tpu.yield
    }) : () -> ()
    %dma_wait3A_108 = arith.constant 32 : i32
    %dma_wait3A_109 = tpu.memref_slice %arg17[%dma_wait3A_108] : memref<128xi32, #tpu.memory_space<vmem>> -> memref<32xi32, #tpu.memory_space<vmem>>
    %dma_wait3A_110 = arith.constant 0 : i32
    %dma_wait3A_111 = arith.constant 0 : i32
    %dma_wait3A_112 = tpu.memref_slice %arg4[%dma_wait3A_110, %dma_wait3A_111] : memref<50000x768xf32, #tpu.memory_space<hbm>> -> memref<50000x768xf32, #tpu.memory_space<hbm>>
    tpu.wait_indirect_dma semaphore(%arg30 : memref<!tpu.dma_semaphore, #tpu.memory_space<semaphore_mem>>) src(%dma_wait3A_112 : memref<50000x768xf32, #tpu.memory_space<hbm>>) dst(%arg19 : memref<32x768xf32, #tpu.memory_space<vmem>>)
    %scan3A_113 = arith.constant 0 : i32
    %scan3A_114 = arith.constant 0 : i32
    %scan3A_115 = arith.constant 32 : i32
    %scan3A_116 = arith.addi %scan3A_114, %scan3A_115 : i32
    %scan3A_117 = arith.constant 1 : i32
    %scan3A_118 = scf.for %scan3A_259 = %scan3A_114 to %scan3A_116 step %scan3A_117 iter_args(%scan3A_260 = %scan3A_113) -> (i32)  : i32 {
      %broadcast_in_dim3A = arith.constant 0.000000e+00 : f32
      %broadcast_in_dim3A_261 = vector.broadcast %broadcast_in_dim3A : f32 to vector<16xf32>
      %scan3A_262 = arith.constant 0 : i32
      %scan3A_263 = arith.constant 6 : i32
      %scan3A_264 = arith.addi %scan3A_262, %scan3A_263 : i32
      %scan3A_265 = arith.constant 1 : i32
      %scan3A_266 = scf.for %scan3A_274 = %scan3A_262 to %scan3A_264 step %scan3A_265 iter_args(%scan3A_275 = %broadcast_in_dim3A_261) -> (vector<16xf32>)  : i32 {
        %mul3A_276 = arith.constant 128 : i32
        %mul3A_277 = arith.muli %scan3A_274, %mul3A_276 : i32
        %add3A_278 = arith.constant 0 : i32
        %add3A_279 = arith.addi %mul3A_277, %add3A_278 : i32
        %get3A_280 = arith.index_cast %add3A_279 : i32 to index
        %get3A_281 = tpu.vector_load %arg20[%get3A_280] {strides = array<i32>} : memref<768xf32, #tpu.memory_space<vmem>>, vector<16xf32>,
        %get3A_282 = arith.index_cast %scan3A_259 : i32 to index
        %get3A_283 = arith.index_cast %add3A_279 : i32 to index
        %get3A_284 = tpu.vector_load %arg19[%get3A_282, %get3A_283] {strides = array<i32>} : memref<32x768xf32, #tpu.memory_space<vmem>>, vector<16xf32>,
        %sub3A = arith.subf %get3A_281, %get3A_284 : vector<16xf32>
        %mul3A_285 = arith.mulf %sub3A, %sub3A : vector<16xf32>
        %add3A_286 = arith.addf %scan3A_275, %mul3A_285 : vector<16xf32>
        %mul3A_287 = arith.constant 128 : i32
        %mul3A_288 = arith.muli %scan3A_274, %mul3A_287 : i32
        %add3A_289 = arith.constant 16 : i32
        %add3A_290 = arith.addi %mul3A_288, %add3A_289 : i32
        %get3A_291 = arith.index_cast %add3A_290 : i32 to index
        %get3A_292 = tpu.vector_load %arg20[%get3A_291] {strides = array<i32>} : memref<768xf32, #tpu.memory_space<vmem>>, vector<16xf32>,
        %get3A_293 = arith.index_cast %scan3A_259 : i32 to index
        %get3A_294 = arith.index_cast %add3A_290 : i32 to index
        %get3A_295 = tpu.vector_load %arg19[%get3A_293, %get3A_294] {strides = array<i32>} : memref<32x768xf32, #tpu.memory_space<vmem>>, vector<16xf32>,
        %sub3A_296 = arith.subf %get3A_292, %get3A_295 : vector<16xf32>
        %mul3A_297 = arith.mulf %sub3A_296, %sub3A_296 : vector<16xf32>
        %add3A_298 = arith.addf %add3A_286, %mul3A_297 : vector<16xf32>
        %mul3A_299 = arith.constant 128 : i32
        %mul3A_300 = arith.muli %scan3A_274, %mul3A_299 : i32
        %add3A_301 = arith.constant 32 : i32
        %add3A_302 = arith.addi %mul3A_300, %add3A_301 : i32
        %get3A_303 = arith.index_cast %add3A_302 : i32 to index
        %get3A_304 = tpu.vector_load %arg20[%get3A_303] {strides = array<i32>} : memref<768xf32, #tpu.memory_space<vmem>>, vector<16xf32>,
        %get3A_305 = arith.index_cast %scan3A_259 : i32 to index
        %get3A_306 = arith.index_cast %add3A_302 : i32 to index
        %get3A_307 = tpu.vector_load %arg19[%get3A_305, %get3A_306] {strides = array<i32>} : memref<32x768xf32, #tpu.memory_space<vmem>>, vector<16xf32>,
        %sub3A_308 = arith.subf %get3A_304, %get3A_307 : vector<16xf32>
        %mul3A_309 = arith.mulf %sub3A_308, %sub3A_308 : vector<16xf32>
        %add3A_310 = arith.addf %add3A_298, %mul3A_309 : vector<16xf32>
        %mul3A_311 = arith.constant 128 : i32
        %mul3A_312 = arith.muli %scan3A_274, %mul3A_311 : i32
        %add3A_313 = arith.constant 48 : i32
        %add3A_314 = arith.addi %mul3A_312, %add3A_313 : i32
        %get3A_315 = arith.index_cast %add3A_314 : i32 to index
        %get3A_316 = tpu.vector_load %arg20[%get3A_315] {strides = array<i32>} : memref<768xf32, #tpu.memory_space<vmem>>, vector<16xf32>,
        %get3A_317 = arith.index_cast %scan3A_259 : i32 to index
        %get3A_318 = arith.index_cast %add3A_314 : i32 to index
        %get3A_319 = tpu.vector_load %arg19[%get3A_317, %get3A_318] {strides = array<i32>} : memref<32x768xf32, #tpu.memory_space<vmem>>, vector<16xf32>,
        %sub3A_320 = arith.subf %get3A_316, %get3A_319 : vector<16xf32>
        %mul3A_321 = arith.mulf %sub3A_320, %sub3A_320 : vector<16xf32>
        %add3A_322 = arith.addf %add3A_310, %mul3A_321 : vector<16xf32>
        %mul3A_323 = arith.constant 128 : i32
        %mul3A_324 = arith.muli %scan3A_274, %mul3A_323 : i32
        %add3A_325 = arith.constant 64 : i32
        %add3A_326 = arith.addi %mul3A_324, %add3A_325 : i32
        %get3A_327 = arith.index_cast %add3A_326 : i32 to index
        %get3A_328 = tpu.vector_load %arg20[%get3A_327] {strides = array<i32>} : memref<768xf32, #tpu.memory_space<vmem>>, vector<16xf32>,
        %get3A_329 = arith.index_cast %scan3A_259 : i32 to index
        %get3A_330 = arith.index_cast %add3A_326 : i32 to index
        %get3A_331 = tpu.vector_load %arg19[%get3A_329, %get3A_330] {strides = array<i32>} : memref<32x768xf32, #tpu.memory_space<vmem>>, vector<16xf32>,
        %sub3A_332 = arith.subf %get3A_328, %get3A_331 : vector<16xf32>
        %mul3A_333 = arith.mulf %sub3A_332, %sub3A_332 : vector<16xf32>
        %add3A_334 = arith.addf %add3A_322, %mul3A_333 : vector<16xf32>
        %mul3A_335 = arith.constant 128 : i32
        %mul3A_336 = arith.muli %scan3A_274, %mul3A_335 : i32
        %add3A_337 = arith.constant 80 : i32
        %add3A_338 = arith.addi %mul3A_336, %add3A_337 : i32
        %get3A_339 = arith.index_cast %add3A_338 : i32 to index
        %get3A_340 = tpu.vector_load %arg20[%get3A_339] {strides = array<i32>} : memref<768xf32, #tpu.memory_space<vmem>>, vector<16xf32>,
        %get3A_341 = arith.index_cast %scan3A_259 : i32 to index
        %get3A_342 = arith.index_cast %add3A_338 : i32 to index
        %get3A_343 = tpu.vector_load %arg19[%get3A_341, %get3A_342] {strides = array<i32>} : memref<32x768xf32, #tpu.memory_space<vmem>>, vector<16xf32>,
        %sub3A_344 = arith.subf %get3A_340, %get3A_343 : vector<16xf32>
        %mul3A_345 = arith.mulf %sub3A_344, %sub3A_344 : vector<16xf32>
        %add3A_346 = arith.addf %add3A_334, %mul3A_345 : vector<16xf32>
        %mul3A_347 = arith.constant 128 : i32
        %mul3A_348 = arith.muli %scan3A_274, %mul3A_347 : i32
        %add3A_349 = arith.constant 96 : i32
        %add3A_350 = arith.addi %mul3A_348, %add3A_349 : i32
        %get3A_351 = arith.index_cast %add3A_350 : i32 to index
        %get3A_352 = tpu.vector_load %arg20[%get3A_351] {strides = array<i32>} : memref<768xf32, #tpu.memory_space<vmem>>, vector<16xf32>,
        %get3A_353 = arith.index_cast %scan3A_259 : i32 to index
        %get3A_354 = arith.index_cast %add3A_350 : i32 to index
        %get3A_355 = tpu.vector_load %arg19[%get3A_353, %get3A_354] {strides = array<i32>} : memref<32x768xf32, #tpu.memory_space<vmem>>, vector<16xf32>,
        %sub3A_356 = arith.subf %get3A_352, %get3A_355 : vector<16xf32>
        %mul3A_357 = arith.mulf %sub3A_356, %sub3A_356 : vector<16xf32>
        %add3A_358 = arith.addf %add3A_346, %mul3A_357 : vector<16xf32>
        %mul3A_359 = arith.constant 128 : i32
        %mul3A_360 = arith.muli %scan3A_274, %mul3A_359 : i32
        %add3A_361 = arith.constant 112 : i32
        %add3A_362 = arith.addi %mul3A_360, %add3A_361 : i32
        %get3A_363 = arith.index_cast %add3A_362 : i32 to index
        %get3A_364 = tpu.vector_load %arg20[%get3A_363] {strides = array<i32>} : memref<768xf32, #tpu.memory_space<vmem>>, vector<16xf32>,
        %get3A_365 = arith.index_cast %scan3A_259 : i32 to index
        %get3A_366 = arith.index_cast %add3A_362 : i32 to index
        %get3A_367 = tpu.vector_load %arg19[%get3A_365, %get3A_366] {strides = array<i32>} : memref<32x768xf32, #tpu.memory_space<vmem>>, vector<16xf32>,
        %sub3A_368 = arith.subf %get3A_364, %get3A_367 : vector<16xf32>
        %mul3A_369 = arith.mulf %sub3A_368, %sub3A_368 : vector<16xf32>
        %add3A_370 = arith.addf %add3A_358, %mul3A_369 : vector<16xf32>
        scf.yield %add3A_370 : vector<16xf32>
      }
      %scan3A_267 = arith.constant 6 : i32
      %broadcast_in_dim3A_268 = vector.broadcast %scan3A_259 : i32 to vector<16xi32>
      %reduce_sum3A = arith.constant true
      %reduce_sum3A_269 = vector.broadcast %reduce_sum3A : i1 to vector<16xi1>
      %reduce_sum3A_270 = tpu.scan <sum>, %scan3A_266 masked %reduce_sum3A_269 : vector<16xf32>, vector<16xi1> -> vector<16xf32>
      %reduce_sum3A_271 = vector.extract %reduce_sum3A_270[15] : f32 from vector<16xf32>
      %broadcast_in_dim3A_272 = vector.broadcast %reduce_sum3A_271 : f32 to vector<16xf32>
      tpu.vector_store_idx %arg21[%broadcast_in_dim3A_268], %broadcast_in_dim3A_272 masked %eq3A_4 : memref<32xf32, #tpu.memory_space<vmem>>[vector<16xi32>], vector<16xf32>, vector<16xi1>
      %scan3A_273 = arith.constant 0 : i32
      scf.yield %scan3A_273 : i32
    }
    %scan3A_119 = arith.constant 32 : i32
    %get3A_120 = arith.constant 32 : index
    %get3A_121 = tpu.vector_load %arg17[%get3A_120] {strides = array<i32>} : memref<128xi32, #tpu.memory_space<vmem>>, vector<16xi32>,
    %get3A_122 = arith.constant 48 : index
    %get3A_123 = tpu.vector_load %arg17[%get3A_122] {strides = array<i32>} : memref<128xi32, #tpu.memory_space<vmem>>, vector<16xi32>,
    %get3A_124 = arith.constant 32 : index
    %get3A_125 = tpu.vector_load %arg18[%get3A_124] {strides = array<i32>} : memref<128xi32, #tpu.memory_space<vmem>>, vector<16xi32>,
    %get3A_126 = arith.constant 48 : index
    %get3A_127 = tpu.vector_load %arg18[%get3A_126] {strides = array<i32>} : memref<128xi32, #tpu.memory_space<vmem>>, vector<16xi32>,
    %scan3A_128 = arith.constant 0 : i32
    %scan3A_129 = arith.constant 0 : i32
    %scan3A_130 = arith.constant 10 : i32
    %scan3A_131 = arith.addi %scan3A_129, %scan3A_130 : i32
    %scan3A_132 = arith.constant 1 : i32
    %scan3A_133 = scf.for %scan3A_259 = %scan3A_129 to %scan3A_131 step %scan3A_132 iter_args(%scan3A_260 = %scan3A_128) -> (i32)  : i32 {
      %get3A_261 = arith.constant 0 : index
      %get3A_262 = tpu.vector_load %arg21[%get3A_261] {strides = array<i32>} : memref<32xf32, #tpu.memory_space<vmem>>, vector<16xf32>,
      %get3A_263 = arith.constant 16 : index
      %get3A_264 = tpu.vector_load %arg21[%get3A_263] {strides = array<i32>} : memref<32xf32, #tpu.memory_space<vmem>>, vector<16xf32>,
      %min3A = arith.minimumf %get3A_262, %get3A_264 : vector<16xf32>
      %reduce_min3A = arith.constant true
      %reduce_min3A_265 = vector.broadcast %reduce_min3A : i1 to vector<16xi1>
      %reduce_min3A_266 = tpu.scan <min>, %min3A masked %reduce_min3A_265 : vector<16xf32>, vector<16xi1> -> vector<16xf32>
      %reduce_min3A_267 = vector.extract %reduce_min3A_266[15] : f32 from vector<16xf32>
      %eq3A_268 = vector.broadcast %reduce_min3A_267 : f32 to vector<16xf32>
      %eq3A_269 = arith.cmpf oeq, %get3A_262, %eq3A_268 : vector<16xf32>
      %jit3A = arith.constant 1073741824 : i32
      %broadcast_in_dim3A = vector.broadcast %jit3A : i32 to vector<16xi32>
      %select_n3A = arith.select %eq3A_269, %get3A_125, %broadcast_in_dim3A : vector<16xi1>, vector<16xi32>
      %reduce_min3A_270 = arith.constant true
      %reduce_min3A_271 = vector.broadcast %reduce_min3A_270 : i1 to vector<16xi1>
      %reduce_min3A_272 = arith.constant -2147483648 : i32
      %reduce_min3A_273 = vector.broadcast %reduce_min3A_272 : i32 to vector<16xi32>
      %reduce_min3A_274 = arith.xori %select_n3A, %reduce_min3A_273 : vector<16xi32>
      %reduce_min3A_275 = tpu.scan <min>, %reduce_min3A_274 masked %reduce_min3A_271 : vector<16xi32>, vector<16xi1> -> vector<16xi32>
      %reduce_min3A_276 = arith.xori %reduce_min3A_275, %reduce_min3A_273 : vector<16xi32>
      %reduce_min3A_277 = vector.extract %reduce_min3A_276[15] : i32 from vector<16xi32>
      %eq3A_278 = vector.broadcast %reduce_min3A_267 : f32 to vector<16xf32>
      %eq3A_279 = arith.cmpf oeq, %get3A_264, %eq3A_278 : vector<16xf32>
      %jit3A_280 = arith.constant 1073741824 : i32
      %broadcast_in_dim3A_281 = vector.broadcast %jit3A_280 : i32 to vector<16xi32>
      %select_n3A_282 = arith.select %eq3A_279, %get3A_127, %broadcast_in_dim3A_281 : vector<16xi1>, vector<16xi32>
      %reduce_min3A_283 = arith.constant true
      %reduce_min3A_284 = vector.broadcast %reduce_min3A_283 : i1 to vector<16xi1>
      %reduce_min3A_285 = arith.constant -2147483648 : i32
      %reduce_min3A_286 = vector.broadcast %reduce_min3A_285 : i32 to vector<16xi32>
      %reduce_min3A_287 = arith.xori %select_n3A_282, %reduce_min3A_286 : vector<16xi32>
      %reduce_min3A_288 = tpu.scan <min>, %reduce_min3A_287 masked %reduce_min3A_284 : vector<16xi32>, vector<16xi1> -> vector<16xi32>
      %reduce_min3A_289 = arith.xori %reduce_min3A_288, %reduce_min3A_286 : vector<16xi32>
      %reduce_min3A_290 = vector.extract %reduce_min3A_289[15] : i32 from vector<16xi32>
      %min3A_291 = arith.minsi %reduce_min3A_277, %reduce_min3A_290 : i32
      %eq3A_292 = vector.broadcast %reduce_min3A_267 : f32 to vector<16xf32>
      %eq3A_293 = arith.cmpf oeq, %get3A_262, %eq3A_292 : vector<16xf32>
      %eq3A_294 = vector.broadcast %min3A_291 : i32 to vector<16xi32>
      %eq3A_295 = arith.cmpi eq, %get3A_125, %eq3A_294 : vector<16xi32>
      %and3A = arith.andi %eq3A_293, %eq3A_295 : vector<16xi1>
      %eq3A_296 = vector.broadcast %reduce_min3A_267 : f32 to vector<16xf32>
      %eq3A_297 = arith.cmpf oeq, %get3A_264, %eq3A_296 : vector<16xf32>
      %eq3A_298 = vector.broadcast %min3A_291 : i32 to vector<16xi32>
      %eq3A_299 = arith.cmpi eq, %get3A_127, %eq3A_298 : vector<16xi32>
      %and3A_300 = arith.andi %eq3A_297, %eq3A_299 : vector<16xi1>
      %jit3A_301 = arith.constant 1073741824 : i32
      %broadcast_in_dim3A_302 = vector.broadcast %jit3A_301 : i32 to vector<16xi32>
      %select_n3A_303 = arith.select %and3A, %get3A_121, %broadcast_in_dim3A_302 : vector<16xi1>, vector<16xi32>
      %reduce_min3A_304 = arith.constant true
      %reduce_min3A_305 = vector.broadcast %reduce_min3A_304 : i1 to vector<16xi1>
      %reduce_min3A_306 = arith.constant -2147483648 : i32
      %reduce_min3A_307 = vector.broadcast %reduce_min3A_306 : i32 to vector<16xi32>
      %reduce_min3A_308 = arith.xori %select_n3A_303, %reduce_min3A_307 : vector<16xi32>
      %reduce_min3A_309 = tpu.scan <min>, %reduce_min3A_308 masked %reduce_min3A_305 : vector<16xi32>, vector<16xi1> -> vector<16xi32>
      %reduce_min3A_310 = arith.xori %reduce_min3A_309, %reduce_min3A_307 : vector<16xi32>
      %reduce_min3A_311 = vector.extract %reduce_min3A_310[15] : i32 from vector<16xi32>
      %jit3A_312 = arith.constant 1073741824 : i32
      %broadcast_in_dim3A_313 = vector.broadcast %jit3A_312 : i32 to vector<16xi32>
      %select_n3A_314 = arith.select %and3A_300, %get3A_123, %broadcast_in_dim3A_313 : vector<16xi1>, vector<16xi32>
      %reduce_min3A_315 = arith.constant true
      %reduce_min3A_316 = vector.broadcast %reduce_min3A_315 : i1 to vector<16xi1>
      %reduce_min3A_317 = arith.constant -2147483648 : i32
      %reduce_min3A_318 = vector.broadcast %reduce_min3A_317 : i32 to vector<16xi32>
      %reduce_min3A_319 = arith.xori %select_n3A_314, %reduce_min3A_318 : vector<16xi32>
      %reduce_min3A_320 = tpu.scan <min>, %reduce_min3A_319 masked %reduce_min3A_316 : vector<16xi32>, vector<16xi1> -> vector<16xi32>
      %reduce_min3A_321 = arith.xori %reduce_min3A_320, %reduce_min3A_318 : vector<16xi32>
      %reduce_min3A_322 = vector.extract %reduce_min3A_321[15] : i32 from vector<16xi32>
      %min3A_323 = arith.minsi %reduce_min3A_311, %reduce_min3A_322 : i32
      %add3A_324 = arith.constant 10 : i32
      %add3A_325 = arith.addi %add3A_324, %scan3A_259 : i32
      %broadcast_in_dim3A_326 = vector.broadcast %add3A_325 : i32 to vector<16xi32>
      %broadcast_in_dim3A_327 = vector.broadcast %min3A_323 : i32 to vector<16xi32>
      tpu.vector_store_idx %arg22[%broadcast_in_dim3A_326], %broadcast_in_dim3A_327 masked %eq3A_4 : memref<40xi32, #tpu.memory_space<vmem>>[vector<16xi32>], vector<16xi32>, vector<16xi1>
      %broadcast_in_dim3A_328 = vector.broadcast %reduce_min3A_267 : f32 to vector<16xf32>
      tpu.vector_store_idx %arg23[%broadcast_in_dim3A_326], %broadcast_in_dim3A_328 masked %eq3A_4 : memref<40xf32, #tpu.memory_space<vmem>>[vector<16xi32>], vector<16xf32>, vector<16xi1>
      %jit3A_329 = arith.constant 0x7F800000 : f32
      %broadcast_in_dim3A_330 = vector.broadcast %jit3A_329 : f32 to vector<16xf32>
      %select_n3A_331 = arith.select %and3A, %broadcast_in_dim3A_330, %get3A_262 : vector<16xi1>, vector<16xf32>
      %swap3A = arith.constant 0 : index
      %swap3A_332 = tpu.vector_load %arg21[%swap3A] {strides = array<i32>} : memref<32xf32, #tpu.memory_space<vmem>>, vector<16xf32>,
      tpu.vector_store %arg21[%swap3A], %select_n3A_331 {strides = array<i32>} : memref<32xf32, #tpu.memory_space<vmem>>, vector<16xf32>,
      %jit3A_333 = arith.constant 0x7F800000 : f32
      %broadcast_in_dim3A_334 = vector.broadcast %jit3A_333 : f32 to vector<16xf32>
      %select_n3A_335 = arith.select %and3A_300, %broadcast_in_dim3A_334, %get3A_264 : vector<16xi1>, vector<16xf32>
      %swap3A_336 = arith.constant 16 : index
      %swap3A_337 = tpu.vector_load %arg21[%swap3A_336] {strides = array<i32>} : memref<32xf32, #tpu.memory_space<vmem>>, vector<16xf32>,
      tpu.vector_store %arg21[%swap3A_336], %select_n3A_335 {strides = array<i32>} : memref<32xf32, #tpu.memory_space<vmem>>, vector<16xf32>,
      %scan3A_338 = arith.constant 0 : i32
      scf.yield %scan3A_338 : i32
    }
    %scan3A_134 = arith.constant 10 : i32
    %add3A_135 = arith.constant 2 : i32
    %add3A_136 = arith.addi %mul3A_2, %add3A_135 : i32
    %add3A_137 = arith.constant 1 : i32
    %add3A_138 = arith.addi %add3A_136, %add3A_137 : i32
    %dma_start3A_139 = arith.constant 0 : i32
    %dma_start3A_140 = tpu.memref_slice %arg2[%add3A_138, %dma_start3A_139] : memref<128x50000xf32, #tpu.memory_space<hbm>> -> memref<1x50000xf32, #tpu.memory_space<hbm>>
    %dma_start3A_141 = tpu.memref_squeeze %dma_start3A_140 : memref<1x50000xf32, #tpu.memory_space<hbm>> -> memref<50000xf32, #tpu.memory_space<hbm>>
    %dma_start3A_142 = arith.constant 0 : i32
    %dma_start3A_143 = tpu.memref_slice %arg2[%add3A_138, %dma_start3A_142] : memref<128x50000xf32, #tpu.memory_space<hbm>> -> memref<1x50000xf32, #tpu.memory_space<hbm>>
    %dma_start3A_144 = tpu.memref_squeeze %dma_start3A_143 : memref<1x50000xf32, #tpu.memory_space<hbm>> -> memref<50000xf32, #tpu.memory_space<hbm>>
    tpu.enqueue_dma source(%dma_start3A_144 : memref<50000xf32, #tpu.memory_space<hbm>>) target(%arg14 : memref<50000xf32, #tpu.memory_space<vmem>>) target_semaphore(%arg29 : memref<!tpu.dma_semaphore, #tpu.memory_space<semaphore_mem>>)
    %dma_wait3A_145 = arith.constant 0 : i32
    %dma_wait3A_146 = tpu.memref_slice %arg2[%add3A_74, %dma_wait3A_145] : memref<128x50000xf32, #tpu.memory_space<hbm>> -> memref<1x50000xf32, #tpu.memory_space<hbm>>
    %dma_wait3A_147 = tpu.memref_squeeze %dma_wait3A_146 : memref<1x50000xf32, #tpu.memory_space<hbm>> -> memref<50000xf32, #tpu.memory_space<hbm>>
    %dma_wait3A_148 = arith.constant 0 : i32
    %dma_wait3A_149 = tpu.memref_slice %arg2[%add3A_74, %dma_wait3A_148] : memref<128x50000xf32, #tpu.memory_space<hbm>> -> memref<1x50000xf32, #tpu.memory_space<hbm>>
    %dma_wait3A_150 = tpu.memref_squeeze %dma_wait3A_149 : memref<1x50000xf32, #tpu.memory_space<hbm>> -> memref<50000xf32, #tpu.memory_space<hbm>>
    tpu.wait_dma2 semaphore(%arg28 : memref<!tpu.dma_semaphore, #tpu.memory_space<semaphore_mem>>) src(%dma_wait3A_150 : memref<50000xf32, #tpu.memory_space<hbm>>) dst(%arg13 : memref<50000xf32, #tpu.memory_space<vmem>>)
    %scan3A_151 = arith.constant 0 : i32
    %scan3A_152 = arith.constant 0 : i32
    %scan3A_153 = arith.constant 8 : i32
    %scan3A_154 = arith.addi %scan3A_152, %scan3A_153 : i32
    %scan3A_155 = arith.constant 1 : i32
    %scan3A_156 = scf.for %scan3A_259 = %scan3A_152 to %scan3A_154 step %scan3A_155 iter_args(%scan3A_260 = %scan3A_151) -> (i32)  : i32 {
      %mul3A_261 = arith.constant 4 : i32
      %mul3A_262 = arith.muli %scan3A_259, %mul3A_261 : i32
      %add3A_263 = arith.constant 0 : i32
      %add3A_264 = arith.addi %mul3A_262, %add3A_263 : i32
      %mul3A_265 = arith.constant 16 : i32
      %mul3A_266 = arith.muli %add3A_264, %mul3A_265 : i32
      %get3A_267 = arith.constant 2 : i32
      %get3A_268 = arith.index_cast %get3A_267 : i32 to index
      %get3A_269 = arith.index_cast %mul3A_266 : i32 to index
      %get3A_270 = tpu.vector_load %arg12[%get3A_268, %get3A_269] {strides = array<i32>} : memref<4x512xi32, #tpu.memory_space<vmem>>, vector<16xi32>,
      %gather3A = tpu.vector_load_idx %arg13[%get3A_270] : memref<50000xf32, #tpu.memory_space<vmem>>[vector<16xi32>], vector<16xf32>,
      %mul3A_271 = arith.constant 16 : i32
      %mul3A_272 = arith.muli %add3A_264, %mul3A_271 : i32
      %swap3A = arith.index_cast %mul3A_272 : i32 to index
      %swap3A_273 = tpu.vector_load %arg15[%swap3A] {strides = array<i32>} : memref<512xf32, #tpu.memory_space<vmem>>, vector<16xf32>,
      tpu.vector_store %arg15[%swap3A], %gather3A {strides = array<i32>} : memref<512xf32, #tpu.memory_space<vmem>>, vector<16xf32>,
      %broadcast_in_dim3A = vector.broadcast %add3A_264 : i32 to vector<16xi32>
      %reduce_min3A = arith.constant true
      %reduce_min3A_274 = vector.broadcast %reduce_min3A : i1 to vector<16xi1>
      %reduce_min3A_275 = tpu.scan <min>, %gather3A masked %reduce_min3A_274 : vector<16xf32>, vector<16xi1> -> vector<16xf32>
      %reduce_min3A_276 = vector.extract %reduce_min3A_275[15] : f32 from vector<16xf32>
      %broadcast_in_dim3A_277 = vector.broadcast %reduce_min3A_276 : f32 to vector<16xf32>
      tpu.vector_store_idx %arg16[%broadcast_in_dim3A], %broadcast_in_dim3A_277 masked %eq3A_4 : memref<32xf32, #tpu.memory_space<vmem>>[vector<16xi32>], vector<16xf32>, vector<16xi1>
      %mul3A_278 = arith.constant 4 : i32
      %mul3A_279 = arith.muli %scan3A_259, %mul3A_278 : i32
      %add3A_280 = arith.constant 1 : i32
      %add3A_281 = arith.addi %mul3A_279, %add3A_280 : i32
      %mul3A_282 = arith.constant 16 : i32
      %mul3A_283 = arith.muli %add3A_281, %mul3A_282 : i32
      %get3A_284 = arith.constant 2 : i32
      %get3A_285 = arith.index_cast %get3A_284 : i32 to index
      %get3A_286 = arith.index_cast %mul3A_283 : i32 to index
      %get3A_287 = tpu.vector_load %arg12[%get3A_285, %get3A_286] {strides = array<i32>} : memref<4x512xi32, #tpu.memory_space<vmem>>, vector<16xi32>,
      %gather3A_288 = tpu.vector_load_idx %arg13[%get3A_287] : memref<50000xf32, #tpu.memory_space<vmem>>[vector<16xi32>], vector<16xf32>,
      %mul3A_289 = arith.constant 16 : i32
      %mul3A_290 = arith.muli %add3A_281, %mul3A_289 : i32
      %swap3A_291 = arith.index_cast %mul3A_290 : i32 to index
      %swap3A_292 = tpu.vector_load %arg15[%swap3A_291] {strides = array<i32>} : memref<512xf32, #tpu.memory_space<vmem>>, vector<16xf32>,
      tpu.vector_store %arg15[%swap3A_291], %gather3A_288 {strides = array<i32>} : memref<512xf32, #tpu.memory_space<vmem>>, vector<16xf32>,
      %broadcast_in_dim3A_293 = vector.broadcast %add3A_281 : i32 to vector<16xi32>
      %reduce_min3A_294 = arith.constant true
      %reduce_min3A_295 = vector.broadcast %reduce_min3A_294 : i1 to vector<16xi1>
      %reduce_min3A_296 = tpu.scan <min>, %gather3A_288 masked %reduce_min3A_295 : vector<16xf32>, vector<16xi1> -> vector<16xf32>
      %reduce_min3A_297 = vector.extract %reduce_min3A_296[15] : f32 from vector<16xf32>
      %broadcast_in_dim3A_298 = vector.broadcast %reduce_min3A_297 : f32 to vector<16xf32>
      tpu.vector_store_idx %arg16[%broadcast_in_dim3A_293], %broadcast_in_dim3A_298 masked %eq3A_4 : memref<32xf32, #tpu.memory_space<vmem>>[vector<16xi32>], vector<16xf32>, vector<16xi1>
      %mul3A_299 = arith.constant 4 : i32
      %mul3A_300 = arith.muli %scan3A_259, %mul3A_299 : i32
      %add3A_301 = arith.constant 2 : i32
      %add3A_302 = arith.addi %mul3A_300, %add3A_301 : i32
      %mul3A_303 = arith.constant 16 : i32
      %mul3A_304 = arith.muli %add3A_302, %mul3A_303 : i32
      %get3A_305 = arith.constant 2 : i32
      %get3A_306 = arith.index_cast %get3A_305 : i32 to index
      %get3A_307 = arith.index_cast %mul3A_304 : i32 to index
      %get3A_308 = tpu.vector_load %arg12[%get3A_306, %get3A_307] {strides = array<i32>} : memref<4x512xi32, #tpu.memory_space<vmem>>, vector<16xi32>,
      %gather3A_309 = tpu.vector_load_idx %arg13[%get3A_308] : memref<50000xf32, #tpu.memory_space<vmem>>[vector<16xi32>], vector<16xf32>,
      %mul3A_310 = arith.constant 16 : i32
      %mul3A_311 = arith.muli %add3A_302, %mul3A_310 : i32
      %swap3A_312 = arith.index_cast %mul3A_311 : i32 to index
      %swap3A_313 = tpu.vector_load %arg15[%swap3A_312] {strides = array<i32>} : memref<512xf32, #tpu.memory_space<vmem>>, vector<16xf32>,
      tpu.vector_store %arg15[%swap3A_312], %gather3A_309 {strides = array<i32>} : memref<512xf32, #tpu.memory_space<vmem>>, vector<16xf32>,
      %broadcast_in_dim3A_314 = vector.broadcast %add3A_302 : i32 to vector<16xi32>
      %reduce_min3A_315 = arith.constant true
      %reduce_min3A_316 = vector.broadcast %reduce_min3A_315 : i1 to vector<16xi1>
      %reduce_min3A_317 = tpu.scan <min>, %gather3A_309 masked %reduce_min3A_316 : vector<16xf32>, vector<16xi1> -> vector<16xf32>
      %reduce_min3A_318 = vector.extract %reduce_min3A_317[15] : f32 from vector<16xf32>
      %broadcast_in_dim3A_319 = vector.broadcast %reduce_min3A_318 : f32 to vector<16xf32>
      tpu.vector_store_idx %arg16[%broadcast_in_dim3A_314], %broadcast_in_dim3A_319 masked %eq3A_4 : memref<32xf32, #tpu.memory_space<vmem>>[vector<16xi32>], vector<16xf32>, vector<16xi1>
      %mul3A_320 = arith.constant 4 : i32
      %mul3A_321 = arith.muli %scan3A_259, %mul3A_320 : i32
      %add3A_322 = arith.constant 3 : i32
      %add3A_323 = arith.addi %mul3A_321, %add3A_322 : i32
      %mul3A_324 = arith.constant 16 : i32
      %mul3A_325 = arith.muli %add3A_323, %mul3A_324 : i32
      %get3A_326 = arith.constant 2 : i32
      %get3A_327 = arith.index_cast %get3A_326 : i32 to index
      %get3A_328 = arith.index_cast %mul3A_325 : i32 to index
      %get3A_329 = tpu.vector_load %arg12[%get3A_327, %get3A_328] {strides = array<i32>} : memref<4x512xi32, #tpu.memory_space<vmem>>, vector<16xi32>,
      %gather3A_330 = tpu.vector_load_idx %arg13[%get3A_329] : memref<50000xf32, #tpu.memory_space<vmem>>[vector<16xi32>], vector<16xf32>,
      %mul3A_331 = arith.constant 16 : i32
      %mul3A_332 = arith.muli %add3A_323, %mul3A_331 : i32
      %swap3A_333 = arith.index_cast %mul3A_332 : i32 to index
      %swap3A_334 = tpu.vector_load %arg15[%swap3A_333] {strides = array<i32>} : memref<512xf32, #tpu.memory_space<vmem>>, vector<16xf32>,
      tpu.vector_store %arg15[%swap3A_333], %gather3A_330 {strides = array<i32>} : memref<512xf32, #tpu.memory_space<vmem>>, vector<16xf32>,
      %broadcast_in_dim3A_335 = vector.broadcast %add3A_323 : i32 to vector<16xi32>
      %reduce_min3A_336 = arith.constant true
      %reduce_min3A_337 = vector.broadcast %reduce_min3A_336 : i1 to vector<16xi1>
      %reduce_min3A_338 = tpu.scan <min>, %gather3A_330 masked %reduce_min3A_337 : vector<16xf32>, vector<16xi1> -> vector<16xf32>
      %reduce_min3A_339 = vector.extract %reduce_min3A_338[15] : f32 from vector<16xf32>
      %broadcast_in_dim3A_340 = vector.broadcast %reduce_min3A_339 : f32 to vector<16xf32>
      tpu.vector_store_idx %arg16[%broadcast_in_dim3A_335], %broadcast_in_dim3A_340 masked %eq3A_4 : memref<32xf32, #tpu.memory_space<vmem>>[vector<16xi32>], vector<16xf32>, vector<16xi1>
      %scan3A_341 = arith.constant 0 : i32
      scf.yield %scan3A_341 : i32
    }
    %scan3A_157 = arith.constant 8 : i32
    %scan3A_158 = arith.constant 0 : i32
    %scan3A_159 = arith.constant 0 : i32
    %scan3A_160 = arith.constant 32 : i32
    %scan3A_161 = arith.addi %scan3A_159, %scan3A_160 : i32
    %scan3A_162 = arith.constant 1 : i32
    %scan3A_163 = scf.for %scan3A_259 = %scan3A_159 to %scan3A_161 step %scan3A_162 iter_args(%scan3A_260 = %scan3A_158) -> (i32)  : i32 {
      %get3A_261 = arith.constant 0 : index
      %get3A_262 = tpu.vector_load %arg16[%get3A_261] {strides = array<i32>} : memref<32xf32, #tpu.memory_space<vmem>>, vector<16xf32>,
      %get3A_263 = arith.constant 16 : index
      %get3A_264 = tpu.vector_load %arg16[%get3A_263] {strides = array<i32>} : memref<32xf32, #tpu.memory_space<vmem>>, vector<16xf32>,
      %min3A = arith.minimumf %get3A_262, %get3A_264 : vector<16xf32>
      %reduce_min3A = arith.constant true
      %reduce_min3A_265 = vector.broadcast %reduce_min3A : i1 to vector<16xi1>
      %reduce_min3A_266 = tpu.scan <min>, %min3A masked %reduce_min3A_265 : vector<16xf32>, vector<16xi1> -> vector<16xf32>
      %reduce_min3A_267 = vector.extract %reduce_min3A_266[15] : f32 from vector<16xf32>
      %eq3A_268 = vector.broadcast %reduce_min3A_267 : f32 to vector<16xf32>
      %eq3A_269 = arith.cmpf oeq, %get3A_262, %eq3A_268 : vector<16xf32>
      %jit3A = arith.constant 1073741824 : i32
      %broadcast_in_dim3A = vector.broadcast %jit3A : i32 to vector<16xi32>
      %select_n3A = arith.select %eq3A_269, %iota3A, %broadcast_in_dim3A : vector<16xi1>, vector<16xi32>
      %eq3A_270 = vector.broadcast %reduce_min3A_267 : f32 to vector<16xf32>
      %eq3A_271 = arith.cmpf oeq, %get3A_264, %eq3A_270 : vector<16xf32>
      %add3A_272 = arith.constant 16 : i32
      %add3A_273 = vector.broadcast %add3A_272 : i32 to vector<16xi32>
      %add3A_274 = arith.addi %iota3A, %add3A_273 : vector<16xi32>
      %jit3A_275 = arith.constant 1073741824 : i32
      %broadcast_in_dim3A_276 = vector.broadcast %jit3A_275 : i32 to vector<16xi32>
      %select_n3A_277 = arith.select %eq3A_271, %add3A_274, %broadcast_in_dim3A_276 : vector<16xi1>, vector<16xi32>
      %reduce_min3A_278 = arith.constant true
      %reduce_min3A_279 = vector.broadcast %reduce_min3A_278 : i1 to vector<16xi1>
      %reduce_min3A_280 = arith.constant -2147483648 : i32
      %reduce_min3A_281 = vector.broadcast %reduce_min3A_280 : i32 to vector<16xi32>
      %reduce_min3A_282 = arith.xori %select_n3A, %reduce_min3A_281 : vector<16xi32>
      %reduce_min3A_283 = tpu.scan <min>, %reduce_min3A_282 masked %reduce_min3A_279 : vector<16xi32>, vector<16xi1> -> vector<16xi32>
      %reduce_min3A_284 = arith.xori %reduce_min3A_283, %reduce_min3A_281 : vector<16xi32>
      %reduce_min3A_285 = vector.extract %reduce_min3A_284[15] : i32 from vector<16xi32>
      %reduce_min3A_286 = arith.constant true
      %reduce_min3A_287 = vector.broadcast %reduce_min3A_286 : i1 to vector<16xi1>
      %reduce_min3A_288 = arith.constant -2147483648 : i32
      %reduce_min3A_289 = vector.broadcast %reduce_min3A_288 : i32 to vector<16xi32>
      %reduce_min3A_290 = arith.xori %select_n3A_277, %reduce_min3A_289 : vector<16xi32>
      %reduce_min3A_291 = tpu.scan <min>, %reduce_min3A_290 masked %reduce_min3A_287 : vector<16xi32>, vector<16xi1> -> vector<16xi32>
      %reduce_min3A_292 = arith.xori %reduce_min3A_291, %reduce_min3A_289 : vector<16xi32>
      %reduce_min3A_293 = vector.extract %reduce_min3A_292[15] : i32 from vector<16xi32>
      %min3A_294 = arith.minsi %reduce_min3A_285, %reduce_min3A_293 : i32
      %mul3A_295 = arith.constant 16 : i32
      %mul3A_296 = arith.muli %min3A_294, %mul3A_295 : i32
      %get3A_297 = arith.index_cast %mul3A_296 : i32 to index
      %get3A_298 = tpu.vector_load %arg15[%get3A_297] {strides = array<i32>} : memref<512xf32, #tpu.memory_space<vmem>>, vector<16xf32>,
      %eq3A_299 = vector.broadcast %reduce_min3A_267 : f32 to vector<16xf32>
      %eq3A_300 = arith.cmpf oeq, %get3A_298, %eq3A_299 : vector<16xf32>
      %jit3A_301 = arith.constant 1073741824 : i32
      %broadcast_in_dim3A_302 = vector.broadcast %jit3A_301 : i32 to vector<16xi32>
      %select_n3A_303 = arith.select %eq3A_300, %iota3A, %broadcast_in_dim3A_302 : vector<16xi1>, vector<16xi32>
      %reduce_min3A_304 = arith.constant true
      %reduce_min3A_305 = vector.broadcast %reduce_min3A_304 : i1 to vector<16xi1>
      %reduce_min3A_306 = arith.constant -2147483648 : i32
      %reduce_min3A_307 = vector.broadcast %reduce_min3A_306 : i32 to vector<16xi32>
      %reduce_min3A_308 = arith.xori %select_n3A_303, %reduce_min3A_307 : vector<16xi32>
      %reduce_min3A_309 = tpu.scan <min>, %reduce_min3A_308 masked %reduce_min3A_305 : vector<16xi32>, vector<16xi1> -> vector<16xi32>
      %reduce_min3A_310 = arith.xori %reduce_min3A_309, %reduce_min3A_307 : vector<16xi32>
      %reduce_min3A_311 = vector.extract %reduce_min3A_310[15] : i32 from vector<16xi32>
      %mul3A_312 = arith.constant 16 : i32
      %mul3A_313 = arith.muli %min3A_294, %mul3A_312 : i32
      %get3A_314 = arith.constant 2 : i32
      %get3A_315 = arith.index_cast %get3A_314 : i32 to index
      %get3A_316 = arith.index_cast %mul3A_313 : i32 to index
      %get3A_317 = tpu.vector_load %arg12[%get3A_315, %get3A_316] {strides = array<i32>} : memref<4x512xi32, #tpu.memory_space<vmem>>, vector<16xi32>,
      %eq3A_318 = vector.broadcast %reduce_min3A_311 : i32 to vector<16xi32>
      %eq3A_319 = arith.cmpi eq, %iota3A, %eq3A_318 : vector<16xi32>
      %jit3A_320 = arith.constant 1073741824 : i32
      %broadcast_in_dim3A_321 = vector.broadcast %jit3A_320 : i32 to vector<16xi32>
      %select_n3A_322 = arith.select %eq3A_319, %get3A_317, %broadcast_in_dim3A_321 : vector<16xi1>, vector<16xi32>
      %reduce_min3A_323 = arith.constant true
      %reduce_min3A_324 = vector.broadcast %reduce_min3A_323 : i1 to vector<16xi1>
      %reduce_min3A_325 = arith.constant -2147483648 : i32
      %reduce_min3A_326 = vector.broadcast %reduce_min3A_325 : i32 to vector<16xi32>
      %reduce_min3A_327 = arith.xori %select_n3A_322, %reduce_min3A_326 : vector<16xi32>
      %reduce_min3A_328 = tpu.scan <min>, %reduce_min3A_327 masked %reduce_min3A_324 : vector<16xi32>, vector<16xi1> -> vector<16xi32>
      %reduce_min3A_329 = arith.xori %reduce_min3A_328, %reduce_min3A_326 : vector<16xi32>
      %reduce_min3A_330 = vector.extract %reduce_min3A_329[15] : i32 from vector<16xi32>
      %add3A_331 = arith.constant 64 : i32
      %add3A_332 = arith.addi %add3A_331, %scan3A_259 : i32
      %broadcast_in_dim3A_333 = vector.broadcast %add3A_332 : i32 to vector<16xi32>
      %broadcast_in_dim3A_334 = vector.broadcast %reduce_min3A_330 : i32 to vector<16xi32>
      tpu.vector_store_idx %arg17[%broadcast_in_dim3A_333], %broadcast_in_dim3A_334 masked %eq3A_4 : memref<128xi32, #tpu.memory_space<vmem>>[vector<16xi32>], vector<16xi32>, vector<16xi1>
      %mul3A_335 = arith.constant 16 : i32
      %mul3A_336 = arith.muli %min3A_294, %mul3A_335 : i32
      %add3A_337 = arith.addi %mul3A_336, %reduce_min3A_311 : i32
      %broadcast_in_dim3A_338 = vector.broadcast %add3A_337 : i32 to vector<16xi32>
      tpu.vector_store_idx %arg18[%broadcast_in_dim3A_333], %broadcast_in_dim3A_338 masked %eq3A_4 : memref<128xi32, #tpu.memory_space<vmem>>[vector<16xi32>], vector<16xi32>, vector<16xi1>
      %eq3A_339 = vector.broadcast %reduce_min3A_311 : i32 to vector<16xi32>
      %eq3A_340 = arith.cmpi eq, %iota3A, %eq3A_339 : vector<16xi32>
      %jit3A_341 = arith.constant 0x7F800000 : f32
      %broadcast_in_dim3A_342 = vector.broadcast %jit3A_341 : f32 to vector<16xf32>
      %select_n3A_343 = arith.select %eq3A_340, %broadcast_in_dim3A_342, %get3A_298 : vector<16xi1>, vector<16xf32>
      %mul3A_344 = arith.constant 16 : i32
      %mul3A_345 = arith.muli %min3A_294, %mul3A_344 : i32
      %swap3A = arith.index_cast %mul3A_345 : i32 to index
      %swap3A_346 = tpu.vector_load %arg15[%swap3A] {strides = array<i32>} : memref<512xf32, #tpu.memory_space<vmem>>, vector<16xf32>,
      tpu.vector_store %arg15[%swap3A], %select_n3A_343 {strides = array<i32>} : memref<512xf32, #tpu.memory_space<vmem>>, vector<16xf32>,
      %broadcast_in_dim3A_347 = vector.broadcast %min3A_294 : i32 to vector<16xi32>
      %reduce_min3A_348 = arith.constant true
      %reduce_min3A_349 = vector.broadcast %reduce_min3A_348 : i1 to vector<16xi1>
      %reduce_min3A_350 = tpu.scan <min>, %select_n3A_343 masked %reduce_min3A_349 : vector<16xf32>, vector<16xi1> -> vector<16xf32>
      %reduce_min3A_351 = vector.extract %reduce_min3A_350[15] : f32 from vector<16xf32>
      %broadcast_in_dim3A_352 = vector.broadcast %reduce_min3A_351 : f32 to vector<16xf32>
      tpu.vector_store_idx %arg16[%broadcast_in_dim3A_347], %broadcast_in_dim3A_352 masked %eq3A_4 : memref<32xf32, #tpu.memory_space<vmem>>[vector<16xi32>], vector<16xf32>, vector<16xi1>
      %scan3A_353 = arith.constant 0 : i32
      scf.yield %scan3A_353 : i32
    }
    %scan3A_164 = arith.constant 32 : i32
    %dma_start3A_165 = arith.constant 64 : i32
    %dma_start3A_166 = tpu.memref_slice %arg17[%dma_start3A_165] : memref<128xi32, #tpu.memory_space<vmem>> -> memref<32xi32, #tpu.memory_space<vmem>>
    %dma_start3A_167 = arith.constant 0 : i32
    %dma_start3A_168 = arith.constant 0 : i32
    %dma_start3A_169 = tpu.memref_slice %arg4[%dma_start3A_167, %dma_start3A_168] : memref<50000x768xf32, #tpu.memory_space<hbm>> -> memref<50000x768xf32, #tpu.memory_space<hbm>>
    tpu.enqueue_indirect_dma source(%dma_start3A_169 : memref<50000x768xf32, #tpu.memory_space<hbm>>) target(%arg19 : memref<32x768xf32, #tpu.memory_space<vmem>>) offsets(%dma_start3A_166 : memref<32xi32, #tpu.memory_space<vmem>>) semaphore(%arg30 : memref<!tpu.dma_semaphore, #tpu.memory_space<semaphore_mem>>)
    %add3A_170 = arith.constant 2 : i32
    %add3A_171 = arith.addi %mul3A_2, %add3A_170 : i32
    "tpu.region"() ({
      %run_scoped3A = tpu.sem_alloc : memref<!tpu.dma_semaphore, #tpu.memory_space<semaphore_mem>>
      %dma_start3A_259 = arith.constant 0 : i32
      %dma_start3A_260 = tpu.memref_slice %arg7[%add3A_171, %dma_start3A_259] : memref<128x768xf32, #tpu.memory_space<hbm>> -> memref<1x768xf32, #tpu.memory_space<hbm>>
      %dma_start3A_261 = tpu.memref_squeeze %dma_start3A_260 : memref<1x768xf32, #tpu.memory_space<hbm>> -> memref<768xf32, #tpu.memory_space<hbm>>
      %dma_start3A_262 = arith.constant 0 : i32
      %dma_start3A_263 = tpu.memref_slice %arg7[%add3A_171, %dma_start3A_262] : memref<128x768xf32, #tpu.memory_space<hbm>> -> memref<1x768xf32, #tpu.memory_space<hbm>>
      %dma_start3A_264 = tpu.memref_squeeze %dma_start3A_263 : memref<1x768xf32, #tpu.memory_space<hbm>> -> memref<768xf32, #tpu.memory_space<hbm>>
      tpu.enqueue_dma source(%dma_start3A_264 : memref<768xf32, #tpu.memory_space<hbm>>) target(%arg20 : memref<768xf32, #tpu.memory_space<vmem>>) target_semaphore(%run_scoped3A : memref<!tpu.dma_semaphore, #tpu.memory_space<semaphore_mem>>)
      %dma_wait3A_265 = arith.constant 0 : i32
      %dma_wait3A_266 = tpu.memref_slice %arg7[%add3A_171, %dma_wait3A_265] : memref<128x768xf32, #tpu.memory_space<hbm>> -> memref<1x768xf32, #tpu.memory_space<hbm>>
      %dma_wait3A_267 = tpu.memref_squeeze %dma_wait3A_266 : memref<1x768xf32, #tpu.memory_space<hbm>> -> memref<768xf32, #tpu.memory_space<hbm>>
      %dma_wait3A_268 = arith.constant 0 : i32
      %dma_wait3A_269 = tpu.memref_slice %arg7[%add3A_171, %dma_wait3A_268] : memref<128x768xf32, #tpu.memory_space<hbm>> -> memref<1x768xf32, #tpu.memory_space<hbm>>
      %dma_wait3A_270 = tpu.memref_squeeze %dma_wait3A_269 : memref<1x768xf32, #tpu.memory_space<hbm>> -> memref<768xf32, #tpu.memory_space<hbm>>
      tpu.wait_dma2 semaphore(%run_scoped3A : memref<!tpu.dma_semaphore, #tpu.memory_space<semaphore_mem>>) src(%dma_wait3A_270 : memref<768xf32, #tpu.memory_space<hbm>>) dst(%arg20 : memref<768xf32, #tpu.memory_space<vmem>>)
      tpu.yield
    }) : () -> ()
    %dma_wait3A_172 = arith.constant 64 : i32
    %dma_wait3A_173 = tpu.memref_slice %arg17[%dma_wait3A_172] : memref<128xi32, #tpu.memory_space<vmem>> -> memref<32xi32, #tpu.memory_space<vmem>>
    %dma_wait3A_174 = arith.constant 0 : i32
    %dma_wait3A_175 = arith.constant 0 : i32
    %dma_wait3A_176 = tpu.memref_slice %arg4[%dma_wait3A_174, %dma_wait3A_175] : memref<50000x768xf32, #tpu.memory_space<hbm>> -> memref<50000x768xf32, #tpu.memory_space<hbm>>
    tpu.wait_indirect_dma semaphore(%arg30 : memref<!tpu.dma_semaphore, #tpu.memory_space<semaphore_mem>>) src(%dma_wait3A_176 : memref<50000x768xf32, #tpu.memory_space<hbm>>) dst(%arg19 : memref<32x768xf32, #tpu.memory_space<vmem>>)
    %scan3A_177 = arith.constant 0 : i32
    %scan3A_178 = arith.constant 0 : i32
    %scan3A_179 = arith.constant 32 : i32
    %scan3A_180 = arith.addi %scan3A_178, %scan3A_179 : i32
    %scan3A_181 = arith.constant 1 : i32
    %scan3A_182 = scf.for %scan3A_259 = %scan3A_178 to %scan3A_180 step %scan3A_181 iter_args(%scan3A_260 = %scan3A_177) -> (i32)  : i32 {
      %broadcast_in_dim3A = arith.constant 0.000000e+00 : f32
      %broadcast_in_dim3A_261 = vector.broadcast %broadcast_in_dim3A : f32 to vector<16xf32>
      %scan3A_262 = arith.constant 0 : i32
      %scan3A_263 = arith.constant 6 : i32
      %scan3A_264 = arith.addi %scan3A_262, %scan3A_263 : i32
      %scan3A_265 = arith.constant 1 : i32
      %scan3A_266 = scf.for %scan3A_274 = %scan3A_262 to %scan3A_264 step %scan3A_265 iter_args(%scan3A_275 = %broadcast_in_dim3A_261) -> (vector<16xf32>)  : i32 {
        %mul3A_276 = arith.constant 128 : i32
        %mul3A_277 = arith.muli %scan3A_274, %mul3A_276 : i32
        %add3A_278 = arith.constant 0 : i32
        %add3A_279 = arith.addi %mul3A_277, %add3A_278 : i32
        %get3A_280 = arith.index_cast %add3A_279 : i32 to index
        %get3A_281 = tpu.vector_load %arg20[%get3A_280] {strides = array<i32>} : memref<768xf32, #tpu.memory_space<vmem>>, vector<16xf32>,
        %get3A_282 = arith.index_cast %scan3A_259 : i32 to index
        %get3A_283 = arith.index_cast %add3A_279 : i32 to index
        %get3A_284 = tpu.vector_load %arg19[%get3A_282, %get3A_283] {strides = array<i32>} : memref<32x768xf32, #tpu.memory_space<vmem>>, vector<16xf32>,
        %sub3A = arith.subf %get3A_281, %get3A_284 : vector<16xf32>
        %mul3A_285 = arith.mulf %sub3A, %sub3A : vector<16xf32>
        %add3A_286 = arith.addf %scan3A_275, %mul3A_285 : vector<16xf32>
        %mul3A_287 = arith.constant 128 : i32
        %mul3A_288 = arith.muli %scan3A_274, %mul3A_287 : i32
        %add3A_289 = arith.constant 16 : i32
        %add3A_290 = arith.addi %mul3A_288, %add3A_289 : i32
        %get3A_291 = arith.index_cast %add3A_290 : i32 to index
        %get3A_292 = tpu.vector_load %arg20[%get3A_291] {strides = array<i32>} : memref<768xf32, #tpu.memory_space<vmem>>, vector<16xf32>,
        %get3A_293 = arith.index_cast %scan3A_259 : i32 to index
        %get3A_294 = arith.index_cast %add3A_290 : i32 to index
        %get3A_295 = tpu.vector_load %arg19[%get3A_293, %get3A_294] {strides = array<i32>} : memref<32x768xf32, #tpu.memory_space<vmem>>, vector<16xf32>,
        %sub3A_296 = arith.subf %get3A_292, %get3A_295 : vector<16xf32>
        %mul3A_297 = arith.mulf %sub3A_296, %sub3A_296 : vector<16xf32>
        %add3A_298 = arith.addf %add3A_286, %mul3A_297 : vector<16xf32>
        %mul3A_299 = arith.constant 128 : i32
        %mul3A_300 = arith.muli %scan3A_274, %mul3A_299 : i32
        %add3A_301 = arith.constant 32 : i32
        %add3A_302 = arith.addi %mul3A_300, %add3A_301 : i32
        %get3A_303 = arith.index_cast %add3A_302 : i32 to index
        %get3A_304 = tpu.vector_load %arg20[%get3A_303] {strides = array<i32>} : memref<768xf32, #tpu.memory_space<vmem>>, vector<16xf32>,
        %get3A_305 = arith.index_cast %scan3A_259 : i32 to index
        %get3A_306 = arith.index_cast %add3A_302 : i32 to index
        %get3A_307 = tpu.vector_load %arg19[%get3A_305, %get3A_306] {strides = array<i32>} : memref<32x768xf32, #tpu.memory_space<vmem>>, vector<16xf32>,
        %sub3A_308 = arith.subf %get3A_304, %get3A_307 : vector<16xf32>
        %mul3A_309 = arith.mulf %sub3A_308, %sub3A_308 : vector<16xf32>
        %add3A_310 = arith.addf %add3A_298, %mul3A_309 : vector<16xf32>
        %mul3A_311 = arith.constant 128 : i32
        %mul3A_312 = arith.muli %scan3A_274, %mul3A_311 : i32
        %add3A_313 = arith.constant 48 : i32
        %add3A_314 = arith.addi %mul3A_312, %add3A_313 : i32
        %get3A_315 = arith.index_cast %add3A_314 : i32 to index
        %get3A_316 = tpu.vector_load %arg20[%get3A_315] {strides = array<i32>} : memref<768xf32, #tpu.memory_space<vmem>>, vector<16xf32>,
        %get3A_317 = arith.index_cast %scan3A_259 : i32 to index
        %get3A_318 = arith.index_cast %add3A_314 : i32 to index
        %get3A_319 = tpu.vector_load %arg19[%get3A_317, %get3A_318] {strides = array<i32>} : memref<32x768xf32, #tpu.memory_space<vmem>>, vector<16xf32>,
        %sub3A_320 = arith.subf %get3A_316, %get3A_319 : vector<16xf32>
        %mul3A_321 = arith.mulf %sub3A_320, %sub3A_320 : vector<16xf32>
        %add3A_322 = arith.addf %add3A_310, %mul3A_321 : vector<16xf32>
        %mul3A_323 = arith.constant 128 : i32
        %mul3A_324 = arith.muli %scan3A_274, %mul3A_323 : i32
        %add3A_325 = arith.constant 64 : i32
        %add3A_326 = arith.addi %mul3A_324, %add3A_325 : i32
        %get3A_327 = arith.index_cast %add3A_326 : i32 to index
        %get3A_328 = tpu.vector_load %arg20[%get3A_327] {strides = array<i32>} : memref<768xf32, #tpu.memory_space<vmem>>, vector<16xf32>,
        %get3A_329 = arith.index_cast %scan3A_259 : i32 to index
        %get3A_330 = arith.index_cast %add3A_326 : i32 to index
        %get3A_331 = tpu.vector_load %arg19[%get3A_329, %get3A_330] {strides = array<i32>} : memref<32x768xf32, #tpu.memory_space<vmem>>, vector<16xf32>,
        %sub3A_332 = arith.subf %get3A_328, %get3A_331 : vector<16xf32>
        %mul3A_333 = arith.mulf %sub3A_332, %sub3A_332 : vector<16xf32>
        %add3A_334 = arith.addf %add3A_322, %mul3A_333 : vector<16xf32>
        %mul3A_335 = arith.constant 128 : i32
        %mul3A_336 = arith.muli %scan3A_274, %mul3A_335 : i32
        %add3A_337 = arith.constant 80 : i32
        %add3A_338 = arith.addi %mul3A_336, %add3A_337 : i32
        %get3A_339 = arith.index_cast %add3A_338 : i32 to index
        %get3A_340 = tpu.vector_load %arg20[%get3A_339] {strides = array<i32>} : memref<768xf32, #tpu.memory_space<vmem>>, vector<16xf32>,
        %get3A_341 = arith.index_cast %scan3A_259 : i32 to index
        %get3A_342 = arith.index_cast %add3A_338 : i32 to index
        %get3A_343 = tpu.vector_load %arg19[%get3A_341, %get3A_342] {strides = array<i32>} : memref<32x768xf32, #tpu.memory_space<vmem>>, vector<16xf32>,
        %sub3A_344 = arith.subf %get3A_340, %get3A_343 : vector<16xf32>
        %mul3A_345 = arith.mulf %sub3A_344, %sub3A_344 : vector<16xf32>
        %add3A_346 = arith.addf %add3A_334, %mul3A_345 : vector<16xf32>
        %mul3A_347 = arith.constant 128 : i32
        %mul3A_348 = arith.muli %scan3A_274, %mul3A_347 : i32
        %add3A_349 = arith.constant 96 : i32
        %add3A_350 = arith.addi %mul3A_348, %add3A_349 : i32
        %get3A_351 = arith.index_cast %add3A_350 : i32 to index
        %get3A_352 = tpu.vector_load %arg20[%get3A_351] {strides = array<i32>} : memref<768xf32, #tpu.memory_space<vmem>>, vector<16xf32>,
        %get3A_353 = arith.index_cast %scan3A_259 : i32 to index
        %get3A_354 = arith.index_cast %add3A_350 : i32 to index
        %get3A_355 = tpu.vector_load %arg19[%get3A_353, %get3A_354] {strides = array<i32>} : memref<32x768xf32, #tpu.memory_space<vmem>>, vector<16xf32>,
        %sub3A_356 = arith.subf %get3A_352, %get3A_355 : vector<16xf32>
        %mul3A_357 = arith.mulf %sub3A_356, %sub3A_356 : vector<16xf32>
        %add3A_358 = arith.addf %add3A_346, %mul3A_357 : vector<16xf32>
        %mul3A_359 = arith.constant 128 : i32
        %mul3A_360 = arith.muli %scan3A_274, %mul3A_359 : i32
        %add3A_361 = arith.constant 112 : i32
        %add3A_362 = arith.addi %mul3A_360, %add3A_361 : i32
        %get3A_363 = arith.index_cast %add3A_362 : i32 to index
        %get3A_364 = tpu.vector_load %arg20[%get3A_363] {strides = array<i32>} : memref<768xf32, #tpu.memory_space<vmem>>, vector<16xf32>,
        %get3A_365 = arith.index_cast %scan3A_259 : i32 to index
        %get3A_366 = arith.index_cast %add3A_362 : i32 to index
        %get3A_367 = tpu.vector_load %arg19[%get3A_365, %get3A_366] {strides = array<i32>} : memref<32x768xf32, #tpu.memory_space<vmem>>, vector<16xf32>,
        %sub3A_368 = arith.subf %get3A_364, %get3A_367 : vector<16xf32>
        %mul3A_369 = arith.mulf %sub3A_368, %sub3A_368 : vector<16xf32>
        %add3A_370 = arith.addf %add3A_358, %mul3A_369 : vector<16xf32>
        scf.yield %add3A_370 : vector<16xf32>
      }
      %scan3A_267 = arith.constant 6 : i32
      %broadcast_in_dim3A_268 = vector.broadcast %scan3A_259 : i32 to vector<16xi32>
      %reduce_sum3A = arith.constant true
      %reduce_sum3A_269 = vector.broadcast %reduce_sum3A : i1 to vector<16xi1>
      %reduce_sum3A_270 = tpu.scan <sum>, %scan3A_266 masked %reduce_sum3A_269 : vector<16xf32>, vector<16xi1> -> vector<16xf32>
      %reduce_sum3A_271 = vector.extract %reduce_sum3A_270[15] : f32 from vector<16xf32>
      %broadcast_in_dim3A_272 = vector.broadcast %reduce_sum3A_271 : f32 to vector<16xf32>
      tpu.vector_store_idx %arg21[%broadcast_in_dim3A_268], %broadcast_in_dim3A_272 masked %eq3A_4 : memref<32xf32, #tpu.memory_space<vmem>>[vector<16xi32>], vector<16xf32>, vector<16xi1>
      %scan3A_273 = arith.constant 0 : i32
      scf.yield %scan3A_273 : i32
    }
    %scan3A_183 = arith.constant 32 : i32
    %get3A_184 = arith.constant 64 : index
    %get3A_185 = tpu.vector_load %arg17[%get3A_184] {strides = array<i32>} : memref<128xi32, #tpu.memory_space<vmem>>, vector<16xi32>,
    %get3A_186 = arith.constant 80 : index
    %get3A_187 = tpu.vector_load %arg17[%get3A_186] {strides = array<i32>} : memref<128xi32, #tpu.memory_space<vmem>>, vector<16xi32>,
    %get3A_188 = arith.constant 64 : index
    %get3A_189 = tpu.vector_load %arg18[%get3A_188] {strides = array<i32>} : memref<128xi32, #tpu.memory_space<vmem>>, vector<16xi32>,
    %get3A_190 = arith.constant 80 : index
    %get3A_191 = tpu.vector_load %arg18[%get3A_190] {strides = array<i32>} : memref<128xi32, #tpu.memory_space<vmem>>, vector<16xi32>,
    %scan3A_192 = arith.constant 0 : i32
    %scan3A_193 = arith.constant 0 : i32
    %scan3A_194 = arith.constant 10 : i32
    %scan3A_195 = arith.addi %scan3A_193, %scan3A_194 : i32
    %scan3A_196 = arith.constant 1 : i32
    %scan3A_197 = scf.for %scan3A_259 = %scan3A_193 to %scan3A_195 step %scan3A_196 iter_args(%scan3A_260 = %scan3A_192) -> (i32)  : i32 {
      %get3A_261 = arith.constant 0 : index
      %get3A_262 = tpu.vector_load %arg21[%get3A_261] {strides = array<i32>} : memref<32xf32, #tpu.memory_space<vmem>>, vector<16xf32>,
      %get3A_263 = arith.constant 16 : index
      %get3A_264 = tpu.vector_load %arg21[%get3A_263] {strides = array<i32>} : memref<32xf32, #tpu.memory_space<vmem>>, vector<16xf32>,
      %min3A = arith.minimumf %get3A_262, %get3A_264 : vector<16xf32>
      %reduce_min3A = arith.constant true
      %reduce_min3A_265 = vector.broadcast %reduce_min3A : i1 to vector<16xi1>
      %reduce_min3A_266 = tpu.scan <min>, %min3A masked %reduce_min3A_265 : vector<16xf32>, vector<16xi1> -> vector<16xf32>
      %reduce_min3A_267 = vector.extract %reduce_min3A_266[15] : f32 from vector<16xf32>
      %eq3A_268 = vector.broadcast %reduce_min3A_267 : f32 to vector<16xf32>
      %eq3A_269 = arith.cmpf oeq, %get3A_262, %eq3A_268 : vector<16xf32>
      %jit3A = arith.constant 1073741824 : i32
      %broadcast_in_dim3A = vector.broadcast %jit3A : i32 to vector<16xi32>
      %select_n3A = arith.select %eq3A_269, %get3A_189, %broadcast_in_dim3A : vector<16xi1>, vector<16xi32>
      %reduce_min3A_270 = arith.constant true
      %reduce_min3A_271 = vector.broadcast %reduce_min3A_270 : i1 to vector<16xi1>
      %reduce_min3A_272 = arith.constant -2147483648 : i32
      %reduce_min3A_273 = vector.broadcast %reduce_min3A_272 : i32 to vector<16xi32>
      %reduce_min3A_274 = arith.xori %select_n3A, %reduce_min3A_273 : vector<16xi32>
      %reduce_min3A_275 = tpu.scan <min>, %reduce_min3A_274 masked %reduce_min3A_271 : vector<16xi32>, vector<16xi1> -> vector<16xi32>
      %reduce_min3A_276 = arith.xori %reduce_min3A_275, %reduce_min3A_273 : vector<16xi32>
      %reduce_min3A_277 = vector.extract %reduce_min3A_276[15] : i32 from vector<16xi32>
      %eq3A_278 = vector.broadcast %reduce_min3A_267 : f32 to vector<16xf32>
      %eq3A_279 = arith.cmpf oeq, %get3A_264, %eq3A_278 : vector<16xf32>
      %jit3A_280 = arith.constant 1073741824 : i32
      %broadcast_in_dim3A_281 = vector.broadcast %jit3A_280 : i32 to vector<16xi32>
      %select_n3A_282 = arith.select %eq3A_279, %get3A_191, %broadcast_in_dim3A_281 : vector<16xi1>, vector<16xi32>
      %reduce_min3A_283 = arith.constant true
      %reduce_min3A_284 = vector.broadcast %reduce_min3A_283 : i1 to vector<16xi1>
      %reduce_min3A_285 = arith.constant -2147483648 : i32
      %reduce_min3A_286 = vector.broadcast %reduce_min3A_285 : i32 to vector<16xi32>
      %reduce_min3A_287 = arith.xori %select_n3A_282, %reduce_min3A_286 : vector<16xi32>
      %reduce_min3A_288 = tpu.scan <min>, %reduce_min3A_287 masked %reduce_min3A_284 : vector<16xi32>, vector<16xi1> -> vector<16xi32>
      %reduce_min3A_289 = arith.xori %reduce_min3A_288, %reduce_min3A_286 : vector<16xi32>
      %reduce_min3A_290 = vector.extract %reduce_min3A_289[15] : i32 from vector<16xi32>
      %min3A_291 = arith.minsi %reduce_min3A_277, %reduce_min3A_290 : i32
      %eq3A_292 = vector.broadcast %reduce_min3A_267 : f32 to vector<16xf32>
      %eq3A_293 = arith.cmpf oeq, %get3A_262, %eq3A_292 : vector<16xf32>
      %eq3A_294 = vector.broadcast %min3A_291 : i32 to vector<16xi32>
      %eq3A_295 = arith.cmpi eq, %get3A_189, %eq3A_294 : vector<16xi32>
      %and3A = arith.andi %eq3A_293, %eq3A_295 : vector<16xi1>
      %eq3A_296 = vector.broadcast %reduce_min3A_267 : f32 to vector<16xf32>
      %eq3A_297 = arith.cmpf oeq, %get3A_264, %eq3A_296 : vector<16xf32>
      %eq3A_298 = vector.broadcast %min3A_291 : i32 to vector<16xi32>
      %eq3A_299 = arith.cmpi eq, %get3A_191, %eq3A_298 : vector<16xi32>
      %and3A_300 = arith.andi %eq3A_297, %eq3A_299 : vector<16xi1>
      %jit3A_301 = arith.constant 1073741824 : i32
      %broadcast_in_dim3A_302 = vector.broadcast %jit3A_301 : i32 to vector<16xi32>
      %select_n3A_303 = arith.select %and3A, %get3A_185, %broadcast_in_dim3A_302 : vector<16xi1>, vector<16xi32>
      %reduce_min3A_304 = arith.constant true
      %reduce_min3A_305 = vector.broadcast %reduce_min3A_304 : i1 to vector<16xi1>
      %reduce_min3A_306 = arith.constant -2147483648 : i32
      %reduce_min3A_307 = vector.broadcast %reduce_min3A_306 : i32 to vector<16xi32>
      %reduce_min3A_308 = arith.xori %select_n3A_303, %reduce_min3A_307 : vector<16xi32>
      %reduce_min3A_309 = tpu.scan <min>, %reduce_min3A_308 masked %reduce_min3A_305 : vector<16xi32>, vector<16xi1> -> vector<16xi32>
      %reduce_min3A_310 = arith.xori %reduce_min3A_309, %reduce_min3A_307 : vector<16xi32>
      %reduce_min3A_311 = vector.extract %reduce_min3A_310[15] : i32 from vector<16xi32>
      %jit3A_312 = arith.constant 1073741824 : i32
      %broadcast_in_dim3A_313 = vector.broadcast %jit3A_312 : i32 to vector<16xi32>
      %select_n3A_314 = arith.select %and3A_300, %get3A_187, %broadcast_in_dim3A_313 : vector<16xi1>, vector<16xi32>
      %reduce_min3A_315 = arith.constant true
      %reduce_min3A_316 = vector.broadcast %reduce_min3A_315 : i1 to vector<16xi1>
      %reduce_min3A_317 = arith.constant -2147483648 : i32
      %reduce_min3A_318 = vector.broadcast %reduce_min3A_317 : i32 to vector<16xi32>
      %reduce_min3A_319 = arith.xori %select_n3A_314, %reduce_min3A_318 : vector<16xi32>
      %reduce_min3A_320 = tpu.scan <min>, %reduce_min3A_319 masked %reduce_min3A_316 : vector<16xi32>, vector<16xi1> -> vector<16xi32>
      %reduce_min3A_321 = arith.xori %reduce_min3A_320, %reduce_min3A_318 : vector<16xi32>
      %reduce_min3A_322 = vector.extract %reduce_min3A_321[15] : i32 from vector<16xi32>
      %min3A_323 = arith.minsi %reduce_min3A_311, %reduce_min3A_322 : i32
      %add3A_324 = arith.constant 20 : i32
      %add3A_325 = arith.addi %add3A_324, %scan3A_259 : i32
      %broadcast_in_dim3A_326 = vector.broadcast %add3A_325 : i32 to vector<16xi32>
      %broadcast_in_dim3A_327 = vector.broadcast %min3A_323 : i32 to vector<16xi32>
      tpu.vector_store_idx %arg22[%broadcast_in_dim3A_326], %broadcast_in_dim3A_327 masked %eq3A_4 : memref<40xi32, #tpu.memory_space<vmem>>[vector<16xi32>], vector<16xi32>, vector<16xi1>
      %broadcast_in_dim3A_328 = vector.broadcast %reduce_min3A_267 : f32 to vector<16xf32>
      tpu.vector_store_idx %arg23[%broadcast_in_dim3A_326], %broadcast_in_dim3A_328 masked %eq3A_4 : memref<40xf32, #tpu.memory_space<vmem>>[vector<16xi32>], vector<16xf32>, vector<16xi1>
      %jit3A_329 = arith.constant 0x7F800000 : f32
      %broadcast_in_dim3A_330 = vector.broadcast %jit3A_329 : f32 to vector<16xf32>
      %select_n3A_331 = arith.select %and3A, %broadcast_in_dim3A_330, %get3A_262 : vector<16xi1>, vector<16xf32>
      %swap3A = arith.constant 0 : index
      %swap3A_332 = tpu.vector_load %arg21[%swap3A] {strides = array<i32>} : memref<32xf32, #tpu.memory_space<vmem>>, vector<16xf32>,
      tpu.vector_store %arg21[%swap3A], %select_n3A_331 {strides = array<i32>} : memref<32xf32, #tpu.memory_space<vmem>>, vector<16xf32>,
      %jit3A_333 = arith.constant 0x7F800000 : f32
      %broadcast_in_dim3A_334 = vector.broadcast %jit3A_333 : f32 to vector<16xf32>
      %select_n3A_335 = arith.select %and3A_300, %broadcast_in_dim3A_334, %get3A_264 : vector<16xi1>, vector<16xf32>
      %swap3A_336 = arith.constant 16 : index
      %swap3A_337 = tpu.vector_load %arg21[%swap3A_336] {strides = array<i32>} : memref<32xf32, #tpu.memory_space<vmem>>, vector<16xf32>,
      tpu.vector_store %arg21[%swap3A_336], %select_n3A_335 {strides = array<i32>} : memref<32xf32, #tpu.memory_space<vmem>>, vector<16xf32>,
      %scan3A_338 = arith.constant 0 : i32
      scf.yield %scan3A_338 : i32
    }
    %scan3A_198 = arith.constant 10 : i32
    %dma_wait3A_199 = arith.constant 0 : i32
    %dma_wait3A_200 = tpu.memref_slice %arg2[%add3A_138, %dma_wait3A_199] : memref<128x50000xf32, #tpu.memory_space<hbm>> -> memref<1x50000xf32, #tpu.memory_space<hbm>>
    %dma_wait3A_201 = tpu.memref_squeeze %dma_wait3A_200 : memref<1x50000xf32, #tpu.memory_space<hbm>> -> memref<50000xf32, #tpu.memory_space<hbm>>
    %dma_wait3A_202 = arith.constant 0 : i32
    %dma_wait3A_203 = tpu.memref_slice %arg2[%add3A_138, %dma_wait3A_202] : memref<128x50000xf32, #tpu.memory_space<hbm>> -> memref<1x50000xf32, #tpu.memory_space<hbm>>
    %dma_wait3A_204 = tpu.memref_squeeze %dma_wait3A_203 : memref<1x50000xf32, #tpu.memory_space<hbm>> -> memref<50000xf32, #tpu.memory_space<hbm>>
    tpu.wait_dma2 semaphore(%arg29 : memref<!tpu.dma_semaphore, #tpu.memory_space<semaphore_mem>>) src(%dma_wait3A_204 : memref<50000xf32, #tpu.memory_space<hbm>>) dst(%arg14 : memref<50000xf32, #tpu.memory_space<vmem>>)
    %scan3A_205 = arith.constant 0 : i32
    %scan3A_206 = arith.constant 0 : i32
    %scan3A_207 = arith.constant 8 : i32
    %scan3A_208 = arith.addi %scan3A_206, %scan3A_207 : i32
    %scan3A_209 = arith.constant 1 : i32
    %scan3A_210 = scf.for %scan3A_259 = %scan3A_206 to %scan3A_208 step %scan3A_209 iter_args(%scan3A_260 = %scan3A_205) -> (i32)  : i32 {
      %mul3A_261 = arith.constant 4 : i32
      %mul3A_262 = arith.muli %scan3A_259, %mul3A_261 : i32
      %add3A_263 = arith.constant 0 : i32
      %add3A_264 = arith.addi %mul3A_262, %add3A_263 : i32
      %mul3A_265 = arith.constant 16 : i32
      %mul3A_266 = arith.muli %add3A_264, %mul3A_265 : i32
      %get3A_267 = arith.constant 3 : i32
      %get3A_268 = arith.index_cast %get3A_267 : i32 to index
      %get3A_269 = arith.index_cast %mul3A_266 : i32 to index
      %get3A_270 = tpu.vector_load %arg12[%get3A_268, %get3A_269] {strides = array<i32>} : memref<4x512xi32, #tpu.memory_space<vmem>>, vector<16xi32>,
      %gather3A = tpu.vector_load_idx %arg14[%get3A_270] : memref<50000xf32, #tpu.memory_space<vmem>>[vector<16xi32>], vector<16xf32>,
      %mul3A_271 = arith.constant 16 : i32
      %mul3A_272 = arith.muli %add3A_264, %mul3A_271 : i32
      %swap3A = arith.index_cast %mul3A_272 : i32 to index
      %swap3A_273 = tpu.vector_load %arg15[%swap3A] {strides = array<i32>} : memref<512xf32, #tpu.memory_space<vmem>>, vector<16xf32>,
      tpu.vector_store %arg15[%swap3A], %gather3A {strides = array<i32>} : memref<512xf32, #tpu.memory_space<vmem>>, vector<16xf32>,
      %broadcast_in_dim3A = vector.broadcast %add3A_264 : i32 to vector<16xi32>
      %reduce_min3A = arith.constant true
      %reduce_min3A_274 = vector.broadcast %reduce_min3A : i1 to vector<16xi1>
      %reduce_min3A_275 = tpu.scan <min>, %gather3A masked %reduce_min3A_274 : vector<16xf32>, vector<16xi1> -> vector<16xf32>
      %reduce_min3A_276 = vector.extract %reduce_min3A_275[15] : f32 from vector<16xf32>
      %broadcast_in_dim3A_277 = vector.broadcast %reduce_min3A_276 : f32 to vector<16xf32>
      tpu.vector_store_idx %arg16[%broadcast_in_dim3A], %broadcast_in_dim3A_277 masked %eq3A_4 : memref<32xf32, #tpu.memory_space<vmem>>[vector<16xi32>], vector<16xf32>, vector<16xi1>
      %mul3A_278 = arith.constant 4 : i32
      %mul3A_279 = arith.muli %scan3A_259, %mul3A_278 : i32
      %add3A_280 = arith.constant 1 : i32
      %add3A_281 = arith.addi %mul3A_279, %add3A_280 : i32
      %mul3A_282 = arith.constant 16 : i32
      %mul3A_283 = arith.muli %add3A_281, %mul3A_282 : i32
      %get3A_284 = arith.constant 3 : i32
      %get3A_285 = arith.index_cast %get3A_284 : i32 to index
      %get3A_286 = arith.index_cast %mul3A_283 : i32 to index
      %get3A_287 = tpu.vector_load %arg12[%get3A_285, %get3A_286] {strides = array<i32>} : memref<4x512xi32, #tpu.memory_space<vmem>>, vector<16xi32>,
      %gather3A_288 = tpu.vector_load_idx %arg14[%get3A_287] : memref<50000xf32, #tpu.memory_space<vmem>>[vector<16xi32>], vector<16xf32>,
      %mul3A_289 = arith.constant 16 : i32
      %mul3A_290 = arith.muli %add3A_281, %mul3A_289 : i32
      %swap3A_291 = arith.index_cast %mul3A_290 : i32 to index
      %swap3A_292 = tpu.vector_load %arg15[%swap3A_291] {strides = array<i32>} : memref<512xf32, #tpu.memory_space<vmem>>, vector<16xf32>,
      tpu.vector_store %arg15[%swap3A_291], %gather3A_288 {strides = array<i32>} : memref<512xf32, #tpu.memory_space<vmem>>, vector<16xf32>,
      %broadcast_in_dim3A_293 = vector.broadcast %add3A_281 : i32 to vector<16xi32>
      %reduce_min3A_294 = arith.constant true
      %reduce_min3A_295 = vector.broadcast %reduce_min3A_294 : i1 to vector<16xi1>
      %reduce_min3A_296 = tpu.scan <min>, %gather3A_288 masked %reduce_min3A_295 : vector<16xf32>, vector<16xi1> -> vector<16xf32>
      %reduce_min3A_297 = vector.extract %reduce_min3A_296[15] : f32 from vector<16xf32>
      %broadcast_in_dim3A_298 = vector.broadcast %reduce_min3A_297 : f32 to vector<16xf32>
      tpu.vector_store_idx %arg16[%broadcast_in_dim3A_293], %broadcast_in_dim3A_298 masked %eq3A_4 : memref<32xf32, #tpu.memory_space<vmem>>[vector<16xi32>], vector<16xf32>, vector<16xi1>
      %mul3A_299 = arith.constant 4 : i32
      %mul3A_300 = arith.muli %scan3A_259, %mul3A_299 : i32
      %add3A_301 = arith.constant 2 : i32
      %add3A_302 = arith.addi %mul3A_300, %add3A_301 : i32
      %mul3A_303 = arith.constant 16 : i32
      %mul3A_304 = arith.muli %add3A_302, %mul3A_303 : i32
      %get3A_305 = arith.constant 3 : i32
      %get3A_306 = arith.index_cast %get3A_305 : i32 to index
      %get3A_307 = arith.index_cast %mul3A_304 : i32 to index
      %get3A_308 = tpu.vector_load %arg12[%get3A_306, %get3A_307] {strides = array<i32>} : memref<4x512xi32, #tpu.memory_space<vmem>>, vector<16xi32>,
      %gather3A_309 = tpu.vector_load_idx %arg14[%get3A_308] : memref<50000xf32, #tpu.memory_space<vmem>>[vector<16xi32>], vector<16xf32>,
      %mul3A_310 = arith.constant 16 : i32
      %mul3A_311 = arith.muli %add3A_302, %mul3A_310 : i32
      %swap3A_312 = arith.index_cast %mul3A_311 : i32 to index
      %swap3A_313 = tpu.vector_load %arg15[%swap3A_312] {strides = array<i32>} : memref<512xf32, #tpu.memory_space<vmem>>, vector<16xf32>,
      tpu.vector_store %arg15[%swap3A_312], %gather3A_309 {strides = array<i32>} : memref<512xf32, #tpu.memory_space<vmem>>, vector<16xf32>,
      %broadcast_in_dim3A_314 = vector.broadcast %add3A_302 : i32 to vector<16xi32>
      %reduce_min3A_315 = arith.constant true
      %reduce_min3A_316 = vector.broadcast %reduce_min3A_315 : i1 to vector<16xi1>
      %reduce_min3A_317 = tpu.scan <min>, %gather3A_309 masked %reduce_min3A_316 : vector<16xf32>, vector<16xi1> -> vector<16xf32>
      %reduce_min3A_318 = vector.extract %reduce_min3A_317[15] : f32 from vector<16xf32>
      %broadcast_in_dim3A_319 = vector.broadcast %reduce_min3A_318 : f32 to vector<16xf32>
      tpu.vector_store_idx %arg16[%broadcast_in_dim3A_314], %broadcast_in_dim3A_319 masked %eq3A_4 : memref<32xf32, #tpu.memory_space<vmem>>[vector<16xi32>], vector<16xf32>, vector<16xi1>
      %mul3A_320 = arith.constant 4 : i32
      %mul3A_321 = arith.muli %scan3A_259, %mul3A_320 : i32
      %add3A_322 = arith.constant 3 : i32
      %add3A_323 = arith.addi %mul3A_321, %add3A_322 : i32
      %mul3A_324 = arith.constant 16 : i32
      %mul3A_325 = arith.muli %add3A_323, %mul3A_324 : i32
      %get3A_326 = arith.constant 3 : i32
      %get3A_327 = arith.index_cast %get3A_326 : i32 to index
      %get3A_328 = arith.index_cast %mul3A_325 : i32 to index
      %get3A_329 = tpu.vector_load %arg12[%get3A_327, %get3A_328] {strides = array<i32>} : memref<4x512xi32, #tpu.memory_space<vmem>>, vector<16xi32>,
      %gather3A_330 = tpu.vector_load_idx %arg14[%get3A_329] : memref<50000xf32, #tpu.memory_space<vmem>>[vector<16xi32>], vector<16xf32>,
      %mul3A_331 = arith.constant 16 : i32
      %mul3A_332 = arith.muli %add3A_323, %mul3A_331 : i32
      %swap3A_333 = arith.index_cast %mul3A_332 : i32 to index
      %swap3A_334 = tpu.vector_load %arg15[%swap3A_333] {strides = array<i32>} : memref<512xf32, #tpu.memory_space<vmem>>, vector<16xf32>,
      tpu.vector_store %arg15[%swap3A_333], %gather3A_330 {strides = array<i32>} : memref<512xf32, #tpu.memory_space<vmem>>, vector<16xf32>,
      %broadcast_in_dim3A_335 = vector.broadcast %add3A_323 : i32 to vector<16xi32>
      %reduce_min3A_336 = arith.constant true
      %reduce_min3A_337 = vector.broadcast %reduce_min3A_336 : i1 to vector<16xi1>
      %reduce_min3A_338 = tpu.scan <min>, %gather3A_330 masked %reduce_min3A_337 : vector<16xf32>, vector<16xi1> -> vector<16xf32>
      %reduce_min3A_339 = vector.extract %reduce_min3A_338[15] : f32 from vector<16xf32>
      %broadcast_in_dim3A_340 = vector.broadcast %reduce_min3A_339 : f32 to vector<16xf32>
      tpu.vector_store_idx %arg16[%broadcast_in_dim3A_335], %broadcast_in_dim3A_340 masked %eq3A_4 : memref<32xf32, #tpu.memory_space<vmem>>[vector<16xi32>], vector<16xf32>, vector<16xi1>
      %scan3A_341 = arith.constant 0 : i32
      scf.yield %scan3A_341 : i32
    }
    %scan3A_211 = arith.constant 8 : i32
    %scan3A_212 = arith.constant 0 : i32
    %scan3A_213 = arith.constant 0 : i32
    %scan3A_214 = arith.constant 32 : i32
    %scan3A_215 = arith.addi %scan3A_213, %scan3A_214 : i32
    %scan3A_216 = arith.constant 1 : i32
    %scan3A_217 = scf.for %scan3A_259 = %scan3A_213 to %scan3A_215 step %scan3A_216 iter_args(%scan3A_260 = %scan3A_212) -> (i32)  : i32 {
      %get3A_261 = arith.constant 0 : index
      %get3A_262 = tpu.vector_load %arg16[%get3A_261] {strides = array<i32>} : memref<32xf32, #tpu.memory_space<vmem>>, vector<16xf32>,
      %get3A_263 = arith.constant 16 : index
      %get3A_264 = tpu.vector_load %arg16[%get3A_263] {strides = array<i32>} : memref<32xf32, #tpu.memory_space<vmem>>, vector<16xf32>,
      %min3A = arith.minimumf %get3A_262, %get3A_264 : vector<16xf32>
      %reduce_min3A = arith.constant true
      %reduce_min3A_265 = vector.broadcast %reduce_min3A : i1 to vector<16xi1>
      %reduce_min3A_266 = tpu.scan <min>, %min3A masked %reduce_min3A_265 : vector<16xf32>, vector<16xi1> -> vector<16xf32>
      %reduce_min3A_267 = vector.extract %reduce_min3A_266[15] : f32 from vector<16xf32>
      %eq3A_268 = vector.broadcast %reduce_min3A_267 : f32 to vector<16xf32>
      %eq3A_269 = arith.cmpf oeq, %get3A_262, %eq3A_268 : vector<16xf32>
      %jit3A = arith.constant 1073741824 : i32
      %broadcast_in_dim3A = vector.broadcast %jit3A : i32 to vector<16xi32>
      %select_n3A = arith.select %eq3A_269, %iota3A, %broadcast_in_dim3A : vector<16xi1>, vector<16xi32>
      %eq3A_270 = vector.broadcast %reduce_min3A_267 : f32 to vector<16xf32>
      %eq3A_271 = arith.cmpf oeq, %get3A_264, %eq3A_270 : vector<16xf32>
      %add3A_272 = arith.constant 16 : i32
      %add3A_273 = vector.broadcast %add3A_272 : i32 to vector<16xi32>
      %add3A_274 = arith.addi %iota3A, %add3A_273 : vector<16xi32>
      %jit3A_275 = arith.constant 1073741824 : i32
      %broadcast_in_dim3A_276 = vector.broadcast %jit3A_275 : i32 to vector<16xi32>
      %select_n3A_277 = arith.select %eq3A_271, %add3A_274, %broadcast_in_dim3A_276 : vector<16xi1>, vector<16xi32>
      %reduce_min3A_278 = arith.constant true
      %reduce_min3A_279 = vector.broadcast %reduce_min3A_278 : i1 to vector<16xi1>
      %reduce_min3A_280 = arith.constant -2147483648 : i32
      %reduce_min3A_281 = vector.broadcast %reduce_min3A_280 : i32 to vector<16xi32>
      %reduce_min3A_282 = arith.xori %select_n3A, %reduce_min3A_281 : vector<16xi32>
      %reduce_min3A_283 = tpu.scan <min>, %reduce_min3A_282 masked %reduce_min3A_279 : vector<16xi32>, vector<16xi1> -> vector<16xi32>
      %reduce_min3A_284 = arith.xori %reduce_min3A_283, %reduce_min3A_281 : vector<16xi32>
      %reduce_min3A_285 = vector.extract %reduce_min3A_284[15] : i32 from vector<16xi32>
      %reduce_min3A_286 = arith.constant true
      %reduce_min3A_287 = vector.broadcast %reduce_min3A_286 : i1 to vector<16xi1>
      %reduce_min3A_288 = arith.constant -2147483648 : i32
      %reduce_min3A_289 = vector.broadcast %reduce_min3A_288 : i32 to vector<16xi32>
      %reduce_min3A_290 = arith.xori %select_n3A_277, %reduce_min3A_289 : vector<16xi32>
      %reduce_min3A_291 = tpu.scan <min>, %reduce_min3A_290 masked %reduce_min3A_287 : vector<16xi32>, vector<16xi1> -> vector<16xi32>
      %reduce_min3A_292 = arith.xori %reduce_min3A_291, %reduce_min3A_289 : vector<16xi32>
      %reduce_min3A_293 = vector.extract %reduce_min3A_292[15] : i32 from vector<16xi32>
      %min3A_294 = arith.minsi %reduce_min3A_285, %reduce_min3A_293 : i32
      %mul3A_295 = arith.constant 16 : i32
      %mul3A_296 = arith.muli %min3A_294, %mul3A_295 : i32
      %get3A_297 = arith.index_cast %mul3A_296 : i32 to index
      %get3A_298 = tpu.vector_load %arg15[%get3A_297] {strides = array<i32>} : memref<512xf32, #tpu.memory_space<vmem>>, vector<16xf32>,
      %eq3A_299 = vector.broadcast %reduce_min3A_267 : f32 to vector<16xf32>
      %eq3A_300 = arith.cmpf oeq, %get3A_298, %eq3A_299 : vector<16xf32>
      %jit3A_301 = arith.constant 1073741824 : i32
      %broadcast_in_dim3A_302 = vector.broadcast %jit3A_301 : i32 to vector<16xi32>
      %select_n3A_303 = arith.select %eq3A_300, %iota3A, %broadcast_in_dim3A_302 : vector<16xi1>, vector<16xi32>
      %reduce_min3A_304 = arith.constant true
      %reduce_min3A_305 = vector.broadcast %reduce_min3A_304 : i1 to vector<16xi1>
      %reduce_min3A_306 = arith.constant -2147483648 : i32
      %reduce_min3A_307 = vector.broadcast %reduce_min3A_306 : i32 to vector<16xi32>
      %reduce_min3A_308 = arith.xori %select_n3A_303, %reduce_min3A_307 : vector<16xi32>
      %reduce_min3A_309 = tpu.scan <min>, %reduce_min3A_308 masked %reduce_min3A_305 : vector<16xi32>, vector<16xi1> -> vector<16xi32>
      %reduce_min3A_310 = arith.xori %reduce_min3A_309, %reduce_min3A_307 : vector<16xi32>
      %reduce_min3A_311 = vector.extract %reduce_min3A_310[15] : i32 from vector<16xi32>
      %mul3A_312 = arith.constant 16 : i32
      %mul3A_313 = arith.muli %min3A_294, %mul3A_312 : i32
      %get3A_314 = arith.constant 3 : i32
      %get3A_315 = arith.index_cast %get3A_314 : i32 to index
      %get3A_316 = arith.index_cast %mul3A_313 : i32 to index
      %get3A_317 = tpu.vector_load %arg12[%get3A_315, %get3A_316] {strides = array<i32>} : memref<4x512xi32, #tpu.memory_space<vmem>>, vector<16xi32>,
      %eq3A_318 = vector.broadcast %reduce_min3A_311 : i32 to vector<16xi32>
      %eq3A_319 = arith.cmpi eq, %iota3A, %eq3A_318 : vector<16xi32>
      %jit3A_320 = arith.constant 1073741824 : i32
      %broadcast_in_dim3A_321 = vector.broadcast %jit3A_320 : i32 to vector<16xi32>
      %select_n3A_322 = arith.select %eq3A_319, %get3A_317, %broadcast_in_dim3A_321 : vector<16xi1>, vector<16xi32>
      %reduce_min3A_323 = arith.constant true
      %reduce_min3A_324 = vector.broadcast %reduce_min3A_323 : i1 to vector<16xi1>
      %reduce_min3A_325 = arith.constant -2147483648 : i32
      %reduce_min3A_326 = vector.broadcast %reduce_min3A_325 : i32 to vector<16xi32>
      %reduce_min3A_327 = arith.xori %select_n3A_322, %reduce_min3A_326 : vector<16xi32>
      %reduce_min3A_328 = tpu.scan <min>, %reduce_min3A_327 masked %reduce_min3A_324 : vector<16xi32>, vector<16xi1> -> vector<16xi32>
      %reduce_min3A_329 = arith.xori %reduce_min3A_328, %reduce_min3A_326 : vector<16xi32>
      %reduce_min3A_330 = vector.extract %reduce_min3A_329[15] : i32 from vector<16xi32>
      %add3A_331 = arith.constant 96 : i32
      %add3A_332 = arith.addi %add3A_331, %scan3A_259 : i32
      %broadcast_in_dim3A_333 = vector.broadcast %add3A_332 : i32 to vector<16xi32>
      %broadcast_in_dim3A_334 = vector.broadcast %reduce_min3A_330 : i32 to vector<16xi32>
      tpu.vector_store_idx %arg17[%broadcast_in_dim3A_333], %broadcast_in_dim3A_334 masked %eq3A_4 : memref<128xi32, #tpu.memory_space<vmem>>[vector<16xi32>], vector<16xi32>, vector<16xi1>
      %mul3A_335 = arith.constant 16 : i32
      %mul3A_336 = arith.muli %min3A_294, %mul3A_335 : i32
      %add3A_337 = arith.addi %mul3A_336, %reduce_min3A_311 : i32
      %broadcast_in_dim3A_338 = vector.broadcast %add3A_337 : i32 to vector<16xi32>
      tpu.vector_store_idx %arg18[%broadcast_in_dim3A_333], %broadcast_in_dim3A_338 masked %eq3A_4 : memref<128xi32, #tpu.memory_space<vmem>>[vector<16xi32>], vector<16xi32>, vector<16xi1>
      %eq3A_339 = vector.broadcast %reduce_min3A_311 : i32 to vector<16xi32>
      %eq3A_340 = arith.cmpi eq, %iota3A, %eq3A_339 : vector<16xi32>
      %jit3A_341 = arith.constant 0x7F800000 : f32
      %broadcast_in_dim3A_342 = vector.broadcast %jit3A_341 : f32 to vector<16xf32>
      %select_n3A_343 = arith.select %eq3A_340, %broadcast_in_dim3A_342, %get3A_298 : vector<16xi1>, vector<16xf32>
      %mul3A_344 = arith.constant 16 : i32
      %mul3A_345 = arith.muli %min3A_294, %mul3A_344 : i32
      %swap3A = arith.index_cast %mul3A_345 : i32 to index
      %swap3A_346 = tpu.vector_load %arg15[%swap3A] {strides = array<i32>} : memref<512xf32, #tpu.memory_space<vmem>>, vector<16xf32>,
      tpu.vector_store %arg15[%swap3A], %select_n3A_343 {strides = array<i32>} : memref<512xf32, #tpu.memory_space<vmem>>, vector<16xf32>,
      %broadcast_in_dim3A_347 = vector.broadcast %min3A_294 : i32 to vector<16xi32>
      %reduce_min3A_348 = arith.constant true
      %reduce_min3A_349 = vector.broadcast %reduce_min3A_348 : i1 to vector<16xi1>
      %reduce_min3A_350 = tpu.scan <min>, %select_n3A_343 masked %reduce_min3A_349 : vector<16xf32>, vector<16xi1> -> vector<16xf32>
      %reduce_min3A_351 = vector.extract %reduce_min3A_350[15] : f32 from vector<16xf32>
      %broadcast_in_dim3A_352 = vector.broadcast %reduce_min3A_351 : f32 to vector<16xf32>
      tpu.vector_store_idx %arg16[%broadcast_in_dim3A_347], %broadcast_in_dim3A_352 masked %eq3A_4 : memref<32xf32, #tpu.memory_space<vmem>>[vector<16xi32>], vector<16xf32>, vector<16xi1>
      %scan3A_353 = arith.constant 0 : i32
      scf.yield %scan3A_353 : i32
    }
    %scan3A_218 = arith.constant 32 : i32
    %dma_start3A_219 = arith.constant 96 : i32
    %dma_start3A_220 = tpu.memref_slice %arg17[%dma_start3A_219] : memref<128xi32, #tpu.memory_space<vmem>> -> memref<32xi32, #tpu.memory_space<vmem>>
    %dma_start3A_221 = arith.constant 0 : i32
    %dma_start3A_222 = arith.constant 0 : i32
    %dma_start3A_223 = tpu.memref_slice %arg4[%dma_start3A_221, %dma_start3A_222] : memref<50000x768xf32, #tpu.memory_space<hbm>> -> memref<50000x768xf32, #tpu.memory_space<hbm>>
    tpu.enqueue_indirect_dma source(%dma_start3A_223 : memref<50000x768xf32, #tpu.memory_space<hbm>>) target(%arg19 : memref<32x768xf32, #tpu.memory_space<vmem>>) offsets(%dma_start3A_220 : memref<32xi32, #tpu.memory_space<vmem>>) semaphore(%arg30 : memref<!tpu.dma_semaphore, #tpu.memory_space<semaphore_mem>>)
    %add3A_224 = arith.constant 3 : i32
    %add3A_225 = arith.addi %mul3A_2, %add3A_224 : i32
    "tpu.region"() ({
      %run_scoped3A = tpu.sem_alloc : memref<!tpu.dma_semaphore, #tpu.memory_space<semaphore_mem>>
      %dma_start3A_259 = arith.constant 0 : i32
      %dma_start3A_260 = tpu.memref_slice %arg7[%add3A_225, %dma_start3A_259] : memref<128x768xf32, #tpu.memory_space<hbm>> -> memref<1x768xf32, #tpu.memory_space<hbm>>
      %dma_start3A_261 = tpu.memref_squeeze %dma_start3A_260 : memref<1x768xf32, #tpu.memory_space<hbm>> -> memref<768xf32, #tpu.memory_space<hbm>>
      %dma_start3A_262 = arith.constant 0 : i32
      %dma_start3A_263 = tpu.memref_slice %arg7[%add3A_225, %dma_start3A_262] : memref<128x768xf32, #tpu.memory_space<hbm>> -> memref<1x768xf32, #tpu.memory_space<hbm>>
      %dma_start3A_264 = tpu.memref_squeeze %dma_start3A_263 : memref<1x768xf32, #tpu.memory_space<hbm>> -> memref<768xf32, #tpu.memory_space<hbm>>
      tpu.enqueue_dma source(%dma_start3A_264 : memref<768xf32, #tpu.memory_space<hbm>>) target(%arg20 : memref<768xf32, #tpu.memory_space<vmem>>) target_semaphore(%run_scoped3A : memref<!tpu.dma_semaphore, #tpu.memory_space<semaphore_mem>>)
      %dma_wait3A_265 = arith.constant 0 : i32
      %dma_wait3A_266 = tpu.memref_slice %arg7[%add3A_225, %dma_wait3A_265] : memref<128x768xf32, #tpu.memory_space<hbm>> -> memref<1x768xf32, #tpu.memory_space<hbm>>
      %dma_wait3A_267 = tpu.memref_squeeze %dma_wait3A_266 : memref<1x768xf32, #tpu.memory_space<hbm>> -> memref<768xf32, #tpu.memory_space<hbm>>
      %dma_wait3A_268 = arith.constant 0 : i32
      %dma_wait3A_269 = tpu.memref_slice %arg7[%add3A_225, %dma_wait3A_268] : memref<128x768xf32, #tpu.memory_space<hbm>> -> memref<1x768xf32, #tpu.memory_space<hbm>>
      %dma_wait3A_270 = tpu.memref_squeeze %dma_wait3A_269 : memref<1x768xf32, #tpu.memory_space<hbm>> -> memref<768xf32, #tpu.memory_space<hbm>>
      tpu.wait_dma2 semaphore(%run_scoped3A : memref<!tpu.dma_semaphore, #tpu.memory_space<semaphore_mem>>) src(%dma_wait3A_270 : memref<768xf32, #tpu.memory_space<hbm>>) dst(%arg20 : memref<768xf32, #tpu.memory_space<vmem>>)
      tpu.yield
    }) : () -> ()
    %dma_wait3A_226 = arith.constant 96 : i32
    %dma_wait3A_227 = tpu.memref_slice %arg17[%dma_wait3A_226] : memref<128xi32, #tpu.memory_space<vmem>> -> memref<32xi32, #tpu.memory_space<vmem>>
    %dma_wait3A_228 = arith.constant 0 : i32
    %dma_wait3A_229 = arith.constant 0 : i32
    %dma_wait3A_230 = tpu.memref_slice %arg4[%dma_wait3A_228, %dma_wait3A_229] : memref<50000x768xf32, #tpu.memory_space<hbm>> -> memref<50000x768xf32, #tpu.memory_space<hbm>>
    tpu.wait_indirect_dma semaphore(%arg30 : memref<!tpu.dma_semaphore, #tpu.memory_space<semaphore_mem>>) src(%dma_wait3A_230 : memref<50000x768xf32, #tpu.memory_space<hbm>>) dst(%arg19 : memref<32x768xf32, #tpu.memory_space<vmem>>)
    %scan3A_231 = arith.constant 0 : i32
    %scan3A_232 = arith.constant 0 : i32
    %scan3A_233 = arith.constant 32 : i32
    %scan3A_234 = arith.addi %scan3A_232, %scan3A_233 : i32
    %scan3A_235 = arith.constant 1 : i32
    %scan3A_236 = scf.for %scan3A_259 = %scan3A_232 to %scan3A_234 step %scan3A_235 iter_args(%scan3A_260 = %scan3A_231) -> (i32)  : i32 {
      %broadcast_in_dim3A = arith.constant 0.000000e+00 : f32
      %broadcast_in_dim3A_261 = vector.broadcast %broadcast_in_dim3A : f32 to vector<16xf32>
      %scan3A_262 = arith.constant 0 : i32
      %scan3A_263 = arith.constant 6 : i32
      %scan3A_264 = arith.addi %scan3A_262, %scan3A_263 : i32
      %scan3A_265 = arith.constant 1 : i32
      %scan3A_266 = scf.for %scan3A_274 = %scan3A_262 to %scan3A_264 step %scan3A_265 iter_args(%scan3A_275 = %broadcast_in_dim3A_261) -> (vector<16xf32>)  : i32 {
        %mul3A_276 = arith.constant 128 : i32
        %mul3A_277 = arith.muli %scan3A_274, %mul3A_276 : i32
        %add3A_278 = arith.constant 0 : i32
        %add3A_279 = arith.addi %mul3A_277, %add3A_278 : i32
        %get3A_280 = arith.index_cast %add3A_279 : i32 to index
        %get3A_281 = tpu.vector_load %arg20[%get3A_280] {strides = array<i32>} : memref<768xf32, #tpu.memory_space<vmem>>, vector<16xf32>,
        %get3A_282 = arith.index_cast %scan3A_259 : i32 to index
        %get3A_283 = arith.index_cast %add3A_279 : i32 to index
        %get3A_284 = tpu.vector_load %arg19[%get3A_282, %get3A_283] {strides = array<i32>} : memref<32x768xf32, #tpu.memory_space<vmem>>, vector<16xf32>,
        %sub3A = arith.subf %get3A_281, %get3A_284 : vector<16xf32>
        %mul3A_285 = arith.mulf %sub3A, %sub3A : vector<16xf32>
        %add3A_286 = arith.addf %scan3A_275, %mul3A_285 : vector<16xf32>
        %mul3A_287 = arith.constant 128 : i32
        %mul3A_288 = arith.muli %scan3A_274, %mul3A_287 : i32
        %add3A_289 = arith.constant 16 : i32
        %add3A_290 = arith.addi %mul3A_288, %add3A_289 : i32
        %get3A_291 = arith.index_cast %add3A_290 : i32 to index
        %get3A_292 = tpu.vector_load %arg20[%get3A_291] {strides = array<i32>} : memref<768xf32, #tpu.memory_space<vmem>>, vector<16xf32>,
        %get3A_293 = arith.index_cast %scan3A_259 : i32 to index
        %get3A_294 = arith.index_cast %add3A_290 : i32 to index
        %get3A_295 = tpu.vector_load %arg19[%get3A_293, %get3A_294] {strides = array<i32>} : memref<32x768xf32, #tpu.memory_space<vmem>>, vector<16xf32>,
        %sub3A_296 = arith.subf %get3A_292, %get3A_295 : vector<16xf32>
        %mul3A_297 = arith.mulf %sub3A_296, %sub3A_296 : vector<16xf32>
        %add3A_298 = arith.addf %add3A_286, %mul3A_297 : vector<16xf32>
        %mul3A_299 = arith.constant 128 : i32
        %mul3A_300 = arith.muli %scan3A_274, %mul3A_299 : i32
        %add3A_301 = arith.constant 32 : i32
        %add3A_302 = arith.addi %mul3A_300, %add3A_301 : i32
        %get3A_303 = arith.index_cast %add3A_302 : i32 to index
        %get3A_304 = tpu.vector_load %arg20[%get3A_303] {strides = array<i32>} : memref<768xf32, #tpu.memory_space<vmem>>, vector<16xf32>,
        %get3A_305 = arith.index_cast %scan3A_259 : i32 to index
        %get3A_306 = arith.index_cast %add3A_302 : i32 to index
        %get3A_307 = tpu.vector_load %arg19[%get3A_305, %get3A_306] {strides = array<i32>} : memref<32x768xf32, #tpu.memory_space<vmem>>, vector<16xf32>,
        %sub3A_308 = arith.subf %get3A_304, %get3A_307 : vector<16xf32>
        %mul3A_309 = arith.mulf %sub3A_308, %sub3A_308 : vector<16xf32>
        %add3A_310 = arith.addf %add3A_298, %mul3A_309 : vector<16xf32>
        %mul3A_311 = arith.constant 128 : i32
        %mul3A_312 = arith.muli %scan3A_274, %mul3A_311 : i32
        %add3A_313 = arith.constant 48 : i32
        %add3A_314 = arith.addi %mul3A_312, %add3A_313 : i32
        %get3A_315 = arith.index_cast %add3A_314 : i32 to index
        %get3A_316 = tpu.vector_load %arg20[%get3A_315] {strides = array<i32>} : memref<768xf32, #tpu.memory_space<vmem>>, vector<16xf32>,
        %get3A_317 = arith.index_cast %scan3A_259 : i32 to index
        %get3A_318 = arith.index_cast %add3A_314 : i32 to index
        %get3A_319 = tpu.vector_load %arg19[%get3A_317, %get3A_318] {strides = array<i32>} : memref<32x768xf32, #tpu.memory_space<vmem>>, vector<16xf32>,
        %sub3A_320 = arith.subf %get3A_316, %get3A_319 : vector<16xf32>
        %mul3A_321 = arith.mulf %sub3A_320, %sub3A_320 : vector<16xf32>
        %add3A_322 = arith.addf %add3A_310, %mul3A_321 : vector<16xf32>
        %mul3A_323 = arith.constant 128 : i32
        %mul3A_324 = arith.muli %scan3A_274, %mul3A_323 : i32
        %add3A_325 = arith.constant 64 : i32
        %add3A_326 = arith.addi %mul3A_324, %add3A_325 : i32
        %get3A_327 = arith.index_cast %add3A_326 : i32 to index
        %get3A_328 = tpu.vector_load %arg20[%get3A_327] {strides = array<i32>} : memref<768xf32, #tpu.memory_space<vmem>>, vector<16xf32>,
        %get3A_329 = arith.index_cast %scan3A_259 : i32 to index
        %get3A_330 = arith.index_cast %add3A_326 : i32 to index
        %get3A_331 = tpu.vector_load %arg19[%get3A_329, %get3A_330] {strides = array<i32>} : memref<32x768xf32, #tpu.memory_space<vmem>>, vector<16xf32>,
        %sub3A_332 = arith.subf %get3A_328, %get3A_331 : vector<16xf32>
        %mul3A_333 = arith.mulf %sub3A_332, %sub3A_332 : vector<16xf32>
        %add3A_334 = arith.addf %add3A_322, %mul3A_333 : vector<16xf32>
        %mul3A_335 = arith.constant 128 : i32
        %mul3A_336 = arith.muli %scan3A_274, %mul3A_335 : i32
        %add3A_337 = arith.constant 80 : i32
        %add3A_338 = arith.addi %mul3A_336, %add3A_337 : i32
        %get3A_339 = arith.index_cast %add3A_338 : i32 to index
        %get3A_340 = tpu.vector_load %arg20[%get3A_339] {strides = array<i32>} : memref<768xf32, #tpu.memory_space<vmem>>, vector<16xf32>,
        %get3A_341 = arith.index_cast %scan3A_259 : i32 to index
        %get3A_342 = arith.index_cast %add3A_338 : i32 to index
        %get3A_343 = tpu.vector_load %arg19[%get3A_341, %get3A_342] {strides = array<i32>} : memref<32x768xf32, #tpu.memory_space<vmem>>, vector<16xf32>,
        %sub3A_344 = arith.subf %get3A_340, %get3A_343 : vector<16xf32>
        %mul3A_345 = arith.mulf %sub3A_344, %sub3A_344 : vector<16xf32>
        %add3A_346 = arith.addf %add3A_334, %mul3A_345 : vector<16xf32>
        %mul3A_347 = arith.constant 128 : i32
        %mul3A_348 = arith.muli %scan3A_274, %mul3A_347 : i32
        %add3A_349 = arith.constant 96 : i32
        %add3A_350 = arith.addi %mul3A_348, %add3A_349 : i32
        %get3A_351 = arith.index_cast %add3A_350 : i32 to index
        %get3A_352 = tpu.vector_load %arg20[%get3A_351] {strides = array<i32>} : memref<768xf32, #tpu.memory_space<vmem>>, vector<16xf32>,
        %get3A_353 = arith.index_cast %scan3A_259 : i32 to index
        %get3A_354 = arith.index_cast %add3A_350 : i32 to index
        %get3A_355 = tpu.vector_load %arg19[%get3A_353, %get3A_354] {strides = array<i32>} : memref<32x768xf32, #tpu.memory_space<vmem>>, vector<16xf32>,
        %sub3A_356 = arith.subf %get3A_352, %get3A_355 : vector<16xf32>
        %mul3A_357 = arith.mulf %sub3A_356, %sub3A_356 : vector<16xf32>
        %add3A_358 = arith.addf %add3A_346, %mul3A_357 : vector<16xf32>
        %mul3A_359 = arith.constant 128 : i32
        %mul3A_360 = arith.muli %scan3A_274, %mul3A_359 : i32
        %add3A_361 = arith.constant 112 : i32
        %add3A_362 = arith.addi %mul3A_360, %add3A_361 : i32
        %get3A_363 = arith.index_cast %add3A_362 : i32 to index
        %get3A_364 = tpu.vector_load %arg20[%get3A_363] {strides = array<i32>} : memref<768xf32, #tpu.memory_space<vmem>>, vector<16xf32>,
        %get3A_365 = arith.index_cast %scan3A_259 : i32 to index
        %get3A_366 = arith.index_cast %add3A_362 : i32 to index
        %get3A_367 = tpu.vector_load %arg19[%get3A_365, %get3A_366] {strides = array<i32>} : memref<32x768xf32, #tpu.memory_space<vmem>>, vector<16xf32>,
        %sub3A_368 = arith.subf %get3A_364, %get3A_367 : vector<16xf32>
        %mul3A_369 = arith.mulf %sub3A_368, %sub3A_368 : vector<16xf32>
        %add3A_370 = arith.addf %add3A_358, %mul3A_369 : vector<16xf32>
        scf.yield %add3A_370 : vector<16xf32>
      }
      %scan3A_267 = arith.constant 6 : i32
      %broadcast_in_dim3A_268 = vector.broadcast %scan3A_259 : i32 to vector<16xi32>
      %reduce_sum3A = arith.constant true
      %reduce_sum3A_269 = vector.broadcast %reduce_sum3A : i1 to vector<16xi1>
      %reduce_sum3A_270 = tpu.scan <sum>, %scan3A_266 masked %reduce_sum3A_269 : vector<16xf32>, vector<16xi1> -> vector<16xf32>
      %reduce_sum3A_271 = vector.extract %reduce_sum3A_270[15] : f32 from vector<16xf32>
      %broadcast_in_dim3A_272 = vector.broadcast %reduce_sum3A_271 : f32 to vector<16xf32>
      tpu.vector_store_idx %arg21[%broadcast_in_dim3A_268], %broadcast_in_dim3A_272 masked %eq3A_4 : memref<32xf32, #tpu.memory_space<vmem>>[vector<16xi32>], vector<16xf32>, vector<16xi1>
      %scan3A_273 = arith.constant 0 : i32
      scf.yield %scan3A_273 : i32
    }
    %scan3A_237 = arith.constant 32 : i32
    %get3A_238 = arith.constant 96 : index
    %get3A_239 = tpu.vector_load %arg17[%get3A_238] {strides = array<i32>} : memref<128xi32, #tpu.memory_space<vmem>>, vector<16xi32>,
    %get3A_240 = arith.constant 112 : index
    %get3A_241 = tpu.vector_load %arg17[%get3A_240] {strides = array<i32>} : memref<128xi32, #tpu.memory_space<vmem>>, vector<16xi32>,
    %get3A_242 = arith.constant 96 : index
    %get3A_243 = tpu.vector_load %arg18[%get3A_242] {strides = array<i32>} : memref<128xi32, #tpu.memory_space<vmem>>, vector<16xi32>,
    %get3A_244 = arith.constant 112 : index
    %get3A_245 = tpu.vector_load %arg18[%get3A_244] {strides = array<i32>} : memref<128xi32, #tpu.memory_space<vmem>>, vector<16xi32>,
    %scan3A_246 = arith.constant 0 : i32
    %scan3A_247 = arith.constant 0 : i32
    %scan3A_248 = arith.constant 10 : i32
    %scan3A_249 = arith.addi %scan3A_247, %scan3A_248 : i32
    %scan3A_250 = arith.constant 1 : i32
    %scan3A_251 = scf.for %scan3A_259 = %scan3A_247 to %scan3A_249 step %scan3A_250 iter_args(%scan3A_260 = %scan3A_246) -> (i32)  : i32 {
      %get3A_261 = arith.constant 0 : index
      %get3A_262 = tpu.vector_load %arg21[%get3A_261] {strides = array<i32>} : memref<32xf32, #tpu.memory_space<vmem>>, vector<16xf32>,
      %get3A_263 = arith.constant 16 : index
      %get3A_264 = tpu.vector_load %arg21[%get3A_263] {strides = array<i32>} : memref<32xf32, #tpu.memory_space<vmem>>, vector<16xf32>,
      %min3A = arith.minimumf %get3A_262, %get3A_264 : vector<16xf32>
      %reduce_min3A = arith.constant true
      %reduce_min3A_265 = vector.broadcast %reduce_min3A : i1 to vector<16xi1>
      %reduce_min3A_266 = tpu.scan <min>, %min3A masked %reduce_min3A_265 : vector<16xf32>, vector<16xi1> -> vector<16xf32>
      %reduce_min3A_267 = vector.extract %reduce_min3A_266[15] : f32 from vector<16xf32>
      %eq3A_268 = vector.broadcast %reduce_min3A_267 : f32 to vector<16xf32>
      %eq3A_269 = arith.cmpf oeq, %get3A_262, %eq3A_268 : vector<16xf32>
      %jit3A = arith.constant 1073741824 : i32
      %broadcast_in_dim3A = vector.broadcast %jit3A : i32 to vector<16xi32>
      %select_n3A = arith.select %eq3A_269, %get3A_243, %broadcast_in_dim3A : vector<16xi1>, vector<16xi32>
      %reduce_min3A_270 = arith.constant true
      %reduce_min3A_271 = vector.broadcast %reduce_min3A_270 : i1 to vector<16xi1>
      %reduce_min3A_272 = arith.constant -2147483648 : i32
      %reduce_min3A_273 = vector.broadcast %reduce_min3A_272 : i32 to vector<16xi32>
      %reduce_min3A_274 = arith.xori %select_n3A, %reduce_min3A_273 : vector<16xi32>
      %reduce_min3A_275 = tpu.scan <min>, %reduce_min3A_274 masked %reduce_min3A_271 : vector<16xi32>, vector<16xi1> -> vector<16xi32>
      %reduce_min3A_276 = arith.xori %reduce_min3A_275, %reduce_min3A_273 : vector<16xi32>
      %reduce_min3A_277 = vector.extract %reduce_min3A_276[15] : i32 from vector<16xi32>
      %eq3A_278 = vector.broadcast %reduce_min3A_267 : f32 to vector<16xf32>
      %eq3A_279 = arith.cmpf oeq, %get3A_264, %eq3A_278 : vector<16xf32>
      %jit3A_280 = arith.constant 1073741824 : i32
      %broadcast_in_dim3A_281 = vector.broadcast %jit3A_280 : i32 to vector<16xi32>
      %select_n3A_282 = arith.select %eq3A_279, %get3A_245, %broadcast_in_dim3A_281 : vector<16xi1>, vector<16xi32>
      %reduce_min3A_283 = arith.constant true
      %reduce_min3A_284 = vector.broadcast %reduce_min3A_283 : i1 to vector<16xi1>
      %reduce_min3A_285 = arith.constant -2147483648 : i32
      %reduce_min3A_286 = vector.broadcast %reduce_min3A_285 : i32 to vector<16xi32>
      %reduce_min3A_287 = arith.xori %select_n3A_282, %reduce_min3A_286 : vector<16xi32>
      %reduce_min3A_288 = tpu.scan <min>, %reduce_min3A_287 masked %reduce_min3A_284 : vector<16xi32>, vector<16xi1> -> vector<16xi32>
      %reduce_min3A_289 = arith.xori %reduce_min3A_288, %reduce_min3A_286 : vector<16xi32>
      %reduce_min3A_290 = vector.extract %reduce_min3A_289[15] : i32 from vector<16xi32>
      %min3A_291 = arith.minsi %reduce_min3A_277, %reduce_min3A_290 : i32
      %eq3A_292 = vector.broadcast %reduce_min3A_267 : f32 to vector<16xf32>
      %eq3A_293 = arith.cmpf oeq, %get3A_262, %eq3A_292 : vector<16xf32>
      %eq3A_294 = vector.broadcast %min3A_291 : i32 to vector<16xi32>
      %eq3A_295 = arith.cmpi eq, %get3A_243, %eq3A_294 : vector<16xi32>
      %and3A = arith.andi %eq3A_293, %eq3A_295 : vector<16xi1>
      %eq3A_296 = vector.broadcast %reduce_min3A_267 : f32 to vector<16xf32>
      %eq3A_297 = arith.cmpf oeq, %get3A_264, %eq3A_296 : vector<16xf32>
      %eq3A_298 = vector.broadcast %min3A_291 : i32 to vector<16xi32>
      %eq3A_299 = arith.cmpi eq, %get3A_245, %eq3A_298 : vector<16xi32>
      %and3A_300 = arith.andi %eq3A_297, %eq3A_299 : vector<16xi1>
      %jit3A_301 = arith.constant 1073741824 : i32
      %broadcast_in_dim3A_302 = vector.broadcast %jit3A_301 : i32 to vector<16xi32>
      %select_n3A_303 = arith.select %and3A, %get3A_239, %broadcast_in_dim3A_302 : vector<16xi1>, vector<16xi32>
      %reduce_min3A_304 = arith.constant true
      %reduce_min3A_305 = vector.broadcast %reduce_min3A_304 : i1 to vector<16xi1>
      %reduce_min3A_306 = arith.constant -2147483648 : i32
      %reduce_min3A_307 = vector.broadcast %reduce_min3A_306 : i32 to vector<16xi32>
      %reduce_min3A_308 = arith.xori %select_n3A_303, %reduce_min3A_307 : vector<16xi32>
      %reduce_min3A_309 = tpu.scan <min>, %reduce_min3A_308 masked %reduce_min3A_305 : vector<16xi32>, vector<16xi1> -> vector<16xi32>
      %reduce_min3A_310 = arith.xori %reduce_min3A_309, %reduce_min3A_307 : vector<16xi32>
      %reduce_min3A_311 = vector.extract %reduce_min3A_310[15] : i32 from vector<16xi32>
      %jit3A_312 = arith.constant 1073741824 : i32
      %broadcast_in_dim3A_313 = vector.broadcast %jit3A_312 : i32 to vector<16xi32>
      %select_n3A_314 = arith.select %and3A_300, %get3A_241, %broadcast_in_dim3A_313 : vector<16xi1>, vector<16xi32>
      %reduce_min3A_315 = arith.constant true
      %reduce_min3A_316 = vector.broadcast %reduce_min3A_315 : i1 to vector<16xi1>
      %reduce_min3A_317 = arith.constant -2147483648 : i32
      %reduce_min3A_318 = vector.broadcast %reduce_min3A_317 : i32 to vector<16xi32>
      %reduce_min3A_319 = arith.xori %select_n3A_314, %reduce_min3A_318 : vector<16xi32>
      %reduce_min3A_320 = tpu.scan <min>, %reduce_min3A_319 masked %reduce_min3A_316 : vector<16xi32>, vector<16xi1> -> vector<16xi32>
      %reduce_min3A_321 = arith.xori %reduce_min3A_320, %reduce_min3A_318 : vector<16xi32>
      %reduce_min3A_322 = vector.extract %reduce_min3A_321[15] : i32 from vector<16xi32>
      %min3A_323 = arith.minsi %reduce_min3A_311, %reduce_min3A_322 : i32
      %add3A_324 = arith.constant 30 : i32
      %add3A_325 = arith.addi %add3A_324, %scan3A_259 : i32
      %broadcast_in_dim3A_326 = vector.broadcast %add3A_325 : i32 to vector<16xi32>
      %broadcast_in_dim3A_327 = vector.broadcast %min3A_323 : i32 to vector<16xi32>
      tpu.vector_store_idx %arg22[%broadcast_in_dim3A_326], %broadcast_in_dim3A_327 masked %eq3A_4 : memref<40xi32, #tpu.memory_space<vmem>>[vector<16xi32>], vector<16xi32>, vector<16xi1>
      %broadcast_in_dim3A_328 = vector.broadcast %reduce_min3A_267 : f32 to vector<16xf32>
      tpu.vector_store_idx %arg23[%broadcast_in_dim3A_326], %broadcast_in_dim3A_328 masked %eq3A_4 : memref<40xf32, #tpu.memory_space<vmem>>[vector<16xi32>], vector<16xf32>, vector<16xi1>
      %jit3A_329 = arith.constant 0x7F800000 : f32
      %broadcast_in_dim3A_330 = vector.broadcast %jit3A_329 : f32 to vector<16xf32>
      %select_n3A_331 = arith.select %and3A, %broadcast_in_dim3A_330, %get3A_262 : vector<16xi1>, vector<16xf32>
      %swap3A = arith.constant 0 : index
      %swap3A_332 = tpu.vector_load %arg21[%swap3A] {strides = array<i32>} : memref<32xf32, #tpu.memory_space<vmem>>, vector<16xf32>,
      tpu.vector_store %arg21[%swap3A], %select_n3A_331 {strides = array<i32>} : memref<32xf32, #tpu.memory_space<vmem>>, vector<16xf32>,
      %jit3A_333 = arith.constant 0x7F800000 : f32
      %broadcast_in_dim3A_334 = vector.broadcast %jit3A_333 : f32 to vector<16xf32>
      %select_n3A_335 = arith.select %and3A_300, %broadcast_in_dim3A_334, %get3A_264 : vector<16xi1>, vector<16xf32>
      %swap3A_336 = arith.constant 16 : index
      %swap3A_337 = tpu.vector_load %arg21[%swap3A_336] {strides = array<i32>} : memref<32xf32, #tpu.memory_space<vmem>>, vector<16xf32>,
      tpu.vector_store %arg21[%swap3A_336], %select_n3A_335 {strides = array<i32>} : memref<32xf32, #tpu.memory_space<vmem>>, vector<16xf32>,
      %scan3A_338 = arith.constant 0 : i32
      scf.yield %scan3A_338 : i32
    }
    %scan3A_252 = arith.constant 10 : i32
    %mul3A_253 = arith.constant 10 : i32
    %mul3A_254 = arith.muli %mul3A_2, %mul3A_253 : i32
    "tpu.region"() ({
      %run_scoped3A = tpu.sem_alloc : memref<!tpu.dma_semaphore, #tpu.memory_space<semaphore_mem>>
      %dma_start3A_259 = tpu.memref_slice %arg9[%mul3A_254] : memref<1280xi32, #tpu.memory_space<hbm>> -> memref<40xi32, #tpu.memory_space<hbm>>
      %dma_start3A_260 = tpu.memref_slice %arg9[%mul3A_254] : memref<1280xi32, #tpu.memory_space<hbm>> -> memref<40xi32, #tpu.memory_space<hbm>>
      tpu.enqueue_dma source(%arg22 : memref<40xi32, #tpu.memory_space<vmem>>) target(%dma_start3A_260 : memref<40xi32, #tpu.memory_space<hbm>>) target_semaphore(%run_scoped3A : memref<!tpu.dma_semaphore, #tpu.memory_space<semaphore_mem>>)
      %dma_wait3A_261 = tpu.memref_slice %arg9[%mul3A_254] : memref<1280xi32, #tpu.memory_space<hbm>> -> memref<40xi32, #tpu.memory_space<hbm>>
      %dma_wait3A_262 = tpu.memref_slice %arg9[%mul3A_254] : memref<1280xi32, #tpu.memory_space<hbm>> -> memref<40xi32, #tpu.memory_space<hbm>>
      tpu.wait_dma2 semaphore(%run_scoped3A : memref<!tpu.dma_semaphore, #tpu.memory_space<semaphore_mem>>) src(%arg22 : memref<40xi32, #tpu.memory_space<vmem>>) dst(%dma_wait3A_262 : memref<40xi32, #tpu.memory_space<hbm>>)
      tpu.yield
    }) : () -> ()
    %mul3A_255 = arith.constant 10 : i32
    %mul3A_256 = arith.muli %mul3A_2, %mul3A_255 : i32
    "tpu.region"() ({
      %run_scoped3A = tpu.sem_alloc : memref<!tpu.dma_semaphore, #tpu.memory_space<semaphore_mem>>
      %dma_start3A_259 = tpu.memref_slice %arg10[%mul3A_256] : memref<1280xf32, #tpu.memory_space<hbm>> -> memref<40xf32, #tpu.memory_space<hbm>>
      %dma_start3A_260 = tpu.memref_slice %arg10[%mul3A_256] : memref<1280xf32, #tpu.memory_space<hbm>> -> memref<40xf32, #tpu.memory_space<hbm>>
      tpu.enqueue_dma source(%arg23 : memref<40xf32, #tpu.memory_space<vmem>>) target(%dma_start3A_260 : memref<40xf32, #tpu.memory_space<hbm>>) target_semaphore(%run_scoped3A : memref<!tpu.dma_semaphore, #tpu.memory_space<semaphore_mem>>)
      %dma_wait3A_261 = tpu.memref_slice %arg10[%mul3A_256] : memref<1280xf32, #tpu.memory_space<hbm>> -> memref<40xf32, #tpu.memory_space<hbm>>
      %dma_wait3A_262 = tpu.memref_slice %arg10[%mul3A_256] : memref<1280xf32, #tpu.memory_space<hbm>> -> memref<40xf32, #tpu.memory_space<hbm>>
      tpu.wait_dma2 semaphore(%run_scoped3A : memref<!tpu.dma_semaphore, #tpu.memory_space<semaphore_mem>>) src(%arg23 : memref<40xf32, #tpu.memory_space<vmem>>) dst(%dma_wait3A_262 : memref<40xf32, #tpu.memory_space<hbm>>)
      tpu.yield
    }) : () -> ()
    %lt3A = arith.constant 16 : i32
    %lt3A_257 = arith.cmpi slt, %add3A, %lt3A : i32
    %convert_element_type3A = arith.extui %lt3A_257 : i1 to i32
    %cond3A = arith.constant 0 : i32
    %cond3A_258 = arith.cmpi ne, %convert_element_type3A, %cond3A : i32
    scf.if %cond3A_258 {
      %mul3A_259 = arith.constant 8 : i32
      %mul3A_260 = arith.muli %add3A, %mul3A_259 : i32
      "tpu.region"() ({
        %run_scoped3A = tpu.sem_alloc : memref<!tpu.dma_semaphore, #tpu.memory_space<semaphore_mem>>
        %dma_start3A_661 = tpu.memref_slice %arg6[%mul3A_260] : memref<128xi32, #tpu.memory_space<hbm>> -> memref<8xi32, #tpu.memory_space<hbm>>
        %dma_start3A_662 = tpu.memref_slice %arg6[%mul3A_260] : memref<128xi32, #tpu.memory_space<hbm>> -> memref<8xi32, #tpu.memory_space<hbm>>
        tpu.enqueue_dma source(%dma_start3A_662 : memref<8xi32, #tpu.memory_space<hbm>>) target(%arg24 : memref<8xi32, #tpu.memory_space<vmem>>) target_semaphore(%run_scoped3A : memref<!tpu.dma_semaphore, #tpu.memory_space<semaphore_mem>>)
        %dma_wait3A_663 = tpu.memref_slice %arg6[%mul3A_260] : memref<128xi32, #tpu.memory_space<hbm>> -> memref<8xi32, #tpu.memory_space<hbm>>
        %dma_wait3A_664 = tpu.memref_slice %arg6[%mul3A_260] : memref<128xi32, #tpu.memory_space<hbm>> -> memref<8xi32, #tpu.memory_space<hbm>>
        tpu.wait_dma2 semaphore(%run_scoped3A : memref<!tpu.dma_semaphore, #tpu.memory_space<semaphore_mem>>) src(%dma_wait3A_664 : memref<8xi32, #tpu.memory_space<hbm>>) dst(%arg24 : memref<8xi32, #tpu.memory_space<vmem>>)
        tpu.yield
      }) : () -> ()
      %dma_start3A_261 = arith.constant 0 : i32
      %dma_start3A_262 = arith.constant 0 : i32
      %dma_start3A_263 = tpu.memref_slice %arg5[%dma_start3A_261, %dma_start3A_262] : memref<5000x128xf32, #tpu.memory_space<hbm>> -> memref<5000x128xf32, #tpu.memory_space<hbm>>
      tpu.enqueue_indirect_dma source(%dma_start3A_263 : memref<5000x128xf32, #tpu.memory_space<hbm>>) target(%arg25 : memref<8x128xf32, #tpu.memory_space<vmem>>) offsets(%arg24 : memref<8xi32, #tpu.memory_space<vmem>>) semaphore(%arg31 : memref<!tpu.dma_semaphore, #tpu.memory_space<semaphore_mem>>)
      %dma_wait3A_264 = arith.constant 0 : i32
      %dma_wait3A_265 = arith.constant 0 : i32
      %dma_wait3A_266 = tpu.memref_slice %arg5[%dma_wait3A_264, %dma_wait3A_265] : memref<5000x128xf32, #tpu.memory_space<hbm>> -> memref<5000x128xf32, #tpu.memory_space<hbm>>
      tpu.wait_indirect_dma semaphore(%arg31 : memref<!tpu.dma_semaphore, #tpu.memory_space<semaphore_mem>>) src(%dma_wait3A_266 : memref<5000x128xf32, #tpu.memory_space<hbm>>) dst(%arg25 : memref<8x128xf32, #tpu.memory_space<vmem>>)
      %mul3A_267 = arith.constant 8 : i32
      %mul3A_268 = arith.muli %add3A, %mul3A_267 : i32
      "tpu.region"() ({
        %run_scoped3A = tpu.sem_alloc : memref<!tpu.dma_semaphore, #tpu.memory_space<semaphore_mem>>
        %dma_start3A_661 = arith.constant 0 : i32
        %dma_start3A_662 = tpu.memref_slice %arg8[%mul3A_268, %dma_start3A_661] : memref<128x64xf32, #tpu.memory_space<hbm>> -> memref<8x64xf32, #tpu.memory_space<hbm>>
        %dma_start3A_663 = arith.constant 0 : i32
        %dma_start3A_664 = tpu.memref_slice %arg8[%mul3A_268, %dma_start3A_663] : memref<128x64xf32, #tpu.memory_space<hbm>> -> memref<8x64xf32, #tpu.memory_space<hbm>>
        tpu.enqueue_dma source(%dma_start3A_664 : memref<8x64xf32, #tpu.memory_space<hbm>>) target(%arg26 : memref<8x64xf32, #tpu.memory_space<vmem>>) target_semaphore(%run_scoped3A : memref<!tpu.dma_semaphore, #tpu.memory_space<semaphore_mem>>)
        %dma_wait3A_665 = arith.constant 0 : i32
        %dma_wait3A_666 = tpu.memref_slice %arg8[%mul3A_268, %dma_wait3A_665] : memref<128x64xf32, #tpu.memory_space<hbm>> -> memref<8x64xf32, #tpu.memory_space<hbm>>
        %dma_wait3A_667 = arith.constant 0 : i32
        %dma_wait3A_668 = tpu.memref_slice %arg8[%mul3A_268, %dma_wait3A_667] : memref<128x64xf32, #tpu.memory_space<hbm>> -> memref<8x64xf32, #tpu.memory_space<hbm>>
        tpu.wait_dma2 semaphore(%run_scoped3A : memref<!tpu.dma_semaphore, #tpu.memory_space<semaphore_mem>>) src(%dma_wait3A_668 : memref<8x64xf32, #tpu.memory_space<hbm>>) dst(%arg26 : memref<8x64xf32, #tpu.memory_space<vmem>>)
        tpu.yield
      }) : () -> ()
      %broadcast_in_dim3A = arith.constant 0.000000e+00 : f32
      %broadcast_in_dim3A_269 = vector.broadcast %broadcast_in_dim3A : f32 to vector<16xf32>
      %get3A_270 = arith.constant 0 : i32
      %get3A_271 = arith.index_cast %get3A_270 : i32 to index
      %get3A_272 = arith.constant 0 : index
      %get3A_273 = tpu.vector_load %arg26[%get3A_271, %get3A_272] {strides = array<i32>} : memref<8x64xf32, #tpu.memory_space<vmem>>, vector<16xf32>,
      %get3A_274 = arith.constant 0 : i32
      %get3A_275 = arith.index_cast %get3A_274 : i32 to index
      %get3A_276 = arith.constant 0 : index
      %get3A_277 = tpu.vector_load %arg25[%get3A_275, %get3A_276] {strides = array<i32>} : memref<8x128xf32, #tpu.memory_space<vmem>>, vector<16xf32>,
      %mul3A_278 = arith.mulf %get3A_273, %get3A_277 : vector<16xf32>
      %add3A_279 = arith.addf %broadcast_in_dim3A_269, %mul3A_278 : vector<16xf32>
      %get3A_280 = arith.constant 0 : i32
      %get3A_281 = arith.index_cast %get3A_280 : i32 to index
      %get3A_282 = arith.constant 16 : index
      %get3A_283 = tpu.vector_load %arg26[%get3A_281, %get3A_282] {strides = array<i32>} : memref<8x64xf32, #tpu.memory_space<vmem>>, vector<16xf32>,
      %get3A_284 = arith.constant 0 : i32
      %get3A_285 = arith.index_cast %get3A_284 : i32 to index
      %get3A_286 = arith.constant 16 : index
      %get3A_287 = tpu.vector_load %arg25[%get3A_285, %get3A_286] {strides = array<i32>} : memref<8x128xf32, #tpu.memory_space<vmem>>, vector<16xf32>,
      %mul3A_288 = arith.mulf %get3A_283, %get3A_287 : vector<16xf32>
      %add3A_289 = arith.addf %add3A_279, %mul3A_288 : vector<16xf32>
      %get3A_290 = arith.constant 0 : i32
      %get3A_291 = arith.index_cast %get3A_290 : i32 to index
      %get3A_292 = arith.constant 32 : index
      %get3A_293 = tpu.vector_load %arg26[%get3A_291, %get3A_292] {strides = array<i32>} : memref<8x64xf32, #tpu.memory_space<vmem>>, vector<16xf32>,
      %get3A_294 = arith.constant 0 : i32
      %get3A_295 = arith.index_cast %get3A_294 : i32 to index
      %get3A_296 = arith.constant 32 : index
      %get3A_297 = tpu.vector_load %arg25[%get3A_295, %get3A_296] {strides = array<i32>} : memref<8x128xf32, #tpu.memory_space<vmem>>, vector<16xf32>,
      %mul3A_298 = arith.mulf %get3A_293, %get3A_297 : vector<16xf32>
      %add3A_299 = arith.addf %add3A_289, %mul3A_298 : vector<16xf32>
      %get3A_300 = arith.constant 0 : i32
      %get3A_301 = arith.index_cast %get3A_300 : i32 to index
      %get3A_302 = arith.constant 48 : index
      %get3A_303 = tpu.vector_load %arg26[%get3A_301, %get3A_302] {strides = array<i32>} : memref<8x64xf32, #tpu.memory_space<vmem>>, vector<16xf32>,
      %get3A_304 = arith.constant 0 : i32
      %get3A_305 = arith.index_cast %get3A_304 : i32 to index
      %get3A_306 = arith.constant 48 : index
      %get3A_307 = tpu.vector_load %arg25[%get3A_305, %get3A_306] {strides = array<i32>} : memref<8x128xf32, #tpu.memory_space<vmem>>, vector<16xf32>,
      %mul3A_308 = arith.mulf %get3A_303, %get3A_307 : vector<16xf32>
      %add3A_309 = arith.addf %add3A_299, %mul3A_308 : vector<16xf32>
      %broadcast_in_dim3A_310 = arith.constant 0 : i32
      %broadcast_in_dim3A_311 = vector.broadcast %broadcast_in_dim3A_310 : i32 to vector<16xi32>
      %reduce_sum3A = arith.constant true
      %reduce_sum3A_312 = vector.broadcast %reduce_sum3A : i1 to vector<16xi1>
      %reduce_sum3A_313 = tpu.scan <sum>, %add3A_309 masked %reduce_sum3A_312 : vector<16xf32>, vector<16xi1> -> vector<16xf32>
      %reduce_sum3A_314 = vector.extract %reduce_sum3A_313[15] : f32 from vector<16xf32>
      %broadcast_in_dim3A_315 = vector.broadcast %reduce_sum3A_314 : f32 to vector<16xf32>
      tpu.vector_store_idx %arg27[%broadcast_in_dim3A_311], %broadcast_in_dim3A_315 masked %eq3A_4 : memref<8xf32, #tpu.memory_space<vmem>>[vector<16xi32>], vector<16xf32>, vector<16xi1>
      %broadcast_in_dim3A_316 = arith.constant 0.000000e+00 : f32
      %broadcast_in_dim3A_317 = vector.broadcast %broadcast_in_dim3A_316 : f32 to vector<16xf32>
      %get3A_318 = arith.constant 1 : i32
      %get3A_319 = arith.index_cast %get3A_318 : i32 to index
      %get3A_320 = arith.constant 0 : index
      %get3A_321 = tpu.vector_load %arg26[%get3A_319, %get3A_320] {strides = array<i32>} : memref<8x64xf32, #tpu.memory_space<vmem>>, vector<16xf32>,
      %get3A_322 = arith.constant 1 : i32
      %get3A_323 = arith.index_cast %get3A_322 : i32 to index
      %get3A_324 = arith.constant 0 : index
      %get3A_325 = tpu.vector_load %arg25[%get3A_323, %get3A_324] {strides = array<i32>} : memref<8x128xf32, #tpu.memory_space<vmem>>, vector<16xf32>,
      %mul3A_326 = arith.mulf %get3A_321, %get3A_325 : vector<16xf32>
      %add3A_327 = arith.addf %broadcast_in_dim3A_317, %mul3A_326 : vector<16xf32>
      %get3A_328 = arith.constant 1 : i32
      %get3A_329 = arith.index_cast %get3A_328 : i32 to index
      %get3A_330 = arith.constant 16 : index
      %get3A_331 = tpu.vector_load %arg26[%get3A_329, %get3A_330] {strides = array<i32>} : memref<8x64xf32, #tpu.memory_space<vmem>>, vector<16xf32>,
      %get3A_332 = arith.constant 1 : i32
      %get3A_333 = arith.index_cast %get3A_332 : i32 to index
      %get3A_334 = arith.constant 16 : index
      %get3A_335 = tpu.vector_load %arg25[%get3A_333, %get3A_334] {strides = array<i32>} : memref<8x128xf32, #tpu.memory_space<vmem>>, vector<16xf32>,
      %mul3A_336 = arith.mulf %get3A_331, %get3A_335 : vector<16xf32>
      %add3A_337 = arith.addf %add3A_327, %mul3A_336 : vector<16xf32>
      %get3A_338 = arith.constant 1 : i32
      %get3A_339 = arith.index_cast %get3A_338 : i32 to index
      %get3A_340 = arith.constant 32 : index
      %get3A_341 = tpu.vector_load %arg26[%get3A_339, %get3A_340] {strides = array<i32>} : memref<8x64xf32, #tpu.memory_space<vmem>>, vector<16xf32>,
      %get3A_342 = arith.constant 1 : i32
      %get3A_343 = arith.index_cast %get3A_342 : i32 to index
      %get3A_344 = arith.constant 32 : index
      %get3A_345 = tpu.vector_load %arg25[%get3A_343, %get3A_344] {strides = array<i32>} : memref<8x128xf32, #tpu.memory_space<vmem>>, vector<16xf32>,
      %mul3A_346 = arith.mulf %get3A_341, %get3A_345 : vector<16xf32>
      %add3A_347 = arith.addf %add3A_337, %mul3A_346 : vector<16xf32>
      %get3A_348 = arith.constant 1 : i32
      %get3A_349 = arith.index_cast %get3A_348 : i32 to index
      %get3A_350 = arith.constant 48 : index
      %get3A_351 = tpu.vector_load %arg26[%get3A_349, %get3A_350] {strides = array<i32>} : memref<8x64xf32, #tpu.memory_space<vmem>>, vector<16xf32>,
      %get3A_352 = arith.constant 1 : i32
      %get3A_353 = arith.index_cast %get3A_352 : i32 to index
      %get3A_354 = arith.constant 48 : index
      %get3A_355 = tpu.vector_load %arg25[%get3A_353, %get3A_354] {strides = array<i32>} : memref<8x128xf32, #tpu.memory_space<vmem>>, vector<16xf32>,
      %mul3A_356 = arith.mulf %get3A_351, %get3A_355 : vector<16xf32>
      %add3A_357 = arith.addf %add3A_347, %mul3A_356 : vector<16xf32>
      %broadcast_in_dim3A_358 = arith.constant 1 : i32
      %broadcast_in_dim3A_359 = vector.broadcast %broadcast_in_dim3A_358 : i32 to vector<16xi32>
      %reduce_sum3A_360 = arith.constant true
      %reduce_sum3A_361 = vector.broadcast %reduce_sum3A_360 : i1 to vector<16xi1>
      %reduce_sum3A_362 = tpu.scan <sum>, %add3A_357 masked %reduce_sum3A_361 : vector<16xf32>, vector<16xi1> -> vector<16xf32>
      %reduce_sum3A_363 = vector.extract %reduce_sum3A_362[15] : f32 from vector<16xf32>
      %broadcast_in_dim3A_364 = vector.broadcast %reduce_sum3A_363 : f32 to vector<16xf32>
      tpu.vector_store_idx %arg27[%broadcast_in_dim3A_359], %broadcast_in_dim3A_364 masked %eq3A_4 : memref<8xf32, #tpu.memory_space<vmem>>[vector<16xi32>], vector<16xf32>, vector<16xi1>
      %broadcast_in_dim3A_365 = arith.constant 0.000000e+00 : f32
      %broadcast_in_dim3A_366 = vector.broadcast %broadcast_in_dim3A_365 : f32 to vector<16xf32>
      %get3A_367 = arith.constant 2 : i32
      %get3A_368 = arith.index_cast %get3A_367 : i32 to index
      %get3A_369 = arith.constant 0 : index
      %get3A_370 = tpu.vector_load %arg26[%get3A_368, %get3A_369] {strides = array<i32>} : memref<8x64xf32, #tpu.memory_space<vmem>>, vector<16xf32>,
      %get3A_371 = arith.constant 2 : i32
      %get3A_372 = arith.index_cast %get3A_371 : i32 to index
      %get3A_373 = arith.constant 0 : index
      %get3A_374 = tpu.vector_load %arg25[%get3A_372, %get3A_373] {strides = array<i32>} : memref<8x128xf32, #tpu.memory_space<vmem>>, vector<16xf32>,
      %mul3A_375 = arith.mulf %get3A_370, %get3A_374 : vector<16xf32>
      %add3A_376 = arith.addf %broadcast_in_dim3A_366, %mul3A_375 : vector<16xf32>
      %get3A_377 = arith.constant 2 : i32
      %get3A_378 = arith.index_cast %get3A_377 : i32 to index
      %get3A_379 = arith.constant 16 : index
      %get3A_380 = tpu.vector_load %arg26[%get3A_378, %get3A_379] {strides = array<i32>} : memref<8x64xf32, #tpu.memory_space<vmem>>, vector<16xf32>,
      %get3A_381 = arith.constant 2 : i32
      %get3A_382 = arith.index_cast %get3A_381 : i32 to index
      %get3A_383 = arith.constant 16 : index
      %get3A_384 = tpu.vector_load %arg25[%get3A_382, %get3A_383] {strides = array<i32>} : memref<8x128xf32, #tpu.memory_space<vmem>>, vector<16xf32>,
      %mul3A_385 = arith.mulf %get3A_380, %get3A_384 : vector<16xf32>
      %add3A_386 = arith.addf %add3A_376, %mul3A_385 : vector<16xf32>
      %get3A_387 = arith.constant 2 : i32
      %get3A_388 = arith.index_cast %get3A_387 : i32 to index
      %get3A_389 = arith.constant 32 : index
      %get3A_390 = tpu.vector_load %arg26[%get3A_388, %get3A_389] {strides = array<i32>} : memref<8x64xf32, #tpu.memory_space<vmem>>, vector<16xf32>,
      %get3A_391 = arith.constant 2 : i32
      %get3A_392 = arith.index_cast %get3A_391 : i32 to index
      %get3A_393 = arith.constant 32 : index
      %get3A_394 = tpu.vector_load %arg25[%get3A_392, %get3A_393] {strides = array<i32>} : memref<8x128xf32, #tpu.memory_space<vmem>>, vector<16xf32>,
      %mul3A_395 = arith.mulf %get3A_390, %get3A_394 : vector<16xf32>
      %add3A_396 = arith.addf %add3A_386, %mul3A_395 : vector<16xf32>
      %get3A_397 = arith.constant 2 : i32
      %get3A_398 = arith.index_cast %get3A_397 : i32 to index
      %get3A_399 = arith.constant 48 : index
      %get3A_400 = tpu.vector_load %arg26[%get3A_398, %get3A_399] {strides = array<i32>} : memref<8x64xf32, #tpu.memory_space<vmem>>, vector<16xf32>,
      %get3A_401 = arith.constant 2 : i32
      %get3A_402 = arith.index_cast %get3A_401 : i32 to index
      %get3A_403 = arith.constant 48 : index
      %get3A_404 = tpu.vector_load %arg25[%get3A_402, %get3A_403] {strides = array<i32>} : memref<8x128xf32, #tpu.memory_space<vmem>>, vector<16xf32>,
      %mul3A_405 = arith.mulf %get3A_400, %get3A_404 : vector<16xf32>
      %add3A_406 = arith.addf %add3A_396, %mul3A_405 : vector<16xf32>
      %broadcast_in_dim3A_407 = arith.constant 2 : i32
      %broadcast_in_dim3A_408 = vector.broadcast %broadcast_in_dim3A_407 : i32 to vector<16xi32>
      %reduce_sum3A_409 = arith.constant true
      %reduce_sum3A_410 = vector.broadcast %reduce_sum3A_409 : i1 to vector<16xi1>
      %reduce_sum3A_411 = tpu.scan <sum>, %add3A_406 masked %reduce_sum3A_410 : vector<16xf32>, vector<16xi1> -> vector<16xf32>
      %reduce_sum3A_412 = vector.extract %reduce_sum3A_411[15] : f32 from vector<16xf32>
      %broadcast_in_dim3A_413 = vector.broadcast %reduce_sum3A_412 : f32 to vector<16xf32>
      tpu.vector_store_idx %arg27[%broadcast_in_dim3A_408], %broadcast_in_dim3A_413 masked %eq3A_4 : memref<8xf32, #tpu.memory_space<vmem>>[vector<16xi32>], vector<16xf32>, vector<16xi1>
      %broadcast_in_dim3A_414 = arith.constant 0.000000e+00 : f32
      %broadcast_in_dim3A_415 = vector.broadcast %broadcast_in_dim3A_414 : f32 to vector<16xf32>
      %get3A_416 = arith.constant 3 : i32
      %get3A_417 = arith.index_cast %get3A_416 : i32 to index
      %get3A_418 = arith.constant 0 : index
      %get3A_419 = tpu.vector_load %arg26[%get3A_417, %get3A_418] {strides = array<i32>} : memref<8x64xf32, #tpu.memory_space<vmem>>, vector<16xf32>,
      %get3A_420 = arith.constant 3 : i32
      %get3A_421 = arith.index_cast %get3A_420 : i32 to index
      %get3A_422 = arith.constant 0 : index
      %get3A_423 = tpu.vector_load %arg25[%get3A_421, %get3A_422] {strides = array<i32>} : memref<8x128xf32, #tpu.memory_space<vmem>>, vector<16xf32>,
      %mul3A_424 = arith.mulf %get3A_419, %get3A_423 : vector<16xf32>
      %add3A_425 = arith.addf %broadcast_in_dim3A_415, %mul3A_424 : vector<16xf32>
      %get3A_426 = arith.constant 3 : i32
      %get3A_427 = arith.index_cast %get3A_426 : i32 to index
      %get3A_428 = arith.constant 16 : index
      %get3A_429 = tpu.vector_load %arg26[%get3A_427, %get3A_428] {strides = array<i32>} : memref<8x64xf32, #tpu.memory_space<vmem>>, vector<16xf32>,
      %get3A_430 = arith.constant 3 : i32
      %get3A_431 = arith.index_cast %get3A_430 : i32 to index
      %get3A_432 = arith.constant 16 : index
      %get3A_433 = tpu.vector_load %arg25[%get3A_431, %get3A_432] {strides = array<i32>} : memref<8x128xf32, #tpu.memory_space<vmem>>, vector<16xf32>,
      %mul3A_434 = arith.mulf %get3A_429, %get3A_433 : vector<16xf32>
      %add3A_435 = arith.addf %add3A_425, %mul3A_434 : vector<16xf32>
      %get3A_436 = arith.constant 3 : i32
      %get3A_437 = arith.index_cast %get3A_436 : i32 to index
      %get3A_438 = arith.constant 32 : index
      %get3A_439 = tpu.vector_load %arg26[%get3A_437, %get3A_438] {strides = array<i32>} : memref<8x64xf32, #tpu.memory_space<vmem>>, vector<16xf32>,
      %get3A_440 = arith.constant 3 : i32
      %get3A_441 = arith.index_cast %get3A_440 : i32 to index
      %get3A_442 = arith.constant 32 : index
      %get3A_443 = tpu.vector_load %arg25[%get3A_441, %get3A_442] {strides = array<i32>} : memref<8x128xf32, #tpu.memory_space<vmem>>, vector<16xf32>,
      %mul3A_444 = arith.mulf %get3A_439, %get3A_443 : vector<16xf32>
      %add3A_445 = arith.addf %add3A_435, %mul3A_444 : vector<16xf32>
      %get3A_446 = arith.constant 3 : i32
      %get3A_447 = arith.index_cast %get3A_446 : i32 to index
      %get3A_448 = arith.constant 48 : index
      %get3A_449 = tpu.vector_load %arg26[%get3A_447, %get3A_448] {strides = array<i32>} : memref<8x64xf32, #tpu.memory_space<vmem>>, vector<16xf32>,
      %get3A_450 = arith.constant 3 : i32
      %get3A_451 = arith.index_cast %get3A_450 : i32 to index
      %get3A_452 = arith.constant 48 : index
      %get3A_453 = tpu.vector_load %arg25[%get3A_451, %get3A_452] {strides = array<i32>} : memref<8x128xf32, #tpu.memory_space<vmem>>, vector<16xf32>,
      %mul3A_454 = arith.mulf %get3A_449, %get3A_453 : vector<16xf32>
      %add3A_455 = arith.addf %add3A_445, %mul3A_454 : vector<16xf32>
      %broadcast_in_dim3A_456 = arith.constant 3 : i32
      %broadcast_in_dim3A_457 = vector.broadcast %broadcast_in_dim3A_456 : i32 to vector<16xi32>
      %reduce_sum3A_458 = arith.constant true
      %reduce_sum3A_459 = vector.broadcast %reduce_sum3A_458 : i1 to vector<16xi1>
      %reduce_sum3A_460 = tpu.scan <sum>, %add3A_455 masked %reduce_sum3A_459 : vector<16xf32>, vector<16xi1> -> vector<16xf32>
      %reduce_sum3A_461 = vector.extract %reduce_sum3A_460[15] : f32 from vector<16xf32>
      %broadcast_in_dim3A_462 = vector.broadcast %reduce_sum3A_461 : f32 to vector<16xf32>
      tpu.vector_store_idx %arg27[%broadcast_in_dim3A_457], %broadcast_in_dim3A_462 masked %eq3A_4 : memref<8xf32, #tpu.memory_space<vmem>>[vector<16xi32>], vector<16xf32>, vector<16xi1>
      %broadcast_in_dim3A_463 = arith.constant 0.000000e+00 : f32
      %broadcast_in_dim3A_464 = vector.broadcast %broadcast_in_dim3A_463 : f32 to vector<16xf32>
      %get3A_465 = arith.constant 4 : i32
      %get3A_466 = arith.index_cast %get3A_465 : i32 to index
      %get3A_467 = arith.constant 0 : index
      %get3A_468 = tpu.vector_load %arg26[%get3A_466, %get3A_467] {strides = array<i32>} : memref<8x64xf32, #tpu.memory_space<vmem>>, vector<16xf32>,
      %get3A_469 = arith.constant 4 : i32
      %get3A_470 = arith.index_cast %get3A_469 : i32 to index
      %get3A_471 = arith.constant 0 : index
      %get3A_472 = tpu.vector_load %arg25[%get3A_470, %get3A_471] {strides = array<i32>} : memref<8x128xf32, #tpu.memory_space<vmem>>, vector<16xf32>,
      %mul3A_473 = arith.mulf %get3A_468, %get3A_472 : vector<16xf32>
      %add3A_474 = arith.addf %broadcast_in_dim3A_464, %mul3A_473 : vector<16xf32>
      %get3A_475 = arith.constant 4 : i32
      %get3A_476 = arith.index_cast %get3A_475 : i32 to index
      %get3A_477 = arith.constant 16 : index
      %get3A_478 = tpu.vector_load %arg26[%get3A_476, %get3A_477] {strides = array<i32>} : memref<8x64xf32, #tpu.memory_space<vmem>>, vector<16xf32>,
      %get3A_479 = arith.constant 4 : i32
      %get3A_480 = arith.index_cast %get3A_479 : i32 to index
      %get3A_481 = arith.constant 16 : index
      %get3A_482 = tpu.vector_load %arg25[%get3A_480, %get3A_481] {strides = array<i32>} : memref<8x128xf32, #tpu.memory_space<vmem>>, vector<16xf32>,
      %mul3A_483 = arith.mulf %get3A_478, %get3A_482 : vector<16xf32>
      %add3A_484 = arith.addf %add3A_474, %mul3A_483 : vector<16xf32>
      %get3A_485 = arith.constant 4 : i32
      %get3A_486 = arith.index_cast %get3A_485 : i32 to index
      %get3A_487 = arith.constant 32 : index
      %get3A_488 = tpu.vector_load %arg26[%get3A_486, %get3A_487] {strides = array<i32>} : memref<8x64xf32, #tpu.memory_space<vmem>>, vector<16xf32>,
      %get3A_489 = arith.constant 4 : i32
      %get3A_490 = arith.index_cast %get3A_489 : i32 to index
      %get3A_491 = arith.constant 32 : index
      %get3A_492 = tpu.vector_load %arg25[%get3A_490, %get3A_491] {strides = array<i32>} : memref<8x128xf32, #tpu.memory_space<vmem>>, vector<16xf32>,
      %mul3A_493 = arith.mulf %get3A_488, %get3A_492 : vector<16xf32>
      %add3A_494 = arith.addf %add3A_484, %mul3A_493 : vector<16xf32>
      %get3A_495 = arith.constant 4 : i32
      %get3A_496 = arith.index_cast %get3A_495 : i32 to index
      %get3A_497 = arith.constant 48 : index
      %get3A_498 = tpu.vector_load %arg26[%get3A_496, %get3A_497] {strides = array<i32>} : memref<8x64xf32, #tpu.memory_space<vmem>>, vector<16xf32>,
      %get3A_499 = arith.constant 4 : i32
      %get3A_500 = arith.index_cast %get3A_499 : i32 to index
      %get3A_501 = arith.constant 48 : index
      %get3A_502 = tpu.vector_load %arg25[%get3A_500, %get3A_501] {strides = array<i32>} : memref<8x128xf32, #tpu.memory_space<vmem>>, vector<16xf32>,
      %mul3A_503 = arith.mulf %get3A_498, %get3A_502 : vector<16xf32>
      %add3A_504 = arith.addf %add3A_494, %mul3A_503 : vector<16xf32>
      %broadcast_in_dim3A_505 = arith.constant 4 : i32
      %broadcast_in_dim3A_506 = vector.broadcast %broadcast_in_dim3A_505 : i32 to vector<16xi32>
      %reduce_sum3A_507 = arith.constant true
      %reduce_sum3A_508 = vector.broadcast %reduce_sum3A_507 : i1 to vector<16xi1>
      %reduce_sum3A_509 = tpu.scan <sum>, %add3A_504 masked %reduce_sum3A_508 : vector<16xf32>, vector<16xi1> -> vector<16xf32>
      %reduce_sum3A_510 = vector.extract %reduce_sum3A_509[15] : f32 from vector<16xf32>
      %broadcast_in_dim3A_511 = vector.broadcast %reduce_sum3A_510 : f32 to vector<16xf32>
      tpu.vector_store_idx %arg27[%broadcast_in_dim3A_506], %broadcast_in_dim3A_511 masked %eq3A_4 : memref<8xf32, #tpu.memory_space<vmem>>[vector<16xi32>], vector<16xf32>, vector<16xi1>
      %broadcast_in_dim3A_512 = arith.constant 0.000000e+00 : f32
      %broadcast_in_dim3A_513 = vector.broadcast %broadcast_in_dim3A_512 : f32 to vector<16xf32>
      %get3A_514 = arith.constant 5 : i32
      %get3A_515 = arith.index_cast %get3A_514 : i32 to index
      %get3A_516 = arith.constant 0 : index
      %get3A_517 = tpu.vector_load %arg26[%get3A_515, %get3A_516] {strides = array<i32>} : memref<8x64xf32, #tpu.memory_space<vmem>>, vector<16xf32>,
      %get3A_518 = arith.constant 5 : i32
      %get3A_519 = arith.index_cast %get3A_518 : i32 to index
      %get3A_520 = arith.constant 0 : index
      %get3A_521 = tpu.vector_load %arg25[%get3A_519, %get3A_520] {strides = array<i32>} : memref<8x128xf32, #tpu.memory_space<vmem>>, vector<16xf32>,
      %mul3A_522 = arith.mulf %get3A_517, %get3A_521 : vector<16xf32>
      %add3A_523 = arith.addf %broadcast_in_dim3A_513, %mul3A_522 : vector<16xf32>
      %get3A_524 = arith.constant 5 : i32
      %get3A_525 = arith.index_cast %get3A_524 : i32 to index
      %get3A_526 = arith.constant 16 : index
      %get3A_527 = tpu.vector_load %arg26[%get3A_525, %get3A_526] {strides = array<i32>} : memref<8x64xf32, #tpu.memory_space<vmem>>, vector<16xf32>,
      %get3A_528 = arith.constant 5 : i32
      %get3A_529 = arith.index_cast %get3A_528 : i32 to index
      %get3A_530 = arith.constant 16 : index
      %get3A_531 = tpu.vector_load %arg25[%get3A_529, %get3A_530] {strides = array<i32>} : memref<8x128xf32, #tpu.memory_space<vmem>>, vector<16xf32>,
      %mul3A_532 = arith.mulf %get3A_527, %get3A_531 : vector<16xf32>
      %add3A_533 = arith.addf %add3A_523, %mul3A_532 : vector<16xf32>
      %get3A_534 = arith.constant 5 : i32
      %get3A_535 = arith.index_cast %get3A_534 : i32 to index
      %get3A_536 = arith.constant 32 : index
      %get3A_537 = tpu.vector_load %arg26[%get3A_535, %get3A_536] {strides = array<i32>} : memref<8x64xf32, #tpu.memory_space<vmem>>, vector<16xf32>,
      %get3A_538 = arith.constant 5 : i32
      %get3A_539 = arith.index_cast %get3A_538 : i32 to index
      %get3A_540 = arith.constant 32 : index
      %get3A_541 = tpu.vector_load %arg25[%get3A_539, %get3A_540] {strides = array<i32>} : memref<8x128xf32, #tpu.memory_space<vmem>>, vector<16xf32>,
      %mul3A_542 = arith.mulf %get3A_537, %get3A_541 : vector<16xf32>
      %add3A_543 = arith.addf %add3A_533, %mul3A_542 : vector<16xf32>
      %get3A_544 = arith.constant 5 : i32
      %get3A_545 = arith.index_cast %get3A_544 : i32 to index
      %get3A_546 = arith.constant 48 : index
      %get3A_547 = tpu.vector_load %arg26[%get3A_545, %get3A_546] {strides = array<i32>} : memref<8x64xf32, #tpu.memory_space<vmem>>, vector<16xf32>,
      %get3A_548 = arith.constant 5 : i32
      %get3A_549 = arith.index_cast %get3A_548 : i32 to index
      %get3A_550 = arith.constant 48 : index
      %get3A_551 = tpu.vector_load %arg25[%get3A_549, %get3A_550] {strides = array<i32>} : memref<8x128xf32, #tpu.memory_space<vmem>>, vector<16xf32>,
      %mul3A_552 = arith.mulf %get3A_547, %get3A_551 : vector<16xf32>
      %add3A_553 = arith.addf %add3A_543, %mul3A_552 : vector<16xf32>
      %broadcast_in_dim3A_554 = arith.constant 5 : i32
      %broadcast_in_dim3A_555 = vector.broadcast %broadcast_in_dim3A_554 : i32 to vector<16xi32>
      %reduce_sum3A_556 = arith.constant true
      %reduce_sum3A_557 = vector.broadcast %reduce_sum3A_556 : i1 to vector<16xi1>
      %reduce_sum3A_558 = tpu.scan <sum>, %add3A_553 masked %reduce_sum3A_557 : vector<16xf32>, vector<16xi1> -> vector<16xf32>
      %reduce_sum3A_559 = vector.extract %reduce_sum3A_558[15] : f32 from vector<16xf32>
      %broadcast_in_dim3A_560 = vector.broadcast %reduce_sum3A_559 : f32 to vector<16xf32>
      tpu.vector_store_idx %arg27[%broadcast_in_dim3A_555], %broadcast_in_dim3A_560 masked %eq3A_4 : memref<8xf32, #tpu.memory_space<vmem>>[vector<16xi32>], vector<16xf32>, vector<16xi1>
      %broadcast_in_dim3A_561 = arith.constant 0.000000e+00 : f32
      %broadcast_in_dim3A_562 = vector.broadcast %broadcast_in_dim3A_561 : f32 to vector<16xf32>
      %get3A_563 = arith.constant 6 : i32
      %get3A_564 = arith.index_cast %get3A_563 : i32 to index
      %get3A_565 = arith.constant 0 : index
      %get3A_566 = tpu.vector_load %arg26[%get3A_564, %get3A_565] {strides = array<i32>} : memref<8x64xf32, #tpu.memory_space<vmem>>, vector<16xf32>,
      %get3A_567 = arith.constant 6 : i32
      %get3A_568 = arith.index_cast %get3A_567 : i32 to index
      %get3A_569 = arith.constant 0 : index
      %get3A_570 = tpu.vector_load %arg25[%get3A_568, %get3A_569] {strides = array<i32>} : memref<8x128xf32, #tpu.memory_space<vmem>>, vector<16xf32>,
      %mul3A_571 = arith.mulf %get3A_566, %get3A_570 : vector<16xf32>
      %add3A_572 = arith.addf %broadcast_in_dim3A_562, %mul3A_571 : vector<16xf32>
      %get3A_573 = arith.constant 6 : i32
      %get3A_574 = arith.index_cast %get3A_573 : i32 to index
      %get3A_575 = arith.constant 16 : index
      %get3A_576 = tpu.vector_load %arg26[%get3A_574, %get3A_575] {strides = array<i32>} : memref<8x64xf32, #tpu.memory_space<vmem>>, vector<16xf32>,
      %get3A_577 = arith.constant 6 : i32
      %get3A_578 = arith.index_cast %get3A_577 : i32 to index
      %get3A_579 = arith.constant 16 : index
      %get3A_580 = tpu.vector_load %arg25[%get3A_578, %get3A_579] {strides = array<i32>} : memref<8x128xf32, #tpu.memory_space<vmem>>, vector<16xf32>,
      %mul3A_581 = arith.mulf %get3A_576, %get3A_580 : vector<16xf32>
      %add3A_582 = arith.addf %add3A_572, %mul3A_581 : vector<16xf32>
      %get3A_583 = arith.constant 6 : i32
      %get3A_584 = arith.index_cast %get3A_583 : i32 to index
      %get3A_585 = arith.constant 32 : index
      %get3A_586 = tpu.vector_load %arg26[%get3A_584, %get3A_585] {strides = array<i32>} : memref<8x64xf32, #tpu.memory_space<vmem>>, vector<16xf32>,
      %get3A_587 = arith.constant 6 : i32
      %get3A_588 = arith.index_cast %get3A_587 : i32 to index
      %get3A_589 = arith.constant 32 : index
      %get3A_590 = tpu.vector_load %arg25[%get3A_588, %get3A_589] {strides = array<i32>} : memref<8x128xf32, #tpu.memory_space<vmem>>, vector<16xf32>,
      %mul3A_591 = arith.mulf %get3A_586, %get3A_590 : vector<16xf32>
      %add3A_592 = arith.addf %add3A_582, %mul3A_591 : vector<16xf32>
      %get3A_593 = arith.constant 6 : i32
      %get3A_594 = arith.index_cast %get3A_593 : i32 to index
      %get3A_595 = arith.constant 48 : index
      %get3A_596 = tpu.vector_load %arg26[%get3A_594, %get3A_595] {strides = array<i32>} : memref<8x64xf32, #tpu.memory_space<vmem>>, vector<16xf32>,
      %get3A_597 = arith.constant 6 : i32
      %get3A_598 = arith.index_cast %get3A_597 : i32 to index
      %get3A_599 = arith.constant 48 : index
      %get3A_600 = tpu.vector_load %arg25[%get3A_598, %get3A_599] {strides = array<i32>} : memref<8x128xf32, #tpu.memory_space<vmem>>, vector<16xf32>,
      %mul3A_601 = arith.mulf %get3A_596, %get3A_600 : vector<16xf32>
      %add3A_602 = arith.addf %add3A_592, %mul3A_601 : vector<16xf32>
      %broadcast_in_dim3A_603 = arith.constant 6 : i32
      %broadcast_in_dim3A_604 = vector.broadcast %broadcast_in_dim3A_603 : i32 to vector<16xi32>
      %reduce_sum3A_605 = arith.constant true
      %reduce_sum3A_606 = vector.broadcast %reduce_sum3A_605 : i1 to vector<16xi1>
      %reduce_sum3A_607 = tpu.scan <sum>, %add3A_602 masked %reduce_sum3A_606 : vector<16xf32>, vector<16xi1> -> vector<16xf32>
      %reduce_sum3A_608 = vector.extract %reduce_sum3A_607[15] : f32 from vector<16xf32>
      %broadcast_in_dim3A_609 = vector.broadcast %reduce_sum3A_608 : f32 to vector<16xf32>
      tpu.vector_store_idx %arg27[%broadcast_in_dim3A_604], %broadcast_in_dim3A_609 masked %eq3A_4 : memref<8xf32, #tpu.memory_space<vmem>>[vector<16xi32>], vector<16xf32>, vector<16xi1>
      %broadcast_in_dim3A_610 = arith.constant 0.000000e+00 : f32
      %broadcast_in_dim3A_611 = vector.broadcast %broadcast_in_dim3A_610 : f32 to vector<16xf32>
      %get3A_612 = arith.constant 7 : i32
      %get3A_613 = arith.index_cast %get3A_612 : i32 to index
      %get3A_614 = arith.constant 0 : index
      %get3A_615 = tpu.vector_load %arg26[%get3A_613, %get3A_614] {strides = array<i32>} : memref<8x64xf32, #tpu.memory_space<vmem>>, vector<16xf32>,
      %get3A_616 = arith.constant 7 : i32
      %get3A_617 = arith.index_cast %get3A_616 : i32 to index
      %get3A_618 = arith.constant 0 : index
      %get3A_619 = tpu.vector_load %arg25[%get3A_617, %get3A_618] {strides = array<i32>} : memref<8x128xf32, #tpu.memory_space<vmem>>, vector<16xf32>,
      %mul3A_620 = arith.mulf %get3A_615, %get3A_619 : vector<16xf32>
      %add3A_621 = arith.addf %broadcast_in_dim3A_611, %mul3A_620 : vector<16xf32>
      %get3A_622 = arith.constant 7 : i32
      %get3A_623 = arith.index_cast %get3A_622 : i32 to index
      %get3A_624 = arith.constant 16 : index
      %get3A_625 = tpu.vector_load %arg26[%get3A_623, %get3A_624] {strides = array<i32>} : memref<8x64xf32, #tpu.memory_space<vmem>>, vector<16xf32>,
      %get3A_626 = arith.constant 7 : i32
      %get3A_627 = arith.index_cast %get3A_626 : i32 to index
      %get3A_628 = arith.constant 16 : index
      %get3A_629 = tpu.vector_load %arg25[%get3A_627, %get3A_628] {strides = array<i32>} : memref<8x128xf32, #tpu.memory_space<vmem>>, vector<16xf32>,
      %mul3A_630 = arith.mulf %get3A_625, %get3A_629 : vector<16xf32>
      %add3A_631 = arith.addf %add3A_621, %mul3A_630 : vector<16xf32>
      %get3A_632 = arith.constant 7 : i32
      %get3A_633 = arith.index_cast %get3A_632 : i32 to index
      %get3A_634 = arith.constant 32 : index
      %get3A_635 = tpu.vector_load %arg26[%get3A_633, %get3A_634] {strides = array<i32>} : memref<8x64xf32, #tpu.memory_space<vmem>>, vector<16xf32>,
      %get3A_636 = arith.constant 7 : i32
      %get3A_637 = arith.index_cast %get3A_636 : i32 to index
      %get3A_638 = arith.constant 32 : index
      %get3A_639 = tpu.vector_load %arg25[%get3A_637, %get3A_638] {strides = array<i32>} : memref<8x128xf32, #tpu.memory_space<vmem>>, vector<16xf32>,
      %mul3A_640 = arith.mulf %get3A_635, %get3A_639 : vector<16xf32>
      %add3A_641 = arith.addf %add3A_631, %mul3A_640 : vector<16xf32>
      %get3A_642 = arith.constant 7 : i32
      %get3A_643 = arith.index_cast %get3A_642 : i32 to index
      %get3A_644 = arith.constant 48 : index
      %get3A_645 = tpu.vector_load %arg26[%get3A_643, %get3A_644] {strides = array<i32>} : memref<8x64xf32, #tpu.memory_space<vmem>>, vector<16xf32>,
      %get3A_646 = arith.constant 7 : i32
      %get3A_647 = arith.index_cast %get3A_646 : i32 to index
      %get3A_648 = arith.constant 48 : index
      %get3A_649 = tpu.vector_load %arg25[%get3A_647, %get3A_648] {strides = array<i32>} : memref<8x128xf32, #tpu.memory_space<vmem>>, vector<16xf32>,
      %mul3A_650 = arith.mulf %get3A_645, %get3A_649 : vector<16xf32>
      %add3A_651 = arith.addf %add3A_641, %mul3A_650 : vector<16xf32>
      %broadcast_in_dim3A_652 = arith.constant 7 : i32
      %broadcast_in_dim3A_653 = vector.broadcast %broadcast_in_dim3A_652 : i32 to vector<16xi32>
      %reduce_sum3A_654 = arith.constant true
      %reduce_sum3A_655 = vector.broadcast %reduce_sum3A_654 : i1 to vector<16xi1>
      %reduce_sum3A_656 = tpu.scan <sum>, %add3A_651 masked %reduce_sum3A_655 : vector<16xf32>, vector<16xi1> -> vector<16xf32>
      %reduce_sum3A_657 = vector.extract %reduce_sum3A_656[15] : f32 from vector<16xf32>
      %broadcast_in_dim3A_658 = vector.broadcast %reduce_sum3A_657 : f32 to vector<16xf32>
      tpu.vector_store_idx %arg27[%broadcast_in_dim3A_653], %broadcast_in_dim3A_658 masked %eq3A_4 : memref<8xf32, #tpu.memory_space<vmem>>[vector<16xi32>], vector<16xf32>, vector<16xi1>
      %mul3A_659 = arith.constant 8 : i32
      %mul3A_660 = arith.muli %add3A, %mul3A_659 : i32
      "tpu.region"() ({
        %run_scoped3A = tpu.sem_alloc : memref<!tpu.dma_semaphore, #tpu.memory_space<semaphore_mem>>
        %dma_start3A_661 = tpu.memref_slice %arg11[%mul3A_660] : memref<128xf32, #tpu.memory_space<hbm>> -> memref<8xf32, #tpu.memory_space<hbm>>
        %dma_start3A_662 = tpu.memref_slice %arg11[%mul3A_660] : memref<128xf32, #tpu.memory_space<hbm>> -> memref<8xf32, #tpu.memory_space<hbm>>
        tpu.enqueue_dma source(%arg27 : memref<8xf32, #tpu.memory_space<vmem>>) target(%dma_start3A_662 : memref<8xf32, #tpu.memory_space<hbm>>) target_semaphore(%run_scoped3A : memref<!tpu.dma_semaphore, #tpu.memory_space<semaphore_mem>>)
        %dma_wait3A_663 = tpu.memref_slice %arg11[%mul3A_660] : memref<128xf32, #tpu.memory_space<hbm>> -> memref<8xf32, #tpu.memory_space<hbm>>
        %dma_wait3A_664 = tpu.memref_slice %arg11[%mul3A_660] : memref<128xf32, #tpu.memory_space<hbm>> -> memref<8xf32, #tpu.memory_space<hbm>>
        tpu.wait_dma2 semaphore(%run_scoped3A : memref<!tpu.dma_semaphore, #tpu.memory_space<semaphore_mem>>) src(%arg27 : memref<8xf32, #tpu.memory_space<vmem>>) dst(%dma_wait3A_664 : memref<8xf32, #tpu.memory_space<hbm>>)
        tpu.yield
      }) : () -> ()
    } else {
    }
    return
  }
}

module attributes {stable_mosaic.version = 14 : i64} {
  func.func @_score_body(%arg0: i32, %arg1: memref<128x768xf32, #tpu.memory_space<vmem>>, %arg2: memref<4096x768xf32, #tpu.memory_space<vmem>>, %arg3: memref<768x64xf32, #tpu.memory_space<vmem>>, %arg4: memref<128x4096xf32, #tpu.memory_space<vmem>>, %arg5: memref<128x64xf32, #tpu.memory_space<vmem>>) attributes {dimension_semantics = [#tpu.dimension_semantics<arbitrary>], iteration_bounds = array<i64: 13>, scalar_prefetch = 0 : i64, scratch_operands = 0 : i64, tpu.core_type = #tpu.core_type<tc>, window_params = [{pipeline_mode = #tpu.pipeline_mode<synchronous>, transform_indices = @transform_0, window_bounds = array<i64: 128, 768>}, {transform_indices = @transform_1, window_bounds = array<i64: 4096, 768>}, {pipeline_mode = #tpu.pipeline_mode<synchronous>, transform_indices = @transform_2, window_bounds = array<i64: 768, 64>}, {transform_indices = @transform_3, window_bounds = array<i64: 128, 4096>}, {pipeline_mode = #tpu.pipeline_mode<synchronous>, transform_indices = @transform_4, window_bounds = array<i64: 128, 64>}]} {
    %get3A = arith.constant 0 : index
    %get3A_0 = arith.constant 0 : index
    %get3A_1 = vector.load %arg2[%get3A, %get3A_0] : memref<4096x768xf32, #tpu.memory_space<vmem>>, vector<4096x768xf32>
    %get3A_2 = arith.constant 0 : index
    %get3A_3 = arith.constant 0 : index
    %get3A_4 = vector.load %arg1[%get3A_2, %get3A_3] : memref<128x768xf32, #tpu.memory_space<vmem>>, vector<128x768xf32>
    %dot_general3A = arith.constant dense<0.000000e+00> : vector<128x4096xf32>
    %dot_general3A_5 = tpu.matmul %get3A_4, %get3A_1, %dot_general3A {dimension_numbers = #tpu.dot_dimension_numbers<[1], [1], [0], [0], [0, 0, 1, 0], [], []>, transpose_lhs_hint = false} : vector<128x768xf32>, vector<4096x768xf32>, vector<128x4096xf32> -> vector<128x4096xf32>
    %broadcast_in_dim3A = arith.constant 1.000000e+00 : f32
    %broadcast_in_dim3A_6 = vector.broadcast %broadcast_in_dim3A : f32 to vector<1x768xf32>
    %mul3A = arith.mulf %get3A_1, %get3A_1 : vector<4096x768xf32>
    %dot_general3A_7 = arith.constant dense<0.000000e+00> : vector<1x4096xf32>
    %dot_general3A_8 = tpu.matmul %broadcast_in_dim3A_6, %mul3A, %dot_general3A_7 {dimension_numbers = #tpu.dot_dimension_numbers<[1], [1], [0], [0], [0, 0, 1, 0], [], []>, transpose_lhs_hint = false} : vector<1x768xf32>, vector<4096x768xf32>, vector<1x4096xf32> -> vector<1x4096xf32>
    %mul3A_9 = arith.constant 2.000000e+00 : f32
    %mul3A_10 = vector.broadcast %mul3A_9 : f32 to vector<128x4096xf32>
    %mul3A_11 = arith.mulf %mul3A_10, %dot_general3A_5 : vector<128x4096xf32>
    %sub3A = vector.broadcast %dot_general3A_8 : vector<1x4096xf32> to vector<128x4096xf32>
    %sub3A_12 = arith.subf %sub3A, %mul3A_11 : vector<128x4096xf32>
    %swap3A = arith.constant 0 : index
    %swap3A_13 = arith.constant 0 : index
    %swap3A_14 = vector.load %arg4[%swap3A, %swap3A_13] : memref<128x4096xf32, #tpu.memory_space<vmem>>, vector<128x4096xf32>
    tpu.vector_store %arg4[%swap3A, %swap3A_13], %sub3A_12 {strides = array<i32>} : memref<128x4096xf32, #tpu.memory_space<vmem>>, vector<128x4096xf32>,
    %eq3A = arith.constant 0 : i32
    %eq3A_15 = arith.cmpi eq, %arg0, %eq3A : i32
    %convert_element_type3A = arith.extui %eq3A_15 : i1 to i32
    %cond3A = arith.constant 0 : i32
    %cond3A_16 = arith.cmpi ne, %convert_element_type3A, %cond3A : i32
    scf.if %cond3A_16 {
      %get3A_17 = arith.constant 0 : index
      %get3A_18 = arith.constant 0 : index
      %get3A_19 = vector.load %arg1[%get3A_17, %get3A_18] : memref<128x768xf32, #tpu.memory_space<vmem>>, vector<128x768xf32>
      %get3A_20 = arith.constant 0 : index
      %get3A_21 = arith.constant 0 : index
      %get3A_22 = vector.load %arg3[%get3A_20, %get3A_21] : memref<768x64xf32, #tpu.memory_space<vmem>>, vector<768x64xf32>
      %dot_general3A_23 = arith.constant dense<0.000000e+00> : vector<128x64xf32>
      %dot_general3A_24 = tpu.matmul %get3A_19, %get3A_22, %dot_general3A_23 {dimension_numbers = #tpu.dot_dimension_numbers<[1], [0], [0], [1], [0, 0, 1, 1], [], []>, transpose_lhs_hint = false} : vector<128x768xf32>, vector<768x64xf32>, vector<128x64xf32> -> vector<128x64xf32>
      %swap3A_25 = arith.constant 0 : index
      %swap3A_26 = arith.constant 0 : index
      %swap3A_27 = vector.load %arg5[%swap3A_25, %swap3A_26] : memref<128x64xf32, #tpu.memory_space<vmem>>, vector<128x64xf32>
      tpu.vector_store %arg5[%swap3A_25, %swap3A_26], %dot_general3A_24 {strides = array<i32>} : memref<128x64xf32, #tpu.memory_space<vmem>>, vector<128x64xf32>,
    } else {
    }
    return
  }
  func.func @transform_0(%arg0: i32) -> (i32, i32) {
    %c0_i32 = arith.constant 0 : i32
    %c0_i32_0 = arith.constant 0 : i32
    %c0_i32_1 = arith.constant 0 : i32
    return %c0_i32, %c0_i32_0 : i32, i32
  }
  func.func @transform_1(%arg0: i32) -> (i32, i32) {
    %c0_i32 = arith.constant 0 : i32
    %c0_i32_0 = arith.constant 0 : i32
    return %arg0, %c0_i32 : i32, i32
  }
  func.func @transform_2(%arg0: i32) -> (i32, i32) {
    %c0_i32 = arith.constant 0 : i32
    %c0_i32_0 = arith.constant 0 : i32
    %c0_i32_1 = arith.constant 0 : i32
    return %c0_i32, %c0_i32_0 : i32, i32
  }
  func.func @transform_3(%arg0: i32) -> (i32, i32) {
    %c0_i32 = arith.constant 0 : i32
    %c0_i32_0 = arith.constant 0 : i32
    return %c0_i32, %arg0 : i32, i32
  }
  func.func @transform_4(%arg0: i32) -> (i32, i32) {
    %c0_i32 = arith.constant 0 : i32
    %c0_i32_0 = arith.constant 0 : i32
    %c0_i32_1 = arith.constant 0 : i32
    return %c0_i32, %c0_i32_0 : i32, i32
  }
}

</mosaic_0001>

<sc_bundles>
// kernel: kernel.4.cloned.1.call-start
scs
__scs_entry_jumppad:
0x0: {  	(pc) =	sbr.rel $0x88, $3  }
0x1: {  	(tag) =	ssettag $0x0;
	lr =	simm.s32 $0x1  }
0x2: {  	[smem:$0x3F9B] =	sst lr;
	_ =	strace $0xD0000000  }
0x3: {  	_ = 	snop  }
0x4: {  	_ = 	snop  }
0x5: {  	_ = 	snop  }
0x6: {  	_ = 	snop  }
0x7: {  	_ = 	snop  }
__scs_overlays_trampoline_lowered:
0x8: {  	[smem:$0x3FAA] =	sst s0  }
0x9: {  	[smem:$0x3FAB] =	sst s1  }
0xa: {  	[smem:$0x3FAC] =	sst s2  }
0xb: {  	[smem:$0x3FAD] =	sst s3  }
0xc: {  	[smem:$0x3FAE] =	sst s4  }
0xd: {  	[smem:$0x3FAF] =	sst s5  }
0xe: {  	[smem:$0x3FB0] =	sst s6  }
0xf: {  	[smem:$0x3FB1] =	sst s7  }
0x10: {  	[smem:$0x3FB2] =	sst s8  }
0x11: {  	[smem:$0x3FB3] =	sst s9;
	s0 =	simm.s32 @!p0 $0x0  }
0x12: {  	s1 =	sld [smem:$0x3F99];
	s0 =	simm.s32 @p0 $0x1  }
0x13: {  	[smem:$0x3FB4] =	sst s0;
	s0 =	simm.s32 @!p1 $0x0  }
0x14: {  	s2 =	sld [smem:$0x3F98];
	s0 =	simm.s32 @p1 $0x1  }
0x15: {  	[smem:$0x3FB5] =	sst s0;
	s0 =	simm.s32 @!p2 $0x0  }
0x16: {  	s3 =	sld [smem:$0x3FDB];
	s0 =	simm.s32 @p2 $0x1  }
0x17: {  	s4 =	simm.s32 $0x1BF5;
	[smem:$0x3FB7] =	sst s0  }
0x18: {  	s0 =	sld [smem:$0x3F9A];
	_ =	swait.ge [sflag:s4], $0x0  }
0x19: {  	s7 =	sld [smem:$0x3F9B]  }
0x1a: {  	s8 =	sadd.s32 $0xFFFFE003, lr  }
0x1b: {  	s9 =	sadd.s32 $0xFFFFFEF7, lr;
	s5 =	simm.s32 $0xFFFFFFFF;
	p2 =	slt.u32 s8, $0xFFFFF086  }
0x1c: {  	p1 =	slt.u32 s9, $0xF7A;
	s5 =	simm.s32 @!p2 $0x0  }
0x1d: {  	s5 =	simm.s32 @p1 $0x1;
	p0 =	seq.s32 s7, s2  }
0x1e: {  	s7 =	smul.u32 @!p0 $0xF7A, s2;
	p2 =	seq.s32 @!p0 s5, $0x0  }
0x1f: {  	s9 =	smul.u32 $0xF7A, s1;
	s8 =	simm.s32 @!p0 $0x1BF5;
	p2 =	por !p2, p0  }
0x20: {  	[sflag:s8] =	ssyncset.s32 @!p0 $0xFFFFF086;
	s6 =	sadd.s32 @!p0 s3, s7;
	s7 =	simm.s32 @!p0 $0x108  }
0x21: {  	s3 =	sadd.s32 s3, s9;
	s6 =	sadd.s32 @!p0 $0x88, s6;
	s7 =	simm.s32 @p2 $0x1082  }
0x22: {  	[simem:s7], [sflag:s8] =	dma.local @!p0 [hbm:s6], $0xF7A  }
0x23: {  	s9 =	sor.u32 $0xD0000000, s2;
	s6 =	simm.s32 $0x108;
	_ =	swait.ge @!p0 [sflag:s8], $0x0  }
0x24: {  	s3 =	sadd.s32 $0x88, s3;
	s6 =	simm.s32 @!p1 $0x1082;
	[sflag:s4] =	ssyncset.s32 $0xFFFFF086  }
0x25: {  	[simem:s6], [sflag:s4] =	dma.local [hbm:s3], $0xF7A  }
0x26: {  	[smem:$0x3F9B] =	sst s1;
	(tag) =	ssettag s2;
	_ =	strace s9  }
0x27: {  	s1 =	sld [smem:$0x3FAB]  }
0x28: {  	s2 =	sld [smem:$0x3FAC]  }
0x29: {  	s4 =	sld [smem:$0x3FAE]  }
0x2a: {  	p0 =	seq.s32 s5, $0x0;
	s5 =	sld [smem:$0x3FAF]  }
0x2b: {  	s6 =	sld [smem:$0x3FB0]  }
0x2c: {  	s7 =	sld [smem:$0x3FB1]  }
0x2d: {  	s3 =	simm.s32 $0x108;
	s8 =	sld [smem:$0x3FB2]  }
0x2e: {  	s3 =	simm.s32 @!p0 $0x1082;
	s9 =	sld [smem:$0x3FB3]  }
0x2f: {  	lr =	sadd.s32 s0, s3;
	s0 =	sld [smem:$0x3FAA]  }
0x30: {  	s3 =	sld [smem:$0x3FAD]  }
0x31: {  	[smem:$0x3FB6] =	sst s10  }
0x32: {  	s10 =	sld [smem:$0x3FB4];
	_ =	sdelay $0x3  }
0x33: {  	p0 =	seq.s32 s10, $0x1;
	s10 =	sld [smem:$0x3FB6];
	_ =	sdelay $0x3  }
0x34: {  	[smem:$0x3FB6] =	sst s10  }
0x35: {  	s10 =	sld [smem:$0x3FB5];
	_ =	sdelay $0x3  }
0x36: {  	p1 =	seq.s32 s10, $0x1;
	s10 =	sld [smem:$0x3FB6];
	_ =	sdelay $0x3  }
0x37: {  	[smem:$0x3FB6] =	sst s10  }
0x38: {  	s10 =	sld [smem:$0x3FB7]  }
0x39: {  	_ = 	snop;
	(pc) =	sbr.ind lr, $3  }
0x3a: {  	_ = 	snop  }
0x3b: {  	_ = 	snop  }
0x3c: {  	p2 =	seq.s32 s10, $0x1;
	s10 =	sld [smem:$0x3FB6]  }
0x3d: {  	_ =	shalt  }
0x3e: {  	_ =	shalt  }
0x3f: {  	_ =	shalt  }
0x40: {  	_ =	shalt  }
0x41: {  	_ =	shalt  }
0x42: {  	_ =	shalt  }
0x43: {  	_ =	shalt  }
0x44: {  	_ =	shalt  }
0x45: {  	_ =	shalt  }
0x46: {  	_ =	shalt  }
0x47: {  	_ =	shalt  }
0x48: {  	_ =	shalt  }
0x49: {  	_ =	shalt  }
0x4a: {  	_ =	shalt  }
0x4b: {  	_ =	shalt  }
0x4c: {  	_ =	shalt  }
0x4d: {  	_ =	shalt  }
0x4e: {  	_ =	shalt  }
0x4f: {  	_ =	shalt  }
0x50: {  	_ =	shalt  }
0x51: {  	_ =	shalt  }
0x52: {  	_ =	shalt  }
0x53: {  	_ =	shalt  }
0x54: {  	_ =	shalt  }
0x55: {  	_ =	shalt  }
0x56: {  	_ =	shalt  }
0x57: {  	_ =	shalt  }
0x58: {  	_ =	shalt  }
0x59: {  	_ =	shalt  }
0x5a: {  	_ =	shalt  }
0x5b: {  	_ =	shalt  }
0x5c: {  	_ =	shalt  }
0x5d: {  	_ =	shalt  }
0x5e: {  	_ =	shalt  }
0x5f: {  	_ =	shalt  }
0x60: {  	_ =	shalt  }
0x61: {  	_ =	shalt  }
0x62: {  	_ =	shalt  }
0x63: {  	_ =	shalt  }
0x64: {  	_ =	shalt  }
0x65: {  	_ =	shalt  }
0x66: {  	_ =	shalt  }
0x67: {  	_ =	shalt  }
0x68: {  	_ =	shalt  }
0x69: {  	_ =	shalt  }
0x6a: {  	_ =	shalt  }
0x6b: {  	_ =	shalt  }
0x6c: {  	_ =	shalt  }
0x6d: {  	_ =	shalt  }
0x6e: {  	_ =	shalt  }
0x6f: {  	_ =	shalt  }
0x70: {  	_ =	shalt  }
0x71: {  	_ =	shalt  }
0x72: {  	_ =	shalt  }
0x73: {  	_ =	shalt  }
0x74: {  	_ =	shalt  }
0x75: {  	_ =	shalt  }
0x76: {  	_ =	shalt  }
0x77: {  	_ =	shalt  }
0x78: {  	_ =	shalt  }
0x79: {  	_ =	shalt  }
0x7a: {  	_ =	shalt  }
0x7b: {  	_ =	shalt  }
0x7c: {  	_ =	shalt  }
0x7d: {  	_ =	shalt  }
0x7e: {  	_ =	shalt  }
0x7f: {  	_ =	shalt  }
0x80: {  	_ =	shalt  }
0x81: {  	_ =	shalt  }
0x82: {  	_ =	shalt  }
0x83: {  	_ =	shalt  }
0x84: {  	_ =	shalt  }
0x85: {  	_ =	shalt  }
0x86: {  	_ =	shalt  }
0x87: {  	_ =	shalt  }
.Lfunc_end0:
.L_simem_size_0:
called_computation_lowered:
.L_overlay_start_0:
0x88: {  	s2 =	sld [smem:$0x3FD9]  }
0x89: {  	s3 =	sld [smem:$0x3FFE];
	_ =	sdelay $0x1  }
0x8a: {  	s1 =	srdreg.scid  }
0x8b: {  	s0 =	sand.u32 $0x1, s1  }
0x8c: {  	s14 =	sshll.u32 s0, $0xA;
	s2 =	sadd.s32 s3, s2  }
0x8d: {  	s2 =	sadd.s32 s2, s14  }
0x8e: {  	[smem:$0x3FC2] =	sst s2  }
0x8f: {  	_ = 	snop  }
0x90: {  	s2 =	sld [smem:$0x3FC9]  }
0x91: {  	s15 =	sld [smem:$0x3FD0]  }
0x92: {  	s4 =	sld [smem:$0x3FC8]  }
0x93: {  	s5 =	sld [smem:$0x3FC5]  }
0x94: {  	s7 =	simm.s32 $0xA;
	s8 =	simm.s32 $0x10;
	s6 =	sld [smem:$0x3FC4]  }
0x95: {  	[smem:s8], [sflag:s7] =	dma.local [hbm:s15], $0x1  }
0x96: {  	_ =	swait.eq [sflag:s7], $0x1  }
0x97: {  	[sflag:s7] =	ssyncset.done $0x0  }
0x98: {  	s16 =	sld [smem:$0x11];
	[sflag:s7] =	ssyncadd.s32 $0xFFFFFFFF  }
0x99: {  	s17 =	sld [smem:$0x12];
	(tm) =	ssettm $0x1  }
0x9a: {  	s18 =	sld [smem:$0x3FFB];
	_ =	sdelay $0x3  }
0x9b: {  	_ =	strace s18  }
0x9c: {  	s8 =	sld [smem:$0x3FFC];
	_ =	sdelay $0x3  }
0x9d: {  	_ =	strace s8  }
0x9e: {  	s8 =	sld [smem:$0x3FFD];
	_ =	sdelay $0x3  }
0x9f: {  	_ =	strace s8  }
0xa0: {  	_ =	strace $0x8FFFFFFF  }
0xa1: {  	s19 =	sld [smem:$0x3FDB];
	_ =	sdelay $0x1  }
0xa2: {  	s9 =	simm.s32 $_scs_section_size  }
0xa3: {  	s10 =	simm.s32 $_size__tile_overlayer_lowered;
	s11 =	simm.s32 $_tile_overlayer_lowered  }
0xa4: {  	s22 =	simm.s32 $0x1BFF;
	s21 =	sshll.u32 s11, $0x1;
	s8 =	sadd.s32 s9, s19  }
0xa5: {  	s12 =	simm.s32 $0x0;
	s20 =	sshll.u32 s10, $0x1;
	s10 =	sadd.s32 s21, s8  }
0xa6: {  	[timem:s12], [sflag:s22] =	dma.local [hbm:s10], s20  }
0xa7: {  	_ =	swait.ge [sflag:s22], s20  }
0xa8: {  	s9 =	ssub.s32 $0x0, s20;
	[sflag:s22] =	ssyncset.done $0x0  }
0xa9: {  	[sflag:s22] =	ssyncadd.s32 s9;
	_ =	sdelay $0x1  }
0xaa: {  	s23 =	simm.s32 $0x1B8B  }
0xab: {  	_ =	swait.ge [sflag:s23], $0x1  }
0xac: {  	[sflag:s23] =	ssyncset.done $0x0  }
0xad: {  	s25 =	simm.s32 $0x1B8E;
	s24 =	sld [smem:$0x3FFE];
	[sflag:s23] =	ssyncadd.s32 $0xFFFFFFFF  }
0xae: {  	s26 =	simm.s32 $execute0_lowered;
	[smem:$0x3FD2] =	sst s25  }
0xaf: {  	s10 =	sshll.u32 s26, $0x1;
	_ =	strace $0x80000046;
	[dreg:$0x1] =	wrdreg $0xFFFFFFFF  }
0xb0: {  	s28 =	simm.s32 $_size_execute0_lowered;
	s8 =	sadd.s32 s8, s10;
	[dreg:$0x0] =	wrdreg $0x0  }
0xb1: {  	s10 =	sshll.u32 s28, $0x1;
	[dreg:$0x2] =	wrdreg s8  }
0xb2: {  	[dreg:$0x3] =	wrdreg s10  }
0xb3: {  	[dreg:$0x4] =	wrdreg $0xC0  }
0xb4: {  	_ =	task [dreg:s12], $0x5FFFF  }
0xb5: {  	[dreg:$0x1] =	wrdreg $0xFFFFFFFF  }
0xb6: {  	[dreg:$0x0] =	wrdreg $0x60  }
0xb7: {  	[dreg:$0x2] =	wrdreg s24  }
0xb8: {  	[dreg:$0x3] =	wrdreg s5  }
0xb9: {  	[dreg:$0x4] =	wrdreg s4  }
0xba: {  	[dreg:$0x5] =	wrdreg s6  }
0xbb: {  	[dreg:$0x6] =	wrdreg s2  }
0xbc: {  	[dreg:$0x7] =	wrdreg s16  }
0xbd: {  	[dreg:$0x8] =	wrdreg s17  }
0xbe: {  	[dreg:$0x9] =	wrdreg $0x9  }
0xbf: {  	_ =	task.clear_ibuf [dreg:s12], $0xAFFFF;
	_ =	strace $0x90000046  }
0xc0: {  	s29 =	simm.s32 $0x9;
	_ =	strace $0x80000048  }
0xc1: {  	_ =	swait.ge [sflag:s29], $0x1  }
0xc2: {  	[sflag:s29] =	ssyncadd.s32 $0xFFFFFFFF  }
0xc3: {  	_ =	strace $0x90000048  }
0xc4: {  	_ =	sfence  }
0xc5: {  	s30 =	sld [smem:$0x0];
	_ =	sdelay $0x2  }
0xc6: {  	s31 =	sshll.u32 s1, $0xD;
	s1 =	sshrl.u32 s1, $0x2  }
0xc7: {  	s3 =	sand.u32 $0x4000, s31;
	s1 =	sadd.s32 s1, s30  }
0xc8: {  	s0 =	sor.u32 s3, s0;
	s1 =	sshll.u32 s1, $0x11  }
0xc9: {  	s0 =	sor.u32 s1, s0  }
0xca: {  	s0 =	sadd.s32 $0x8F2B, s0  }
0xcb: {  	[sflag:s0] =	ssyncadd.remote.s32 $0x1  }
0xcc: {  	_ =	sfence.sel $0xFFFF  }
0xcd: {  	[dreg:$0x0] =	wrdreg $0xFFFFFFFF;
	(pc) =	sbr.abs _section_cstart, $3  }
0xce: {  	[dreg:$0x1] =	wrdreg $0xFFFFFFFF  }
0xcf: {  	_ =	task.clear_ibuf [dreg:s12], $0x2FFFF;
	_ =	strace $0x9FFFFFFF  }
0xd0: {  	(tm) =	ssettm $0x7FFFFFFF  }
0xd1: {  	_ =	shalt  }
tec
execute0_lowered:
.L_overlay_start_1:
0x0: {  	(tag) =	ssettag $0x1  }
0x1: {  	s1 =	rddreg [dreg:$0x0]  }
0x2: {  	s2 =	rddreg [dreg:$0x1]  }
0x3: {  	s0 =	rddreg [dreg:$0x2]  }
0x4: {  	s4 =	rddreg [dreg:$0x3]  }
0x5: {  	s5 =	rddreg [dreg:$0x4]  }
0x6: {  	s6 =	rddreg [dreg:$0x5];
	s3 =	srdreg.scid  }
0x7: {  	s21 =	stileid.u32;
	s7 =	rddreg [dreg:$0x6]  }
0x8: {  	s28 =	simm.s32 $0xCB80;
	s29 =	simm.s32 $0x1;
	s30 =	simm.s32 $0x19100  }
0x9: {  	s31 =	simm.s32 $0x19180;
	s8 =	sand.u32 $0x1, s3;
	s9 =	sshll.u32 s21, $0x1  }
0xa: {  	s3 =	simm.s32 $0x0;
	s12 =	sadd.s32 $0x14800, s1;
	s16 =	smul.u32 $0x61C00, s21  }
0xb: {  	s13 =	sadd.s32 $0xE00, s1;
	s25 =	sshll.u32 s21, $0xC;
	s17 =	smul.u32 $0x1800, s21  }
0xc: {  	p0 =	sgt.u32 s21, $0x7;
	s21 =	simm.s32 $0x2;
	s10 =	sor.u32 s8, s9  }
0xd: {  	[smem:$0x7FF] =	sst s3;
	s24 =	ssub.s32 $0x2, s8;
	s14 =	sshll.u32 s8, $0x9  }
0xe: {  	s11 =	smul.u32 $0x5, s10;
	_ =	strace $0x80000047;
	s9 =	sshll.u32 s10, $0x7  }
0xf: {  	[dreg:$0x8] =	wrdreg s13;
	s15 =	sshrl.u32 s24, $0x1;
	s8 =	sor.u32 s14, s25  }
0x10: {  	s26 =	sor.u32 $0x80, s14;
	s18 =	sor.u32 s14, s16;
	s22 =	sor.u32 s14, s17  }
0x11: {  	s13 =	sadd.s32 s9, s1;
	s15 =	ssub.s32 s24, s15;
	s8 =	sshrl.u32 s8, $0x3  }
0x12: {  	s19 =	sor.u32 s16, s26;
	s9 =	sadd.s32 $0x200, s0;
	s2 =	sadd.s32 s2, s8  }
0x13: {  	s1 =	sadd.s32 s11, s1;
	s8 =	sshrl.u32 s19, $0x3;
	[dreg:$0x9] =	wrdreg s2  }
0x14: {  	s2 =	sshrl.u32 s18, $0x3;
	s20 =	sadd.s32 s12, s8;
	s8 =	sadd.s32 $0x100, s0  }
0x15: {  	s18 =	sor.u32 $0x100, s14;
	s14 =	sor.u32 $0x180, s14;
	s1 =	sadd.s32 $0xD8800, s1  }
0x16: {  	s2 =	sadd.s32 s12, s2;
	[dreg:$0xb] =	wrdreg s20;
	s19 =	sor.u32 s16, s18  }
0x17: {  	s20 =	sor.u32 s17, s26;
	s16 =	sor.u32 s16, s14;
	s18 =	sor.u32 s17, s18  }
0x18: {  	s14 =	sor.u32 s17, s14;
	[dreg:$0x13] =	wrdreg s1;
	s1 =	simm.s32 $0x1FF80  }
0x19: {  	[dreg:$0xa] =	wrdreg s2;
	s2 =	sshrl.u32 s22, $0x3;
	s23 =	sshrl.u32 s19, $0x3  }
0x1a: {  	s24 =	sshrl.u32 s20, $0x3;
	s17 =	sshrl.u32 s16, $0x3;
	s22 =	sadd.s32 s6, s11  }
0x1b: {  	s18 =	sshrl.u32 s18, $0x3;
	s2 =	sadd.s32 s5, s2;
	[dreg:$0x12] =	wrdreg s22  }
0x1c: {  	s14 =	sshrl.u32 s14, $0x3;
	s25 =	sadd.s32 s12, s23;
	[dreg:$0xc] =	wrdreg s2  }
0x1d: {  	s11 =	simm.s32 $0x1E280;
	s26 =	sadd.s32 s5, s24;
	[dreg:$0xd] =	wrdreg s25  }
0x1e: {  	s16 =	simm.s32 $0x1F600;
	s19 =	sadd.s32 s5, s18;
	[dreg:$0xe] =	wrdreg s26  }
0x1f: {  	s20 =	sadd.s32 s5, s14;
	s23 =	sadd.s32 s4, s10;
	[dreg:$0x10] =	wrdreg s19  }
0x20: {  	s24 =	sadd.s32 $0xD8000, s13;
	s13 =	simm.s32 $0x1F280;
	[dreg:$0x11] =	wrdreg s20  }
0x21: {  	s14 =	simm.s32 $0x3;
	s22 =	simm.s32 $0x0;
	[dreg:$0x14] =	wrdreg s23  }
0x22: {  	v0 =	vlaneseq.u32;
	s2 =	sadd.s32 s12, s17;
	[dreg:$0x15] =	wrdreg s24;
	s25 =	sadd.s32 s7, s10  }
.Ltmp0:
0x23: {  	vm0 =	vmmov $0xffff;
	v6 =	vimm.s32 $0x0;
	v7 =	vimm.s32 $0x1;
	s26 =	smax.u32 s15, $0x1;
	s23 =	simm.s32 $0x400;
	(pc) =	sbr.rel .LBB2_1-.Ltmp0, $4  }
0x24: {  	v8 =	vimm.s32 $0x2;
	v9 =	vimm.s32 $0x3;
	v10 =	vimm.s32 $0x4;
	s24 =	simm.s32 $0x5;
	s7 =	simm.s32 $0x1D280;
	[dreg:$0xf] =	wrdreg s2  }
0x25: {  	v11 =	vimm.s32 $0x5;
	v12 =	vimm.s32 $0x6;
	v13 =	vimm.s32 $0x7;
	s10 =	simm.s32 $0x1DA80;
	s12 =	simm.s32 $0x1EA80;
	[dreg:$0x16] =	wrdreg s25  }
0x26: {  	v1 =	vor.u32 $0x80000000, v0;
	v2 =	vor.u32 $0x80000010, v0;
	v4 =	vshrl.u32 v0, $0x3;
	s15 =	simm.s32 $0x1F580;
	s17 =	simm.s32 $0x1F680;
	[dreg:$0x17] =	wrdreg s26  }
0x27: {  	v3 =	vand.u32 $0x7, v0;
	v5 =	vor.u32 $0x8, v0;
	v4 =	vmul.u32 $0x8, v4;
	s25 =	simm.s32 $0x80;
	s26 =	simm.s32 $0x800;
	s2 =	simm.s32 $0x19200  }
.LBB2_43:
0x28: {  	s22 =	sadd.s32 $0x1, s22;
	s4 =	rddreg [dreg:$0x17]  }
0x29: {  	p1 =	sne.s32 s22, s4  }
.Ltmp1:
0x2a: {  	_ = 	snop;
	(pc) =	sbr.rel @!p1 .LBB2_44-.Ltmp1, $1  }
0x2b: {  	_ =	sdelay $0x3  }
.LBB2_1:
0x2c: {  	s4 =	rddreg [dreg:$0x9];
	s5 =	simm.s32 $0x200  }
0x2d: {  	[tilespmem:s3], [sflag:$0x5] =	stream.strided.gather [hbm4b:s4+s5], $0x800, s23, s5, $0x38;
	v63 =	vld [tilespmem:$0x0]  }
0x2e: {  	_ =	swait.ge [sflag:s24], $0x800  }
0x2f: {  	[sflag:s24] =	ssyncset.done $0x0  }
0x30: {  	s19 =	rddreg [dreg:$0xa];
	[sflag:s24] =	ssyncadd.s32 $0xFFFFF800  }
0x31: {  	[tilespmem:s26], [sflag:$0x1] =	stream.strided.gather [hbm4b:s19+s25], $0xC380, s23, s25, $0x38;
	v63 =	vld [tilespmem:$0x0]  }
0x32: {  	s20 =	rddreg [dreg:$0xb]  }
0x33: {  	[tilespmem:s28], [sflag:$0x2] =	stream.strided.gather [hbm4b:s20+s25], $0xC380, s23, s25, $0x38;
	v63 =	vld [tilespmem:$0x0]  }
0x34: {  	_ =	swait.ge [sflag:s29], $0xC380  }
0x35: {  	s18 =	simm.s32 $0x0;
	s4 =	simm.s32 $0x18F20;
	[sflag:s29] =	ssyncset.done $0x0  }
0x36: {  	s5 =	simm.s32 $0x0;
	s19 =	simm.s32 $0x0;
	[sflag:s29] =	ssyncadd.s32 $0xFFFF3C80  }
.LBB2_2:
0x37: {  	s20 =	sshrl.u32 s18, $0x2  }
0x38: {  	s6 =	sand.u32 $0x40, s19;
	s20 =	sand.u32 $0x600, s20  }
0x39: {  	s6 =	sor.u32 s6, s20  }
0x3a: {  	v14 =	vld [tilespmem:s6+$0x0];
	_ =	sdelay $0x7  }
0x3b: {  	v14 =	vld.idx.msk [tilespmem:v14+s26+$0x0], $0xffff;
	_ =	sdelay $0x4  }
0x3c: {  	(xrf0) =	vmin.scan.msk.f32 $0xffff, v14  }
0x3d: {  	v15 =	vmov s5  }
0x3e: {  	v15 =	vand.u32 $0xFFFFFFFC, v15  }
0x3f: {  	v15 =	vbroadcast v15, $0x0;
	_ =	sdelay $0x2  }
0x40: {  	v16, _, _ =	vpop (xrf0)  }
0x41: {  	s6 =	sadd.s32 $0x10, s19;
	v16 =	vbroadcast v16, $0xF  }
0x42: {  	s6 =	sand.u32 $0x50, s6;
	[tilespmem:s4+$0xFFFFFFE0] =	vst v14  }
0x43: {  	s6 =	sor.u32 s6, s20;
	[tilespmem:v15+s30+$0x0] =	vst.idx.msk $0x1, v16  }
0x44: {  	v14 =	vld [tilespmem:s6+$0x0];
	_ =	sdelay $0x7  }
0x45: {  	v14 =	vld.idx.msk [tilespmem:v14+s26+$0x0], $0xffff;
	_ =	sdelay $0x4  }
0x46: {  	s6 =	sadd.s32 $0x1, s5;
	(xrf0) =	vmin.scan.msk.f32 $0xffff, v14  }
0x47: {  	v15 =	vmov s6  }
0x48: {  	v15 =	vand.u32 $0xFFFFFFFD, v15  }
0x49: {  	v15 =	vbroadcast v15, $0x0;
	_ =	sdelay $0x2  }
0x4a: {  	v60, _, _ =	vpop (xrf0)  }
0x4b: {  	s6 =	sadd.s32 $0x20, s19;
	v16 =	vbroadcast v60, $0xF  }
0x4c: {  	s6 =	sand.u32 $0x60, s6;
	[tilespmem:s4+$0xFFFFFFF0] =	vst v14  }
0x4d: {  	s6 =	sor.u32 s6, s20;
	[tilespmem:v15+s30+$0x0] =	vst.idx.msk $0x1, v16  }
0x4e: {  	v14 =	vld [tilespmem:s6+$0x0];
	_ =	sdelay $0x7  }
0x4f: {  	v14 =	vld.idx.msk [tilespmem:v14+s26+$0x0], $0xffff;
	_ =	sdelay $0x4  }
0x50: {  	s6 =	sadd.s32 $0x2, s5;
	(xrf0) =	vmin.scan.msk.f32 $0xffff, v14  }
0x51: {  	v15 =	vmov s6  }
0x52: {  	v15 =	vand.u32 $0xFFFFFFFE, v15  }
0x53: {  	v15 =	vbroadcast v15, $0x0;
	_ =	sdelay $0x2  }
0x54: {  	v61, _, _ =	vpop (xrf0)  }
0x55: {  	s6 =	sadd.s32 $0x30, s19;
	v16 =	vbroadcast v61, $0xF  }
0x56: {  	s6 =	sand.u32 $0x70, s6;
	[tilespmem:s4+$0x0] =	vst v14  }
0x57: {  	s6 =	sor.u32 s6, s20;
	[tilespmem:v15+s30+$0x0] =	vst.idx.msk $0x1, v16  }
0x58: {  	v14 =	vld [tilespmem:s6+$0x0];
	_ =	sdelay $0x7  }
0x59: {  	v14 =	vld.idx.msk [tilespmem:v14+s26+$0x0], $0xffff;
	_ =	sdelay $0x4  }
0x5a: {  	(xrf0) =	vmin.scan.msk.f32 $0xffff, v14;
	_ =	sdelay $0x2  }
0x5b: {  	s20 =	sadd.s32 $0x3, s5  }
0x5c: {  	p1 =	sne.s32 s19, $0x1C0;
	v15 =	vmov s20  }
.Ltmp2:
0x5d: {  	_ = 	snop;
	(pc) =	sbr.rel @p1 .LBB2_2-.Ltmp2, $4  }
0x5e: {  	v62, _, _ =	vpop (xrf0)  }
0x5f: {  	v16 =	vbroadcast v62, $0xF  }
0x60: {  	s18 =	sadd.s32 $0x400, s18;
	[tilespmem:s4+$0x10] =	vst v14  }
0x61: {  	s19 =	sadd.s32 $0x40, s19;
	s5 =	sadd.s32 $0x4, s5;
	s4 =	sadd.s32 $0x40, s4;
	[tilespmem:v15+s30+$0x0] =	vst.idx.msk $0x1, v16  }
0x62: {  	v14 =	vld [tilespmem:$0x19100]  }
0x63: {  	v15 =	vld [tilespmem:$0x19110];
	_ =	sdelay $0x4  }
0x64: {  	v16 =	vmin.f32 v14, v15  }
0x65: {  	(xrf0) =	vmin.scan.msk.f32 $0xffff, v16;
	_ =	sdelay $0x5  }
0x66: {  	v16, _, _ =	vpop (xrf0)  }
0x67: {  	v16 =	vbroadcast v16, $0xF;
	_ =	sdelay $0x1  }
0x68: {  	vm1 =	veq.f32 v15, v16  }
0x69: {  	vm2 =	veq.f32 v14, v16;
	v14 =	vnsel vm1, $0xC0000000, v2  }
0x6a: {  	v15 =	vnsel vm2, $0xC0000000, v1;
	(xrf0) =	vmin.scan.msk.u32 $0xffff, v14  }
0x6b: {  	(xrf0) =	vmin.scan.msk.u32 $0xffff, v15;
	_ =	sdelay $0x4  }
0x6c: {  	v14, _, _ =	vpop (xrf0)  }
0x6d: {  	v15, _, _ =	vpop (xrf0);
	(v2sf) =	vpush v14, $0xF  }
0x6e: {  	(v2sf) =	vpush v15, $0xF;
	_ =	sdelay $0xd  }
0x6f: {  	s4 =	spop (v2sf)  }
0x70: {  	s5 =	spop (v2sf)  }
0x71: {  	s6 =	sxor.u32 $0x80000000, s4;
	s4 =	sxor.u32 $0x80000000, s5  }
0x72: {  	p1 =	slt.s32 s4, s6  }
0x73: {  	s6 =	smov.u32 @p1 s4  }
0x74: {  	s19 =	sshll.u32 s6, $0x4  }
0x75: {  	v14 =	vld [tilespmem:s19+$0x18F00];
	_ =	sdelay $0x4  }
0x76: {  	vm1 =	veq.f32 v14, v16  }
0x77: {  	v15 =	vnsel vm1, $0xC0000000, v1  }
0x78: {  	(xrf0) =	vmin.scan.msk.u32 $0xffff, v15;
	_ =	sdelay $0x5  }
0x79: {  	v15, _, _ =	vpop (xrf0)  }
0x7a: {  	(v2sf) =	vpush v15, $0xF;
	_ =	sdelay $0x9  }
0x7b: {  	s4 =	sshll.u32 s6, $0x6  }
0x7c: {  	s20 =	sand.u32 $0x70, s19;
	s4 =	sand.u32 $0xFFFFFE00, s4  }
0x7d: {  	s4 =	sor.u32 s20, s4  }
0x7e: {  	v15 =	vld [tilespmem:s4+$0x0];
	_ =	sdelay $0x1  }
0x7f: {  	s5 =	spop (v2sf)  }
0x80: {  	s4 =	sxor.u32 $0x80000000, s5  }
0x81: {  	v16 =	vmov s4  }
0x82: {  	v15 =	vxor.u32 $0x80000000, v15;
	vm1 =	veq.s32 v16, v0  }
0x83: {  	v15 =	vnsel vm1, $0xC0000000, v15  }
0x84: {  	(xrf0) =	vmin.scan.msk.u32 $0xffff, v15;
	_ =	sdelay $0x5  }
0x85: {  	v15, _, _ =	vpop (xrf0)  }
0x86: {  	(v2sf) =	vpush v15, $0xF;
	_ =	sdelay $0xb  }
0x87: {  	s18 =	simm.s32 $0x0  }
0x88: {  	v17 =	vmov s18;
	v14 =	vsel vm1, $0x7F800000, v14  }
0x89: {  	(xrf0) =	vmin.scan.msk.f32 $0xffff, v14  }
0x8a: {  	s20 =	spop (v2sf)  }
0x8b: {  	s5 =	sxor.u32 $0x80000000, s20  }
0x8c: {  	v15 =	vmov s5  }
0x8d: {  	[tilespmem:v17+s31+$0x0] =	vst.idx.msk $0x1, v15;
	v15 =	vmov s6  }
0x8e: {  	s4 =	sadd.s32 s4, s19  }
0x8f: {  	v18 =	vmov s4;
	v16, _, _ =	vpop (xrf0)  }
0x90: {  	s4 =	simm.s32 $0x1;
	v16 =	vbroadcast v16, $0xF;
	[tilespmem:v17+s2+$0x0] =	vst.idx.msk $0x1, v18  }
.LBB2_4:
0x91: {  	p1 =	sne.s32 s4, $0x1F;
	[tilespmem:s19+$0x18F00] =	vst v14;
	s18 =	smov.u32 s4;
	s4 =	sadd.s32 $0x1, s4  }
0x92: {  	[tilespmem:v15+s30+$0x0] =	vst.idx.msk $0x1, v16  }
0x93: {  	v14 =	vld [tilespmem:$0x19100]  }
0x94: {  	v15 =	vld [tilespmem:$0x19110];
	_ =	sdelay $0x4  }
0x95: {  	v16 =	vmin.f32 v14, v15  }
0x96: {  	(xrf0) =	vmin.scan.msk.f32 $0xffff, v16;
	_ =	sdelay $0x5  }
0x97: {  	v16, _, _ =	vpop (xrf0)  }
0x98: {  	v16 =	vbroadcast v16, $0xF;
	_ =	sdelay $0x1  }
0x99: {  	vm1 =	veq.f32 v14, v16;
	vm2 =	veq.f32 v15, v16  }
0x9a: {  	v14 =	vnsel vm1, $0xC0000000, v1;
	v15 =	vnsel vm2, $0xC0000000, v2  }
0x9b: {  	(xrf0) =	vmin.scan.msk.u32 $0xffff, v15  }
0x9c: {  	(xrf0) =	vmin.scan.msk.u32 $0xffff, v14;
	_ =	sdelay $0x4  }
0x9d: {  	v14, _, _ =	vpop (xrf0)  }
0x9e: {  	v15, _, _ =	vpop (xrf0);
	(v2sf) =	vpush v14, $0xF  }
0x9f: {  	(v2sf) =	vpush v15, $0xF;
	_ =	sdelay $0xd  }
0xa0: {  	s5 =	spop (v2sf)  }
0xa1: {  	s20 =	sxor.u32 $0x80000000, s5;
	s5 =	spop (v2sf)  }
0xa2: {  	s5 =	sxor.u32 $0x80000000, s5  }
0xa3: {  	p2 =	slt.s32 s5, s20  }
0xa4: {  	s20 =	smov.u32 @p2 s5  }
0xa5: {  	s19 =	sshll.u32 s20, $0x4;
	s5 =	sshll.u32 s20, $0x6  }
0xa6: {  	s6 =	sand.u32 $0x70, s19;
	v14 =	vld [tilespmem:s19+$0x18F00];
	s5 =	sand.u32 $0xFFFFFE00, s5  }
0xa7: {  	s5 =	sor.u32 s6, s5;
	_ =	sdelay $0x3  }
0xa8: {  	vm1 =	veq.f32 v14, v16  }
0xa9: {  	v15 =	vnsel vm1, $0xC0000000, v1  }
0xaa: {  	(xrf0) =	vmin.scan.msk.u32 $0xffff, v15;
	_ =	sdelay $0x5  }
0xab: {  	v15, _, _ =	vpop (xrf0)  }
0xac: {  	(v2sf) =	vpush v15, $0xF;
	_ =	sdelay $0xb  }
0xad: {  	v15 =	vld [tilespmem:s5+$0x0];
	_ =	sdelay $0x2  }
0xae: {  	s5 =	spop (v2sf)  }
0xaf: {  	s5 =	sxor.u32 $0x80000000, s5  }
0xb0: {  	v16 =	vmov s5;
	v15 =	vxor.u32 $0x80000000, v15;
	s5 =	sadd.s32 s5, s19  }
0xb1: {  	vm1 =	veq.s32 v16, v0  }
0xb2: {  	v15 =	vnsel vm1, $0xC0000000, v15;
	v14 =	vsel vm1, $0x7F800000, v14  }
0xb3: {  	(xrf0) =	vmin.scan.msk.u32 $0xffff, v15  }
0xb4: {  	(xrf0) =	vmin.scan.msk.f32 $0xffff, v14;
	_ =	sdelay $0x4  }
0xb5: {  	v15, _, _ =	vpop (xrf0)  }
0xb6: {  	(v2sf) =	vpush v15, $0xF;
	v16, _, _ =	vpop (xrf0);
	_ =	sdelay $0xb  }
0xb7: {  	v17 =	vmov s18;
	_ =	sdelay $0x2  }
.Ltmp3:
0xb8: {  	v15 =	vmov s20;
	s6 =	spop (v2sf);
	(pc) =	sbr.rel @p1 .LBB2_4-.Ltmp3, $4  }
0xb9: {  	s6 =	sxor.u32 $0x80000000, s6  }
0xba: {  	v19 =	vmov s5;
	v18 =	vmov s6  }
0xbb: {  	v16 =	vbroadcast v16, $0xF;
	[tilespmem:v17+s31+$0x0] =	vst.idx.msk $0x1, v18  }
0xbc: {  	[tilespmem:v17+s2+$0x0] =	vst.idx.msk $0x1, v19  }
0xbd: {  	_ =	sdelay $0x2  }
0xbe: {  	[tilespmem:s19+$0x18F00] =	vst v14  }
0xbf: {  	[tilespmem:v15+s30+$0x0] =	vst.idx.msk $0x1, v16  }
0xc0: {  	v14 =	vld [tilespmem:$0x19180];
	_ =	sdelay $0x4  }
0xc1: {  	v15 =	vshrl.u32 v14, $0x3  }
0xc2: {  	v15 =	vmul.u32 $0x30, v15  }
0xc3: {  	v14 =	vand.u32 $0x7, v14  }
0xc4: {  	v14 =	vor.u32 v14, v15  }
0xc5: {  	v15 =	vperm.xlane v14, v3;
	_ =	sdelay $0x1  }
0xc6: {  	v15 =	vadd.s32 v4, v15;
	_ =	sdelay $0x3  }
0xc7: {  	s4 =	simm.s32 $0x0;
	s5 =	simm.s32 $0x19280;
	v14 =	vperm.xlane v14, v5  }
0xc8: {  	[tilespmem:s5], [sflag:$0x3] =	stream.indirect_vreg.gather [hbm4b:s0+s4], $0x80, v15, vm0, $0xb8;
	v63 =	vld [tilespmem:$0x0]  }
0xc9: {  	s6 =	simm.s32 $0x19A80;
	v14 =	vadd.s32 v4, v14  }
0xca: {  	[tilespmem:s6], [sflag:$0x3] =	stream.indirect_vreg.gather [hbm4b:s8+s4], $0x80, v15, vm0, $0xb8;
	v63 =	vld [tilespmem:$0x0]  }
0xcb: {  	s18 =	simm.s32 $0x1A280  }
0xcc: {  	[tilespmem:s18], [sflag:$0x3] =	stream.indirect_vreg.gather [hbm4b:s9+s4], $0x80, v15, vm0, $0xb8;
	v63 =	vld [tilespmem:$0x0]  }
0xcd: {  	s19 =	simm.s32 $0x1AA80  }
0xce: {  	[tilespmem:s19], [sflag:$0x3] =	stream.indirect_vreg.gather [hbm4b:s0+s4], $0x80, v14, vm0, $0xb8;
	v63 =	vld [tilespmem:$0x0]  }
0xcf: {  	s20 =	simm.s32 $0x1B280  }
0xd0: {  	[tilespmem:s20], [sflag:$0x3] =	stream.indirect_vreg.gather [hbm4b:s8+s4], $0x80, v14, vm0, $0xb8;
	v63 =	vld [tilespmem:$0x0]  }
0xd1: {  	s6 =	simm.s32 $0x1BA80  }
0xd2: {  	[tilespmem:s6], [sflag:$0x3] =	stream.indirect_vreg.gather [hbm4b:s9+s4], $0x80, v14, vm0, $0xb8;
	v63 =	vld [tilespmem:$0x0]  }
0xd3: {  	v14 =	vld [tilespmem:$0x19190];
	_ =	sdelay $0x4  }
0xd4: {  	v15 =	vshrl.u32 v14, $0x3  }
0xd5: {  	v15 =	vmul.u32 $0x30, v15  }
0xd6: {  	v14 =	vand.u32 $0x7, v14  }
0xd7: {  	v14 =	vor.u32 v14, v15  }
0xd8: {  	v15 =	vperm.xlane v14, v3;
	_ =	sdelay $0x1  }
0xd9: {  	v15 =	vadd.s32 v4, v15;
	_ =	sdelay $0x3  }
0xda: {  	s18 =	simm.s32 $0x1C280;
	v14 =	vperm.xlane v14, v5  }
0xdb: {  	[tilespmem:s18], [sflag:$0x3] =	stream.indirect_vreg.gather [hbm4b:s0+s4], $0x80, v15, vm0, $0xb8;
	v63 =	vld [tilespmem:$0x0]  }
0xdc: {  	s19 =	simm.s32 $0x1CA80;
	v14 =	vadd.s32 v4, v14  }
0xdd: {  	[tilespmem:s19], [sflag:$0x3] =	stream.indirect_vreg.gather [hbm4b:s8+s4], $0x80, v15, vm0, $0xb8;
	v63 =	vld [tilespmem:$0x0]  }
0xde: {  	_ = 	snop  }
0xdf: {  	[tilespmem:s7], [sflag:$0x3] =	stream.indirect_vreg.gather [hbm4b:s9+s4], $0x80, v15, vm0, $0xb8;
	v63 =	vld [tilespmem:$0x0]  }
0xe0: {  	_ = 	snop  }
0xe1: {  	[tilespmem:s10], [sflag:$0x3] =	stream.indirect_vreg.gather [hbm4b:s0+s4], $0x80, v14, vm0, $0xb8;
	v63 =	vld [tilespmem:$0x0]  }
0xe2: {  	_ = 	snop  }
0xe3: {  	[tilespmem:s11], [sflag:$0x3] =	stream.indirect_vreg.gather [hbm4b:s8+s4], $0x80, v14, vm0, $0xb8;
	v63 =	vld [tilespmem:$0x0]  }
0xe4: {  	_ = 	snop  }
0xe5: {  	[tilespmem:s12], [sflag:$0x3] =	stream.indirect_vreg.gather [hbm4b:s9+s4], $0x80, v14, vm0, $0xb8;
	v63 =	vld [tilespmem:$0x0]  }
0xe6: {  	s20 =	rddreg [dreg:$0xc]  }
0xe7: {  	[tilespmem:s13], [sflag:$0x5] =	stream.strided.gather [hbm4b:s20+s25], $0x300, s23, s25, $0x38;
	v63 =	vld [tilespmem:$0x0]  }
0xe8: {  	_ =	swait.ge [sflag:s24], $0x300  }
0xe9: {  	[sflag:s24] =	ssyncset.done $0x0  }
0xea: {  	[sflag:s24] =	ssyncadd.s32 $0xFFFFFD00  }
0xeb: {  	_ =	swait.ge [sflag:s14], $0x6000  }
0xec: {  	[sflag:s14] =	ssyncset.done $0x0  }
0xed: {  	s18 =	simm.s32 $0x0;
	[sflag:s14] =	ssyncadd.s32 $0xFFFFA000  }
.LBB2_6:
0xee: {  	s5 =	sshrl.u32 s18, $0x3  }
0xef: {  	s6 =	sand.u32 $0x7, s4;
	s5 =	smul.u32 $0x6000, s5  }
0xf0: {  	s6 =	sshll.u32 s6, $0x9  }
0xf1: {  	s5 =	sor.u32 s6, s5  }
0xf2: {  	s5 =	sshra.s32 s5, $0x2  }
0xf3: {  	s5 =	sadd.s32 $0x192C0, s5  }
0xf4: {  	v14 =	vmov s5;
	_ =	sdelay $0x2  }
0xf5: {  	s20 =	simm.s32 $0x1F2C0  }
0xf6: {  	s19 =	simm.s32 $0x0;
	v16 =	vld [tilespmem:s20+$0xFFFFFFC0]  }
0xf7: {  	v15 =	vld.idx.msk [tilespmem:v14+s19+$0xFFFFFFC0 ss:$0x1], $0xffff  }
0xf8: {  	v18 =	vld [tilespmem:s20+$0xFFFFFFD0]  }
0xf9: {  	v17 =	vld.idx.msk [tilespmem:v14+s19+$0xFFFFFFD0 ss:$0x1], $0xffff  }
0xfa: {  	v20 =	vld [tilespmem:s20+$0xFFFFFFE0]  }
0xfb: {  	v19 =	vld.idx.msk [tilespmem:v14+s19+$0xFFFFFFE0 ss:$0x1], $0xffff  }
0xfc: {  	v21 =	vld.idx.msk [tilespmem:v14+s19+$0xFFFFFFF0 ss:$0x1], $0xffff;
	v15 =	vsub.f32 v16, v15  }
0xfd: {  	v16 =	vld [tilespmem:s20+$0xFFFFFFF0]  }
0xfe: {  	v24 =	vld [tilespmem:s20+$0x0];
	v18 =	vsub.f32 v18, v17;
	v15 =	vmul.f32 v15, v15  }
0xff: {  	v22 =	vimm.f32 $0.0e+00;
	v23 =	vld.idx.msk [tilespmem:v14+s19+$0x0 ss:$0x1], $0xffff  }
0x100: {  	v17 =	vld.idx.msk [tilespmem:v14+s19+$0x10 ss:$0x1], $0xffff;
	v20 =	vsub.f32 v20, v19;
	v18 =	vmul.f32 v18, v18;
	v22 =	vadd.f32 v15, v22  }
0x101: {  	v19 =	vld [tilespmem:s20+$0x10]  }
0x102: {  	v20 =	vmul.f32 v20, v20;
	v15 =	vld.idx.msk [tilespmem:v14+s19+$0x20 ss:$0x1], $0xffff;
	v25 =	vsub.f32 v16, v21;
	v22 =	vadd.f32 v18, v22  }
0x103: {  	v18 =	vld [tilespmem:s20+$0x20]  }
0x104: {  	v23 =	vsub.f32 v24, v23;
	v16 =	vld.idx.msk [tilespmem:v14+s19+$0x30 ss:$0x1], $0xffff;
	v21 =	vadd.f32 v20, v22;
	v22 =	vmul.f32 v25, v25  }
0x105: {  	s5 =	simm.s32 $0x2000;
	s19 =	simm.s32 $0x400;
	v20 =	vld [tilespmem:s20+$0x30]  }
.LBB2_7:
0x106: {  	p1 =	sne.s32 s5, $0x5000;
	v24 =	vld.idx.msk [tilespmem:v14+s19+$0xFFFFFFC0 ss:$0x1], $0xffff;
	v21 =	vadd.f32 v22, v21;
	v22 =	vmul.f32 v23, v23;
	v17 =	vsub.f32 v19, v17;
	s20 =	sadd.s32 $0x80, s20  }
0x107: {  	v19 =	vld [tilespmem:s20+$0xFFFFFFC0]  }
0x108: {  	v23 =	vld.idx.msk [tilespmem:v14+s19+$0xFFFFFFD0 ss:$0x1], $0xffff;
	v21 =	vadd.f32 v22, v21;
	v17 =	vmul.f32 v17, v17;
	v15 =	vsub.f32 v18, v15  }
0x109: {  	v18 =	vld [tilespmem:s20+$0xFFFFFFD0]  }
0x10a: {  	v22 =	vld.idx.msk [tilespmem:v14+s19+$0xFFFFFFE0 ss:$0x1], $0xffff;
	v17 =	vadd.f32 v17, v21;
	v15 =	vmul.f32 v15, v15;
	v16 =	vsub.f32 v20, v16  }
0x10b: {  	v20 =	vld [tilespmem:s20+$0xFFFFFFE0]  }
0x10c: {  	v19 =	vsub.f32 v19, v24;
	v21 =	vld.idx.msk [tilespmem:v14+s19+$0xFFFFFFF0 ss:$0x1], $0xffff;
	v15 =	vadd.f32 v15, v17;
	v16 =	vmul.f32 v16, v16  }
0x10d: {  	v24 =	vld [tilespmem:s20+$0xFFFFFFF0]  }
0x10e: {  	v17 =	vmul.f32 v19, v19;
	v18 =	vsub.f32 v18, v23;
	v23 =	vld.idx.msk [tilespmem:v14+s19+$0x0 ss:$0x1], $0xffff;
	v15 =	vadd.f32 v16, v15  }
0x10f: {  	v16 =	vld [tilespmem:s20+$0x0]  }
0x110: {  	v15 =	vadd.f32 v17, v15;
	v18 =	vmul.f32 v18, v18;
	v20 =	vsub.f32 v20, v22;
	v17 =	vld.idx.msk [tilespmem:v14+s19+$0x10 ss:$0x1], $0xffff  }
.Ltmp4:
0x111: {  	v19 =	vld [tilespmem:s20+$0x10];
	(pc) =	sbr.rel @p1 .LBB2_7-.Ltmp4, $4  }
0x112: {  	v22 =	vadd.f32 v18, v15;
	v20 =	vmul.f32 v20, v20;
	v24 =	vsub.f32 v24, v21;
	v15 =	vld.idx.msk [tilespmem:v14+s19+$0x20 ss:$0x1], $0xffff  }
0x113: {  	v18 =	vld [tilespmem:s20+$0x20]  }
0x114: {  	v21 =	vadd.f32 v20, v22;
	v22 =	vmul.f32 v24, v24;
	v23 =	vsub.f32 v16, v23;
	v16 =	vld.idx.msk [tilespmem:v14+s19+$0x30 ss:$0x1], $0xffff  }
0x115: {  	s19 =	sshra.s32 s5, $0x2;
	s5 =	sadd.s32 $0x1000, s5;
	v20 =	vld [tilespmem:s20+$0x30]  }
0x116: {  	_ =	sdelay $0x3  }
0x117: {  	v24 =	vld.idx.msk [tilespmem:v14+s19+$0xFFFFFFC0 ss:$0x1], $0xffff;
	v21 =	vadd.f32 v22, v21;
	v42 =	vmul.f32 v23, v23;
	v17 =	vsub.f32 v19, v17;
	s5 =	sadd.s32 $0x80, s20  }
0x118: {  	v43 =	vld [tilespmem:s5+$0xFFFFFFC0]  }
0x119: {  	v44 =	vld.idx.msk [tilespmem:v14+s19+$0xFFFFFFD0 ss:$0x1], $0xffff;
	v21 =	vadd.f32 v42, v21;
	v17 =	vmul.f32 v17, v17;
	v15 =	vsub.f32 v18, v15  }
0x11a: {  	v45 =	vld [tilespmem:s5+$0xFFFFFFD0]  }
0x11b: {  	v46 =	vld.idx.msk [tilespmem:v14+s19+$0xFFFFFFE0 ss:$0x1], $0xffff;
	v17 =	vadd.f32 v17, v21;
	v15 =	vmul.f32 v15, v15;
	v16 =	vsub.f32 v20, v16  }
0x11c: {  	v47 =	vld [tilespmem:s5+$0xFFFFFFE0]  }
0x11d: {  	v48 =	vld.idx.msk [tilespmem:v14+s19+$0xFFFFFFF0 ss:$0x1], $0xffff;
	v19 =	vsub.f32 v43, v24;
	v15 =	vadd.f32 v15, v17;
	v16 =	vmul.f32 v16, v16  }
0x11e: {  	v49 =	vld [tilespmem:s5+$0xFFFFFFF0]  }
0x11f: {  	v50 =	vld.idx.msk [tilespmem:v14+s19+$0x0 ss:$0x1], $0xffff;
	v18 =	vsub.f32 v45, v44;
	v19 =	vmul.f32 v19, v19;
	v15 =	vadd.f32 v16, v15  }
0x120: {  	v51 =	vld [tilespmem:s5+$0x0]  }
0x121: {  	v53 =	vld.idx.msk [tilespmem:v14+s19+$0x10 ss:$0x1], $0xffff;
	v52 =	vsub.f32 v47, v46;
	v18 =	vmul.f32 v18, v18;
	v15 =	vadd.f32 v19, v15  }
0x122: {  	v54 =	vld [tilespmem:s5+$0x10]  }
0x123: {  	v56 =	vld.idx.msk [tilespmem:v14+s19+$0x20 ss:$0x1], $0xffff;
	v17 =	vsub.f32 v49, v48;
	v55 =	vmul.f32 v52, v52;
	v15 =	vadd.f32 v18, v15  }
0x124: {  	v57 =	vld [tilespmem:s5+$0x20]  }
0x125: {  	v14 =	vld.idx.msk [tilespmem:v14+s19+$0x30 ss:$0x1], $0xffff;
	v17 =	vmul.f32 v17, v17;
	v16 =	vsub.f32 v51, v50;
	v15 =	vadd.f32 v55, v15  }
0x126: {  	v58 =	vld [tilespmem:s5+$0x30]  }
0x127: {  	v59 =	vsub.f32 v54, v53;
	v16 =	vmul.f32 v16, v16;
	v15 =	vadd.f32 v17, v15;
	_ =	sdelay $0x1  }
0x128: {  	v61 =	vsub.f32 v57, v56;
	v60 =	vmul.f32 v59, v59;
	v15 =	vadd.f32 v16, v15;
	_ =	sdelay $0x1  }
0x129: {  	v14 =	vsub.f32 v58, v14;
	v62 =	vmul.f32 v61, v61;
	v15 =	vadd.f32 v60, v15;
	_ =	sdelay $0x1  }
0x12a: {  	v14 =	vmul.f32 v14, v14;
	v15 =	vadd.f32 v62, v15;
	_ =	sdelay $0x1  }
0x12b: {  	v14 =	vadd.f32 v14, v15;
	_ =	sdelay $0x1  }
0x12c: {  	(xrf2) =	vadd.scan.msk.f32 $0xffff, v14;
	_ =	sdelay $0x6  }
0x12d: {  	v14 =	vmov s18;
	s18 =	sadd.s32 $0x1, s18  }
0x12e: {  	p1 =	sne.s32 s18, $0x20  }
.Ltmp5:
0x12f: {  	_ = 	snop;
	(pc) =	sbr.rel @p1 .LBB2_6-.Ltmp5, $3  }
0x130: {  	v15, _, _ =	vpop (xrf2)  }
0x131: {  	v15 =	vbroadcast v15, $0xF;
	_ =	sdelay $0x1  }
0x132: {  	s4 =	sadd.s32 $0x1, s4;
	[tilespmem:v14+s15+$0x0] =	vst.idx.msk $0x1, v15  }
0x133: {  	v17 =	vld [tilespmem:$0x19180]  }
0x134: {  	v18 =	vld [tilespmem:$0x19190]  }
0x135: {  	v16 =	vld [tilespmem:$0x19200]  }
0x136: {  	v15 =	vld [tilespmem:$0x19210]  }
0x137: {  	v14 =	vld [tilespmem:$0x1F590]  }
0x138: {  	v21 =	vld [tilespmem:$0x1F580];
	_ =	sdelay $0x2  }
0x139: {  	v19 =	vxor.u32 $0x80000000, v16  }
0x13a: {  	s4 =	simm.s32 $0x0;
	s18 =	simm.s32 $0x1;
	v20 =	vxor.u32 $0x80000000, v15;
	v17 =	vxor.u32 $0x80000000, v17;
	v18 =	vxor.u32 $0x80000000, v18  }
.LBB2_10:
0x13b: {  	p1 =	sne.s32 s18, $0x9;
	v22 =	vmin.f32 v21, v14  }
0x13c: {  	(xrf0) =	vmin.scan.msk.f32 $0xffff, v22;
	_ =	sdelay $0x5  }
0x13d: {  	v22, _, _ =	vpop (xrf0)  }
0x13e: {  	v22 =	vbroadcast v22, $0xF;
	_ =	sdelay $0x1  }
0x13f: {  	vm1 =	veq.f32 v21, v22  }
0x140: {  	vm2 =	veq.f32 v14, v22;
	v23 =	vnsel vm1, $0xC0000000, v19  }
0x141: {  	v24 =	vnsel vm2, $0xC0000000, v20;
	(xrf0) =	vmin.scan.msk.u32 $0xffff, v23  }
0x142: {  	(xrf0) =	vmin.scan.msk.u32 $0xffff, v24;
	_ =	sdelay $0x4  }
0x143: {  	v23, _, _ =	vpop (xrf0)  }
0x144: {  	(v2sf) =	vpush v23, $0xF;
	v23, _, _ =	vpop (xrf0)  }
0x145: {  	(v2sf) =	vpush v23, $0xF;
	_ =	sdelay $0xd  }
0x146: {  	s5 =	spop (v2sf)  }
0x147: {  	s6 =	spop (v2sf)  }
0x148: {  	s5 =	sxor.u32 $0x80000000, s5;
	s6 =	sxor.u32 $0x80000000, s6  }
0x149: {  	p2 =	slt.s32 s5, s6  }
0x14a: {  	s6 =	smov.u32 @p2 s5  }
0x14b: {  	vm3 =	veq.s32 v16, s6  }
0x14c: {  	vm3 =	vmand vm1, vm3;
	vm1 =	veq.s32 v15, s6  }
0x14d: {  	vm1 =	vmand vm2, vm1;
	v23 =	vnsel vm3, $0xC0000000, v17;
	v21 =	vsel vm3, $0x7F800000, v21  }
0x14e: {  	v24 =	vnsel vm1, $0xC0000000, v18;
	(xrf0) =	vmin.scan.msk.u32 $0xffff, v23  }
0x14f: {  	(xrf0) =	vmin.scan.msk.u32 $0xffff, v24;
	_ =	sdelay $0x4  }
0x150: {  	v23, _, _ =	vpop (xrf0)  }
0x151: {  	(v2sf) =	vpush v23, $0xF;
	v23, _, _ =	vpop (xrf0)  }
0x152: {  	(v2sf) =	vpush v23, $0xF;
	_ =	sdelay $0xd  }
0x153: {  	s5 =	spop (v2sf)  }
0x154: {  	v23 =	vmov s4;
	s4 =	smov.u32 s18;
	s6 =	spop (v2sf)  }
0x155: {  	s5 =	sxor.u32 $0x80000000, s5;
	s6 =	sxor.u32 $0x80000000, s6  }
0x156: {  	p2 =	slt.s32 s5, s6  }
0x157: {  	s6 =	smov.u32 @p2 s5  }
0x158: {  	v24 =	vmov s6  }
0x159: {  	[tilespmem:v23+s16+$0x0] =	vst.idx.msk $0x1, v24  }
0x15a: {  	v14 =	vsel vm1, $0x7F800000, v14;
	[tilespmem:v23+s17+$0x0] =	vst.idx.msk $0x1, v22  }
0x15b: {  	[tilespmem:$0x1F590] =	vst v14  }
0x15c: {  	v14 =	vld [tilespmem:$0x1F590];
	[tilespmem:$0x1F580] =	vst v21  }
.Ltmp6:
0x15d: {  	v21 =	vld [tilespmem:$0x1F580];
	(pc) =	sbr.rel @p1 .LBB2_10-.Ltmp6, $2  }
0x15e: {  	_ =	sdelay $0x2  }
0x15f: {  	s18 =	sadd.s32 $0x1, s18  }
0x160: {  	v22 =	vmin.f32 v21, v14  }
0x161: {  	(xrf0) =	vmin.scan.msk.f32 $0xffff, v22;
	_ =	sdelay $0x5  }
0x162: {  	v22, _, _ =	vpop (xrf0)  }
0x163: {  	v22 =	vbroadcast v22, $0xF;
	_ =	sdelay $0x1  }
0x164: {  	vm1 =	veq.f32 v21, v22  }
0x165: {  	vm2 =	veq.f32 v14, v22;
	v19 =	vnsel vm1, $0xC0000000, v19  }
0x166: {  	v20 =	vnsel vm2, $0xC0000000, v20;
	(xrf0) =	vmin.scan.msk.u32 $0xffff, v19  }
0x167: {  	(xrf0) =	vmin.scan.msk.u32 $0xffff, v20;
	_ =	sdelay $0x4  }
0x168: {  	v19, _, _ =	vpop (xrf0)  }
0x169: {  	(v2sf) =	vpush v19, $0xF;
	v60, _, _ =	vpop (xrf0)  }
0x16a: {  	(v2sf) =	vpush v60, $0xF;
	_ =	sdelay $0xd  }
0x16b: {  	s5 =	spop (v2sf)  }
0x16c: {  	s6 =	spop (v2sf)  }
0x16d: {  	s5 =	sxor.u32 $0x80000000, s5;
	s6 =	sxor.u32 $0x80000000, s6  }
0x16e: {  	p1 =	slt.s32 s5, s6  }
0x16f: {  	s6 =	smov.u32 @p1 s5  }
0x170: {  	vm3 =	veq.s32 v16, s6  }
0x171: {  	vm1 =	vmand vm1, vm3;
	vm3 =	veq.s32 v15, s6  }
0x172: {  	vm2 =	vmand vm2, vm3;
	v15 =	vnsel vm1, $0xC0000000, v17  }
0x173: {  	v61 =	vnsel vm2, $0xC0000000, v18;
	(xrf0) =	vmin.scan.msk.u32 $0xffff, v15  }
0x174: {  	(xrf0) =	vmin.scan.msk.u32 $0xffff, v61;
	_ =	sdelay $0x4  }
0x175: {  	v15, _, _ =	vpop (xrf0)  }
0x176: {  	(v2sf) =	vpush v15, $0xF;
	v15, _, _ =	vpop (xrf0)  }
0x177: {  	(v2sf) =	vpush v15, $0xF;
	_ =	sdelay $0xd  }
0x178: {  	s18 =	spop (v2sf)  }
0x179: {  	v15 =	vmov s4;
	s19 =	spop (v2sf)  }
0x17a: {  	s5 =	sxor.u32 $0x80000000, s18;
	s4 =	sxor.u32 $0x80000000, s19  }
0x17b: {  	p1 =	slt.s32 s5, s4  }
0x17c: {  	s4 =	smov.u32 @p1 s5  }
0x17d: {  	v62 =	vmov s4  }
0x17e: {  	[tilespmem:v15+s16+$0x0] =	vst.idx.msk $0x1, v62  }
0x17f: {  	v14 =	vsel vm2, $0x7F800000, v14;
	[tilespmem:v15+s17+$0x0] =	vst.idx.msk $0x1, v22  }
0x180: {  	v15 =	vsel vm1, $0x7F800000, v21;
	[tilespmem:$0x1F590] =	vst v14  }
0x181: {  	s20 =	rddreg [dreg:$0xd];
	[tilespmem:$0x1F580] =	vst v15  }
0x182: {  	[tilespmem:s26], [sflag:$0x1] =	stream.strided.gather [hbm4b:s20+s25], $0xC380, s23, s25, $0x38;
	v63 =	vld [tilespmem:$0x0]  }
0x183: {  	_ =	swait.ge [sflag:s21], $0xC380  }
0x184: {  	s18 =	simm.s32 $0x0;
	s19 =	simm.s32 $0x0;
	[sflag:s21] =	ssyncset.done $0x0  }
0x185: {  	s5 =	simm.s32 $0x18F20;
	s4 =	simm.s32 $0x0;
	[sflag:s21] =	ssyncadd.s32 $0xFFFF3C80  }
.LBB2_12:
0x186: {  	s6 =	sshrl.u32 s18, $0x2  }
0x187: {  	s20 =	sand.u32 $0x40, s19;
	s6 =	sand.u32 $0x600, s6  }
0x188: {  	s20 =	sor.u32 s20, s6  }
0x189: {  	v14 =	vld [tilespmem:s20+$0x80];
	_ =	sdelay $0x7  }
0x18a: {  	v14 =	vld.idx.msk [tilespmem:v14+s28+$0x0], $0xffff;
	_ =	sdelay $0x4  }
0x18b: {  	(xrf0) =	vmin.scan.msk.f32 $0xffff, v14  }
0x18c: {  	v15 =	vmov s4  }
0x18d: {  	v15 =	vand.u32 $0xFFFFFFFC, v15  }
0x18e: {  	v15 =	vbroadcast v15, $0x0;
	_ =	sdelay $0x2  }
0x18f: {  	v16, _, _ =	vpop (xrf0)  }
0x190: {  	s20 =	sadd.s32 $0x10, s19;
	v16 =	vbroadcast v16, $0xF  }
0x191: {  	s20 =	sand.u32 $0x50, s20;
	[tilespmem:s5+$0xFFFFFFE0] =	vst v14  }
0x192: {  	s20 =	sor.u32 s20, s6;
	[tilespmem:v15+s30+$0x0] =	vst.idx.msk $0x1, v16  }
0x193: {  	v14 =	vld [tilespmem:s20+$0x80];
	_ =	sdelay $0x7  }
0x194: {  	v14 =	vld.idx.msk [tilespmem:v14+s28+$0x0], $0xffff;
	_ =	sdelay $0x4  }
0x195: {  	s20 =	sadd.s32 $0x1, s4;
	(xrf0) =	vmin.scan.msk.f32 $0xffff, v14  }
0x196: {  	v15 =	vmov s20  }
0x197: {  	v15 =	vand.u32 $0xFFFFFFFD, v15  }
0x198: {  	v15 =	vbroadcast v15, $0x0;
	_ =	sdelay $0x2  }
0x199: {  	v60, _, _ =	vpop (xrf0)  }
0x19a: {  	s20 =	sadd.s32 $0x20, s19;
	v16 =	vbroadcast v60, $0xF  }
0x19b: {  	s20 =	sand.u32 $0x60, s20;
	[tilespmem:s5+$0xFFFFFFF0] =	vst v14  }
0x19c: {  	s20 =	sor.u32 s20, s6;
	[tilespmem:v15+s30+$0x0] =	vst.idx.msk $0x1, v16  }
0x19d: {  	v14 =	vld [tilespmem:s20+$0x80];
	_ =	sdelay $0x7  }
0x19e: {  	v14 =	vld.idx.msk [tilespmem:v14+s28+$0x0], $0xffff;
	_ =	sdelay $0x4  }
0x19f: {  	s20 =	sadd.s32 $0x2, s4;
	(xrf0) =	vmin.scan.msk.f32 $0xffff, v14  }
0x1a0: {  	v15 =	vmov s20  }
0x1a1: {  	v15 =	vand.u32 $0xFFFFFFFE, v15  }
0x1a2: {  	v15 =	vbroadcast v15, $0x0;
	_ =	sdelay $0x2  }
0x1a3: {  	v61, _, _ =	vpop (xrf0)  }
0x1a4: {  	s20 =	sadd.s32 $0x30, s19;
	v16 =	vbroadcast v61, $0xF  }
0x1a5: {  	s20 =	sand.u32 $0x70, s20;
	[tilespmem:s5+$0x0] =	vst v14  }
0x1a6: {  	s6 =	sor.u32 s20, s6;
	[tilespmem:v15+s30+$0x0] =	vst.idx.msk $0x1, v16  }
0x1a7: {  	v14 =	vld [tilespmem:s6+$0x80];
	_ =	sdelay $0x7  }
0x1a8: {  	v14 =	vld.idx.msk [tilespmem:v14+s28+$0x0], $0xffff;
	_ =	sdelay $0x4  }
0x1a9: {  	(xrf0) =	vmin.scan.msk.f32 $0xffff, v14;
	_ =	sdelay $0x2  }
0x1aa: {  	s20 =	sadd.s32 $0x3, s4  }
0x1ab: {  	p1 =	sne.s32 s19, $0x1C0;
	v15 =	vmov s20  }
.Ltmp7:
0x1ac: {  	_ = 	snop;
	(pc) =	sbr.rel @p1 .LBB2_12-.Ltmp7, $4  }
0x1ad: {  	v62, _, _ =	vpop (xrf0)  }
0x1ae: {  	v16 =	vbroadcast v62, $0xF  }
0x1af: {  	s18 =	sadd.s32 $0x400, s18;
	[tilespmem:s5+$0x10] =	vst v14  }
0x1b0: {  	s19 =	sadd.s32 $0x40, s19;
	s4 =	sadd.s32 $0x4, s4;
	s5 =	sadd.s32 $0x40, s5;
	[tilespmem:v15+s30+$0x0] =	vst.idx.msk $0x1, v16  }
0x1b1: {  	v14 =	vld [tilespmem:$0x19100]  }
0x1b2: {  	v15 =	vld [tilespmem:$0x19110];
	_ =	sdelay $0x4  }
0x1b3: {  	v16 =	vmin.f32 v14, v15  }
0x1b4: {  	(xrf0) =	vmin.scan.msk.f32 $0xffff, v16;
	_ =	sdelay $0x5  }
0x1b5: {  	v16, _, _ =	vpop (xrf0)  }
0x1b6: {  	v16 =	vbroadcast v16, $0xF;
	_ =	sdelay $0x1  }
0x1b7: {  	vm1 =	veq.f32 v15, v16  }
0x1b8: {  	vm2 =	veq.f32 v14, v16;
	v14 =	vnsel vm1, $0xC0000000, v2  }
0x1b9: {  	v15 =	vnsel vm2, $0xC0000000, v1;
	(xrf0) =	vmin.scan.msk.u32 $0xffff, v14  }
0x1ba: {  	(xrf0) =	vmin.scan.msk.u32 $0xffff, v15;
	_ =	sdelay $0x4  }
0x1bb: {  	v14, _, _ =	vpop (xrf0)  }
0x1bc: {  	v15, _, _ =	vpop (xrf0);
	(v2sf) =	vpush v14, $0xF  }
0x1bd: {  	(v2sf) =	vpush v15, $0xF;
	_ =	sdelay $0xd  }
0x1be: {  	s4 =	spop (v2sf)  }
0x1bf: {  	s5 =	spop (v2sf)  }
0x1c0: {  	s6 =	sxor.u32 $0x80000000, s4;
	s4 =	sxor.u32 $0x80000000, s5  }
0x1c1: {  	p1 =	slt.s32 s4, s6  }
0x1c2: {  	s6 =	smov.u32 @p1 s4  }
0x1c3: {  	s19 =	sshll.u32 s6, $0x4  }
0x1c4: {  	v14 =	vld [tilespmem:s19+$0x18F00];
	_ =	sdelay $0x4  }
0x1c5: {  	vm1 =	veq.f32 v14, v16  }
0x1c6: {  	v15 =	vnsel vm1, $0xC0000000, v1  }
0x1c7: {  	(xrf0) =	vmin.scan.msk.u32 $0xffff, v15;
	_ =	sdelay $0x5  }
0x1c8: {  	v15, _, _ =	vpop (xrf0)  }
0x1c9: {  	(v2sf) =	vpush v15, $0xF;
	_ =	sdelay $0x9  }
0x1ca: {  	s4 =	sshll.u32 s6, $0x6  }
0x1cb: {  	s20 =	sand.u32 $0x70, s19;
	s4 =	sand.u32 $0xFFFFFE00, s4  }
0x1cc: {  	s4 =	sor.u32 s20, s4  }
0x1cd: {  	v15 =	vld [tilespmem:s4+$0x80];
	_ =	sdelay $0x1  }
0x1ce: {  	s5 =	spop (v2sf)  }
0x1cf: {  	s4 =	sxor.u32 $0x80000000, s5  }
0x1d0: {  	v16 =	vmov s4  }
0x1d1: {  	v15 =	vxor.u32 $0x80000000, v15;
	vm1 =	veq.s32 v16, v0  }
0x1d2: {  	v15 =	vnsel vm1, $0xC0000000, v15  }
0x1d3: {  	(xrf0) =	vmin.scan.msk.u32 $0xffff, v15;
	_ =	sdelay $0x5  }
0x1d4: {  	v15, _, _ =	vpop (xrf0)  }
0x1d5: {  	(v2sf) =	vpush v15, $0xF;
	_ =	sdelay $0xb  }
0x1d6: {  	s18 =	simm.s32 $0x20  }
0x1d7: {  	v17 =	vmov s18;
	v14 =	vsel vm1, $0x7F800000, v14  }
0x1d8: {  	(xrf0) =	vmin.scan.msk.f32 $0xffff, v14  }
0x1d9: {  	s20 =	spop (v2sf)  }
0x1da: {  	s5 =	sxor.u32 $0x80000000, s20  }
0x1db: {  	v15 =	vmov s5  }
0x1dc: {  	[tilespmem:v17+s31+$0x0] =	vst.idx.msk $0x1, v15;
	v15 =	vmov s6  }
0x1dd: {  	s4 =	sadd.s32 s4, s19  }
0x1de: {  	v18 =	vmov s4;
	v16, _, _ =	vpop (xrf0)  }
0x1df: {  	s4 =	simm.s32 $0x21;
	v16 =	vbroadcast v16, $0xF;
	[tilespmem:v17+s2+$0x0] =	vst.idx.msk $0x1, v18  }
.LBB2_14:
0x1e0: {  	p1 =	sne.s32 s4, $0x3F;
	[tilespmem:s19+$0x18F00] =	vst v14;
	s18 =	smov.u32 s4;
	s4 =	sadd.s32 $0x1, s4  }
0x1e1: {  	[tilespmem:v15+s30+$0x0] =	vst.idx.msk $0x1, v16  }
0x1e2: {  	v14 =	vld [tilespmem:$0x19100]  }
0x1e3: {  	v15 =	vld [tilespmem:$0x19110];
	_ =	sdelay $0x4  }
0x1e4: {  	v16 =	vmin.f32 v14, v15  }
0x1e5: {  	(xrf0) =	vmin.scan.msk.f32 $0xffff, v16;
	_ =	sdelay $0x5  }
0x1e6: {  	v16, _, _ =	vpop (xrf0)  }
0x1e7: {  	v16 =	vbroadcast v16, $0xF;
	_ =	sdelay $0x1  }
0x1e8: {  	vm1 =	veq.f32 v14, v16;
	vm2 =	veq.f32 v15, v16  }
0x1e9: {  	v14 =	vnsel vm1, $0xC0000000, v1;
	v15 =	vnsel vm2, $0xC0000000, v2  }
0x1ea: {  	(xrf0) =	vmin.scan.msk.u32 $0xffff, v15  }
0x1eb: {  	(xrf0) =	vmin.scan.msk.u32 $0xffff, v14;
	_ =	sdelay $0x4  }
0x1ec: {  	v14, _, _ =	vpop (xrf0)  }
0x1ed: {  	v15, _, _ =	vpop (xrf0);
	(v2sf) =	vpush v14, $0xF  }
0x1ee: {  	(v2sf) =	vpush v15, $0xF;
	_ =	sdelay $0xd  }
0x1ef: {  	s5 =	spop (v2sf)  }
0x1f0: {  	s20 =	sxor.u32 $0x80000000, s5;
	s5 =	spop (v2sf)  }
0x1f1: {  	s5 =	sxor.u32 $0x80000000, s5  }
0x1f2: {  	p2 =	slt.s32 s5, s20  }
0x1f3: {  	s20 =	smov.u32 @p2 s5  }
0x1f4: {  	s19 =	sshll.u32 s20, $0x4;
	s5 =	sshll.u32 s20, $0x6  }
0x1f5: {  	s6 =	sand.u32 $0x70, s19;
	v14 =	vld [tilespmem:s19+$0x18F00];
	s5 =	sand.u32 $0xFFFFFE00, s5  }
0x1f6: {  	s5 =	sor.u32 s6, s5;
	_ =	sdelay $0x3  }
0x1f7: {  	vm1 =	veq.f32 v14, v16  }
0x1f8: {  	v15 =	vnsel vm1, $0xC0000000, v1  }
0x1f9: {  	(xrf0) =	vmin.scan.msk.u32 $0xffff, v15;
	_ =	sdelay $0x5  }
0x1fa: {  	v15, _, _ =	vpop (xrf0)  }
0x1fb: {  	(v2sf) =	vpush v15, $0xF;
	_ =	sdelay $0xb  }
0x1fc: {  	v15 =	vld [tilespmem:s5+$0x80];
	_ =	sdelay $0x2  }
0x1fd: {  	s5 =	spop (v2sf)  }
0x1fe: {  	s5 =	sxor.u32 $0x80000000, s5  }
0x1ff: {  	v16 =	vmov s5;
	v15 =	vxor.u32 $0x80000000, v15;
	s5 =	sadd.s32 s5, s19  }
0x200: {  	vm1 =	veq.s32 v16, v0  }
0x201: {  	v15 =	vnsel vm1, $0xC0000000, v15;
	v14 =	vsel vm1, $0x7F800000, v14  }
0x202: {  	(xrf0) =	vmin.scan.msk.u32 $0xffff, v15  }
0x203: {  	(xrf0) =	vmin.scan.msk.f32 $0xffff, v14;
	_ =	sdelay $0x4  }
0x204: {  	v15, _, _ =	vpop (xrf0)  }
0x205: {  	(v2sf) =	vpush v15, $0xF;
	v16, _, _ =	vpop (xrf0);
	_ =	sdelay $0xb  }
0x206: {  	v17 =	vmov s18;
	_ =	sdelay $0x2  }
.Ltmp8:
0x207: {  	v15 =	vmov s20;
	s6 =	spop (v2sf);
	(pc) =	sbr.rel @p1 .LBB2_14-.Ltmp8, $4  }
0x208: {  	s6 =	sxor.u32 $0x80000000, s6  }
0x209: {  	v19 =	vmov s5;
	v18 =	vmov s6  }
0x20a: {  	v16 =	vbroadcast v16, $0xF;
	[tilespmem:v17+s31+$0x0] =	vst.idx.msk $0x1, v18  }
0x20b: {  	[tilespmem:v17+s2+$0x0] =	vst.idx.msk $0x1, v19  }
0x20c: {  	_ =	sdelay $0x2  }
0x20d: {  	[tilespmem:s19+$0x18F00] =	vst v14  }
0x20e: {  	[tilespmem:v15+s30+$0x0] =	vst.idx.msk $0x1, v16  }
0x20f: {  	v14 =	vld [tilespmem:$0x191A0];
	_ =	sdelay $0x4  }
0x210: {  	v15 =	vshrl.u32 v14, $0x3  }
0x211: {  	v15 =	vmul.u32 $0x30, v15  }
0x212: {  	v14 =	vand.u32 $0x7, v14  }
0x213: {  	v14 =	vor.u32 v14, v15  }
0x214: {  	v15 =	vperm.xlane v14, v3;
	_ =	sdelay $0x1  }
0x215: {  	v15 =	vadd.s32 v4, v15;
	_ =	sdelay $0x3  }
0x216: {  	s4 =	simm.s32 $0x0;
	s5 =	simm.s32 $0x19280;
	v14 =	vperm.xlane v14, v5  }
0x217: {  	[tilespmem:s5], [sflag:$0x3] =	stream.indirect_vreg.gather [hbm4b:s0+s4], $0x80, v15, vm0, $0xb8;
	v63 =	vld [tilespmem:$0x0]  }
0x218: {  	s6 =	simm.s32 $0x19A80;
	v14 =	vadd.s32 v4, v14  }
0x219: {  	[tilespmem:s6], [sflag:$0x3] =	stream.indirect_vreg.gather [hbm4b:s8+s4], $0x80, v15, vm0, $0xb8;
	v63 =	vld [tilespmem:$0x0]  }
0x21a: {  	s18 =	simm.s32 $0x1A280  }
0x21b: {  	[tilespmem:s18], [sflag:$0x3] =	stream.indirect_vreg.gather [hbm4b:s9+s4], $0x80, v15, vm0, $0xb8;
	v63 =	vld [tilespmem:$0x0]  }
0x21c: {  	s19 =	simm.s32 $0x1AA80  }
0x21d: {  	[tilespmem:s19], [sflag:$0x3] =	stream.indirect_vreg.gather [hbm4b:s0+s4], $0x80, v14, vm0, $0xb8;
	v63 =	vld [tilespmem:$0x0]  }
0x21e: {  	s20 =	simm.s32 $0x1B280  }
0x21f: {  	[tilespmem:s20], [sflag:$0x3] =	stream.indirect_vreg.gather [hbm4b:s8+s4], $0x80, v14, vm0, $0xb8;
	v63 =	vld [tilespmem:$0x0]  }
0x220: {  	s6 =	simm.s32 $0x1BA80  }
0x221: {  	[tilespmem:s6], [sflag:$0x3] =	stream.indirect_vreg.gather [hbm4b:s9+s4], $0x80, v14, vm0, $0xb8;
	v63 =	vld [tilespmem:$0x0]  }
0x222: {  	v14 =	vld [tilespmem:$0x191B0];
	_ =	sdelay $0x4  }
0x223: {  	v15 =	vshrl.u32 v14, $0x3  }
0x224: {  	v15 =	vmul.u32 $0x30, v15  }
0x225: {  	v14 =	vand.u32 $0x7, v14  }
0x226: {  	v14 =	vor.u32 v14, v15  }
0x227: {  	v15 =	vperm.xlane v14, v3;
	_ =	sdelay $0x1  }
0x228: {  	v15 =	vadd.s32 v4, v15;
	_ =	sdelay $0x3  }
0x229: {  	s18 =	simm.s32 $0x1C280;
	v14 =	vperm.xlane v14, v5  }
0x22a: {  	[tilespmem:s18], [sflag:$0x3] =	stream.indirect_vreg.gather [hbm4b:s0+s4], $0x80, v15, vm0, $0xb8;
	v63 =	vld [tilespmem:$0x0]  }
0x22b: {  	s19 =	simm.s32 $0x1CA80;
	v14 =	vadd.s32 v4, v14  }
0x22c: {  	[tilespmem:s19], [sflag:$0x3] =	stream.indirect_vreg.gather [hbm4b:s8+s4], $0x80, v15, vm0, $0xb8;
	v63 =	vld [tilespmem:$0x0]  }
0x22d: {  	_ = 	snop  }
0x22e: {  	[tilespmem:s7], [sflag:$0x3] =	stream.indirect_vreg.gather [hbm4b:s9+s4], $0x80, v15, vm0, $0xb8;
	v63 =	vld [tilespmem:$0x0]  }
0x22f: {  	_ = 	snop  }
0x230: {  	[tilespmem:s10], [sflag:$0x3] =	stream.indirect_vreg.gather [hbm4b:s0+s4], $0x80, v14, vm0, $0xb8;
	v63 =	vld [tilespmem:$0x0]  }
0x231: {  	_ = 	snop  }
0x232: {  	[tilespmem:s11], [sflag:$0x3] =	stream.indirect_vreg.gather [hbm4b:s8+s4], $0x80, v14, vm0, $0xb8;
	v63 =	vld [tilespmem:$0x0]  }
0x233: {  	_ = 	snop  }
0x234: {  	[tilespmem:s12], [sflag:$0x3] =	stream.indirect_vreg.gather [hbm4b:s9+s4], $0x80, v14, vm0, $0xb8;
	v63 =	vld [tilespmem:$0x0]  }
0x235: {  	s20 =	rddreg [dreg:$0xe]  }
0x236: {  	[tilespmem:s13], [sflag:$0x5] =	stream.strided.gather [hbm4b:s20+s25], $0x300, s23, s25, $0x38;
	v63 =	vld [tilespmem:$0x0]  }
0x237: {  	_ =	swait.ge [sflag:s24], $0x300  }
0x238: {  	[sflag:s24] =	ssyncset.done $0x0  }
0x239: {  	[sflag:s24] =	ssyncadd.s32 $0xFFFFFD00  }
0x23a: {  	_ =	swait.ge [sflag:s14], $0x6000  }
0x23b: {  	[sflag:s14] =	ssyncset.done $0x0  }
0x23c: {  	s18 =	simm.s32 $0x0;
	[sflag:s14] =	ssyncadd.s32 $0xFFFFA000  }
.LBB2_16:
0x23d: {  	s5 =	sshrl.u32 s18, $0x3  }
0x23e: {  	s6 =	sand.u32 $0x7, s4;
	s5 =	smul.u32 $0x6000, s5  }
0x23f: {  	s6 =	sshll.u32 s6, $0x9  }
0x240: {  	s5 =	sor.u32 s6, s5  }
0x241: {  	s5 =	sshra.s32 s5, $0x2  }
0x242: {  	s5 =	sadd.s32 $0x192C0, s5  }
0x243: {  	v14 =	vmov s5;
	_ =	sdelay $0x2  }
0x244: {  	s20 =	simm.s32 $0x1F2C0  }
0x245: {  	s19 =	simm.s32 $0x0;
	v16 =	vld [tilespmem:s20+$0xFFFFFFC0]  }
0x246: {  	v15 =	vld.idx.msk [tilespmem:v14+s19+$0xFFFFFFC0 ss:$0x1], $0xffff  }
0x247: {  	v18 =	vld [tilespmem:s20+$0xFFFFFFD0]  }
0x248: {  	v17 =	vld.idx.msk [tilespmem:v14+s19+$0xFFFFFFD0 ss:$0x1], $0xffff  }
0x249: {  	v20 =	vld [tilespmem:s20+$0xFFFFFFE0]  }
0x24a: {  	v19 =	vld.idx.msk [tilespmem:v14+s19+$0xFFFFFFE0 ss:$0x1], $0xffff  }
0x24b: {  	v21 =	vld.idx.msk [tilespmem:v14+s19+$0xFFFFFFF0 ss:$0x1], $0xffff;
	v15 =	vsub.f32 v16, v15  }
0x24c: {  	v16 =	vld [tilespmem:s20+$0xFFFFFFF0]  }
0x24d: {  	v24 =	vld [tilespmem:s20+$0x0];
	v18 =	vsub.f32 v18, v17;
	v15 =	vmul.f32 v15, v15  }
0x24e: {  	v22 =	vimm.f32 $0.0e+00;
	v23 =	vld.idx.msk [tilespmem:v14+s19+$0x0 ss:$0x1], $0xffff  }
0x24f: {  	v17 =	vld.idx.msk [tilespmem:v14+s19+$0x10 ss:$0x1], $0xffff;
	v20 =	vsub.f32 v20, v19;
	v18 =	vmul.f32 v18, v18;
	v22 =	vadd.f32 v15, v22  }
0x250: {  	v19 =	vld [tilespmem:s20+$0x10]  }
0x251: {  	v20 =	vmul.f32 v20, v20;
	v15 =	vld.idx.msk [tilespmem:v14+s19+$0x20 ss:$0x1], $0xffff;
	v25 =	vsub.f32 v16, v21;
	v22 =	vadd.f32 v18, v22  }
0x252: {  	v18 =	vld [tilespmem:s20+$0x20]  }
0x253: {  	v23 =	vsub.f32 v24, v23;
	v16 =	vld.idx.msk [tilespmem:v14+s19+$0x30 ss:$0x1], $0xffff;
	v21 =	vadd.f32 v20, v22;
	v22 =	vmul.f32 v25, v25  }
0x254: {  	s5 =	simm.s32 $0x2000;
	s19 =	simm.s32 $0x400;
	v20 =	vld [tilespmem:s20+$0x30]  }
.LBB2_17:
0x255: {  	p1 =	sne.s32 s5, $0x5000;
	v24 =	vld.idx.msk [tilespmem:v14+s19+$0xFFFFFFC0 ss:$0x1], $0xffff;
	v21 =	vadd.f32 v22, v21;
	v22 =	vmul.f32 v23, v23;
	v17 =	vsub.f32 v19, v17;
	s20 =	sadd.s32 $0x80, s20  }
0x256: {  	v19 =	vld [tilespmem:s20+$0xFFFFFFC0]  }
0x257: {  	v23 =	vld.idx.msk [tilespmem:v14+s19+$0xFFFFFFD0 ss:$0x1], $0xffff;
	v21 =	vadd.f32 v22, v21;
	v17 =	vmul.f32 v17, v17;
	v15 =	vsub.f32 v18, v15  }
0x258: {  	v18 =	vld [tilespmem:s20+$0xFFFFFFD0]  }
0x259: {  	v22 =	vld.idx.msk [tilespmem:v14+s19+$0xFFFFFFE0 ss:$0x1], $0xffff;
	v17 =	vadd.f32 v17, v21;
	v15 =	vmul.f32 v15, v15;
	v16 =	vsub.f32 v20, v16  }
0x25a: {  	v20 =	vld [tilespmem:s20+$0xFFFFFFE0]  }
0x25b: {  	v19 =	vsub.f32 v19, v24;
	v21 =	vld.idx.msk [tilespmem:v14+s19+$0xFFFFFFF0 ss:$0x1], $0xffff;
	v15 =	vadd.f32 v15, v17;
	v16 =	vmul.f32 v16, v16  }
0x25c: {  	v24 =	vld [tilespmem:s20+$0xFFFFFFF0]  }
0x25d: {  	v17 =	vmul.f32 v19, v19;
	v18 =	vsub.f32 v18, v23;
	v23 =	vld.idx.msk [tilespmem:v14+s19+$0x0 ss:$0x1], $0xffff;
	v15 =	vadd.f32 v16, v15  }
0x25e: {  	v16 =	vld [tilespmem:s20+$0x0]  }
0x25f: {  	v15 =	vadd.f32 v17, v15;
	v18 =	vmul.f32 v18, v18;
	v20 =	vsub.f32 v20, v22;
	v17 =	vld.idx.msk [tilespmem:v14+s19+$0x10 ss:$0x1], $0xffff  }
.Ltmp9:
0x260: {  	v19 =	vld [tilespmem:s20+$0x10];
	(pc) =	sbr.rel @p1 .LBB2_17-.Ltmp9, $4  }
0x261: {  	v22 =	vadd.f32 v18, v15;
	v20 =	vmul.f32 v20, v20;
	v24 =	vsub.f32 v24, v21;
	v15 =	vld.idx.msk [tilespmem:v14+s19+$0x20 ss:$0x1], $0xffff  }
0x262: {  	v18 =	vld [tilespmem:s20+$0x20]  }
0x263: {  	v21 =	vadd.f32 v20, v22;
	v22 =	vmul.f32 v24, v24;
	v23 =	vsub.f32 v16, v23;
	v16 =	vld.idx.msk [tilespmem:v14+s19+$0x30 ss:$0x1], $0xffff  }
0x264: {  	s19 =	sshra.s32 s5, $0x2;
	s5 =	sadd.s32 $0x1000, s5;
	v20 =	vld [tilespmem:s20+$0x30]  }
0x265: {  	_ =	sdelay $0x3  }
0x266: {  	v24 =	vld.idx.msk [tilespmem:v14+s19+$0xFFFFFFC0 ss:$0x1], $0xffff;
	v21 =	vadd.f32 v22, v21;
	v42 =	vmul.f32 v23, v23;
	v17 =	vsub.f32 v19, v17;
	s5 =	sadd.s32 $0x80, s20  }
0x267: {  	v43 =	vld [tilespmem:s5+$0xFFFFFFC0]  }
0x268: {  	v44 =	vld.idx.msk [tilespmem:v14+s19+$0xFFFFFFD0 ss:$0x1], $0xffff;
	v21 =	vadd.f32 v42, v21;
	v17 =	vmul.f32 v17, v17;
	v15 =	vsub.f32 v18, v15  }
0x269: {  	v45 =	vld [tilespmem:s5+$0xFFFFFFD0]  }
0x26a: {  	v46 =	vld.idx.msk [tilespmem:v14+s19+$0xFFFFFFE0 ss:$0x1], $0xffff;
	v17 =	vadd.f32 v17, v21;
	v15 =	vmul.f32 v15, v15;
	v16 =	vsub.f32 v20, v16  }
0x26b: {  	v47 =	vld [tilespmem:s5+$0xFFFFFFE0]  }
0x26c: {  	v48 =	vld.idx.msk [tilespmem:v14+s19+$0xFFFFFFF0 ss:$0x1], $0xffff;
	v19 =	vsub.f32 v43, v24;
	v15 =	vadd.f32 v15, v17;
	v16 =	vmul.f32 v16, v16  }
0x26d: {  	v49 =	vld [tilespmem:s5+$0xFFFFFFF0]  }
0x26e: {  	v50 =	vld.idx.msk [tilespmem:v14+s19+$0x0 ss:$0x1], $0xffff;
	v18 =	vsub.f32 v45, v44;
	v19 =	vmul.f32 v19, v19;
	v15 =	vadd.f32 v16, v15  }
0x26f: {  	v51 =	vld [tilespmem:s5+$0x0]  }
0x270: {  	v53 =	vld.idx.msk [tilespmem:v14+s19+$0x10 ss:$0x1], $0xffff;
	v52 =	vsub.f32 v47, v46;
	v18 =	vmul.f32 v18, v18;
	v15 =	vadd.f32 v19, v15  }
0x271: {  	v54 =	vld [tilespmem:s5+$0x10]  }
0x272: {  	v56 =	vld.idx.msk [tilespmem:v14+s19+$0x20 ss:$0x1], $0xffff;
	v17 =	vsub.f32 v49, v48;
	v55 =	vmul.f32 v52, v52;
	v15 =	vadd.f32 v18, v15  }
0x273: {  	v57 =	vld [tilespmem:s5+$0x20]  }
0x274: {  	v14 =	vld.idx.msk [tilespmem:v14+s19+$0x30 ss:$0x1], $0xffff;
	v17 =	vmul.f32 v17, v17;
	v16 =	vsub.f32 v51, v50;
	v15 =	vadd.f32 v55, v15  }
0x275: {  	v58 =	vld [tilespmem:s5+$0x30]  }
0x276: {  	v59 =	vsub.f32 v54, v53;
	v16 =	vmul.f32 v16, v16;
	v15 =	vadd.f32 v17, v15;
	_ =	sdelay $0x1  }
0x277: {  	v61 =	vsub.f32 v57, v56;
	v60 =	vmul.f32 v59, v59;
	v15 =	vadd.f32 v16, v15;
	_ =	sdelay $0x1  }
0x278: {  	v14 =	vsub.f32 v58, v14;
	v62 =	vmul.f32 v61, v61;
	v15 =	vadd.f32 v60, v15;
	_ =	sdelay $0x1  }
0x279: {  	v14 =	vmul.f32 v14, v14;
	v15 =	vadd.f32 v62, v15;
	_ =	sdelay $0x1  }
0x27a: {  	v14 =	vadd.f32 v14, v15;
	_ =	sdelay $0x1  }
0x27b: {  	(xrf2) =	vadd.scan.msk.f32 $0xffff, v14;
	_ =	sdelay $0x6  }
0x27c: {  	v14 =	vmov s18;
	s18 =	sadd.s32 $0x1, s18  }
0x27d: {  	p1 =	sne.s32 s18, $0x20  }
.Ltmp10:
0x27e: {  	_ = 	snop;
	(pc) =	sbr.rel @p1 .LBB2_16-.Ltmp10, $3  }
0x27f: {  	v15, _, _ =	vpop (xrf2)  }
0x280: {  	v15 =	vbroadcast v15, $0xF;
	_ =	sdelay $0x1  }
0x281: {  	s4 =	sadd.s32 $0x1, s4;
	[tilespmem:v14+s15+$0x0] =	vst.idx.msk $0x1, v15  }
0x282: {  	v17 =	vld [tilespmem:$0x191A0]  }
0x283: {  	v18 =	vld [tilespmem:$0x191B0]  }
0x284: {  	v16 =	vld [tilespmem:$0x19220]  }
0x285: {  	v15 =	vld [tilespmem:$0x19230]  }
0x286: {  	v14 =	vld [tilespmem:$0x1F590]  }
0x287: {  	v21 =	vld [tilespmem:$0x1F580];
	_ =	sdelay $0x2  }
0x288: {  	v19 =	vxor.u32 $0x80000000, v16  }
0x289: {  	s4 =	simm.s32 $0xA;
	s18 =	simm.s32 $0xB;
	v20 =	vxor.u32 $0x80000000, v15;
	v17 =	vxor.u32 $0x80000000, v17;
	v18 =	vxor.u32 $0x80000000, v18  }
.LBB2_20:
0x28a: {  	p1 =	sne.s32 s18, $0x13;
	v22 =	vmin.f32 v21, v14  }
0x28b: {  	(xrf0) =	vmin.scan.msk.f32 $0xffff, v22;
	_ =	sdelay $0x5  }
0x28c: {  	v22, _, _ =	vpop (xrf0)  }
0x28d: {  	v22 =	vbroadcast v22, $0xF;
	_ =	sdelay $0x1  }
0x28e: {  	vm1 =	veq.f32 v21, v22  }
0x28f: {  	vm2 =	veq.f32 v14, v22;
	v23 =	vnsel vm1, $0xC0000000, v19  }
0x290: {  	v24 =	vnsel vm2, $0xC0000000, v20;
	(xrf0) =	vmin.scan.msk.u32 $0xffff, v23  }
0x291: {  	(xrf0) =	vmin.scan.msk.u32 $0xffff, v24;
	_ =	sdelay $0x4  }
0x292: {  	v23, _, _ =	vpop (xrf0)  }
0x293: {  	(v2sf) =	vpush v23, $0xF;
	v23, _, _ =	vpop (xrf0)  }
0x294: {  	(v2sf) =	vpush v23, $0xF;
	_ =	sdelay $0xd  }
0x295: {  	s5 =	spop (v2sf)  }
0x296: {  	s6 =	spop (v2sf)  }
0x297: {  	s5 =	sxor.u32 $0x80000000, s5;
	s6 =	sxor.u32 $0x80000000, s6  }
0x298: {  	p2 =	slt.s32 s5, s6  }
0x299: {  	s6 =	smov.u32 @p2 s5  }
0x29a: {  	vm3 =	veq.s32 v16, s6  }
0x29b: {  	vm3 =	vmand vm1, vm3;
	vm1 =	veq.s32 v15, s6  }
0x29c: {  	vm1 =	vmand vm2, vm1;
	v23 =	vnsel vm3, $0xC0000000, v17;
	v21 =	vsel vm3, $0x7F800000, v21  }
0x29d: {  	v24 =	vnsel vm1, $0xC0000000, v18;
	(xrf0) =	vmin.scan.msk.u32 $0xffff, v23  }
0x29e: {  	(xrf0) =	vmin.scan.msk.u32 $0xffff, v24;
	_ =	sdelay $0x4  }
0x29f: {  	v23, _, _ =	vpop (xrf0)  }
0x2a0: {  	(v2sf) =	vpush v23, $0xF;
	v23, _, _ =	vpop (xrf0)  }
0x2a1: {  	(v2sf) =	vpush v23, $0xF;
	_ =	sdelay $0xd  }
0x2a2: {  	s5 =	spop (v2sf)  }
0x2a3: {  	v23 =	vmov s4;
	s4 =	smov.u32 s18;
	s6 =	spop (v2sf)  }
0x2a4: {  	s5 =	sxor.u32 $0x80000000, s5;
	s6 =	sxor.u32 $0x80000000, s6  }
0x2a5: {  	p2 =	slt.s32 s5, s6  }
0x2a6: {  	s6 =	smov.u32 @p2 s5  }
0x2a7: {  	v24 =	vmov s6  }
0x2a8: {  	[tilespmem:v23+s16+$0x0] =	vst.idx.msk $0x1, v24  }
0x2a9: {  	v14 =	vsel vm1, $0x7F800000, v14;
	[tilespmem:v23+s17+$0x0] =	vst.idx.msk $0x1, v22  }
0x2aa: {  	[tilespmem:$0x1F590] =	vst v14  }
0x2ab: {  	v14 =	vld [tilespmem:$0x1F590];
	[tilespmem:$0x1F580] =	vst v21  }
.Ltmp11:
0x2ac: {  	v21 =	vld [tilespmem:$0x1F580];
	(pc) =	sbr.rel @p1 .LBB2_20-.Ltmp11, $2  }
0x2ad: {  	_ =	sdelay $0x2  }
0x2ae: {  	s18 =	sadd.s32 $0x1, s18  }
0x2af: {  	v22 =	vmin.f32 v21, v14  }
0x2b0: {  	(xrf0) =	vmin.scan.msk.f32 $0xffff, v22;
	_ =	sdelay $0x5  }
0x2b1: {  	v22, _, _ =	vpop (xrf0)  }
0x2b2: {  	v22 =	vbroadcast v22, $0xF;
	_ =	sdelay $0x1  }
0x2b3: {  	vm1 =	veq.f32 v21, v22  }
0x2b4: {  	vm2 =	veq.f32 v14, v22;
	v19 =	vnsel vm1, $0xC0000000, v19  }
0x2b5: {  	v20 =	vnsel vm2, $0xC0000000, v20;
	(xrf0) =	vmin.scan.msk.u32 $0xffff, v19  }
0x2b6: {  	(xrf0) =	vmin.scan.msk.u32 $0xffff, v20;
	_ =	sdelay $0x4  }
0x2b7: {  	v19, _, _ =	vpop (xrf0)  }
0x2b8: {  	(v2sf) =	vpush v19, $0xF;
	v60, _, _ =	vpop (xrf0)  }
0x2b9: {  	(v2sf) =	vpush v60, $0xF;
	_ =	sdelay $0xd  }
0x2ba: {  	s5 =	spop (v2sf)  }
0x2bb: {  	s6 =	spop (v2sf)  }
0x2bc: {  	s5 =	sxor.u32 $0x80000000, s5;
	s6 =	sxor.u32 $0x80000000, s6  }
0x2bd: {  	p1 =	slt.s32 s5, s6  }
0x2be: {  	s6 =	smov.u32 @p1 s5  }
0x2bf: {  	vm3 =	veq.s32 v16, s6  }
0x2c0: {  	vm1 =	vmand vm1, vm3;
	vm3 =	veq.s32 v15, s6  }
0x2c1: {  	vm2 =	vmand vm2, vm3;
	v15 =	vnsel vm1, $0xC0000000, v17  }
0x2c2: {  	v61 =	vnsel vm2, $0xC0000000, v18;
	(xrf0) =	vmin.scan.msk.u32 $0xffff, v15  }
0x2c3: {  	(xrf0) =	vmin.scan.msk.u32 $0xffff, v61;
	_ =	sdelay $0x4  }
0x2c4: {  	v15, _, _ =	vpop (xrf0)  }
0x2c5: {  	(v2sf) =	vpush v15, $0xF;
	v15, _, _ =	vpop (xrf0)  }
0x2c6: {  	(v2sf) =	vpush v15, $0xF;
	_ =	sdelay $0xd  }
0x2c7: {  	s18 =	spop (v2sf)  }
0x2c8: {  	v15 =	vmov s4;
	s19 =	spop (v2sf)  }
0x2c9: {  	s5 =	sxor.u32 $0x80000000, s18;
	s4 =	sxor.u32 $0x80000000, s19  }
0x2ca: {  	p1 =	slt.s32 s5, s4  }
0x2cb: {  	s4 =	smov.u32 @p1 s5  }
0x2cc: {  	v62 =	vmov s4  }
0x2cd: {  	[tilespmem:v15+s16+$0x0] =	vst.idx.msk $0x1, v62  }
0x2ce: {  	v14 =	vsel vm2, $0x7F800000, v14;
	[tilespmem:v15+s17+$0x0] =	vst.idx.msk $0x1, v22  }
0x2cf: {  	v15 =	vsel vm1, $0x7F800000, v21;
	[tilespmem:$0x1F590] =	vst v14  }
0x2d0: {  	s20 =	rddreg [dreg:$0xf];
	[tilespmem:$0x1F580] =	vst v15  }
0x2d1: {  	[tilespmem:s28], [sflag:$0x2] =	stream.strided.gather [hbm4b:s20+s25], $0xC380, s23, s25, $0x38;
	v63 =	vld [tilespmem:$0x0]  }
0x2d2: {  	_ =	swait.ge [sflag:s29], $0xC380  }
0x2d3: {  	s18 =	simm.s32 $0x0;
	s19 =	simm.s32 $0x0;
	[sflag:s29] =	ssyncset.done $0x0  }
0x2d4: {  	s5 =	simm.s32 $0x18F20;
	s4 =	simm.s32 $0x0;
	[sflag:s29] =	ssyncadd.s32 $0xFFFF3C80  }
.LBB2_22:
0x2d5: {  	s6 =	sshrl.u32 s18, $0x2  }
0x2d6: {  	s20 =	sand.u32 $0x40, s19;
	s6 =	sand.u32 $0x600, s6  }
0x2d7: {  	s20 =	sor.u32 s20, s6  }
0x2d8: {  	v14 =	vld [tilespmem:s20+$0x100];
	_ =	sdelay $0x7  }
0x2d9: {  	v14 =	vld.idx.msk [tilespmem:v14+s26+$0x0], $0xffff;
	_ =	sdelay $0x4  }
0x2da: {  	(xrf0) =	vmin.scan.msk.f32 $0xffff, v14  }
0x2db: {  	v15 =	vmov s4  }
0x2dc: {  	v15 =	vand.u32 $0xFFFFFFFC, v15  }
0x2dd: {  	v15 =	vbroadcast v15, $0x0;
	_ =	sdelay $0x2  }
0x2de: {  	v16, _, _ =	vpop (xrf0)  }
0x2df: {  	s20 =	sadd.s32 $0x10, s19;
	v16 =	vbroadcast v16, $0xF  }
0x2e0: {  	s20 =	sand.u32 $0x50, s20;
	[tilespmem:s5+$0xFFFFFFE0] =	vst v14  }
0x2e1: {  	s20 =	sor.u32 s20, s6;
	[tilespmem:v15+s30+$0x0] =	vst.idx.msk $0x1, v16  }
0x2e2: {  	v14 =	vld [tilespmem:s20+$0x100];
	_ =	sdelay $0x7  }
0x2e3: {  	v14 =	vld.idx.msk [tilespmem:v14+s26+$0x0], $0xffff;
	_ =	sdelay $0x4  }
0x2e4: {  	s20 =	sadd.s32 $0x1, s4;
	(xrf0) =	vmin.scan.msk.f32 $0xffff, v14  }
0x2e5: {  	v15 =	vmov s20  }
0x2e6: {  	v15 =	vand.u32 $0xFFFFFFFD, v15  }
0x2e7: {  	v15 =	vbroadcast v15, $0x0;
	_ =	sdelay $0x2  }
0x2e8: {  	v60, _, _ =	vpop (xrf0)  }
0x2e9: {  	s20 =	sadd.s32 $0x20, s19;
	v16 =	vbroadcast v60, $0xF  }
0x2ea: {  	s20 =	sand.u32 $0x60, s20;
	[tilespmem:s5+$0xFFFFFFF0] =	vst v14  }
0x2eb: {  	s20 =	sor.u32 s20, s6;
	[tilespmem:v15+s30+$0x0] =	vst.idx.msk $0x1, v16  }
0x2ec: {  	v14 =	vld [tilespmem:s20+$0x100];
	_ =	sdelay $0x7  }
0x2ed: {  	v14 =	vld.idx.msk [tilespmem:v14+s26+$0x0], $0xffff;
	_ =	sdelay $0x4  }
0x2ee: {  	s20 =	sadd.s32 $0x2, s4;
	(xrf0) =	vmin.scan.msk.f32 $0xffff, v14  }
0x2ef: {  	v15 =	vmov s20  }
0x2f0: {  	v15 =	vand.u32 $0xFFFFFFFE, v15  }
0x2f1: {  	v15 =	vbroadcast v15, $0x0;
	_ =	sdelay $0x2  }
0x2f2: {  	v61, _, _ =	vpop (xrf0)  }
0x2f3: {  	s20 =	sadd.s32 $0x30, s19;
	v16 =	vbroadcast v61, $0xF  }
0x2f4: {  	s20 =	sand.u32 $0x70, s20;
	[tilespmem:s5+$0x0] =	vst v14  }
0x2f5: {  	s6 =	sor.u32 s20, s6;
	[tilespmem:v15+s30+$0x0] =	vst.idx.msk $0x1, v16  }
0x2f6: {  	v14 =	vld [tilespmem:s6+$0x100];
	_ =	sdelay $0x7  }
0x2f7: {  	v14 =	vld.idx.msk [tilespmem:v14+s26+$0x0], $0xffff;
	_ =	sdelay $0x4  }
0x2f8: {  	(xrf0) =	vmin.scan.msk.f32 $0xffff, v14;
	_ =	sdelay $0x2  }
0x2f9: {  	s20 =	sadd.s32 $0x3, s4  }
0x2fa: {  	p1 =	sne.s32 s19, $0x1C0;
	v15 =	vmov s20  }
.Ltmp12:
0x2fb: {  	_ = 	snop;
	(pc) =	sbr.rel @p1 .LBB2_22-.Ltmp12, $4  }
0x2fc: {  	v62, _, _ =	vpop (xrf0)  }
0x2fd: {  	v16 =	vbroadcast v62, $0xF  }
0x2fe: {  	s18 =	sadd.s32 $0x400, s18;
	[tilespmem:s5+$0x10] =	vst v14  }
0x2ff: {  	s19 =	sadd.s32 $0x40, s19;
	s4 =	sadd.s32 $0x4, s4;
	s5 =	sadd.s32 $0x40, s5;
	[tilespmem:v15+s30+$0x0] =	vst.idx.msk $0x1, v16  }
0x300: {  	v14 =	vld [tilespmem:$0x19100]  }
0x301: {  	v15 =	vld [tilespmem:$0x19110];
	_ =	sdelay $0x4  }
0x302: {  	v16 =	vmin.f32 v14, v15  }
0x303: {  	(xrf0) =	vmin.scan.msk.f32 $0xffff, v16;
	_ =	sdelay $0x5  }
0x304: {  	v16, _, _ =	vpop (xrf0)  }
0x305: {  	v16 =	vbroadcast v16, $0xF;
	_ =	sdelay $0x1  }
0x306: {  	vm1 =	veq.f32 v15, v16  }
0x307: {  	vm2 =	veq.f32 v14, v16;
	v14 =	vnsel vm1, $0xC0000000, v2  }
0x308: {  	v15 =	vnsel vm2, $0xC0000000, v1;
	(xrf0) =	vmin.scan.msk.u32 $0xffff, v14  }
0x309: {  	(xrf0) =	vmin.scan.msk.u32 $0xffff, v15;
	_ =	sdelay $0x4  }
0x30a: {  	v14, _, _ =	vpop (xrf0)  }
0x30b: {  	v15, _, _ =	vpop (xrf0);
	(v2sf) =	vpush v14, $0xF  }
0x30c: {  	(v2sf) =	vpush v15, $0xF;
	_ =	sdelay $0xd  }
0x30d: {  	s4 =	spop (v2sf)  }
0x30e: {  	s5 =	spop (v2sf)  }
0x30f: {  	s6 =	sxor.u32 $0x80000000, s4;
	s4 =	sxor.u32 $0x80000000, s5  }
0x310: {  	p1 =	slt.s32 s4, s6  }
0x311: {  	s6 =	smov.u32 @p1 s4  }
0x312: {  	s19 =	sshll.u32 s6, $0x4  }
0x313: {  	v14 =	vld [tilespmem:s19+$0x18F00];
	_ =	sdelay $0x4  }
0x314: {  	vm1 =	veq.f32 v14, v16  }
0x315: {  	v15 =	vnsel vm1, $0xC0000000, v1  }
0x316: {  	(xrf0) =	vmin.scan.msk.u32 $0xffff, v15;
	_ =	sdelay $0x5  }
0x317: {  	v15, _, _ =	vpop (xrf0)  }
0x318: {  	(v2sf) =	vpush v15, $0xF;
	_ =	sdelay $0x9  }
0x319: {  	s4 =	sshll.u32 s6, $0x6  }
0x31a: {  	s20 =	sand.u32 $0x70, s19;
	s4 =	sand.u32 $0xFFFFFE00, s4  }
0x31b: {  	s4 =	sor.u32 s20, s4  }
0x31c: {  	v15 =	vld [tilespmem:s4+$0x100];
	_ =	sdelay $0x1  }
0x31d: {  	s5 =	spop (v2sf)  }
0x31e: {  	s4 =	sxor.u32 $0x80000000, s5  }
0x31f: {  	v16 =	vmov s4  }
0x320: {  	v15 =	vxor.u32 $0x80000000, v15;
	vm1 =	veq.s32 v16, v0  }
0x321: {  	v15 =	vnsel vm1, $0xC0000000, v15  }
0x322: {  	(xrf0) =	vmin.scan.msk.u32 $0xffff, v15;
	_ =	sdelay $0x5  }
0x323: {  	v15, _, _ =	vpop (xrf0)  }
0x324: {  	(v2sf) =	vpush v15, $0xF;
	_ =	sdelay $0xb  }
0x325: {  	s18 =	simm.s32 $0x40  }
0x326: {  	v17 =	vmov s18;
	v14 =	vsel vm1, $0x7F800000, v14  }
0x327: {  	(xrf0) =	vmin.scan.msk.f32 $0xffff, v14  }
0x328: {  	s20 =	spop (v2sf)  }
0x329: {  	s5 =	sxor.u32 $0x80000000, s20  }
0x32a: {  	v15 =	vmov s5  }
0x32b: {  	[tilespmem:v17+s31+$0x0] =	vst.idx.msk $0x1, v15;
	v15 =	vmov s6  }
0x32c: {  	s4 =	sadd.s32 s4, s19  }
0x32d: {  	v18 =	vmov s4;
	v16, _, _ =	vpop (xrf0)  }
0x32e: {  	s4 =	simm.s32 $0x41;
	v16 =	vbroadcast v16, $0xF;
	[tilespmem:v17+s2+$0x0] =	vst.idx.msk $0x1, v18  }
.LBB2_24:
0x32f: {  	p1 =	sne.s32 s4, $0x5F;
	[tilespmem:s19+$0x18F00] =	vst v14;
	s18 =	smov.u32 s4;
	s4 =	sadd.s32 $0x1, s4  }
0x330: {  	[tilespmem:v15+s30+$0x0] =	vst.idx.msk $0x1, v16  }
0x331: {  	v14 =	vld [tilespmem:$0x19100]  }
0x332: {  	v15 =	vld [tilespmem:$0x19110];
	_ =	sdelay $0x4  }
0x333: {  	v16 =	vmin.f32 v14, v15  }
0x334: {  	(xrf0) =	vmin.scan.msk.f32 $0xffff, v16;
	_ =	sdelay $0x5  }
0x335: {  	v16, _, _ =	vpop (xrf0)  }
0x336: {  	v16 =	vbroadcast v16, $0xF;
	_ =	sdelay $0x1  }
0x337: {  	vm1 =	veq.f32 v14, v16;
	vm2 =	veq.f32 v15, v16  }
0x338: {  	v14 =	vnsel vm1, $0xC0000000, v1;
	v15 =	vnsel vm2, $0xC0000000, v2  }
0x339: {  	(xrf0) =	vmin.scan.msk.u32 $0xffff, v15  }
0x33a: {  	(xrf0) =	vmin.scan.msk.u32 $0xffff, v14;
	_ =	sdelay $0x4  }
0x33b: {  	v14, _, _ =	vpop (xrf0)  }
0x33c: {  	v15, _, _ =	vpop (xrf0);
	(v2sf) =	vpush v14, $0xF  }
0x33d: {  	(v2sf) =	vpush v15, $0xF;
	_ =	sdelay $0xd  }
0x33e: {  	s5 =	spop (v2sf)  }
0x33f: {  	s20 =	sxor.u32 $0x80000000, s5;
	s5 =	spop (v2sf)  }
0x340: {  	s5 =	sxor.u32 $0x80000000, s5  }
0x341: {  	p2 =	slt.s32 s5, s20  }
0x342: {  	s20 =	smov.u32 @p2 s5  }
0x343: {  	s19 =	sshll.u32 s20, $0x4;
	s5 =	sshll.u32 s20, $0x6  }
0x344: {  	s6 =	sand.u32 $0x70, s19;
	v14 =	vld [tilespmem:s19+$0x18F00];
	s5 =	sand.u32 $0xFFFFFE00, s5  }
0x345: {  	s5 =	sor.u32 s6, s5;
	_ =	sdelay $0x3  }
0x346: {  	vm1 =	veq.f32 v14, v16  }
0x347: {  	v15 =	vnsel vm1, $0xC0000000, v1  }
0x348: {  	(xrf0) =	vmin.scan.msk.u32 $0xffff, v15;
	_ =	sdelay $0x5  }
0x349: {  	v15, _, _ =	vpop (xrf0)  }
0x34a: {  	(v2sf) =	vpush v15, $0xF;
	_ =	sdelay $0xb  }
0x34b: {  	v15 =	vld [tilespmem:s5+$0x100];
	_ =	sdelay $0x2  }
0x34c: {  	s5 =	spop (v2sf)  }
0x34d: {  	s5 =	sxor.u32 $0x80000000, s5  }
0x34e: {  	v16 =	vmov s5;
	v15 =	vxor.u32 $0x80000000, v15;
	s5 =	sadd.s32 s5, s19  }
0x34f: {  	vm1 =	veq.s32 v16, v0  }
0x350: {  	v15 =	vnsel vm1, $0xC0000000, v15;
	v14 =	vsel vm1, $0x7F800000, v14  }
0x351: {  	(xrf0) =	vmin.scan.msk.u32 $0xffff, v15  }
0x352: {  	(xrf0) =	vmin.scan.msk.f32 $0xffff, v14;
	_ =	sdelay $0x4  }
0x353: {  	v15, _, _ =	vpop (xrf0)  }
0x354: {  	(v2sf) =	vpush v15, $0xF;
	v16, _, _ =	vpop (xrf0);
	_ =	sdelay $0xb  }
0x355: {  	v17 =	vmov s18;
	_ =	sdelay $0x2  }
.Ltmp13:
0x356: {  	v15 =	vmov s20;
	s6 =	spop (v2sf);
	(pc) =	sbr.rel @p1 .LBB2_24-.Ltmp13, $4  }
0x357: {  	s6 =	sxor.u32 $0x80000000, s6  }
0x358: {  	v19 =	vmov s5;
	v18 =	vmov s6  }
0x359: {  	v16 =	vbroadcast v16, $0xF;
	[tilespmem:v17+s31+$0x0] =	vst.idx.msk $0x1, v18  }
0x35a: {  	[tilespmem:v17+s2+$0x0] =	vst.idx.msk $0x1, v19  }
0x35b: {  	_ =	sdelay $0x2  }
0x35c: {  	[tilespmem:s19+$0x18F00] =	vst v14  }
0x35d: {  	[tilespmem:v15+s30+$0x0] =	vst.idx.msk $0x1, v16  }
0x35e: {  	v14 =	vld [tilespmem:$0x191C0];
	_ =	sdelay $0x4  }
0x35f: {  	v15 =	vshrl.u32 v14, $0x3  }
0x360: {  	v15 =	vmul.u32 $0x30, v15  }
0x361: {  	v14 =	vand.u32 $0x7, v14  }
0x362: {  	v14 =	vor.u32 v14, v15  }
0x363: {  	v15 =	vperm.xlane v14, v3;
	_ =	sdelay $0x1  }
0x364: {  	v15 =	vadd.s32 v4, v15;
	_ =	sdelay $0x3  }
0x365: {  	s4 =	simm.s32 $0x0;
	s5 =	simm.s32 $0x19280;
	v14 =	vperm.xlane v14, v5  }
0x366: {  	[tilespmem:s5], [sflag:$0x3] =	stream.indirect_vreg.gather [hbm4b:s0+s4], $0x80, v15, vm0, $0xb8;
	v63 =	vld [tilespmem:$0x0]  }
0x367: {  	s6 =	simm.s32 $0x19A80;
	v14 =	vadd.s32 v4, v14  }
0x368: {  	[tilespmem:s6], [sflag:$0x3] =	stream.indirect_vreg.gather [hbm4b:s8+s4], $0x80, v15, vm0, $0xb8;
	v63 =	vld [tilespmem:$0x0]  }
0x369: {  	s18 =	simm.s32 $0x1A280  }
0x36a: {  	[tilespmem:s18], [sflag:$0x3] =	stream.indirect_vreg.gather [hbm4b:s9+s4], $0x80, v15, vm0, $0xb8;
	v63 =	vld [tilespmem:$0x0]  }
0x36b: {  	s19 =	simm.s32 $0x1AA80  }
0x36c: {  	[tilespmem:s19], [sflag:$0x3] =	stream.indirect_vreg.gather [hbm4b:s0+s4], $0x80, v14, vm0, $0xb8;
	v63 =	vld [tilespmem:$0x0]  }
0x36d: {  	s20 =	simm.s32 $0x1B280  }
0x36e: {  	[tilespmem:s20], [sflag:$0x3] =	stream.indirect_vreg.gather [hbm4b:s8+s4], $0x80, v14, vm0, $0xb8;
	v63 =	vld [tilespmem:$0x0]  }
0x36f: {  	s6 =	simm.s32 $0x1BA80  }
0x370: {  	[tilespmem:s6], [sflag:$0x3] =	stream.indirect_vreg.gather [hbm4b:s9+s4], $0x80, v14, vm0, $0xb8;
	v63 =	vld [tilespmem:$0x0]  }
0x371: {  	v14 =	vld [tilespmem:$0x191D0];
	_ =	sdelay $0x4  }
0x372: {  	v15 =	vshrl.u32 v14, $0x3  }
0x373: {  	v15 =	vmul.u32 $0x30, v15  }
0x374: {  	v14 =	vand.u32 $0x7, v14  }
0x375: {  	v14 =	vor.u32 v14, v15  }
0x376: {  	v15 =	vperm.xlane v14, v3;
	_ =	sdelay $0x1  }
0x377: {  	v15 =	vadd.s32 v4, v15;
	_ =	sdelay $0x3  }
0x378: {  	s18 =	simm.s32 $0x1C280;
	v14 =	vperm.xlane v14, v5  }
0x379: {  	[tilespmem:s18], [sflag:$0x3] =	stream.indirect_vreg.gather [hbm4b:s0+s4], $0x80, v15, vm0, $0xb8;
	v63 =	vld [tilespmem:$0x0]  }
0x37a: {  	s19 =	simm.s32 $0x1CA80;
	v14 =	vadd.s32 v4, v14  }
0x37b: {  	[tilespmem:s19], [sflag:$0x3] =	stream.indirect_vreg.gather [hbm4b:s8+s4], $0x80, v15, vm0, $0xb8;
	v63 =	vld [tilespmem:$0x0]  }
0x37c: {  	_ = 	snop  }
0x37d: {  	[tilespmem:s7], [sflag:$0x3] =	stream.indirect_vreg.gather [hbm4b:s9+s4], $0x80, v15, vm0, $0xb8;
	v63 =	vld [tilespmem:$0x0]  }
0x37e: {  	_ = 	snop  }
0x37f: {  	[tilespmem:s10], [sflag:$0x3] =	stream.indirect_vreg.gather [hbm4b:s0+s4], $0x80, v14, vm0, $0xb8;
	v63 =	vld [tilespmem:$0x0]  }
0x380: {  	_ = 	snop  }
0x381: {  	[tilespmem:s11], [sflag:$0x3] =	stream.indirect_vreg.gather [hbm4b:s8+s4], $0x80, v14, vm0, $0xb8;
	v63 =	vld [tilespmem:$0x0]  }
0x382: {  	_ = 	snop  }
0x383: {  	[tilespmem:s12], [sflag:$0x3] =	stream.indirect_vreg.gather [hbm4b:s9+s4], $0x80, v14, vm0, $0xb8;
	v63 =	vld [tilespmem:$0x0]  }
0x384: {  	s20 =	rddreg [dreg:$0x10]  }
0x385: {  	[tilespmem:s13], [sflag:$0x5] =	stream.strided.gather [hbm4b:s20+s25], $0x300, s23, s25, $0x38;
	v63 =	vld [tilespmem:$0x0]  }
0x386: {  	_ =	swait.ge [sflag:s24], $0x300  }
0x387: {  	[sflag:s24] =	ssyncset.done $0x0  }
0x388: {  	[sflag:s24] =	ssyncadd.s32 $0xFFFFFD00  }
0x389: {  	_ =	swait.ge [sflag:s14], $0x6000  }
0x38a: {  	[sflag:s14] =	ssyncset.done $0x0  }
0x38b: {  	s18 =	simm.s32 $0x0;
	[sflag:s14] =	ssyncadd.s32 $0xFFFFA000  }
.LBB2_26:
0x38c: {  	s5 =	sshrl.u32 s18, $0x3  }
0x38d: {  	s6 =	sand.u32 $0x7, s4;
	s5 =	smul.u32 $0x6000, s5  }
0x38e: {  	s6 =	sshll.u32 s6, $0x9  }
0x38f: {  	s5 =	sor.u32 s6, s5  }
0x390: {  	s5 =	sshra.s32 s5, $0x2  }
0x391: {  	s5 =	sadd.s32 $0x192C0, s5  }
0x392: {  	v14 =	vmov s5;
	_ =	sdelay $0x2  }
0x393: {  	s20 =	simm.s32 $0x1F2C0  }
0x394: {  	s19 =	simm.s32 $0x0;
	v16 =	vld [tilespmem:s20+$0xFFFFFFC0]  }
0x395: {  	v15 =	vld.idx.msk [tilespmem:v14+s19+$0xFFFFFFC0 ss:$0x1], $0xffff  }
0x396: {  	v18 =	vld [tilespmem:s20+$0xFFFFFFD0]  }
0x397: {  	v17 =	vld.idx.msk [tilespmem:v14+s19+$0xFFFFFFD0 ss:$0x1], $0xffff  }
0x398: {  	v20 =	vld [tilespmem:s20+$0xFFFFFFE0]  }
0x399: {  	v19 =	vld.idx.msk [tilespmem:v14+s19+$0xFFFFFFE0 ss:$0x1], $0xffff  }
0x39a: {  	v21 =	vld.idx.msk [tilespmem:v14+s19+$0xFFFFFFF0 ss:$0x1], $0xffff;
	v15 =	vsub.f32 v16, v15  }
0x39b: {  	v16 =	vld [tilespmem:s20+$0xFFFFFFF0]  }
0x39c: {  	v24 =	vld [tilespmem:s20+$0x0];
	v18 =	vsub.f32 v18, v17;
	v15 =	vmul.f32 v15, v15  }
0x39d: {  	v22 =	vimm.f32 $0.0e+00;
	v23 =	vld.idx.msk [tilespmem:v14+s19+$0x0 ss:$0x1], $0xffff  }
0x39e: {  	v17 =	vld.idx.msk [tilespmem:v14+s19+$0x10 ss:$0x1], $0xffff;
	v20 =	vsub.f32 v20, v19;
	v18 =	vmul.f32 v18, v18;
	v22 =	vadd.f32 v15, v22  }
0x39f: {  	v19 =	vld [tilespmem:s20+$0x10]  }
0x3a0: {  	v20 =	vmul.f32 v20, v20;
	v15 =	vld.idx.msk [tilespmem:v14+s19+$0x20 ss:$0x1], $0xffff;
	v25 =	vsub.f32 v16, v21;
	v22 =	vadd.f32 v18, v22  }
0x3a1: {  	v18 =	vld [tilespmem:s20+$0x20]  }
0x3a2: {  	v23 =	vsub.f32 v24, v23;
	v16 =	vld.idx.msk [tilespmem:v14+s19+$0x30 ss:$0x1], $0xffff;
	v21 =	vadd.f32 v20, v22;
	v22 =	vmul.f32 v25, v25  }
0x3a3: {  	s5 =	simm.s32 $0x2000;
	s19 =	simm.s32 $0x400;
	v20 =	vld [tilespmem:s20+$0x30]  }
.LBB2_27:
0x3a4: {  	p1 =	sne.s32 s5, $0x5000;
	v24 =	vld.idx.msk [tilespmem:v14+s19+$0xFFFFFFC0 ss:$0x1], $0xffff;
	v21 =	vadd.f32 v22, v21;
	v22 =	vmul.f32 v23, v23;
	v17 =	vsub.f32 v19, v17;
	s20 =	sadd.s32 $0x80, s20  }
0x3a5: {  	v19 =	vld [tilespmem:s20+$0xFFFFFFC0]  }
0x3a6: {  	v23 =	vld.idx.msk [tilespmem:v14+s19+$0xFFFFFFD0 ss:$0x1], $0xffff;
	v21 =	vadd.f32 v22, v21;
	v17 =	vmul.f32 v17, v17;
	v15 =	vsub.f32 v18, v15  }
0x3a7: {  	v18 =	vld [tilespmem:s20+$0xFFFFFFD0]  }
0x3a8: {  	v22 =	vld.idx.msk [tilespmem:v14+s19+$0xFFFFFFE0 ss:$0x1], $0xffff;
	v17 =	vadd.f32 v17, v21;
	v15 =	vmul.f32 v15, v15;
	v16 =	vsub.f32 v20, v16  }
0x3a9: {  	v20 =	vld [tilespmem:s20+$0xFFFFFFE0]  }
0x3aa: {  	v19 =	vsub.f32 v19, v24;
	v21 =	vld.idx.msk [tilespmem:v14+s19+$0xFFFFFFF0 ss:$0x1], $0xffff;
	v15 =	vadd.f32 v15, v17;
	v16 =	vmul.f32 v16, v16  }
0x3ab: {  	v24 =	vld [tilespmem:s20+$0xFFFFFFF0]  }
0x3ac: {  	v17 =	vmul.f32 v19, v19;
	v18 =	vsub.f32 v18, v23;
	v23 =	vld.idx.msk [tilespmem:v14+s19+$0x0 ss:$0x1], $0xffff;
	v15 =	vadd.f32 v16, v15  }
0x3ad: {  	v16 =	vld [tilespmem:s20+$0x0]  }
0x3ae: {  	v15 =	vadd.f32 v17, v15;
	v18 =	vmul.f32 v18, v18;
	v20 =	vsub.f32 v20, v22;
	v17 =	vld.idx.msk [tilespmem:v14+s19+$0x10 ss:$0x1], $0xffff  }
.Ltmp14:
0x3af: {  	v19 =	vld [tilespmem:s20+$0x10];
	(pc) =	sbr.rel @p1 .LBB2_27-.Ltmp14, $4  }
0x3b0: {  	v22 =	vadd.f32 v18, v15;
	v20 =	vmul.f32 v20, v20;
	v24 =	vsub.f32 v24, v21;
	v15 =	vld.idx.msk [tilespmem:v14+s19+$0x20 ss:$0x1], $0xffff  }
0x3b1: {  	v18 =	vld [tilespmem:s20+$0x20]  }
0x3b2: {  	v21 =	vadd.f32 v20, v22;
	v22 =	vmul.f32 v24, v24;
	v23 =	vsub.f32 v16, v23;
	v16 =	vld.idx.msk [tilespmem:v14+s19+$0x30 ss:$0x1], $0xffff  }
0x3b3: {  	s19 =	sshra.s32 s5, $0x2;
	s5 =	sadd.s32 $0x1000, s5;
	v20 =	vld [tilespmem:s20+$0x30]  }
0x3b4: {  	_ =	sdelay $0x3  }
0x3b5: {  	v24 =	vld.idx.msk [tilespmem:v14+s19+$0xFFFFFFC0 ss:$0x1], $0xffff;
	v21 =	vadd.f32 v22, v21;
	v42 =	vmul.f32 v23, v23;
	v17 =	vsub.f32 v19, v17;
	s5 =	sadd.s32 $0x80, s20  }
0x3b6: {  	v43 =	vld [tilespmem:s5+$0xFFFFFFC0]  }
0x3b7: {  	v44 =	vld.idx.msk [tilespmem:v14+s19+$0xFFFFFFD0 ss:$0x1], $0xffff;
	v21 =	vadd.f32 v42, v21;
	v17 =	vmul.f32 v17, v17;
	v15 =	vsub.f32 v18, v15  }
0x3b8: {  	v45 =	vld [tilespmem:s5+$0xFFFFFFD0]  }
0x3b9: {  	v46 =	vld.idx.msk [tilespmem:v14+s19+$0xFFFFFFE0 ss:$0x1], $0xffff;
	v17 =	vadd.f32 v17, v21;
	v15 =	vmul.f32 v15, v15;
	v16 =	vsub.f32 v20, v16  }
0x3ba: {  	v47 =	vld [tilespmem:s5+$0xFFFFFFE0]  }
0x3bb: {  	v48 =	vld.idx.msk [tilespmem:v14+s19+$0xFFFFFFF0 ss:$0x1], $0xffff;
	v19 =	vsub.f32 v43, v24;
	v15 =	vadd.f32 v15, v17;
	v16 =	vmul.f32 v16, v16  }
0x3bc: {  	v49 =	vld [tilespmem:s5+$0xFFFFFFF0]  }
0x3bd: {  	v50 =	vld.idx.msk [tilespmem:v14+s19+$0x0 ss:$0x1], $0xffff;
	v18 =	vsub.f32 v45, v44;
	v19 =	vmul.f32 v19, v19;
	v15 =	vadd.f32 v16, v15  }
0x3be: {  	v51 =	vld [tilespmem:s5+$0x0]  }
0x3bf: {  	v53 =	vld.idx.msk [tilespmem:v14+s19+$0x10 ss:$0x1], $0xffff;
	v52 =	vsub.f32 v47, v46;
	v18 =	vmul.f32 v18, v18;
	v15 =	vadd.f32 v19, v15  }
0x3c0: {  	v54 =	vld [tilespmem:s5+$0x10]  }
0x3c1: {  	v56 =	vld.idx.msk [tilespmem:v14+s19+$0x20 ss:$0x1], $0xffff;
	v17 =	vsub.f32 v49, v48;
	v55 =	vmul.f32 v52, v52;
	v15 =	vadd.f32 v18, v15  }
0x3c2: {  	v57 =	vld [tilespmem:s5+$0x20]  }
0x3c3: {  	v14 =	vld.idx.msk [tilespmem:v14+s19+$0x30 ss:$0x1], $0xffff;
	v17 =	vmul.f32 v17, v17;
	v16 =	vsub.f32 v51, v50;
	v15 =	vadd.f32 v55, v15  }
0x3c4: {  	v58 =	vld [tilespmem:s5+$0x30]  }
0x3c5: {  	v59 =	vsub.f32 v54, v53;
	v16 =	vmul.f32 v16, v16;
	v15 =	vadd.f32 v17, v15;
	_ =	sdelay $0x1  }
0x3c6: {  	v61 =	vsub.f32 v57, v56;
	v60 =	vmul.f32 v59, v59;
	v15 =	vadd.f32 v16, v15;
	_ =	sdelay $0x1  }
0x3c7: {  	v14 =	vsub.f32 v58, v14;
	v62 =	vmul.f32 v61, v61;
	v15 =	vadd.f32 v60, v15;
	_ =	sdelay $0x1  }
0x3c8: {  	v14 =	vmul.f32 v14, v14;
	v15 =	vadd.f32 v62, v15;
	_ =	sdelay $0x1  }
0x3c9: {  	v14 =	vadd.f32 v14, v15;
	_ =	sdelay $0x1  }
0x3ca: {  	(xrf2) =	vadd.scan.msk.f32 $0xffff, v14;
	_ =	sdelay $0x6  }
0x3cb: {  	v14 =	vmov s18;
	s18 =	sadd.s32 $0x1, s18  }
0x3cc: {  	p1 =	sne.s32 s18, $0x20  }
.Ltmp15:
0x3cd: {  	_ = 	snop;
	(pc) =	sbr.rel @p1 .LBB2_26-.Ltmp15, $3  }
0x3ce: {  	v15, _, _ =	vpop (xrf2)  }
0x3cf: {  	v15 =	vbroadcast v15, $0xF;
	_ =	sdelay $0x1  }
0x3d0: {  	s4 =	sadd.s32 $0x1, s4;
	[tilespmem:v14+s15+$0x0] =	vst.idx.msk $0x1, v15  }
0x3d1: {  	v17 =	vld [tilespmem:$0x191C0]  }
0x3d2: {  	v18 =	vld [tilespmem:$0x191D0]  }
0x3d3: {  	v16 =	vld [tilespmem:$0x19240]  }
0x3d4: {  	v15 =	vld [tilespmem:$0x19250]  }
0x3d5: {  	v14 =	vld [tilespmem:$0x1F590]  }
0x3d6: {  	v21 =	vld [tilespmem:$0x1F580];
	_ =	sdelay $0x2  }
0x3d7: {  	v19 =	vxor.u32 $0x80000000, v16  }
0x3d8: {  	s4 =	simm.s32 $0x14;
	s18 =	simm.s32 $0x15;
	v20 =	vxor.u32 $0x80000000, v15;
	v17 =	vxor.u32 $0x80000000, v17;
	v18 =	vxor.u32 $0x80000000, v18  }
.LBB2_30:
0x3d9: {  	p1 =	sne.s32 s18, $0x1D;
	v22 =	vmin.f32 v21, v14  }
0x3da: {  	(xrf0) =	vmin.scan.msk.f32 $0xffff, v22;
	_ =	sdelay $0x5  }
0x3db: {  	v22, _, _ =	vpop (xrf0)  }
0x3dc: {  	v22 =	vbroadcast v22, $0xF;
	_ =	sdelay $0x1  }
0x3dd: {  	vm1 =	veq.f32 v21, v22  }
0x3de: {  	vm2 =	veq.f32 v14, v22;
	v23 =	vnsel vm1, $0xC0000000, v19  }
0x3df: {  	v24 =	vnsel vm2, $0xC0000000, v20;
	(xrf0) =	vmin.scan.msk.u32 $0xffff, v23  }
0x3e0: {  	(xrf0) =	vmin.scan.msk.u32 $0xffff, v24;
	_ =	sdelay $0x4  }
0x3e1: {  	v23, _, _ =	vpop (xrf0)  }
0x3e2: {  	(v2sf) =	vpush v23, $0xF;
	v23, _, _ =	vpop (xrf0)  }
0x3e3: {  	(v2sf) =	vpush v23, $0xF;
	_ =	sdelay $0xd  }
0x3e4: {  	s5 =	spop (v2sf)  }
0x3e5: {  	s6 =	spop (v2sf)  }
0x3e6: {  	s5 =	sxor.u32 $0x80000000, s5;
	s6 =	sxor.u32 $0x80000000, s6  }
0x3e7: {  	p2 =	slt.s32 s5, s6  }
0x3e8: {  	s6 =	smov.u32 @p2 s5  }
0x3e9: {  	vm3 =	veq.s32 v16, s6  }
0x3ea: {  	vm3 =	vmand vm1, vm3;
	vm1 =	veq.s32 v15, s6  }
0x3eb: {  	vm1 =	vmand vm2, vm1;
	v23 =	vnsel vm3, $0xC0000000, v17;
	v21 =	vsel vm3, $0x7F800000, v21  }
0x3ec: {  	v24 =	vnsel vm1, $0xC0000000, v18;
	(xrf0) =	vmin.scan.msk.u32 $0xffff, v23  }
0x3ed: {  	(xrf0) =	vmin.scan.msk.u32 $0xffff, v24;
	_ =	sdelay $0x4  }
0x3ee: {  	v23, _, _ =	vpop (xrf0)  }
0x3ef: {  	(v2sf) =	vpush v23, $0xF;
	v23, _, _ =	vpop (xrf0)  }
0x3f0: {  	(v2sf) =	vpush v23, $0xF;
	_ =	sdelay $0xd  }
0x3f1: {  	s5 =	spop (v2sf)  }
0x3f2: {  	v23 =	vmov s4;
	s4 =	smov.u32 s18;
	s6 =	spop (v2sf)  }
0x3f3: {  	s5 =	sxor.u32 $0x80000000, s5;
	s6 =	sxor.u32 $0x80000000, s6  }
0x3f4: {  	p2 =	slt.s32 s5, s6  }
0x3f5: {  	s6 =	smov.u32 @p2 s5  }
0x3f6: {  	v24 =	vmov s6  }
0x3f7: {  	[tilespmem:v23+s16+$0x0] =	vst.idx.msk $0x1, v24  }
0x3f8: {  	v14 =	vsel vm1, $0x7F800000, v14;
	[tilespmem:v23+s17+$0x0] =	vst.idx.msk $0x1, v22  }
0x3f9: {  	[tilespmem:$0x1F590] =	vst v14  }
0x3fa: {  	v14 =	vld [tilespmem:$0x1F590];
	[tilespmem:$0x1F580] =	vst v21  }
.Ltmp16:
0x3fb: {  	v21 =	vld [tilespmem:$0x1F580];
	(pc) =	sbr.rel @p1 .LBB2_30-.Ltmp16, $2  }
0x3fc: {  	_ =	sdelay $0x2  }
0x3fd: {  	s18 =	sadd.s32 $0x1, s18  }
0x3fe: {  	v22 =	vmin.f32 v21, v14  }
0x3ff: {  	(xrf0) =	vmin.scan.msk.f32 $0xffff, v22;
	_ =	sdelay $0x5  }
0x400: {  	v22, _, _ =	vpop (xrf0)  }
0x401: {  	v22 =	vbroadcast v22, $0xF;
	_ =	sdelay $0x1  }
0x402: {  	vm1 =	veq.f32 v21, v22  }
0x403: {  	vm2 =	veq.f32 v14, v22;
	v19 =	vnsel vm1, $0xC0000000, v19  }
0x404: {  	v20 =	vnsel vm2, $0xC0000000, v20;
	(xrf0) =	vmin.scan.msk.u32 $0xffff, v19  }
0x405: {  	(xrf0) =	vmin.scan.msk.u32 $0xffff, v20;
	_ =	sdelay $0x4  }
0x406: {  	v19, _, _ =	vpop (xrf0)  }
0x407: {  	(v2sf) =	vpush v19, $0xF;
	v60, _, _ =	vpop (xrf0)  }
0x408: {  	(v2sf) =	vpush v60, $0xF;
	_ =	sdelay $0xd  }
0x409: {  	s5 =	spop (v2sf)  }
0x40a: {  	s6 =	spop (v2sf)  }
0x40b: {  	s5 =	sxor.u32 $0x80000000, s5;
	s6 =	sxor.u32 $0x80000000, s6  }
0x40c: {  	p1 =	slt.s32 s5, s6  }
0x40d: {  	s6 =	smov.u32 @p1 s5  }
0x40e: {  	vm3 =	veq.s32 v16, s6  }
0x40f: {  	vm1 =	vmand vm1, vm3;
	vm3 =	veq.s32 v15, s6  }
0x410: {  	vm2 =	vmand vm2, vm3;
	v15 =	vnsel vm1, $0xC0000000, v17  }
0x411: {  	v61 =	vnsel vm2, $0xC0000000, v18;
	(xrf0) =	vmin.scan.msk.u32 $0xffff, v15  }
0x412: {  	(xrf0) =	vmin.scan.msk.u32 $0xffff, v61;
	_ =	sdelay $0x4  }
0x413: {  	v15, _, _ =	vpop (xrf0)  }
0x414: {  	(v2sf) =	vpush v15, $0xF;
	v15, _, _ =	vpop (xrf0)  }
0x415: {  	(v2sf) =	vpush v15, $0xF;
	_ =	sdelay $0xd  }
0x416: {  	s19 =	spop (v2sf)  }
0x417: {  	v15 =	vmov s4;
	s20 =	spop (v2sf)  }
0x418: {  	s5 =	sxor.u32 $0x80000000, s19;
	s4 =	sxor.u32 $0x80000000, s20  }
0x419: {  	p1 =	slt.s32 s5, s4  }
0x41a: {  	s4 =	smov.u32 @p1 s5  }
0x41b: {  	v62 =	vmov s4  }
0x41c: {  	[tilespmem:v15+s16+$0x0] =	vst.idx.msk $0x1, v62  }
0x41d: {  	v14 =	vsel vm2, $0x7F800000, v14;
	[tilespmem:v15+s17+$0x0] =	vst.idx.msk $0x1, v22  }
0x41e: {  	v15 =	vsel vm1, $0x7F800000, v21;
	[tilespmem:$0x1F590] =	vst v14  }
0x41f: {  	[tilespmem:$0x1F580] =	vst v15  }
0x420: {  	_ =	swait.ge [sflag:s21], $0xC380  }
0x421: {  	s18 =	simm.s32 $0x0;
	s19 =	simm.s32 $0x0;
	[sflag:s21] =	ssyncset.done $0x0  }
0x422: {  	s5 =	simm.s32 $0x18F20;
	s4 =	simm.s32 $0x0;
	[sflag:s21] =	ssyncadd.s32 $0xFFFF3C80  }
.LBB2_32:
0x423: {  	s6 =	sshrl.u32 s18, $0x2  }
0x424: {  	s20 =	sand.u32 $0x40, s19;
	s6 =	sand.u32 $0x600, s6  }
0x425: {  	s20 =	sor.u32 s20, s6  }
0x426: {  	v14 =	vld [tilespmem:s20+$0x180];
	_ =	sdelay $0x7  }
0x427: {  	v14 =	vld.idx.msk [tilespmem:v14+s28+$0x0], $0xffff;
	_ =	sdelay $0x4  }
0x428: {  	(xrf0) =	vmin.scan.msk.f32 $0xffff, v14  }
0x429: {  	v15 =	vmov s4  }
0x42a: {  	v15 =	vand.u32 $0xFFFFFFFC, v15  }
0x42b: {  	v15 =	vbroadcast v15, $0x0;
	_ =	sdelay $0x2  }
0x42c: {  	v16, _, _ =	vpop (xrf0)  }
0x42d: {  	s20 =	sadd.s32 $0x10, s19;
	v16 =	vbroadcast v16, $0xF  }
0x42e: {  	s20 =	sand.u32 $0x50, s20;
	[tilespmem:s5+$0xFFFFFFE0] =	vst v14  }
0x42f: {  	s20 =	sor.u32 s20, s6;
	[tilespmem:v15+s30+$0x0] =	vst.idx.msk $0x1, v16  }
0x430: {  	v14 =	vld [tilespmem:s20+$0x180];
	_ =	sdelay $0x7  }
0x431: {  	v14 =	vld.idx.msk [tilespmem:v14+s28+$0x0], $0xffff;
	_ =	sdelay $0x4  }
0x432: {  	s20 =	sadd.s32 $0x1, s4;
	(xrf0) =	vmin.scan.msk.f32 $0xffff, v14  }
0x433: {  	v15 =	vmov s20  }
0x434: {  	v15 =	vand.u32 $0xFFFFFFFD, v15  }
0x435: {  	v15 =	vbroadcast v15, $0x0;
	_ =	sdelay $0x2  }
0x436: {  	v60, _, _ =	vpop (xrf0)  }
0x437: {  	s20 =	sadd.s32 $0x20, s19;
	v16 =	vbroadcast v60, $0xF  }
0x438: {  	s20 =	sand.u32 $0x60, s20;
	[tilespmem:s5+$0xFFFFFFF0] =	vst v14  }
0x439: {  	s20 =	sor.u32 s20, s6;
	[tilespmem:v15+s30+$0x0] =	vst.idx.msk $0x1, v16  }
0x43a: {  	v14 =	vld [tilespmem:s20+$0x180];
	_ =	sdelay $0x7  }
0x43b: {  	v14 =	vld.idx.msk [tilespmem:v14+s28+$0x0], $0xffff;
	_ =	sdelay $0x4  }
0x43c: {  	s20 =	sadd.s32 $0x2, s4;
	(xrf0) =	vmin.scan.msk.f32 $0xffff, v14  }
0x43d: {  	v15 =	vmov s20  }
0x43e: {  	v15 =	vand.u32 $0xFFFFFFFE, v15  }
0x43f: {  	v15 =	vbroadcast v15, $0x0;
	_ =	sdelay $0x2  }
0x440: {  	v61, _, _ =	vpop (xrf0)  }
0x441: {  	s20 =	sadd.s32 $0x30, s19;
	v16 =	vbroadcast v61, $0xF  }
0x442: {  	s20 =	sand.u32 $0x70, s20;
	[tilespmem:s5+$0x0] =	vst v14  }
0x443: {  	s6 =	sor.u32 s20, s6;
	[tilespmem:v15+s30+$0x0] =	vst.idx.msk $0x1, v16  }
0x444: {  	v14 =	vld [tilespmem:s6+$0x180];
	_ =	sdelay $0x7  }
0x445: {  	v14 =	vld.idx.msk [tilespmem:v14+s28+$0x0], $0xffff;
	_ =	sdelay $0x4  }
0x446: {  	(xrf0) =	vmin.scan.msk.f32 $0xffff, v14;
	_ =	sdelay $0x2  }
0x447: {  	s20 =	sadd.s32 $0x3, s4  }
0x448: {  	p1 =	sne.s32 s19, $0x1C0;
	v15 =	vmov s20  }
.Ltmp17:
0x449: {  	_ = 	snop;
	(pc) =	sbr.rel @p1 .LBB2_32-.Ltmp17, $4  }
0x44a: {  	v62, _, _ =	vpop (xrf0)  }
0x44b: {  	v16 =	vbroadcast v62, $0xF  }
0x44c: {  	s18 =	sadd.s32 $0x400, s18;
	[tilespmem:s5+$0x10] =	vst v14  }
0x44d: {  	s19 =	sadd.s32 $0x40, s19;
	s4 =	sadd.s32 $0x4, s4;
	s5 =	sadd.s32 $0x40, s5;
	[tilespmem:v15+s30+$0x0] =	vst.idx.msk $0x1, v16  }
0x44e: {  	v14 =	vld [tilespmem:$0x19100]  }
0x44f: {  	v15 =	vld [tilespmem:$0x19110];
	_ =	sdelay $0x4  }
0x450: {  	v16 =	vmin.f32 v14, v15  }
0x451: {  	(xrf0) =	vmin.scan.msk.f32 $0xffff, v16;
	_ =	sdelay $0x5  }
0x452: {  	v16, _, _ =	vpop (xrf0)  }
0x453: {  	v16 =	vbroadcast v16, $0xF;
	_ =	sdelay $0x1  }
0x454: {  	vm1 =	veq.f32 v15, v16  }
0x455: {  	vm2 =	veq.f32 v14, v16;
	v14 =	vnsel vm1, $0xC0000000, v2  }
0x456: {  	v15 =	vnsel vm2, $0xC0000000, v1;
	(xrf0) =	vmin.scan.msk.u32 $0xffff, v14  }
0x457: {  	(xrf0) =	vmin.scan.msk.u32 $0xffff, v15;
	_ =	sdelay $0x4  }
0x458: {  	v14, _, _ =	vpop (xrf0)  }
0x459: {  	v15, _, _ =	vpop (xrf0);
	(v2sf) =	vpush v14, $0xF  }
0x45a: {  	(v2sf) =	vpush v15, $0xF;
	_ =	sdelay $0xd  }
0x45b: {  	s4 =	spop (v2sf)  }
0x45c: {  	s5 =	spop (v2sf)  }
0x45d: {  	s6 =	sxor.u32 $0x80000000, s4;
	s4 =	sxor.u32 $0x80000000, s5  }
0x45e: {  	p1 =	slt.s32 s4, s6  }
0x45f: {  	s6 =	smov.u32 @p1 s4  }
0x460: {  	s19 =	sshll.u32 s6, $0x4  }
0x461: {  	v14 =	vld [tilespmem:s19+$0x18F00];
	_ =	sdelay $0x4  }
0x462: {  	vm1 =	veq.f32 v14, v16  }
0x463: {  	v15 =	vnsel vm1, $0xC0000000, v1  }
0x464: {  	(xrf0) =	vmin.scan.msk.u32 $0xffff, v15;
	_ =	sdelay $0x5  }
0x465: {  	v15, _, _ =	vpop (xrf0)  }
0x466: {  	(v2sf) =	vpush v15, $0xF;
	_ =	sdelay $0x9  }
0x467: {  	s4 =	sshll.u32 s6, $0x6  }
0x468: {  	s20 =	sand.u32 $0x70, s19;
	s4 =	sand.u32 $0xFFFFFE00, s4  }
0x469: {  	s4 =	sor.u32 s20, s4  }
0x46a: {  	v15 =	vld [tilespmem:s4+$0x180];
	_ =	sdelay $0x1  }
0x46b: {  	s5 =	spop (v2sf)  }
0x46c: {  	s4 =	sxor.u32 $0x80000000, s5  }
0x46d: {  	v16 =	vmov s4  }
0x46e: {  	v15 =	vxor.u32 $0x80000000, v15;
	vm1 =	veq.s32 v16, v0  }
0x46f: {  	v15 =	vnsel vm1, $0xC0000000, v15  }
0x470: {  	(xrf0) =	vmin.scan.msk.u32 $0xffff, v15;
	_ =	sdelay $0x5  }
0x471: {  	v15, _, _ =	vpop (xrf0)  }
0x472: {  	(v2sf) =	vpush v15, $0xF;
	_ =	sdelay $0xb  }
0x473: {  	s18 =	simm.s32 $0x60  }
0x474: {  	v17 =	vmov s18;
	v14 =	vsel vm1, $0x7F800000, v14  }
0x475: {  	(xrf0) =	vmin.scan.msk.f32 $0xffff, v14  }
0x476: {  	s20 =	spop (v2sf)  }
0x477: {  	s5 =	sxor.u32 $0x80000000, s20  }
0x478: {  	v15 =	vmov s5  }
0x479: {  	[tilespmem:v17+s31+$0x0] =	vst.idx.msk $0x1, v15;
	v15 =	vmov s6  }
0x47a: {  	s4 =	sadd.s32 s4, s19  }
0x47b: {  	v18 =	vmov s4;
	v16, _, _ =	vpop (xrf0)  }
0x47c: {  	s4 =	simm.s32 $0x61;
	v16 =	vbroadcast v16, $0xF;
	[tilespmem:v17+s2+$0x0] =	vst.idx.msk $0x1, v18  }
.LBB2_34:
0x47d: {  	p1 =	sne.s32 s4, $0x7F;
	[tilespmem:s19+$0x18F00] =	vst v14;
	s18 =	smov.u32 s4;
	s4 =	sadd.s32 $0x1, s4  }
0x47e: {  	[tilespmem:v15+s30+$0x0] =	vst.idx.msk $0x1, v16  }
0x47f: {  	v14 =	vld [tilespmem:$0x19100]  }
0x480: {  	v15 =	vld [tilespmem:$0x19110];
	_ =	sdelay $0x4  }
0x481: {  	v16 =	vmin.f32 v14, v15  }
0x482: {  	(xrf0) =	vmin.scan.msk.f32 $0xffff, v16;
	_ =	sdelay $0x5  }
0x483: {  	v16, _, _ =	vpop (xrf0)  }
0x484: {  	v16 =	vbroadcast v16, $0xF;
	_ =	sdelay $0x1  }
0x485: {  	vm1 =	veq.f32 v14, v16;
	vm2 =	veq.f32 v15, v16  }
0x486: {  	v14 =	vnsel vm1, $0xC0000000, v1;
	v15 =	vnsel vm2, $0xC0000000, v2  }
0x487: {  	(xrf0) =	vmin.scan.msk.u32 $0xffff, v15  }
0x488: {  	(xrf0) =	vmin.scan.msk.u32 $0xffff, v14;
	_ =	sdelay $0x4  }
0x489: {  	v14, _, _ =	vpop (xrf0)  }
0x48a: {  	v15, _, _ =	vpop (xrf0);
	(v2sf) =	vpush v14, $0xF  }
0x48b: {  	(v2sf) =	vpush v15, $0xF;
	_ =	sdelay $0xd  }
0x48c: {  	s5 =	spop (v2sf)  }
0x48d: {  	s20 =	sxor.u32 $0x80000000, s5;
	s5 =	spop (v2sf)  }
0x48e: {  	s5 =	sxor.u32 $0x80000000, s5  }
0x48f: {  	p2 =	slt.s32 s5, s20  }
0x490: {  	s20 =	smov.u32 @p2 s5  }
0x491: {  	s19 =	sshll.u32 s20, $0x4;
	s5 =	sshll.u32 s20, $0x6  }
0x492: {  	s6 =	sand.u32 $0x70, s19;
	v14 =	vld [tilespmem:s19+$0x18F00];
	s5 =	sand.u32 $0xFFFFFE00, s5  }
0x493: {  	s5 =	sor.u32 s6, s5;
	_ =	sdelay $0x3  }
0x494: {  	vm1 =	veq.f32 v14, v16  }
0x495: {  	v15 =	vnsel vm1, $0xC0000000, v1  }
0x496: {  	(xrf0) =	vmin.scan.msk.u32 $0xffff, v15;
	_ =	sdelay $0x5  }
0x497: {  	v15, _, _ =	vpop (xrf0)  }
0x498: {  	(v2sf) =	vpush v15, $0xF;
	_ =	sdelay $0xb  }
0x499: {  	v15 =	vld [tilespmem:s5+$0x180];
	_ =	sdelay $0x2  }
0x49a: {  	s5 =	spop (v2sf)  }
0x49b: {  	s5 =	sxor.u32 $0x80000000, s5  }
0x49c: {  	v16 =	vmov s5;
	v15 =	vxor.u32 $0x80000000, v15;
	s5 =	sadd.s32 s5, s19  }
0x49d: {  	vm1 =	veq.s32 v16, v0  }
0x49e: {  	v15 =	vnsel vm1, $0xC0000000, v15;
	v14 =	vsel vm1, $0x7F800000, v14  }
0x49f: {  	(xrf0) =	vmin.scan.msk.u32 $0xffff, v15  }
0x4a0: {  	(xrf0) =	vmin.scan.msk.f32 $0xffff, v14;
	_ =	sdelay $0x4  }
0x4a1: {  	v15, _, _ =	vpop (xrf0)  }
0x4a2: {  	(v2sf) =	vpush v15, $0xF;
	v16, _, _ =	vpop (xrf0);
	_ =	sdelay $0xb  }
0x4a3: {  	v17 =	vmov s18;
	_ =	sdelay $0x2  }
.Ltmp18:
0x4a4: {  	v15 =	vmov s20;
	s6 =	spop (v2sf);
	(pc) =	sbr.rel @p1 .LBB2_34-.Ltmp18, $4  }
0x4a5: {  	s6 =	sxor.u32 $0x80000000, s6  }
0x4a6: {  	v19 =	vmov s5;
	v18 =	vmov s6  }
0x4a7: {  	v16 =	vbroadcast v16, $0xF;
	[tilespmem:v17+s31+$0x0] =	vst.idx.msk $0x1, v18  }
0x4a8: {  	[tilespmem:v17+s2+$0x0] =	vst.idx.msk $0x1, v19  }
0x4a9: {  	_ =	sdelay $0x2  }
0x4aa: {  	[tilespmem:s19+$0x18F00] =	vst v14  }
0x4ab: {  	[tilespmem:v15+s30+$0x0] =	vst.idx.msk $0x1, v16  }
0x4ac: {  	v14 =	vld [tilespmem:$0x191E0];
	_ =	sdelay $0x4  }
0x4ad: {  	v15 =	vshrl.u32 v14, $0x3  }
0x4ae: {  	v15 =	vmul.u32 $0x30, v15  }
0x4af: {  	v14 =	vand.u32 $0x7, v14  }
0x4b0: {  	v14 =	vor.u32 v14, v15  }
0x4b1: {  	v15 =	vperm.xlane v14, v3;
	_ =	sdelay $0x1  }
0x4b2: {  	v15 =	vadd.s32 v4, v15;
	_ =	sdelay $0x3  }
0x4b3: {  	s4 =	simm.s32 $0x0;
	s5 =	simm.s32 $0x19280;
	v14 =	vperm.xlane v14, v5  }
0x4b4: {  	[tilespmem:s5], [sflag:$0x3] =	stream.indirect_vreg.gather [hbm4b:s0+s4], $0x80, v15, vm0, $0xb8;
	v63 =	vld [tilespmem:$0x0]  }
0x4b5: {  	s6 =	simm.s32 $0x19A80;
	v14 =	vadd.s32 v4, v14  }
0x4b6: {  	[tilespmem:s6], [sflag:$0x3] =	stream.indirect_vreg.gather [hbm4b:s8+s4], $0x80, v15, vm0, $0xb8;
	v63 =	vld [tilespmem:$0x0]  }
0x4b7: {  	s18 =	simm.s32 $0x1A280  }
0x4b8: {  	[tilespmem:s18], [sflag:$0x3] =	stream.indirect_vreg.gather [hbm4b:s9+s4], $0x80, v15, vm0, $0xb8;
	v63 =	vld [tilespmem:$0x0]  }
0x4b9: {  	s19 =	simm.s32 $0x1AA80  }
0x4ba: {  	[tilespmem:s19], [sflag:$0x3] =	stream.indirect_vreg.gather [hbm4b:s0+s4], $0x80, v14, vm0, $0xb8;
	v63 =	vld [tilespmem:$0x0]  }
0x4bb: {  	s20 =	simm.s32 $0x1B280  }
0x4bc: {  	[tilespmem:s20], [sflag:$0x3] =	stream.indirect_vreg.gather [hbm4b:s8+s4], $0x80, v14, vm0, $0xb8;
	v63 =	vld [tilespmem:$0x0]  }
0x4bd: {  	s6 =	simm.s32 $0x1BA80  }
0x4be: {  	[tilespmem:s6], [sflag:$0x3] =	stream.indirect_vreg.gather [hbm4b:s9+s4], $0x80, v14, vm0, $0xb8;
	v63 =	vld [tilespmem:$0x0]  }
0x4bf: {  	v14 =	vld [tilespmem:$0x191F0];
	_ =	sdelay $0x4  }
0x4c0: {  	v15 =	vshrl.u32 v14, $0x3  }
0x4c1: {  	v15 =	vmul.u32 $0x30, v15  }
0x4c2: {  	v14 =	vand.u32 $0x7, v14  }
0x4c3: {  	v14 =	vor.u32 v14, v15  }
0x4c4: {  	v15 =	vperm.xlane v14, v3;
	_ =	sdelay $0x1  }
0x4c5: {  	v15 =	vadd.s32 v4, v15;
	_ =	sdelay $0x3  }
0x4c6: {  	s18 =	simm.s32 $0x1C280;
	v14 =	vperm.xlane v14, v5  }
0x4c7: {  	[tilespmem:s18], [sflag:$0x3] =	stream.indirect_vreg.gather [hbm4b:s0+s4], $0x80, v15, vm0, $0xb8;
	v63 =	vld [tilespmem:$0x0]  }
0x4c8: {  	s19 =	simm.s32 $0x1CA80;
	v14 =	vadd.s32 v4, v14  }
0x4c9: {  	[tilespmem:s19], [sflag:$0x3] =	stream.indirect_vreg.gather [hbm4b:s8+s4], $0x80, v15, vm0, $0xb8;
	v63 =	vld [tilespmem:$0x0]  }
0x4ca: {  	_ = 	snop  }
0x4cb: {  	[tilespmem:s7], [sflag:$0x3] =	stream.indirect_vreg.gather [hbm4b:s9+s4], $0x80, v15, vm0, $0xb8;
	v63 =	vld [tilespmem:$0x0]  }
0x4cc: {  	_ = 	snop  }
0x4cd: {  	[tilespmem:s10], [sflag:$0x3] =	stream.indirect_vreg.gather [hbm4b:s0+s4], $0x80, v14, vm0, $0xb8;
	v63 =	vld [tilespmem:$0x0]  }
0x4ce: {  	_ = 	snop  }
0x4cf: {  	[tilespmem:s11], [sflag:$0x3] =	stream.indirect_vreg.gather [hbm4b:s8+s4], $0x80, v14, vm0, $0xb8;
	v63 =	vld [tilespmem:$0x0]  }
0x4d0: {  	_ = 	snop  }
0x4d1: {  	[tilespmem:s12], [sflag:$0x3] =	stream.indirect_vreg.gather [hbm4b:s9+s4], $0x80, v14, vm0, $0xb8;
	v63 =	vld [tilespmem:$0x0]  }
0x4d2: {  	s20 =	rddreg [dreg:$0x11]  }
0x4d3: {  	[tilespmem:s13], [sflag:$0x5] =	stream.strided.gather [hbm4b:s20+s25], $0x300, s23, s25, $0x38;
	v63 =	vld [tilespmem:$0x0]  }
0x4d4: {  	_ =	swait.ge [sflag:s24], $0x300  }
0x4d5: {  	[sflag:s24] =	ssyncset.done $0x0  }
0x4d6: {  	[sflag:s24] =	ssyncadd.s32 $0xFFFFFD00  }
0x4d7: {  	_ =	swait.ge [sflag:s14], $0x6000  }
0x4d8: {  	[sflag:s14] =	ssyncset.done $0x0  }
0x4d9: {  	s18 =	simm.s32 $0x0;
	[sflag:s14] =	ssyncadd.s32 $0xFFFFA000  }
.LBB2_36:
0x4da: {  	s5 =	sshrl.u32 s18, $0x3  }
0x4db: {  	s6 =	sand.u32 $0x7, s4;
	s5 =	smul.u32 $0x6000, s5  }
0x4dc: {  	s6 =	sshll.u32 s6, $0x9  }
0x4dd: {  	s5 =	sor.u32 s6, s5  }
0x4de: {  	s5 =	sshra.s32 s5, $0x2  }
0x4df: {  	s5 =	sadd.s32 $0x192C0, s5  }
0x4e0: {  	v14 =	vmov s5;
	_ =	sdelay $0x2  }
0x4e1: {  	s20 =	simm.s32 $0x1F2C0  }
0x4e2: {  	s19 =	simm.s32 $0x0;
	v16 =	vld [tilespmem:s20+$0xFFFFFFC0]  }
0x4e3: {  	v15 =	vld.idx.msk [tilespmem:v14+s19+$0xFFFFFFC0 ss:$0x1], $0xffff  }
0x4e4: {  	v18 =	vld [tilespmem:s20+$0xFFFFFFD0]  }
0x4e5: {  	v17 =	vld.idx.msk [tilespmem:v14+s19+$0xFFFFFFD0 ss:$0x1], $0xffff  }
0x4e6: {  	v20 =	vld [tilespmem:s20+$0xFFFFFFE0]  }
0x4e7: {  	v19 =	vld.idx.msk [tilespmem:v14+s19+$0xFFFFFFE0 ss:$0x1], $0xffff  }
0x4e8: {  	v21 =	vld.idx.msk [tilespmem:v14+s19+$0xFFFFFFF0 ss:$0x1], $0xffff;
	v15 =	vsub.f32 v16, v15  }
0x4e9: {  	v16 =	vld [tilespmem:s20+$0xFFFFFFF0]  }
0x4ea: {  	v24 =	vld [tilespmem:s20+$0x0];
	v18 =	vsub.f32 v18, v17;
	v15 =	vmul.f32 v15, v15  }
0x4eb: {  	v22 =	vimm.f32 $0.0e+00;
	v23 =	vld.idx.msk [tilespmem:v14+s19+$0x0 ss:$0x1], $0xffff  }
0x4ec: {  	v17 =	vld.idx.msk [tilespmem:v14+s19+$0x10 ss:$0x1], $0xffff;
	v20 =	vsub.f32 v20, v19;
	v18 =	vmul.f32 v18, v18;
	v22 =	vadd.f32 v15, v22  }
0x4ed: {  	v19 =	vld [tilespmem:s20+$0x10]  }
0x4ee: {  	v20 =	vmul.f32 v20, v20;
	v15 =	vld.idx.msk [tilespmem:v14+s19+$0x20 ss:$0x1], $0xffff;
	v25 =	vsub.f32 v16, v21;
	v22 =	vadd.f32 v18, v22  }
0x4ef: {  	v18 =	vld [tilespmem:s20+$0x20]  }
0x4f0: {  	v23 =	vsub.f32 v24, v23;
	v16 =	vld.idx.msk [tilespmem:v14+s19+$0x30 ss:$0x1], $0xffff;
	v21 =	vadd.f32 v20, v22;
	v22 =	vmul.f32 v25, v25  }
0x4f1: {  	s5 =	simm.s32 $0x2000;
	s19 =	simm.s32 $0x400;
	v20 =	vld [tilespmem:s20+$0x30]  }
.LBB2_37:
0x4f2: {  	p1 =	sne.s32 s5, $0x5000;
	v24 =	vld.idx.msk [tilespmem:v14+s19+$0xFFFFFFC0 ss:$0x1], $0xffff;
	v21 =	vadd.f32 v22, v21;
	v22 =	vmul.f32 v23, v23;
	v17 =	vsub.f32 v19, v17;
	s20 =	sadd.s32 $0x80, s20  }
0x4f3: {  	v19 =	vld [tilespmem:s20+$0xFFFFFFC0]  }
0x4f4: {  	v23 =	vld.idx.msk [tilespmem:v14+s19+$0xFFFFFFD0 ss:$0x1], $0xffff;
	v21 =	vadd.f32 v22, v21;
	v17 =	vmul.f32 v17, v17;
	v15 =	vsub.f32 v18, v15  }
0x4f5: {  	v18 =	vld [tilespmem:s20+$0xFFFFFFD0]  }
0x4f6: {  	v22 =	vld.idx.msk [tilespmem:v14+s19+$0xFFFFFFE0 ss:$0x1], $0xffff;
	v17 =	vadd.f32 v17, v21;
	v15 =	vmul.f32 v15, v15;
	v16 =	vsub.f32 v20, v16  }
0x4f7: {  	v20 =	vld [tilespmem:s20+$0xFFFFFFE0]  }
0x4f8: {  	v19 =	vsub.f32 v19, v24;
	v21 =	vld.idx.msk [tilespmem:v14+s19+$0xFFFFFFF0 ss:$0x1], $0xffff;
	v15 =	vadd.f32 v15, v17;
	v16 =	vmul.f32 v16, v16  }
0x4f9: {  	v24 =	vld [tilespmem:s20+$0xFFFFFFF0]  }
0x4fa: {  	v17 =	vmul.f32 v19, v19;
	v18 =	vsub.f32 v18, v23;
	v23 =	vld.idx.msk [tilespmem:v14+s19+$0x0 ss:$0x1], $0xffff;
	v15 =	vadd.f32 v16, v15  }
0x4fb: {  	v16 =	vld [tilespmem:s20+$0x0]  }
0x4fc: {  	v15 =	vadd.f32 v17, v15;
	v18 =	vmul.f32 v18, v18;
	v20 =	vsub.f32 v20, v22;
	v17 =	vld.idx.msk [tilespmem:v14+s19+$0x10 ss:$0x1], $0xffff  }
.Ltmp19:
0x4fd: {  	v19 =	vld [tilespmem:s20+$0x10];
	(pc) =	sbr.rel @p1 .LBB2_37-.Ltmp19, $4  }
0x4fe: {  	v22 =	vadd.f32 v18, v15;
	v20 =	vmul.f32 v20, v20;
	v24 =	vsub.f32 v24, v21;
	v15 =	vld.idx.msk [tilespmem:v14+s19+$0x20 ss:$0x1], $0xffff  }
0x4ff: {  	v18 =	vld [tilespmem:s20+$0x20]  }
0x500: {  	v21 =	vadd.f32 v20, v22;
	v22 =	vmul.f32 v24, v24;
	v23 =	vsub.f32 v16, v23;
	v16 =	vld.idx.msk [tilespmem:v14+s19+$0x30 ss:$0x1], $0xffff  }
0x501: {  	s19 =	sshra.s32 s5, $0x2;
	s5 =	sadd.s32 $0x1000, s5;
	v20 =	vld [tilespmem:s20+$0x30]  }
0x502: {  	_ =	sdelay $0x3  }
0x503: {  	v24 =	vld.idx.msk [tilespmem:v14+s19+$0xFFFFFFC0 ss:$0x1], $0xffff;
	v21 =	vadd.f32 v22, v21;
	v42 =	vmul.f32 v23, v23;
	v17 =	vsub.f32 v19, v17;
	s5 =	sadd.s32 $0x80, s20  }
0x504: {  	v43 =	vld [tilespmem:s5+$0xFFFFFFC0]  }
0x505: {  	v44 =	vld.idx.msk [tilespmem:v14+s19+$0xFFFFFFD0 ss:$0x1], $0xffff;
	v21 =	vadd.f32 v42, v21;
	v17 =	vmul.f32 v17, v17;
	v15 =	vsub.f32 v18, v15  }
0x506: {  	v45 =	vld [tilespmem:s5+$0xFFFFFFD0]  }
0x507: {  	v46 =	vld.idx.msk [tilespmem:v14+s19+$0xFFFFFFE0 ss:$0x1], $0xffff;
	v17 =	vadd.f32 v17, v21;
	v15 =	vmul.f32 v15, v15;
	v16 =	vsub.f32 v20, v16  }
0x508: {  	v47 =	vld [tilespmem:s5+$0xFFFFFFE0]  }
0x509: {  	v48 =	vld.idx.msk [tilespmem:v14+s19+$0xFFFFFFF0 ss:$0x1], $0xffff;
	v19 =	vsub.f32 v43, v24;
	v15 =	vadd.f32 v15, v17;
	v16 =	vmul.f32 v16, v16  }
0x50a: {  	v49 =	vld [tilespmem:s5+$0xFFFFFFF0]  }
0x50b: {  	v50 =	vld.idx.msk [tilespmem:v14+s19+$0x0 ss:$0x1], $0xffff;
	v18 =	vsub.f32 v45, v44;
	v19 =	vmul.f32 v19, v19;
	v15 =	vadd.f32 v16, v15  }
0x50c: {  	v51 =	vld [tilespmem:s5+$0x0]  }
0x50d: {  	v53 =	vld.idx.msk [tilespmem:v14+s19+$0x10 ss:$0x1], $0xffff;
	v52 =	vsub.f32 v47, v46;
	v18 =	vmul.f32 v18, v18;
	v15 =	vadd.f32 v19, v15  }
0x50e: {  	v54 =	vld [tilespmem:s5+$0x10]  }
0x50f: {  	v56 =	vld.idx.msk [tilespmem:v14+s19+$0x20 ss:$0x1], $0xffff;
	v17 =	vsub.f32 v49, v48;
	v55 =	vmul.f32 v52, v52;
	v15 =	vadd.f32 v18, v15  }
0x510: {  	v57 =	vld [tilespmem:s5+$0x20]  }
0x511: {  	v14 =	vld.idx.msk [tilespmem:v14+s19+$0x30 ss:$0x1], $0xffff;
	v17 =	vmul.f32 v17, v17;
	v16 =	vsub.f32 v51, v50;
	v15 =	vadd.f32 v55, v15  }
0x512: {  	v58 =	vld [tilespmem:s5+$0x30]  }
0x513: {  	v59 =	vsub.f32 v54, v53;
	v16 =	vmul.f32 v16, v16;
	v15 =	vadd.f32 v17, v15;
	_ =	sdelay $0x1  }
0x514: {  	v61 =	vsub.f32 v57, v56;
	v60 =	vmul.f32 v59, v59;
	v15 =	vadd.f32 v16, v15;
	_ =	sdelay $0x1  }
0x515: {  	v14 =	vsub.f32 v58, v14;
	v62 =	vmul.f32 v61, v61;
	v15 =	vadd.f32 v60, v15;
	_ =	sdelay $0x1  }
0x516: {  	v14 =	vmul.f32 v14, v14;
	v15 =	vadd.f32 v62, v15;
	_ =	sdelay $0x1  }
0x517: {  	v14 =	vadd.f32 v14, v15;
	_ =	sdelay $0x1  }
0x518: {  	(xrf2) =	vadd.scan.msk.f32 $0xffff, v14;
	_ =	sdelay $0x6  }
0x519: {  	v14 =	vmov s18;
	s18 =	sadd.s32 $0x1, s18  }
0x51a: {  	p1 =	sne.s32 s18, $0x20  }
.Ltmp20:
0x51b: {  	_ = 	snop;
	(pc) =	sbr.rel @p1 .LBB2_36-.Ltmp20, $3  }
0x51c: {  	v15, _, _ =	vpop (xrf2)  }
0x51d: {  	v15 =	vbroadcast v15, $0xF;
	_ =	sdelay $0x1  }
0x51e: {  	s4 =	sadd.s32 $0x1, s4;
	[tilespmem:v14+s15+$0x0] =	vst.idx.msk $0x1, v15  }
0x51f: {  	v17 =	vld [tilespmem:$0x191E0]  }
0x520: {  	v18 =	vld [tilespmem:$0x191F0]  }
0x521: {  	v16 =	vld [tilespmem:$0x19260]  }
0x522: {  	v15 =	vld [tilespmem:$0x19270]  }
0x523: {  	v14 =	vld [tilespmem:$0x1F590]  }
0x524: {  	v21 =	vld [tilespmem:$0x1F580];
	_ =	sdelay $0x2  }
0x525: {  	v19 =	vxor.u32 $0x80000000, v16  }
0x526: {  	s4 =	simm.s32 $0x1E;
	s18 =	simm.s32 $0x1F;
	v20 =	vxor.u32 $0x80000000, v15;
	v17 =	vxor.u32 $0x80000000, v17;
	v18 =	vxor.u32 $0x80000000, v18  }
.LBB2_40:
0x527: {  	p1 =	sne.s32 s18, $0x27;
	v22 =	vmin.f32 v21, v14  }
0x528: {  	(xrf0) =	vmin.scan.msk.f32 $0xffff, v22;
	_ =	sdelay $0x5  }
0x529: {  	v22, _, _ =	vpop (xrf0)  }
0x52a: {  	v22 =	vbroadcast v22, $0xF;
	_ =	sdelay $0x1  }
0x52b: {  	vm1 =	veq.f32 v21, v22  }
0x52c: {  	vm2 =	veq.f32 v14, v22;
	v23 =	vnsel vm1, $0xC0000000, v19  }
0x52d: {  	v24 =	vnsel vm2, $0xC0000000, v20;
	(xrf0) =	vmin.scan.msk.u32 $0xffff, v23  }
0x52e: {  	(xrf0) =	vmin.scan.msk.u32 $0xffff, v24;
	_ =	sdelay $0x4  }
0x52f: {  	v23, _, _ =	vpop (xrf0)  }
0x530: {  	(v2sf) =	vpush v23, $0xF;
	v23, _, _ =	vpop (xrf0)  }
0x531: {  	(v2sf) =	vpush v23, $0xF;
	_ =	sdelay $0xd  }
0x532: {  	s5 =	spop (v2sf)  }
0x533: {  	s6 =	spop (v2sf)  }
0x534: {  	s5 =	sxor.u32 $0x80000000, s5;
	s6 =	sxor.u32 $0x80000000, s6  }
0x535: {  	p2 =	slt.s32 s5, s6  }
0x536: {  	s6 =	smov.u32 @p2 s5  }
0x537: {  	vm3 =	veq.s32 v16, s6  }
0x538: {  	vm3 =	vmand vm1, vm3;
	vm1 =	veq.s32 v15, s6  }
0x539: {  	vm1 =	vmand vm2, vm1;
	v23 =	vnsel vm3, $0xC0000000, v17;
	v21 =	vsel vm3, $0x7F800000, v21  }
0x53a: {  	v24 =	vnsel vm1, $0xC0000000, v18;
	(xrf0) =	vmin.scan.msk.u32 $0xffff, v23  }
0x53b: {  	(xrf0) =	vmin.scan.msk.u32 $0xffff, v24;
	_ =	sdelay $0x4  }
0x53c: {  	v23, _, _ =	vpop (xrf0)  }
0x53d: {  	(v2sf) =	vpush v23, $0xF;
	v23, _, _ =	vpop (xrf0)  }
0x53e: {  	(v2sf) =	vpush v23, $0xF;
	_ =	sdelay $0xd  }
0x53f: {  	s5 =	spop (v2sf)  }
0x540: {  	v23 =	vmov s4;
	s4 =	smov.u32 s18;
	s6 =	spop (v2sf)  }
0x541: {  	s5 =	sxor.u32 $0x80000000, s5;
	s6 =	sxor.u32 $0x80000000, s6  }
0x542: {  	p2 =	slt.s32 s5, s6  }
0x543: {  	s6 =	smov.u32 @p2 s5  }
0x544: {  	v24 =	vmov s6  }
0x545: {  	[tilespmem:v23+s16+$0x0] =	vst.idx.msk $0x1, v24  }
0x546: {  	v14 =	vsel vm1, $0x7F800000, v14;
	[tilespmem:v23+s17+$0x0] =	vst.idx.msk $0x1, v22  }
0x547: {  	[tilespmem:$0x1F590] =	vst v14  }
0x548: {  	v14 =	vld [tilespmem:$0x1F590];
	[tilespmem:$0x1F580] =	vst v21  }
.Ltmp21:
0x549: {  	v21 =	vld [tilespmem:$0x1F580];
	(pc) =	sbr.rel @p1 .LBB2_40-.Ltmp21, $2  }
0x54a: {  	_ =	sdelay $0x2  }
0x54b: {  	s18 =	sadd.s32 $0x1, s18  }
0x54c: {  	v22 =	vmin.f32 v21, v14  }
0x54d: {  	(xrf0) =	vmin.scan.msk.f32 $0xffff, v22;
	_ =	sdelay $0x5  }
0x54e: {  	v22, _, _ =	vpop (xrf0)  }
0x54f: {  	v22 =	vbroadcast v22, $0xF;
	_ =	sdelay $0x1  }
0x550: {  	vm1 =	veq.f32 v21, v22  }
0x551: {  	vm2 =	veq.f32 v14, v22;
	v19 =	vnsel vm1, $0xC0000000, v19  }
0x552: {  	v20 =	vnsel vm2, $0xC0000000, v20;
	(xrf0) =	vmin.scan.msk.u32 $0xffff, v19  }
0x553: {  	(xrf0) =	vmin.scan.msk.u32 $0xffff, v20;
	_ =	sdelay $0x4  }
0x554: {  	v19, _, _ =	vpop (xrf0)  }
0x555: {  	(v2sf) =	vpush v19, $0xF;
	v60, _, _ =	vpop (xrf0)  }
0x556: {  	(v2sf) =	vpush v60, $0xF;
	_ =	sdelay $0xd  }
0x557: {  	s5 =	spop (v2sf)  }
0x558: {  	s6 =	spop (v2sf)  }
0x559: {  	s5 =	sxor.u32 $0x80000000, s5;
	s6 =	sxor.u32 $0x80000000, s6  }
0x55a: {  	p1 =	slt.s32 s5, s6  }
0x55b: {  	s6 =	smov.u32 @p1 s5  }
0x55c: {  	vm3 =	veq.s32 v16, s6  }
0x55d: {  	vm1 =	vmand vm1, vm3;
	vm3 =	veq.s32 v15, s6  }
0x55e: {  	vm2 =	vmand vm2, vm3;
	v15 =	vnsel vm1, $0xC0000000, v17  }
0x55f: {  	v61 =	vnsel vm2, $0xC0000000, v18;
	(xrf0) =	vmin.scan.msk.u32 $0xffff, v15  }
0x560: {  	(xrf0) =	vmin.scan.msk.u32 $0xffff, v61;
	_ =	sdelay $0x4  }
0x561: {  	v15, _, _ =	vpop (xrf0)  }
0x562: {  	(v2sf) =	vpush v15, $0xF;
	v15, _, _ =	vpop (xrf0)  }
0x563: {  	(v2sf) =	vpush v15, $0xF;
	_ =	sdelay $0xd  }
0x564: {  	s6 =	spop (v2sf)  }
0x565: {  	v15 =	vmov s4;
	s18 =	spop (v2sf)  }
0x566: {  	s5 =	sxor.u32 $0x80000000, s6;
	s4 =	sxor.u32 $0x80000000, s18  }
0x567: {  	p1 =	slt.s32 s5, s4  }
0x568: {  	s4 =	smov.u32 @p1 s5  }
0x569: {  	v62 =	vmov s4  }
0x56a: {  	[tilespmem:v15+s16+$0x0] =	vst.idx.msk $0x1, v62  }
0x56b: {  	v14 =	vsel vm2, $0x7F800000, v14;
	[tilespmem:v15+s17+$0x0] =	vst.idx.msk $0x1, v22  }
0x56c: {  	v15 =	vsel vm1, $0x7F800000, v21;
	[tilespmem:$0x1F590] =	vst v14  }
0x56d: {  	s19 =	rddreg [dreg:$0x12];
	[tilespmem:$0x1F580] =	vst v15  }
0x56e: {  	[hbm4b:s19+s3] =	stream.linear.scatter [tilespmem:s16], [sflag:$0x5], $0x28, $0x38;
	v63 =	vld [tilespmem:$0x0]  }
0x56f: {  	_ =	swait.ge [sflag:s24], $0x28  }
0x570: {  	[sflag:s24] =	ssyncset.done $0x0  }
.Ltmp22:
0x571: {  	s20 =	rddreg [dreg:$0x13];
	[sflag:s24] =	ssyncadd.s32 $0xFFFFFFD8;
	(pc) =	sbr.rel @p0 .LBB2_43-.Ltmp22, $4  }
0x572: {  	[hbm4b:s20+s3] =	stream.linear.scatter [tilespmem:s17], [sflag:$0x5], $0x28, $0x38;
	v63 =	vld [tilespmem:$0x0]  }
0x573: {  	_ =	swait.ge [sflag:s24], $0x28  }
0x574: {  	[sflag:s24] =	ssyncset.done $0x0  }
0x575: {  	[sflag:s24] =	ssyncadd.s32 $0xFFFFFFD8  }
0x576: {  	s4 =	rddreg [dreg:$0x14];
	s5 =	simm.s32 $0x1F700  }
0x577: {  	[tilespmem:s5], [sflag:$0x5] =	stream.linear.gather [hbm4b:s4+s3], $0x8, $0x38;
	v63 =	vld [tilespmem:$0x0]  }
0x578: {  	_ =	swait.ge [sflag:s24], $0x8  }
0x579: {  	s6 =	simm.s32 $0x8;
	[sflag:s24] =	ssyncset.done $0x0  }
0x57a: {  	s18 =	simm.s32 $0x1F780;
	s20 =	rddreg [dreg:$0x8];
	[sflag:s24] =	ssyncadd.s32 $0xFFFFFFF8  }
0x57b: {  	[tilespmem:s18], [sflag:$0x4] =	stream.indirect.gather [hbm4b:s20+s6], $0x80, s5, s6, $0xb8;
	v63 =	vld [tilespmem:$0x0]  }
0x57c: {  	s6 =	simm.s32 $0x4  }
0x57d: {  	_ =	swait.ge [sflag:s6], $0x400  }
0x57e: {  	[sflag:s6] =	ssyncset.done $0x0  }
0x57f: {  	s19 =	simm.s32 $0x1FB80;
	s18 =	rddreg [dreg:$0x15];
	[sflag:s6] =	ssyncadd.s32 $0xFFFFFC00  }
0x580: {  	[tilespmem:s19], [sflag:$0x5] =	stream.linear.gather [hbm4b:s18+s3], $0x400, $0x38;
	v63 =	vld [tilespmem:$0x0]  }
0x581: {  	_ =	swait.ge [sflag:s24], $0x400  }
0x582: {  	[sflag:s24] =	ssyncset.done $0x0  }
0x583: {  	[sflag:s24] =	ssyncadd.s32 $0xFFFFFC00  }
0x584: {  	v14 =	vld [tilespmem:$0x1FB80]  }
0x585: {  	v15 =	vld [tilespmem:$0x1F780]  }
0x586: {  	v16 =	vld [tilespmem:$0x1FB90]  }
0x587: {  	v17 =	vld [tilespmem:$0x1F790]  }
0x588: {  	v18 =	vld [tilespmem:$0x1FBA0]  }
0x589: {  	v19 =	vld [tilespmem:$0x1F7A0]  }
0x58a: {  	v20 =	vld [tilespmem:$0x1F7B0];
	v14 =	vmul.f32 v15, v14  }
0x58b: {  	v15 =	vld [tilespmem:$0x1FBB0]  }
0x58c: {  	v16 =	vmul.f32 v17, v16;
	v14 =	vadd.f32 $0.0e+00, v14;
	_ =	sdelay $0x1  }
0x58d: {  	v59 =	vmul.f32 v19, v18;
	v14 =	vadd.f32 v16, v14;
	_ =	sdelay $0x1  }
0x58e: {  	v15 =	vmul.f32 v20, v15;
	v14 =	vadd.f32 v59, v14;
	_ =	sdelay $0x1  }
0x58f: {  	v14 =	vadd.f32 v15, v14;
	_ =	sdelay $0x1  }
0x590: {  	(xrf2) =	vadd.scan.msk.f32 $0xffff, v14;
	_ =	sdelay $0x9  }
0x591: {  	v14, _, _ =	vpop (xrf2)  }
0x592: {  	v14 =	vbroadcast v14, $0xF;
	_ =	sdelay $0x1  }
0x593: {  	[tilespmem:v6+s1+$0x0] =	vst.idx.msk $0x1, v14  }
0x594: {  	v14 =	vld [tilespmem:$0x1FC00]  }
0x595: {  	v15 =	vld [tilespmem:$0x1F800]  }
0x596: {  	v60 =	vld [tilespmem:$0x1FC10]  }
0x597: {  	v61 =	vld [tilespmem:$0x1F810]  }
0x598: {  	v62 =	vld [tilespmem:$0x1FC20]  }
0x599: {  	v24 =	vld [tilespmem:$0x1F820]  }
0x59a: {  	v25 =	vld [tilespmem:$0x1F830];
	v14 =	vmul.f32 v15, v14  }
0x59b: {  	v15 =	vld [tilespmem:$0x1FC30]  }
0x59c: {  	v16 =	vmul.f32 v61, v60;
	v14 =	vadd.f32 $0.0e+00, v14;
	_ =	sdelay $0x1  }
0x59d: {  	v26 =	vmul.f32 v24, v62;
	v14 =	vadd.f32 v16, v14;
	_ =	sdelay $0x1  }
0x59e: {  	v15 =	vmul.f32 v25, v15;
	v14 =	vadd.f32 v26, v14;
	_ =	sdelay $0x1  }
0x59f: {  	v14 =	vadd.f32 v15, v14;
	_ =	sdelay $0x1  }
0x5a0: {  	(xrf2) =	vadd.scan.msk.f32 $0xffff, v14;
	_ =	sdelay $0x9  }
0x5a1: {  	v14, _, _ =	vpop (xrf2)  }
0x5a2: {  	v14 =	vbroadcast v14, $0xF;
	_ =	sdelay $0x1  }
0x5a3: {  	[tilespmem:v7+s1+$0x0] =	vst.idx.msk $0x1, v14  }
0x5a4: {  	v14 =	vld [tilespmem:$0x1FC80]  }
0x5a5: {  	v15 =	vld [tilespmem:$0x1F880]  }
0x5a6: {  	v27 =	vld [tilespmem:$0x1FC90]  }
0x5a7: {  	v28 =	vld [tilespmem:$0x1F890]  }
0x5a8: {  	v29 =	vld [tilespmem:$0x1FCA0]  }
0x5a9: {  	v30 =	vld [tilespmem:$0x1F8A0]  }
0x5aa: {  	v31 =	vld [tilespmem:$0x1F8B0];
	v14 =	vmul.f32 v15, v14  }
0x5ab: {  	v15 =	vld [tilespmem:$0x1FCB0]  }
0x5ac: {  	v16 =	vmul.f32 v28, v27;
	v14 =	vadd.f32 $0.0e+00, v14;
	_ =	sdelay $0x1  }
0x5ad: {  	v32 =	vmul.f32 v30, v29;
	v14 =	vadd.f32 v16, v14;
	_ =	sdelay $0x1  }
0x5ae: {  	v15 =	vmul.f32 v31, v15;
	v14 =	vadd.f32 v32, v14;
	_ =	sdelay $0x1  }
0x5af: {  	v14 =	vadd.f32 v15, v14;
	_ =	sdelay $0x1  }
0x5b0: {  	(xrf2) =	vadd.scan.msk.f32 $0xffff, v14;
	_ =	sdelay $0x9  }
0x5b1: {  	v14, _, _ =	vpop (xrf2)  }
0x5b2: {  	v14 =	vbroadcast v14, $0xF;
	_ =	sdelay $0x1  }
0x5b3: {  	[tilespmem:v8+s1+$0x0] =	vst.idx.msk $0x1, v14  }
0x5b4: {  	v14 =	vld [tilespmem:$0x1FD00]  }
0x5b5: {  	v15 =	vld [tilespmem:$0x1F900]  }
0x5b6: {  	v33 =	vld [tilespmem:$0x1FD10]  }
0x5b7: {  	v34 =	vld [tilespmem:$0x1F910]  }
0x5b8: {  	v35 =	vld [tilespmem:$0x1FD20]  }
0x5b9: {  	v36 =	vld [tilespmem:$0x1F920]  }
0x5ba: {  	v37 =	vld [tilespmem:$0x1F930];
	v14 =	vmul.f32 v15, v14  }
0x5bb: {  	v15 =	vld [tilespmem:$0x1FD30]  }
0x5bc: {  	v16 =	vmul.f32 v34, v33;
	v14 =	vadd.f32 $0.0e+00, v14;
	_ =	sdelay $0x1  }
0x5bd: {  	v38 =	vmul.f32 v36, v35;
	v14 =	vadd.f32 v16, v14;
	_ =	sdelay $0x1  }
0x5be: {  	v15 =	vmul.f32 v37, v15;
	v14 =	vadd.f32 v38, v14;
	_ =	sdelay $0x1  }
0x5bf: {  	v14 =	vadd.f32 v15, v14;
	_ =	sdelay $0x1  }
0x5c0: {  	(xrf2) =	vadd.scan.msk.f32 $0xffff, v14;
	_ =	sdelay $0x9  }
0x5c1: {  	v14, _, _ =	vpop (xrf2)  }
0x5c2: {  	v14 =	vbroadcast v14, $0xF;
	_ =	sdelay $0x1  }
0x5c3: {  	[tilespmem:v9+s1+$0x0] =	vst.idx.msk $0x1, v14  }
0x5c4: {  	v14 =	vld [tilespmem:$0x1FD80]  }
0x5c5: {  	v15 =	vld [tilespmem:$0x1F980]  }
0x5c6: {  	v39 =	vld [tilespmem:$0x1FD90]  }
0x5c7: {  	v40 =	vld [tilespmem:$0x1F990]  }
0x5c8: {  	v41 =	vld [tilespmem:$0x1FDA0]  }
0x5c9: {  	v42 =	vld [tilespmem:$0x1F9A0]  }
0x5ca: {  	v43 =	vld [tilespmem:$0x1F9B0];
	v14 =	vmul.f32 v15, v14  }
0x5cb: {  	v15 =	vld [tilespmem:$0x1FDB0]  }
0x5cc: {  	v16 =	vmul.f32 v40, v39;
	v14 =	vadd.f32 $0.0e+00, v14;
	_ =	sdelay $0x1  }
0x5cd: {  	v44 =	vmul.f32 v42, v41;
	v14 =	vadd.f32 v16, v14;
	_ =	sdelay $0x1  }
0x5ce: {  	v15 =	vmul.f32 v43, v15;
	v14 =	vadd.f32 v44, v14;
	_ =	sdelay $0x1  }
0x5cf: {  	v14 =	vadd.f32 v15, v14;
	_ =	sdelay $0x1  }
0x5d0: {  	(xrf2) =	vadd.scan.msk.f32 $0xffff, v14;
	_ =	sdelay $0x9  }
0x5d1: {  	v14, _, _ =	vpop (xrf2)  }
0x5d2: {  	v14 =	vbroadcast v14, $0xF;
	_ =	sdelay $0x1  }
0x5d3: {  	[tilespmem:v10+s1+$0x0] =	vst.idx.msk $0x1, v14  }
0x5d4: {  	v14 =	vld [tilespmem:$0x1FE00]  }
0x5d5: {  	v15 =	vld [tilespmem:$0x1FA00]  }
0x5d6: {  	v45 =	vld [tilespmem:$0x1FE10]  }
0x5d7: {  	v46 =	vld [tilespmem:$0x1FA10]  }
0x5d8: {  	v47 =	vld [tilespmem:$0x1FE20]  }
0x5d9: {  	v48 =	vld [tilespmem:$0x1FA20]  }
0x5da: {  	v49 =	vld [tilespmem:$0x1FA30];
	v14 =	vmul.f32 v15, v14  }
0x5db: {  	v15 =	vld [tilespmem:$0x1FE30]  }
0x5dc: {  	v16 =	vmul.f32 v46, v45;
	v14 =	vadd.f32 $0.0e+00, v14;
	_ =	sdelay $0x1  }
0x5dd: {  	v50 =	vmul.f32 v48, v47;
	v14 =	vadd.f32 v16, v14;
	_ =	sdelay $0x1  }
0x5de: {  	v15 =	vmul.f32 v49, v15;
	v14 =	vadd.f32 v50, v14;
	_ =	sdelay $0x1  }
0x5df: {  	v14 =	vadd.f32 v15, v14;
	_ =	sdelay $0x1  }
0x5e0: {  	(xrf2) =	vadd.scan.msk.f32 $0xffff, v14;
	_ =	sdelay $0x9  }
0x5e1: {  	v14, _, _ =	vpop (xrf2)  }
0x5e2: {  	v14 =	vbroadcast v14, $0xF;
	_ =	sdelay $0x1  }
0x5e3: {  	[tilespmem:v11+s1+$0x0] =	vst.idx.msk $0x1, v14  }
0x5e4: {  	v14 =	vld [tilespmem:$0x1FE80]  }
0x5e5: {  	v15 =	vld [tilespmem:$0x1FA80]  }
0x5e6: {  	v51 =	vld [tilespmem:$0x1FE90]  }
0x5e7: {  	v52 =	vld [tilespmem:$0x1FA90]  }
0x5e8: {  	v53 =	vld [tilespmem:$0x1FEA0]  }
0x5e9: {  	v54 =	vld [tilespmem:$0x1FAA0]  }
0x5ea: {  	v55 =	vld [tilespmem:$0x1FAB0];
	v14 =	vmul.f32 v15, v14  }
0x5eb: {  	v15 =	vld [tilespmem:$0x1FEB0]  }
0x5ec: {  	v16 =	vmul.f32 v52, v51;
	v14 =	vadd.f32 $0.0e+00, v14;
	_ =	sdelay $0x1  }
0x5ed: {  	v56 =	vmul.f32 v54, v53;
	v14 =	vadd.f32 v16, v14;
	_ =	sdelay $0x1  }
0x5ee: {  	v15 =	vmul.f32 v55, v15;
	v14 =	vadd.f32 v56, v14;
	_ =	sdelay $0x1  }
0x5ef: {  	v14 =	vadd.f32 v15, v14;
	_ =	sdelay $0x1  }
0x5f0: {  	(xrf2) =	vadd.scan.msk.f32 $0xffff, v14;
	_ =	sdelay $0x9  }
0x5f1: {  	v14, _, _ =	vpop (xrf2)  }
0x5f2: {  	v14 =	vbroadcast v14, $0xF;
	_ =	sdelay $0x1  }
0x5f3: {  	[tilespmem:v12+s1+$0x0] =	vst.idx.msk $0x1, v14  }
0x5f4: {  	v14 =	vld [tilespmem:$0x1FF00]  }
0x5f5: {  	v15 =	vld [tilespmem:$0x1FB00]  }
0x5f6: {  	v57 =	vld [tilespmem:$0x1FF10]  }
0x5f7: {  	v58 =	vld [tilespmem:$0x1FB10]  }
0x5f8: {  	v59 =	vld [tilespmem:$0x1FF20]  }
0x5f9: {  	v60 =	vld [tilespmem:$0x1FB20]  }
0x5fa: {  	v61 =	vld [tilespmem:$0x1FB30];
	v14 =	vmul.f32 v15, v14  }
0x5fb: {  	v15 =	vld [tilespmem:$0x1FF30]  }
0x5fc: {  	v16 =	vmul.f32 v58, v57;
	v14 =	vadd.f32 $0.0e+00, v14;
	_ =	sdelay $0x1  }
0x5fd: {  	v62 =	vmul.f32 v60, v59;
	v14 =	vadd.f32 v16, v14;
	_ =	sdelay $0x1  }
0x5fe: {  	v15 =	vmul.f32 v61, v15;
	v14 =	vadd.f32 v62, v14;
	_ =	sdelay $0x1  }
0x5ff: {  	v14 =	vadd.f32 v15, v14;
	_ =	sdelay $0x1  }
0x600: {  	(xrf2) =	vadd.scan.msk.f32 $0xffff, v14;
	_ =	sdelay $0x9  }
0x601: {  	v14, _, _ =	vpop (xrf2)  }
0x602: {  	v14 =	vbroadcast v14, $0xF;
	_ =	sdelay $0x1  }
.Ltmp23:
0x603: {  	s20 =	rddreg [dreg:$0x16];
	[tilespmem:v13+s1+$0x0] =	vst.idx.msk $0x1, v14;
	(pc) =	sbr.rel .LBB2_43-.Ltmp23, $4  }
0x604: {  	[hbm4b:s20+s3] =	stream.linear.scatter [tilespmem:s1], [sflag:$0x5], $0x8, $0x38;
	v63 =	vld [tilespmem:$0x0]  }
0x605: {  	_ =	swait.ge [sflag:s24], $0x8  }
0x606: {  	[sflag:s24] =	ssyncset.done $0x0  }
0x607: {  	[sflag:s24] =	ssyncadd.s32 $0xFFFFFFF8  }
.LBB2_44:
0x608: {  	_ =	sfence.sel $0x180000  }
0x609: {  	[bflag:$0x0] =	sbarrier.arrive $0xFFFF  }
0x60a: {  	_ =	strace $0x90000047  }
0x60b: {  	s0 =	stileid.u32;
	[bflag:$0x2] =	sbarrier.arrive $0xFFFF  }
0x60c: {  	p0 =	sne.s32 s0, $0x0;
	s0 =	rddreg [dreg:$0x7]  }
0x60d: {  	s0 =	sadd.s32 @!p0 $0x100000, s0  }
0x60e: {  	[sflag:s0] =	ssyncadd.tile.s32 @!p0 $0x1;
	_ =	shalt  }
.Lfunc_end2:
_tile_overlayer_lowered:
.L_overlay_start_2:
0x60f: {  	(tag) =	ssettag $0x2  }
0x610: {  	s0 =	rddreg [dreg:$0x0];
	s2 =	stileid.u32  }
0x611: {  	s1 =	rddreg [dreg:$0x1];
	p0 =	sne.s32 s2, $0x0  }
0x612: {  	s3 =	rddreg [dreg:$0x2];
	[bflag:$0x3] =	sbarrier.arrive $0xFFFF;
	s2 =	simm.s32 @!p0 $0x1C05  }
0x613: {  	[timem:s3], [sflag:s2] =	dma.local @!p0 [hbm:s0], s1  }
0x614: {  	s0 =	simm.s32 @!p0 $0x5  }
0x615: {  	_ =	swait.ge @!p0 [sflag:s0], s1  }
0x616: {  	s1 =	ssub.s32 @!p0 $0x0, s1;
	[sflag:s0] =	ssyncset.done @!p0 $0x0  }
0x617: {  	[sflag:s0] =	ssyncadd.s32 @!p0 s1  }
0x618: {  	[bflag:$0x3] =	sbarrier.arrive $0xFFFF  }
0x619: {  	_ =	shalt  }

</sc_bundles>
